<compile_context>
chip_gen: v7x
topology: tpu7x:2x2x1
jax: 0.10.2.dev20260603
libtpu: 0.0.44.dev20260713+nightly
codegen_flags: <defaults>
</compile_context>

<pallas_src>
import functools

import jax
import jax.numpy as jnp
from jax import lax
from jax.experimental import pallas as pl
from jax.experimental.pallas import tpu as pltpu
from jax.experimental.pallas import tpu_sc as plsc

N = 10000
E = 320000
D = 128
H = 128
NB = 16
ETE = 16
L = 4

NCORE = 2
NSUB = 16
NW = NCORE * NSUB
CH = 128
K = 80
G = 40
EP = NW * K * CH
R2 = EP // CH
NP = 10240
RPS = NP // NSUB

RB = 2048
TGRID = NP // RB
EB = 128

RK = 136
ABW = NP * RK
SLAB = ABW // NSUB
RPT = R2 // NSUB
BIG = 1e30


def _prep_body(x_ref, wp_ref, bp_ref, g_ref, b_ref, o_ref):
    z = jnp.dot(x_ref[...], wp_ref[...], preferred_element_type=jnp.float32)
    z = z + bp_ref[...]
    m = jnp.mean(z, axis=-1, keepdims=True)
    v = jnp.mean((z - m) ** 2, axis=-1, keepdims=True)
    z = (z - m) / jnp.sqrt(v + 1e-5) * g_ref[...] + b_ref[...]
    o_ref[...] = jnp.maximum(z, 0.0)


_prep = pl.pallas_call(
    _prep_body,
    grid=(TGRID,),
    in_specs=[
        pl.BlockSpec((RB, D), lambda i: (i, 0)),
        pl.BlockSpec((D, H), lambda i: (0, 0)),
        pl.BlockSpec((1, H), lambda i: (0, 0)),
        pl.BlockSpec((1, H), lambda i: (0, 0)),
        pl.BlockSpec((1, H), lambda i: (0, 0)),
    ],
    out_specs=pl.BlockSpec((RB, H), lambda i: (i, 0)),
    out_shape=jax.ShapeDtypeStruct((NP, H), jnp.float32),
)


def _cw_theta(emb_ref, we_ref, be_ref):
    c = jnp.dot(emb_ref[...], we_ref[:ETE, :],
                preferred_element_type=jnp.float32) + be_ref[...]
    w = we_ref[ETE, :][None, :]
    wz = w == 0.0
    th = -c / jnp.where(wz, 1.0, w)
    th = jnp.where(wz, BIG, th)
    th = jnp.clip(th, -BIG, BIG)
    return c, w, th


def _rank_body(dst_ref, ew_ref, emb_ref, we_ref, be_ref, o_ref, th_s):
    i = pl.program_id(0)

    @pl.when(i == 0)
    def _():
        _, _, th = _cw_theta(emb_ref, we_ref, be_ref)
        thb = jnp.broadcast_to(th, (H, H))
        eye = (lax.broadcasted_iota(jnp.int32, (H, H), 0)
               == lax.broadcasted_iota(jnp.int32, (H, H), 1))
        th_s[...] = jnp.sum(jnp.where(eye, thb, 0.0), axis=-1, keepdims=True)

    t = ew_ref[...]
    gt = (t[:, None, :] > th_s[...][None, :, :]).astype(jnp.float32)
    r = jnp.sum(gt, axis=1).astype(jnp.int32)
    o_ref[...] = dst_ref[...] * RK + r


_rank = pl.pallas_call(
    _rank_body,
    grid=(R2 // EB,),
    in_specs=[
        pl.BlockSpec((EB, CH), lambda i: (i, 0)),
        pl.BlockSpec((EB, CH), lambda i: (i, 0)),
        pl.BlockSpec((1, ETE), lambda i: (0, 0)),
        pl.BlockSpec((ETE + 1, H), lambda i: (0, 0)),
        pl.BlockSpec((1, H), lambda i: (0, 0)),
    ],
    out_specs=pl.BlockSpec((EB, CH), lambda i: (i, 0)),
    out_shape=jax.ShapeDtypeStruct((R2, CH), jnp.int32),
    scratch_shapes=[pltpu.VMEM((H, 1), jnp.float32)],
)


def _etdeg_body(a_ref, b_ref, emb_ref, we_ref, be_ref, et_ref, deg_ref,
                tc_s, tw_s):
    i = pl.program_id(0)

    @pl.when(i == 0)
    def _():
        c, w, th = _cw_theta(emb_ref, we_ref, be_ref)
        thv = th[0]
        lt = (thv[:, None] < thv[None, :]).astype(jnp.float32)
        ik = lax.broadcasted_iota(jnp.int32, (H, H), 0)
        ih = lax.broadcasted_iota(jnp.int32, (H, H), 1)
        tie = ((thv[:, None] == thv[None, :]) & (ik < ih)).astype(jnp.float32)
        pos = jnp.sum(lt + tie, axis=0)
        rr = lax.broadcasted_iota(jnp.int32, (RK, H), 0)
        rr = rr.astype(jnp.float32)
        posb = pos[None, :]
        a1 = (rr > posb).astype(jnp.float32)
        m = ((w > 0.0).astype(jnp.float32) * a1
             + (w < 0.0).astype(jnp.float32) * (1.0 - a1)
             + (w == 0.0).astype(jnp.float32)
             * (c > 0.0).astype(jnp.float32))
        tc_s[...] = c * m
        tw_s[...] = w * m

    et_ref[...] = (
        jnp.dot(a_ref[...], tc_s[...], preferred_element_type=jnp.float32)
        + jnp.dot(b_ref[...], tw_s[...], preferred_element_type=jnp.float32))
    deg_ref[...] = jnp.sum(a_ref[...], axis=-1, keepdims=True)


_etdeg = pl.pallas_call(
    _etdeg_body,
    grid=(TGRID,),
    in_specs=[
        pl.BlockSpec((RB, RK), lambda i: (i, 0)),
        pl.BlockSpec((RB, RK), lambda i: (i, 0)),
        pl.BlockSpec((1, ETE), lambda i: (0, 0)),
        pl.BlockSpec((ETE + 1, H), lambda i: (0, 0)),
        pl.BlockSpec((1, H), lambda i: (0, 0)),
    ],
    out_specs=(
        pl.BlockSpec((RB, H), lambda i: (i, 0)),
        pl.BlockSpec((RB, 1), lambda i: (i, 0)),
    ),
    out_shape=(
        jax.ShapeDtypeStruct((NP, H), jnp.float32),
        jax.ShapeDtypeStruct((NP, 1), jnp.float32),
    ),
    scratch_shapes=[
        pltpu.VMEM((RK, H), jnp.float32),
        pltpu.VMEM((RK, H), jnp.float32),
    ],
)


@functools.cache
def _mesh():
    return plsc.VectorSubcoreMesh(
        core_axis_name="c", subcore_axis_name="s",
        num_cores=NCORE, num_subcores=NSUB)


def _ab_body(idx_hbm, ew_hbm, zer_hbm, ab_out,
             idx_v, val_v, ones_v, acc_sh, sem):
    c = lax.axis_index("c")
    s = lax.axis_index("s")
    pltpu.async_copy(zer_hbm, acc_sh.at[pl.ds(s * SLAB, SLAB)], sem)
    pltpu.sync_copy(idx_hbm.at[pl.ds(s * RPT, RPT)], idx_v)

    @pl.when(c == 1)
    def _():
        pltpu.sync_copy(ew_hbm.at[pl.ds(s * RPT, RPT)], val_v)

    @pl.when(c == 0)
    def _():
        for i in range(CH // 16):
            ones_v[pl.ds(i * 16, 16)] = jnp.full((16,), 1.0, jnp.float32)

    pltpu.make_async_copy(zer_hbm, acc_sh.at[pl.ds(s * SLAB, SLAB)],
                          sem).wait()
    plsc.subcore_barrier()

    FD = 8

    @pl.loop(0, RPT, step=FD)
    def _chunks(j):
        for q in range(FD):
            @pl.when(c == 0)
            def _():
                pltpu.async_copy(ones_v, acc_sh.at[idx_v.at[j + q]], sem,
                                 add=True)

            @pl.when(c == 1)
            def _():
                pltpu.async_copy(val_v.at[j + q], acc_sh.at[idx_v.at[j + q]],
                                 sem, add=True)
        for q in range(FD):
            pltpu.make_async_copy(
                ones_v, acc_sh.at[idx_v.at[j + q]], sem).wait()

    plsc.subcore_barrier()
    pltpu.sync_copy(acc_sh.at[pl.ds(s * SLAB, SLAB)],
                    ab_out.at[c, pl.ds(s * SLAB, SLAB)])


@functools.cache
def _sc_ab():
    return pl.kernel(
        _ab_body,
        out_type=jax.ShapeDtypeStruct((NCORE, ABW), jnp.float32),
        mesh=_mesh(),
        scratch_types=[
            pltpu.VMEM((RPT, CH), jnp.int32),
            pltpu.VMEM((RPT, CH), jnp.float32),
            pltpu.VMEM((CH,), jnp.float32),
            pltpu.VMEM_SHARED((ABW,), jnp.float32),
            pltpu.SemaphoreType.DMA,
        ],
    )


def _agg_body(h_hbm, src_hbm, dst_hbm, zer_hbm, p_out,
              src_v, dst_v, buf0, buf1, p_sh, sem0, sem1):
    c = lax.axis_index("c")
    s = lax.axis_index("s")
    w = c * NSUB + s
    pltpu.async_copy(zer_hbm, p_sh.at[pl.ds(s * RPS, RPS)], sem0)
    pltpu.sync_copy(src_hbm.at[pl.ds(w * K, G)], src_v)
    pltpu.sync_copy(dst_hbm.at[pl.ds(w * K, G)], dst_v)
    pltpu.make_async_copy(zer_hbm, p_sh.at[pl.ds(s * RPS, RPS)], sem0).wait()
    plsc.subcore_barrier()
    for half in range(K // G):
        if half > 0:
            pltpu.sync_copy(src_hbm.at[pl.ds(w * K + half * G, G)], src_v)
            pltpu.sync_copy(dst_hbm.at[pl.ds(w * K + half * G, G)], dst_v)
        pltpu.async_copy(h_hbm.at[src_v.at[0]], buf0, sem0)
        pltpu.async_copy(h_hbm.at[src_v.at[1]], buf1, sem1)

        @pl.loop(0, G, step=2)
        def _chunks(j):
            pltpu.make_async_copy(h_hbm.at[pl.ds(0, CH)], buf0, sem0).wait()
            pltpu.sync_copy(buf0, p_sh.at[dst_v.at[j]], add=True)

            @pl.when(j + 2 < G)
            def _():
                pltpu.async_copy(h_hbm.at[src_v.at[j + 2]], buf0, sem0)

            pltpu.make_async_copy(h_hbm.at[pl.ds(0, CH)], buf1, sem1).wait()
            pltpu.sync_copy(buf1, p_sh.at[dst_v.at[j + 1]], add=True)

            @pl.when(j + 3 < G)
            def _():
                pltpu.async_copy(h_hbm.at[src_v.at[j + 3]], buf1, sem1)

    plsc.subcore_barrier()
    pltpu.sync_copy(p_sh.at[pl.ds(s * RPS, RPS)],
                    p_out.at[c, pl.ds(s * RPS, RPS)])


@functools.cache
def _sc_agg():
    return pl.kernel(
        _agg_body,
        out_type=jax.ShapeDtypeStruct((NCORE, NP, H), jnp.float32),
        mesh=_mesh(),
        scratch_types=[
            pltpu.VMEM((G, CH), jnp.int32),
            pltpu.VMEM((G, CH), jnp.int32),
            pltpu.VMEM((CH, H), jnp.float32),
            pltpu.VMEM((CH, H), jnp.float32),
            pltpu.VMEM_SHARED((NP, H), jnp.float32),
            pltpu.SemaphoreType.DMA,
            pltpu.SemaphoreType.DMA,
        ],
    )


def _layer_body(p_ref, et_ref, deg_ref, h_ref, basis_ref, comp_ref,
                root_ref, cb_ref, g_ref, b_ref, o_ref, w_s):
    i = pl.program_id(0)

    @pl.when(i == 0)
    def _():
        w_s[...] = jnp.sum(comp_ref[...][:, :, None] * basis_ref[...], axis=0)

    r = 1.0 / jnp.maximum(deg_ref[...], 1.0)
    ps = p_ref[0] + p_ref[1]
    agg = jnp.dot(ps, w_s[...], preferred_element_type=jnp.float32) * r
    et = 0.1 * et_ref[...] * r
    h = h_ref[...]
    z = agg + jnp.dot(h, root_ref[...],
                      preferred_element_type=jnp.float32) + cb_ref[...] + et
    m = jnp.mean(z, axis=-1, keepdims=True)
    v = jnp.mean((z - m) ** 2, axis=-1, keepdims=True)
    z = (z - m) / jnp.sqrt(v + 1e-5) * g_ref[...] + b_ref[...]
    o_ref[...] = jnp.maximum(z, 0.0) + h


_layer = pl.pallas_call(
    _layer_body,
    grid=(TGRID,),
    in_specs=[
        pl.BlockSpec((NCORE, RB, H), lambda i: (0, i, 0)),
        pl.BlockSpec((RB, H), lambda i: (i, 0)),
        pl.BlockSpec((RB, 1), lambda i: (i, 0)),
        pl.BlockSpec((RB, H), lambda i: (i, 0)),
        pl.BlockSpec((NB, H, H), lambda i: (0, 0, 0)),
        pl.BlockSpec((NB, 1), lambda i: (0, 0)),
        pl.BlockSpec((H, H), lambda i: (0, 0)),
        pl.BlockSpec((1, H), lambda i: (0, 0)),
        pl.BlockSpec((1, H), lambda i: (0, 0)),
        pl.BlockSpec((1, H), lambda i: (0, 0)),
    ],
    out_specs=pl.BlockSpec((RB, H), lambda i: (i, 0)),
    out_shape=jax.ShapeDtypeStruct((NP, H), jnp.float32),
    scratch_shapes=[pltpu.VMEM((H, H), jnp.float32)],
)


def kernel(x, edge_index, edge_attr, Wp, bp, lnp_g, lnp_b, emb, We, be,
           basis, comp, root, conv_bias, ln_g, ln_b):
    src = edge_index[0]
    dst = edge_index[1]
    ew = edge_attr[:, 1]
    pad_e = EP - E
    ar = jnp.arange(pad_e, dtype=jnp.int32)
    src_p = jnp.concatenate([src, (ar * 997) % N])
    dst_p = jnp.concatenate([dst, N + (ar % (NP - N))])
    ew_p = jnp.concatenate([ew, jnp.zeros((pad_e,), jnp.float32)])
    src2 = src_p.reshape(R2, CH)
    dst2 = dst_p.reshape(R2, CH)
    ew2 = ew_p.reshape(R2, CH)
    x_p = jnp.pad(x, ((0, NP - N), (0, 0)))
    zer = jnp.zeros((RPS, H), jnp.float32)
    zer_ab = jnp.zeros((SLAB,), jnp.float32)

    idxa = _rank(dst2, ew2, emb, We, be[None])
    ab = _sc_ab()(idxa, ew2, zer_ab)
    h = _prep(x_p, Wp, bp[None], lnp_g[None], lnp_b[None])
    et, deg = _etdeg(ab[0].reshape(NP, RK), ab[1].reshape(NP, RK),
                     emb, We, be[None])
    for l in range(L):
        p = _sc_agg()(h, src2, dst2, zer)
        h = _layer(p, et, deg, h, basis[l], comp[l].reshape(NB, 1),
                   root[l], conv_bias[l][None], ln_g[l][None], ln_b[l][None])
    return h[:N]

# --- scband reference (transcript-rebuilt; emitter-appended) ---
"""Pipeline reference for scband-iocclassifier-18030272708871 (READ-ONLY COPY).

The authoritative reference and input builder live on the scoring server;
editing this copy changes nothing except your own understanding.
"""

import jax, jax.numpy as jnp
import numpy as np

N = 10000
E = 320000
D = 128
H = 128
NB = 16
ETE = 16
L = 4


def _ln(x, g, b):
    m = jnp.mean(x, axis=-1, keepdims=True)
    v = jnp.var(x, axis=-1, keepdims=True)
    return (x - m) / jnp.sqrt(v + 1e-5) * g + b


def setup_inputs(seed: int = 0):
    key = jax.random.key(seed)
    ks = jax.random.split(key, 16)
    x = jax.random.normal(ks[0], (N, D), dtype=jnp.float32)
    edge_index = jax.random.randint(ks[1], (2, E), 0, N, dtype=jnp.int32)
    edge_attr = jax.random.uniform(ks[2], (E, 2), dtype=jnp.float32)
    Wp = jax.random.normal(ks[3], (D, H), dtype=jnp.float32) * 0.05
    bp = jnp.zeros((H,), jnp.float32)
    lnp_g = jnp.ones((H,), jnp.float32)
    lnp_b = jnp.zeros((H,), jnp.float32)
    emb = jax.random.normal(ks[4], (1, ETE), dtype=jnp.float32)
    We = jax.random.normal(ks[5], (ETE + 1, H), dtype=jnp.float32) * 0.05
    be = jnp.zeros((H,), jnp.float32)
    basis = jax.random.normal(ks[6], (L, NB, H, H), dtype=jnp.float32) * 0.05
    comp = jax.random.normal(ks[7], (L, 1, NB), dtype=jnp.float32)
    root = jax.random.normal(ks[8], (L, H, H), dtype=jnp.float32) * 0.05
    conv_bias = jnp.zeros((L, H), jnp.float32)
    ln_g = jnp.ones((L, H), jnp.float32)
    ln_b = jnp.zeros((L, H), jnp.float32)
    return {"x": x, "edge_index": edge_index, "edge_attr": edge_attr, "Wp": Wp, "bp": bp,
            "lnp_g": lnp_g, "lnp_b": lnp_b, "emb": emb, "We": We, "be": be,
            "basis": basis, "comp": comp, "root": root, "conv_bias": conv_bias,
            "ln_g": ln_g, "ln_b": ln_b}


def reference(x, edge_index, edge_attr, Wp, bp, lnp_g, lnp_b, emb, We, be, basis, comp, root, conv_bias, ln_g, ln_b):
    # input projection: Linear -> LayerNorm -> ReLU
    h = jax.nn.relu(_ln(x @ Wp + bp, lnp_g, lnp_b))
    src = edge_index[0]
    dst = edge_index[1]
    # single edge type -> et_all == 0 everywhere
    ee = jnp.broadcast_to(emb[0], (E, ETE))
    ew = edge_attr[:, 1]
    emh = jax.nn.relu(jnp.concatenate([ee, ew[:, None]], axis=-1) @ We + be)
    deg = jax.ops.segment_sum(jnp.ones((E,), jnp.float32), dst, num_segments=N)
    deg_c = jnp.maximum(deg, 1.0)[:, None]
    edge_term = 0.1 * jax.ops.segment_sum(emh, dst, num_segments=N) / deg_c
    for l in range(L):
        # RGCN basis decomposition (1 relation): W_r = comp_r @ basis
        W = (comp[l] @ basis[l].reshape(NB, H * H)).reshape(H, H)
        msg = jnp.take(h, src, axis=0) @ W
        agg = jax.ops.segment_sum(msg, dst, num_segments=N) / deg_c  # mean aggregation
        h_new = agg + h @ root[l] + conv_bias[l]
        h_new = h_new + edge_term
        h_new = jax.nn.relu(_ln(h_new, ln_g[l], ln_b[l]))
        h = h_new + h
    return h

if __name__ == "__main__":
    import jax
    _d = setup_inputs()
    print(jax.jit(kernel)(*tuple(_d.values())))

</pallas_src>

<mosaic_0001>
#map = affine_map<(d0, d1) -> (0, 0)>
#map1 = affine_map<(d0, d1) -> (0)>
module attributes {stable_mosaic.version = 14 : i64} {
  func.func @_ab_body(%arg0: i32, %arg1: i32, %arg2: memref<2560x128xi32, #tpu.memory_space<hbm>>, %arg3: memref<2560x128xf32, #tpu.memory_space<hbm>>, %arg4: memref<87040xf32, #tpu.memory_space<hbm>>, %arg5: memref<2x1392640xf32, #tpu.memory_space<hbm>>, %arg6: memref<160x128xi32, #tpu.memory_space<vmem>>, %arg7: memref<160x128xf32, #tpu.memory_space<vmem>>, %arg8: memref<128xf32, #tpu.memory_space<vmem>>, %arg9: memref<1392640xf32, #tpu.memory_space<vmem_shared>>, %arg10: memref<!tpu.dma_semaphore, #tpu.memory_space<semaphore_mem>>) attributes {dimension_semantics = [#tpu.dimension_semantics<core_parallel>, #tpu.dimension_semantics<subcore_parallel>], iteration_bounds = array<i64: 2, 16>, scalar_prefetch = 0 : i64, scratch_operands = 5 : i64, tpu.core_type = #tpu.core_type<sc_vector_subcore>, window_params = [{transform_indices = #map}, {transform_indices = #map}, {transform_indices = #map1}, {transform_indices = #map}]} {
    %mul3A = arith.constant 87040 : i32
    %mul3A_0 = arith.muli %arg1, %mul3A : i32
    %dma_start3A = tpu.memref_slice %arg9[%mul3A_0] : memref<1392640xf32, #tpu.memory_space<vmem_shared>> -> memref<87040xf32, #tpu.memory_space<vmem_shared>>
    tpu.enqueue_dma source(%arg4 : memref<87040xf32, #tpu.memory_space<hbm>>) target(%dma_start3A : memref<87040xf32, #tpu.memory_space<vmem_shared>>) target_semaphore(%arg10 : memref<!tpu.dma_semaphore, #tpu.memory_space<semaphore_mem>>)
    %mul3A_1 = arith.constant 160 : i32
    %mul3A_2 = arith.muli %arg1, %mul3A_1 : i32
    "tpu.region"() ({
      %run_scoped3A = tpu.sem_alloc : memref<!tpu.dma_semaphore, #tpu.memory_space<semaphore_mem>>
      %dma_start3A_21 = arith.constant 0 : i32
      %dma_start3A_22 = tpu.memref_slice %arg2[%mul3A_2, %dma_start3A_21] : memref<2560x128xi32, #tpu.memory_space<hbm>> -> memref<160x128xi32, #tpu.memory_space<hbm>>
      %dma_start3A_23 = arith.constant 0 : i32
      %dma_start3A_24 = tpu.memref_slice %arg2[%mul3A_2, %dma_start3A_23] : memref<2560x128xi32, #tpu.memory_space<hbm>> -> memref<160x128xi32, #tpu.memory_space<hbm>>
      tpu.enqueue_dma source(%dma_start3A_24 : memref<160x128xi32, #tpu.memory_space<hbm>>) target(%arg6 : memref<160x128xi32, #tpu.memory_space<vmem>>) target_semaphore(%run_scoped3A : memref<!tpu.dma_semaphore, #tpu.memory_space<semaphore_mem>>)
      %dma_wait3A_25 = arith.constant 0 : i32
      %dma_wait3A_26 = tpu.memref_slice %arg2[%mul3A_2, %dma_wait3A_25] : memref<2560x128xi32, #tpu.memory_space<hbm>> -> memref<160x128xi32, #tpu.memory_space<hbm>>
      %dma_wait3A_27 = arith.constant 0 : i32
      %dma_wait3A_28 = tpu.memref_slice %arg2[%mul3A_2, %dma_wait3A_27] : memref<2560x128xi32, #tpu.memory_space<hbm>> -> memref<160x128xi32, #tpu.memory_space<hbm>>
      tpu.wait_dma2 semaphore(%run_scoped3A : memref<!tpu.dma_semaphore, #tpu.memory_space<semaphore_mem>>) src(%dma_wait3A_28 : memref<160x128xi32, #tpu.memory_space<hbm>>) dst(%arg6 : memref<160x128xi32, #tpu.memory_space<vmem>>)
      tpu.yield
    }) : () -> ()
    %eq3A = arith.constant 1 : i32
    %eq3A_3 = arith.cmpi eq, %arg0, %eq3A : i32
    %convert_element_type3A = arith.extui %eq3A_3 : i1 to i32
    %cond3A = arith.constant 0 : i32
    %cond3A_4 = arith.cmpi ne, %convert_element_type3A, %cond3A : i32
    scf.if %cond3A_4 {
      %mul3A_21 = arith.constant 160 : i32
      %mul3A_22 = arith.muli %arg1, %mul3A_21 : i32
      "tpu.region"() ({
        %run_scoped3A = tpu.sem_alloc : memref<!tpu.dma_semaphore, #tpu.memory_space<semaphore_mem>>
        %dma_start3A_23 = arith.constant 0 : i32
        %dma_start3A_24 = tpu.memref_slice %arg3[%mul3A_22, %dma_start3A_23] : memref<2560x128xf32, #tpu.memory_space<hbm>> -> memref<160x128xf32, #tpu.memory_space<hbm>>
        %dma_start3A_25 = arith.constant 0 : i32
        %dma_start3A_26 = tpu.memref_slice %arg3[%mul3A_22, %dma_start3A_25] : memref<2560x128xf32, #tpu.memory_space<hbm>> -> memref<160x128xf32, #tpu.memory_space<hbm>>
        tpu.enqueue_dma source(%dma_start3A_26 : memref<160x128xf32, #tpu.memory_space<hbm>>) target(%arg7 : memref<160x128xf32, #tpu.memory_space<vmem>>) target_semaphore(%run_scoped3A : memref<!tpu.dma_semaphore, #tpu.memory_space<semaphore_mem>>)
        %dma_wait3A_27 = arith.constant 0 : i32
        %dma_wait3A_28 = tpu.memref_slice %arg3[%mul3A_22, %dma_wait3A_27] : memref<2560x128xf32, #tpu.memory_space<hbm>> -> memref<160x128xf32, #tpu.memory_space<hbm>>
        %dma_wait3A_29 = arith.constant 0 : i32
        %dma_wait3A_30 = tpu.memref_slice %arg3[%mul3A_22, %dma_wait3A_29] : memref<2560x128xf32, #tpu.memory_space<hbm>> -> memref<160x128xf32, #tpu.memory_space<hbm>>
        tpu.wait_dma2 semaphore(%run_scoped3A : memref<!tpu.dma_semaphore, #tpu.memory_space<semaphore_mem>>) src(%dma_wait3A_30 : memref<160x128xf32, #tpu.memory_space<hbm>>) dst(%arg7 : memref<160x128xf32, #tpu.memory_space<vmem>>)
        tpu.yield
      }) : () -> ()
    } else {
    }
    %eq3A_5 = arith.constant 0 : i32
    %eq3A_6 = arith.cmpi eq, %arg0, %eq3A_5 : i32
    %convert_element_type3A_7 = arith.extui %eq3A_6 : i1 to i32
    %cond3A_8 = arith.constant 0 : i32
    %cond3A_9 = arith.cmpi ne, %convert_element_type3A_7, %cond3A_8 : i32
    scf.if %cond3A_9 {
      %broadcast_in_dim3A = arith.constant 1.000000e+00 : f32
      %broadcast_in_dim3A_21 = vector.broadcast %broadcast_in_dim3A : f32 to vector<16xf32>
      %swap3A = arith.constant 0 : index
      %swap3A_22 = tpu.vector_load %arg8[%swap3A] {strides = array<i32>} : memref<128xf32, #tpu.memory_space<vmem>>, vector<16xf32>,
      %swap3A_23 = vector.shape_cast %swap3A_22 : vector<16xf32> to vector<16xf32>
      %swap3A_24 = vector.shape_cast %broadcast_in_dim3A_21 : vector<16xf32> to vector<16xf32>
      tpu.vector_store %arg8[%swap3A], %swap3A_24 {strides = array<i32>} : memref<128xf32, #tpu.memory_space<vmem>>, vector<16xf32>,
      %broadcast_in_dim3A_25 = arith.constant 1.000000e+00 : f32
      %broadcast_in_dim3A_26 = vector.broadcast %broadcast_in_dim3A_25 : f32 to vector<16xf32>
      %swap3A_27 = arith.constant 16 : index
      %swap3A_28 = tpu.vector_load %arg8[%swap3A_27] {strides = array<i32>} : memref<128xf32, #tpu.memory_space<vmem>>, vector<16xf32>,
      %swap3A_29 = vector.shape_cast %swap3A_28 : vector<16xf32> to vector<16xf32>
      %swap3A_30 = vector.shape_cast %broadcast_in_dim3A_26 : vector<16xf32> to vector<16xf32>
      tpu.vector_store %arg8[%swap3A_27], %swap3A_30 {strides = array<i32>} : memref<128xf32, #tpu.memory_space<vmem>>, vector<16xf32>,
      %broadcast_in_dim3A_31 = arith.constant 1.000000e+00 : f32
      %broadcast_in_dim3A_32 = vector.broadcast %broadcast_in_dim3A_31 : f32 to vector<16xf32>
      %swap3A_33 = arith.constant 32 : index
      %swap3A_34 = tpu.vector_load %arg8[%swap3A_33] {strides = array<i32>} : memref<128xf32, #tpu.memory_space<vmem>>, vector<16xf32>,
      %swap3A_35 = vector.shape_cast %swap3A_34 : vector<16xf32> to vector<16xf32>
      %swap3A_36 = vector.shape_cast %broadcast_in_dim3A_32 : vector<16xf32> to vector<16xf32>
      tpu.vector_store %arg8[%swap3A_33], %swap3A_36 {strides = array<i32>} : memref<128xf32, #tpu.memory_space<vmem>>, vector<16xf32>,
      %broadcast_in_dim3A_37 = arith.constant 1.000000e+00 : f32
      %broadcast_in_dim3A_38 = vector.broadcast %broadcast_in_dim3A_37 : f32 to vector<16xf32>
      %swap3A_39 = arith.constant 48 : index
      %swap3A_40 = tpu.vector_load %arg8[%swap3A_39] {strides = array<i32>} : memref<128xf32, #tpu.memory_space<vmem>>, vector<16xf32>,
      %swap3A_41 = vector.shape_cast %swap3A_40 : vector<16xf32> to vector<16xf32>
      %swap3A_42 = vector.shape_cast %broadcast_in_dim3A_38 : vector<16xf32> to vector<16xf32>
      tpu.vector_store %arg8[%swap3A_39], %swap3A_42 {strides = array<i32>} : memref<128xf32, #tpu.memory_space<vmem>>, vector<16xf32>,
      %broadcast_in_dim3A_43 = arith.constant 1.000000e+00 : f32
      %broadcast_in_dim3A_44 = vector.broadcast %broadcast_in_dim3A_43 : f32 to vector<16xf32>
      %swap3A_45 = arith.constant 64 : index
      %swap3A_46 = tpu.vector_load %arg8[%swap3A_45] {strides = array<i32>} : memref<128xf32, #tpu.memory_space<vmem>>, vector<16xf32>,
      %swap3A_47 = vector.shape_cast %swap3A_46 : vector<16xf32> to vector<16xf32>
      %swap3A_48 = vector.shape_cast %broadcast_in_dim3A_44 : vector<16xf32> to vector<16xf32>
      tpu.vector_store %arg8[%swap3A_45], %swap3A_48 {strides = array<i32>} : memref<128xf32, #tpu.memory_space<vmem>>, vector<16xf32>,
      %broadcast_in_dim3A_49 = arith.constant 1.000000e+00 : f32
      %broadcast_in_dim3A_50 = vector.broadcast %broadcast_in_dim3A_49 : f32 to vector<16xf32>
      %swap3A_51 = arith.constant 80 : index
      %swap3A_52 = tpu.vector_load %arg8[%swap3A_51] {strides = array<i32>} : memref<128xf32, #tpu.memory_space<vmem>>, vector<16xf32>,
      %swap3A_53 = vector.shape_cast %swap3A_52 : vector<16xf32> to vector<16xf32>
      %swap3A_54 = vector.shape_cast %broadcast_in_dim3A_50 : vector<16xf32> to vector<16xf32>
      tpu.vector_store %arg8[%swap3A_51], %swap3A_54 {strides = array<i32>} : memref<128xf32, #tpu.memory_space<vmem>>, vector<16xf32>,
      %broadcast_in_dim3A_55 = arith.constant 1.000000e+00 : f32
      %broadcast_in_dim3A_56 = vector.broadcast %broadcast_in_dim3A_55 : f32 to vector<16xf32>
      %swap3A_57 = arith.constant 96 : index
      %swap3A_58 = tpu.vector_load %arg8[%swap3A_57] {strides = array<i32>} : memref<128xf32, #tpu.memory_space<vmem>>, vector<16xf32>,
      %swap3A_59 = vector.shape_cast %swap3A_58 : vector<16xf32> to vector<16xf32>
      %swap3A_60 = vector.shape_cast %broadcast_in_dim3A_56 : vector<16xf32> to vector<16xf32>
      tpu.vector_store %arg8[%swap3A_57], %swap3A_60 {strides = array<i32>} : memref<128xf32, #tpu.memory_space<vmem>>, vector<16xf32>,
      %broadcast_in_dim3A_61 = arith.constant 1.000000e+00 : f32
      %broadcast_in_dim3A_62 = vector.broadcast %broadcast_in_dim3A_61 : f32 to vector<16xf32>
      %swap3A_63 = arith.constant 112 : index
      %swap3A_64 = tpu.vector_load %arg8[%swap3A_63] {strides = array<i32>} : memref<128xf32, #tpu.memory_space<vmem>>, vector<16xf32>,
      %swap3A_65 = vector.shape_cast %swap3A_64 : vector<16xf32> to vector<16xf32>
      %swap3A_66 = vector.shape_cast %broadcast_in_dim3A_62 : vector<16xf32> to vector<16xf32>
      tpu.vector_store %arg8[%swap3A_63], %swap3A_66 {strides = array<i32>} : memref<128xf32, #tpu.memory_space<vmem>>, vector<16xf32>,
    } else {
    }
    %mul3A_10 = arith.constant 87040 : i32
    %mul3A_11 = arith.muli %arg1, %mul3A_10 : i32
    %dma_wait3A = tpu.memref_slice %arg9[%mul3A_11] : memref<1392640xf32, #tpu.memory_space<vmem_shared>> -> memref<87040xf32, #tpu.memory_space<vmem_shared>>
    tpu.wait_dma2 semaphore(%arg10 : memref<!tpu.dma_semaphore, #tpu.memory_space<semaphore_mem>>) src(%arg4 : memref<87040xf32, #tpu.memory_space<hbm>>) dst(%dma_wait3A : memref<87040xf32, #tpu.memory_space<vmem_shared>>)
    %barrier3A = arith.constant 0 : index
    tpu.barrier barrier_id(%barrier3A)
    %scan3A = arith.constant 0 : i32
    %scan3A_12 = arith.constant 20 : i32
    %scan3A_13 = arith.addi %scan3A, %scan3A_12 : i32
    %scan3A_14 = arith.constant 1 : i32
    scf.for %scan3A_21 = %scan3A to %scan3A_13 step %scan3A_14  : i32 {
      %mul3A_22 = arith.constant 8 : i32
      %mul3A_23 = arith.muli %scan3A_21, %mul3A_22 : i32
      %add3A = arith.constant 0 : i32
      %add3A_24 = arith.addi %add3A, %mul3A_23 : i32
      %eq3A_25 = arith.constant 0 : i32
      %eq3A_26 = arith.cmpi eq, %arg0, %eq3A_25 : i32
      %convert_element_type3A_27 = arith.extui %eq3A_26 : i1 to i32
      %cond3A_28 = arith.constant 0 : i32
      %cond3A_29 = arith.cmpi ne, %convert_element_type3A_27, %cond3A_28 : i32
      scf.if %cond3A_29 {
        %add3A_161 = arith.constant 0 : i32
        %add3A_162 = arith.addi %add3A_24, %add3A_161 : i32
        %dma_start3A_163 = arith.constant 0 : i32
        %dma_start3A_164 = tpu.memref_slice %arg6[%add3A_162, %dma_start3A_163] : memref<160x128xi32, #tpu.memory_space<vmem>> -> memref<1x128xi32, #tpu.memory_space<vmem>>
        %dma_start3A_165 = tpu.memref_squeeze %dma_start3A_164 : memref<1x128xi32, #tpu.memory_space<vmem>> -> memref<128xi32, #tpu.memory_space<vmem>>
        %dma_start3A_166 = arith.constant 0 : i32
        %dma_start3A_167 = tpu.memref_slice %arg9[%dma_start3A_166] : memref<1392640xf32, #tpu.memory_space<vmem_shared>> -> memref<1392640xf32, #tpu.memory_space<vmem_shared>>
        tpu.enqueue_indirect_dma source(%arg8 : memref<128xf32, #tpu.memory_space<vmem>>) target(%dma_start3A_167 : memref<1392640xf32, #tpu.memory_space<vmem_shared>>) offsets(%dma_start3A_165 : memref<128xi32, #tpu.memory_space<vmem>>) semaphore(%arg10 : memref<!tpu.dma_semaphore, #tpu.memory_space<semaphore_mem>>) {add = true}
      } else {
      }
      %eq3A_30 = arith.constant 1 : i32
      %eq3A_31 = arith.cmpi eq, %arg0, %eq3A_30 : i32
      %convert_element_type3A_32 = arith.extui %eq3A_31 : i1 to i32
      %cond3A_33 = arith.constant 0 : i32
      %cond3A_34 = arith.cmpi ne, %convert_element_type3A_32, %cond3A_33 : i32
      scf.if %cond3A_34 {
        %add3A_161 = arith.constant 0 : i32
        %add3A_162 = arith.addi %add3A_24, %add3A_161 : i32
        %add3A_163 = arith.constant 0 : i32
        %add3A_164 = arith.addi %add3A_24, %add3A_163 : i32
        %dma_start3A_165 = arith.constant 0 : i32
        %dma_start3A_166 = tpu.memref_slice %arg7[%add3A_162, %dma_start3A_165] : memref<160x128xf32, #tpu.memory_space<vmem>> -> memref<1x128xf32, #tpu.memory_space<vmem>>
        %dma_start3A_167 = tpu.memref_squeeze %dma_start3A_166 : memref<1x128xf32, #tpu.memory_space<vmem>> -> memref<128xf32, #tpu.memory_space<vmem>>
        %dma_start3A_168 = arith.constant 0 : i32
        %dma_start3A_169 = tpu.memref_slice %arg6[%add3A_164, %dma_start3A_168] : memref<160x128xi32, #tpu.memory_space<vmem>> -> memref<1x128xi32, #tpu.memory_space<vmem>>
        %dma_start3A_170 = tpu.memref_squeeze %dma_start3A_169 : memref<1x128xi32, #tpu.memory_space<vmem>> -> memref<128xi32, #tpu.memory_space<vmem>>
        %dma_start3A_171 = arith.constant 0 : i32
        %dma_start3A_172 = tpu.memref_slice %arg9[%dma_start3A_171] : memref<1392640xf32, #tpu.memory_space<vmem_shared>> -> memref<1392640xf32, #tpu.memory_space<vmem_shared>>
        tpu.enqueue_indirect_dma source(%dma_start3A_167 : memref<128xf32, #tpu.memory_space<vmem>>) target(%dma_start3A_172 : memref<1392640xf32, #tpu.memory_space<vmem_shared>>) offsets(%dma_start3A_170 : memref<128xi32, #tpu.memory_space<vmem>>) semaphore(%arg10 : memref<!tpu.dma_semaphore, #tpu.memory_space<semaphore_mem>>) {add = true}
      } else {
      }
      %eq3A_35 = arith.constant 0 : i32
      %eq3A_36 = arith.cmpi eq, %arg0, %eq3A_35 : i32
      %convert_element_type3A_37 = arith.extui %eq3A_36 : i1 to i32
      %cond3A_38 = arith.constant 0 : i32
      %cond3A_39 = arith.cmpi ne, %convert_element_type3A_37, %cond3A_38 : i32
      scf.if %cond3A_39 {
        %add3A_161 = arith.constant 1 : i32
        %add3A_162 = arith.addi %add3A_24, %add3A_161 : i32
        %dma_start3A_163 = arith.constant 0 : i32
        %dma_start3A_164 = tpu.memref_slice %arg6[%add3A_162, %dma_start3A_163] : memref<160x128xi32, #tpu.memory_space<vmem>> -> memref<1x128xi32, #tpu.memory_space<vmem>>
        %dma_start3A_165 = tpu.memref_squeeze %dma_start3A_164 : memref<1x128xi32, #tpu.memory_space<vmem>> -> memref<128xi32, #tpu.memory_space<vmem>>
        %dma_start3A_166 = arith.constant 0 : i32
        %dma_start3A_167 = tpu.memref_slice %arg9[%dma_start3A_166] : memref<1392640xf32, #tpu.memory_space<vmem_shared>> -> memref<1392640xf32, #tpu.memory_space<vmem_shared>>
        tpu.enqueue_indirect_dma source(%arg8 : memref<128xf32, #tpu.memory_space<vmem>>) target(%dma_start3A_167 : memref<1392640xf32, #tpu.memory_space<vmem_shared>>) offsets(%dma_start3A_165 : memref<128xi32, #tpu.memory_space<vmem>>) semaphore(%arg10 : memref<!tpu.dma_semaphore, #tpu.memory_space<semaphore_mem>>) {add = true}
      } else {
      }
      %eq3A_40 = arith.constant 1 : i32
      %eq3A_41 = arith.cmpi eq, %arg0, %eq3A_40 : i32
      %convert_element_type3A_42 = arith.extui %eq3A_41 : i1 to i32
      %cond3A_43 = arith.constant 0 : i32
      %cond3A_44 = arith.cmpi ne, %convert_element_type3A_42, %cond3A_43 : i32
      scf.if %cond3A_44 {
        %add3A_161 = arith.constant 1 : i32
        %add3A_162 = arith.addi %add3A_24, %add3A_161 : i32
        %add3A_163 = arith.constant 1 : i32
        %add3A_164 = arith.addi %add3A_24, %add3A_163 : i32
        %dma_start3A_165 = arith.constant 0 : i32
        %dma_start3A_166 = tpu.memref_slice %arg7[%add3A_162, %dma_start3A_165] : memref<160x128xf32, #tpu.memory_space<vmem>> -> memref<1x128xf32, #tpu.memory_space<vmem>>
        %dma_start3A_167 = tpu.memref_squeeze %dma_start3A_166 : memref<1x128xf32, #tpu.memory_space<vmem>> -> memref<128xf32, #tpu.memory_space<vmem>>
        %dma_start3A_168 = arith.constant 0 : i32
        %dma_start3A_169 = tpu.memref_slice %arg6[%add3A_164, %dma_start3A_168] : memref<160x128xi32, #tpu.memory_space<vmem>> -> memref<1x128xi32, #tpu.memory_space<vmem>>
        %dma_start3A_170 = tpu.memref_squeeze %dma_start3A_169 : memref<1x128xi32, #tpu.memory_space<vmem>> -> memref<128xi32, #tpu.memory_space<vmem>>
        %dma_start3A_171 = arith.constant 0 : i32
        %dma_start3A_172 = tpu.memref_slice %arg9[%dma_start3A_171] : memref<1392640xf32, #tpu.memory_space<vmem_shared>> -> memref<1392640xf32, #tpu.memory_space<vmem_shared>>
        tpu.enqueue_indirect_dma source(%dma_start3A_167 : memref<128xf32, #tpu.memory_space<vmem>>) target(%dma_start3A_172 : memref<1392640xf32, #tpu.memory_space<vmem_shared>>) offsets(%dma_start3A_170 : memref<128xi32, #tpu.memory_space<vmem>>) semaphore(%arg10 : memref<!tpu.dma_semaphore, #tpu.memory_space<semaphore_mem>>) {add = true}
      } else {
      }
      %eq3A_45 = arith.constant 0 : i32
      %eq3A_46 = arith.cmpi eq, %arg0, %eq3A_45 : i32
      %convert_element_type3A_47 = arith.extui %eq3A_46 : i1 to i32
      %cond3A_48 = arith.constant 0 : i32
      %cond3A_49 = arith.cmpi ne, %convert_element_type3A_47, %cond3A_48 : i32
      scf.if %cond3A_49 {
        %add3A_161 = arith.constant 2 : i32
        %add3A_162 = arith.addi %add3A_24, %add3A_161 : i32
        %dma_start3A_163 = arith.constant 0 : i32
        %dma_start3A_164 = tpu.memref_slice %arg6[%add3A_162, %dma_start3A_163] : memref<160x128xi32, #tpu.memory_space<vmem>> -> memref<1x128xi32, #tpu.memory_space<vmem>>
        %dma_start3A_165 = tpu.memref_squeeze %dma_start3A_164 : memref<1x128xi32, #tpu.memory_space<vmem>> -> memref<128xi32, #tpu.memory_space<vmem>>
        %dma_start3A_166 = arith.constant 0 : i32
        %dma_start3A_167 = tpu.memref_slice %arg9[%dma_start3A_166] : memref<1392640xf32, #tpu.memory_space<vmem_shared>> -> memref<1392640xf32, #tpu.memory_space<vmem_shared>>
        tpu.enqueue_indirect_dma source(%arg8 : memref<128xf32, #tpu.memory_space<vmem>>) target(%dma_start3A_167 : memref<1392640xf32, #tpu.memory_space<vmem_shared>>) offsets(%dma_start3A_165 : memref<128xi32, #tpu.memory_space<vmem>>) semaphore(%arg10 : memref<!tpu.dma_semaphore, #tpu.memory_space<semaphore_mem>>) {add = true}
      } else {
      }
      %eq3A_50 = arith.constant 1 : i32
      %eq3A_51 = arith.cmpi eq, %arg0, %eq3A_50 : i32
      %convert_element_type3A_52 = arith.extui %eq3A_51 : i1 to i32
      %cond3A_53 = arith.constant 0 : i32
      %cond3A_54 = arith.cmpi ne, %convert_element_type3A_52, %cond3A_53 : i32
      scf.if %cond3A_54 {
        %add3A_161 = arith.constant 2 : i32
        %add3A_162 = arith.addi %add3A_24, %add3A_161 : i32
        %add3A_163 = arith.constant 2 : i32
        %add3A_164 = arith.addi %add3A_24, %add3A_163 : i32
        %dma_start3A_165 = arith.constant 0 : i32
        %dma_start3A_166 = tpu.memref_slice %arg7[%add3A_162, %dma_start3A_165] : memref<160x128xf32, #tpu.memory_space<vmem>> -> memref<1x128xf32, #tpu.memory_space<vmem>>
        %dma_start3A_167 = tpu.memref_squeeze %dma_start3A_166 : memref<1x128xf32, #tpu.memory_space<vmem>> -> memref<128xf32, #tpu.memory_space<vmem>>
        %dma_start3A_168 = arith.constant 0 : i32
        %dma_start3A_169 = tpu.memref_slice %arg6[%add3A_164, %dma_start3A_168] : memref<160x128xi32, #tpu.memory_space<vmem>> -> memref<1x128xi32, #tpu.memory_space<vmem>>
        %dma_start3A_170 = tpu.memref_squeeze %dma_start3A_169 : memref<1x128xi32, #tpu.memory_space<vmem>> -> memref<128xi32, #tpu.memory_space<vmem>>
        %dma_start3A_171 = arith.constant 0 : i32
        %dma_start3A_172 = tpu.memref_slice %arg9[%dma_start3A_171] : memref<1392640xf32, #tpu.memory_space<vmem_shared>> -> memref<1392640xf32, #tpu.memory_space<vmem_shared>>
        tpu.enqueue_indirect_dma source(%dma_start3A_167 : memref<128xf32, #tpu.memory_space<vmem>>) target(%dma_start3A_172 : memref<1392640xf32, #tpu.memory_space<vmem_shared>>) offsets(%dma_start3A_170 : memref<128xi32, #tpu.memory_space<vmem>>) semaphore(%arg10 : memref<!tpu.dma_semaphore, #tpu.memory_space<semaphore_mem>>) {add = true}
      } else {
      }
      %eq3A_55 = arith.constant 0 : i32
      %eq3A_56 = arith.cmpi eq, %arg0, %eq3A_55 : i32
      %convert_element_type3A_57 = arith.extui %eq3A_56 : i1 to i32
      %cond3A_58 = arith.constant 0 : i32
      %cond3A_59 = arith.cmpi ne, %convert_element_type3A_57, %cond3A_58 : i32
      scf.if %cond3A_59 {
        %add3A_161 = arith.constant 3 : i32
        %add3A_162 = arith.addi %add3A_24, %add3A_161 : i32
        %dma_start3A_163 = arith.constant 0 : i32
        %dma_start3A_164 = tpu.memref_slice %arg6[%add3A_162, %dma_start3A_163] : memref<160x128xi32, #tpu.memory_space<vmem>> -> memref<1x128xi32, #tpu.memory_space<vmem>>
        %dma_start3A_165 = tpu.memref_squeeze %dma_start3A_164 : memref<1x128xi32, #tpu.memory_space<vmem>> -> memref<128xi32, #tpu.memory_space<vmem>>
        %dma_start3A_166 = arith.constant 0 : i32
        %dma_start3A_167 = tpu.memref_slice %arg9[%dma_start3A_166] : memref<1392640xf32, #tpu.memory_space<vmem_shared>> -> memref<1392640xf32, #tpu.memory_space<vmem_shared>>
        tpu.enqueue_indirect_dma source(%arg8 : memref<128xf32, #tpu.memory_space<vmem>>) target(%dma_start3A_167 : memref<1392640xf32, #tpu.memory_space<vmem_shared>>) offsets(%dma_start3A_165 : memref<128xi32, #tpu.memory_space<vmem>>) semaphore(%arg10 : memref<!tpu.dma_semaphore, #tpu.memory_space<semaphore_mem>>) {add = true}
      } else {
      }
      %eq3A_60 = arith.constant 1 : i32
      %eq3A_61 = arith.cmpi eq, %arg0, %eq3A_60 : i32
      %convert_element_type3A_62 = arith.extui %eq3A_61 : i1 to i32
      %cond3A_63 = arith.constant 0 : i32
      %cond3A_64 = arith.cmpi ne, %convert_element_type3A_62, %cond3A_63 : i32
      scf.if %cond3A_64 {
        %add3A_161 = arith.constant 3 : i32
        %add3A_162 = arith.addi %add3A_24, %add3A_161 : i32
        %add3A_163 = arith.constant 3 : i32
        %add3A_164 = arith.addi %add3A_24, %add3A_163 : i32
        %dma_start3A_165 = arith.constant 0 : i32
        %dma_start3A_166 = tpu.memref_slice %arg7[%add3A_162, %dma_start3A_165] : memref<160x128xf32, #tpu.memory_space<vmem>> -> memref<1x128xf32, #tpu.memory_space<vmem>>
        %dma_start3A_167 = tpu.memref_squeeze %dma_start3A_166 : memref<1x128xf32, #tpu.memory_space<vmem>> -> memref<128xf32, #tpu.memory_space<vmem>>
        %dma_start3A_168 = arith.constant 0 : i32
        %dma_start3A_169 = tpu.memref_slice %arg6[%add3A_164, %dma_start3A_168] : memref<160x128xi32, #tpu.memory_space<vmem>> -> memref<1x128xi32, #tpu.memory_space<vmem>>
        %dma_start3A_170 = tpu.memref_squeeze %dma_start3A_169 : memref<1x128xi32, #tpu.memory_space<vmem>> -> memref<128xi32, #tpu.memory_space<vmem>>
        %dma_start3A_171 = arith.constant 0 : i32
        %dma_start3A_172 = tpu.memref_slice %arg9[%dma_start3A_171] : memref<1392640xf32, #tpu.memory_space<vmem_shared>> -> memref<1392640xf32, #tpu.memory_space<vmem_shared>>
        tpu.enqueue_indirect_dma source(%dma_start3A_167 : memref<128xf32, #tpu.memory_space<vmem>>) target(%dma_start3A_172 : memref<1392640xf32, #tpu.memory_space<vmem_shared>>) offsets(%dma_start3A_170 : memref<128xi32, #tpu.memory_space<vmem>>) semaphore(%arg10 : memref<!tpu.dma_semaphore, #tpu.memory_space<semaphore_mem>>) {add = true}
      } else {
      }
      %eq3A_65 = arith.constant 0 : i32
      %eq3A_66 = arith.cmpi eq, %arg0, %eq3A_65 : i32
      %convert_element_type3A_67 = arith.extui %eq3A_66 : i1 to i32
      %cond3A_68 = arith.constant 0 : i32
      %cond3A_69 = arith.cmpi ne, %convert_element_type3A_67, %cond3A_68 : i32
      scf.if %cond3A_69 {
        %add3A_161 = arith.constant 4 : i32
        %add3A_162 = arith.addi %add3A_24, %add3A_161 : i32
        %dma_start3A_163 = arith.constant 0 : i32
        %dma_start3A_164 = tpu.memref_slice %arg6[%add3A_162, %dma_start3A_163] : memref<160x128xi32, #tpu.memory_space<vmem>> -> memref<1x128xi32, #tpu.memory_space<vmem>>
        %dma_start3A_165 = tpu.memref_squeeze %dma_start3A_164 : memref<1x128xi32, #tpu.memory_space<vmem>> -> memref<128xi32, #tpu.memory_space<vmem>>
        %dma_start3A_166 = arith.constant 0 : i32
        %dma_start3A_167 = tpu.memref_slice %arg9[%dma_start3A_166] : memref<1392640xf32, #tpu.memory_space<vmem_shared>> -> memref<1392640xf32, #tpu.memory_space<vmem_shared>>
        tpu.enqueue_indirect_dma source(%arg8 : memref<128xf32, #tpu.memory_space<vmem>>) target(%dma_start3A_167 : memref<1392640xf32, #tpu.memory_space<vmem_shared>>) offsets(%dma_start3A_165 : memref<128xi32, #tpu.memory_space<vmem>>) semaphore(%arg10 : memref<!tpu.dma_semaphore, #tpu.memory_space<semaphore_mem>>) {add = true}
      } else {
      }
      %eq3A_70 = arith.constant 1 : i32
      %eq3A_71 = arith.cmpi eq, %arg0, %eq3A_70 : i32
      %convert_element_type3A_72 = arith.extui %eq3A_71 : i1 to i32
      %cond3A_73 = arith.constant 0 : i32
      %cond3A_74 = arith.cmpi ne, %convert_element_type3A_72, %cond3A_73 : i32
      scf.if %cond3A_74 {
        %add3A_161 = arith.constant 4 : i32
        %add3A_162 = arith.addi %add3A_24, %add3A_161 : i32
        %add3A_163 = arith.constant 4 : i32
        %add3A_164 = arith.addi %add3A_24, %add3A_163 : i32
        %dma_start3A_165 = arith.constant 0 : i32
        %dma_start3A_166 = tpu.memref_slice %arg7[%add3A_162, %dma_start3A_165] : memref<160x128xf32, #tpu.memory_space<vmem>> -> memref<1x128xf32, #tpu.memory_space<vmem>>
        %dma_start3A_167 = tpu.memref_squeeze %dma_start3A_166 : memref<1x128xf32, #tpu.memory_space<vmem>> -> memref<128xf32, #tpu.memory_space<vmem>>
        %dma_start3A_168 = arith.constant 0 : i32
        %dma_start3A_169 = tpu.memref_slice %arg6[%add3A_164, %dma_start3A_168] : memref<160x128xi32, #tpu.memory_space<vmem>> -> memref<1x128xi32, #tpu.memory_space<vmem>>
        %dma_start3A_170 = tpu.memref_squeeze %dma_start3A_169 : memref<1x128xi32, #tpu.memory_space<vmem>> -> memref<128xi32, #tpu.memory_space<vmem>>
        %dma_start3A_171 = arith.constant 0 : i32
        %dma_start3A_172 = tpu.memref_slice %arg9[%dma_start3A_171] : memref<1392640xf32, #tpu.memory_space<vmem_shared>> -> memref<1392640xf32, #tpu.memory_space<vmem_shared>>
        tpu.enqueue_indirect_dma source(%dma_start3A_167 : memref<128xf32, #tpu.memory_space<vmem>>) target(%dma_start3A_172 : memref<1392640xf32, #tpu.memory_space<vmem_shared>>) offsets(%dma_start3A_170 : memref<128xi32, #tpu.memory_space<vmem>>) semaphore(%arg10 : memref<!tpu.dma_semaphore, #tpu.memory_space<semaphore_mem>>) {add = true}
      } else {
      }
      %eq3A_75 = arith.constant 0 : i32
      %eq3A_76 = arith.cmpi eq, %arg0, %eq3A_75 : i32
      %convert_element_type3A_77 = arith.extui %eq3A_76 : i1 to i32
      %cond3A_78 = arith.constant 0 : i32
      %cond3A_79 = arith.cmpi ne, %convert_element_type3A_77, %cond3A_78 : i32
      scf.if %cond3A_79 {
        %add3A_161 = arith.constant 5 : i32
        %add3A_162 = arith.addi %add3A_24, %add3A_161 : i32
        %dma_start3A_163 = arith.constant 0 : i32
        %dma_start3A_164 = tpu.memref_slice %arg6[%add3A_162, %dma_start3A_163] : memref<160x128xi32, #tpu.memory_space<vmem>> -> memref<1x128xi32, #tpu.memory_space<vmem>>
        %dma_start3A_165 = tpu.memref_squeeze %dma_start3A_164 : memref<1x128xi32, #tpu.memory_space<vmem>> -> memref<128xi32, #tpu.memory_space<vmem>>
        %dma_start3A_166 = arith.constant 0 : i32
        %dma_start3A_167 = tpu.memref_slice %arg9[%dma_start3A_166] : memref<1392640xf32, #tpu.memory_space<vmem_shared>> -> memref<1392640xf32, #tpu.memory_space<vmem_shared>>
        tpu.enqueue_indirect_dma source(%arg8 : memref<128xf32, #tpu.memory_space<vmem>>) target(%dma_start3A_167 : memref<1392640xf32, #tpu.memory_space<vmem_shared>>) offsets(%dma_start3A_165 : memref<128xi32, #tpu.memory_space<vmem>>) semaphore(%arg10 : memref<!tpu.dma_semaphore, #tpu.memory_space<semaphore_mem>>) {add = true}
      } else {
      }
      %eq3A_80 = arith.constant 1 : i32
      %eq3A_81 = arith.cmpi eq, %arg0, %eq3A_80 : i32
      %convert_element_type3A_82 = arith.extui %eq3A_81 : i1 to i32
      %cond3A_83 = arith.constant 0 : i32
      %cond3A_84 = arith.cmpi ne, %convert_element_type3A_82, %cond3A_83 : i32
      scf.if %cond3A_84 {
        %add3A_161 = arith.constant 5 : i32
        %add3A_162 = arith.addi %add3A_24, %add3A_161 : i32
        %add3A_163 = arith.constant 5 : i32
        %add3A_164 = arith.addi %add3A_24, %add3A_163 : i32
        %dma_start3A_165 = arith.constant 0 : i32
        %dma_start3A_166 = tpu.memref_slice %arg7[%add3A_162, %dma_start3A_165] : memref<160x128xf32, #tpu.memory_space<vmem>> -> memref<1x128xf32, #tpu.memory_space<vmem>>
        %dma_start3A_167 = tpu.memref_squeeze %dma_start3A_166 : memref<1x128xf32, #tpu.memory_space<vmem>> -> memref<128xf32, #tpu.memory_space<vmem>>
        %dma_start3A_168 = arith.constant 0 : i32
        %dma_start3A_169 = tpu.memref_slice %arg6[%add3A_164, %dma_start3A_168] : memref<160x128xi32, #tpu.memory_space<vmem>> -> memref<1x128xi32, #tpu.memory_space<vmem>>
        %dma_start3A_170 = tpu.memref_squeeze %dma_start3A_169 : memref<1x128xi32, #tpu.memory_space<vmem>> -> memref<128xi32, #tpu.memory_space<vmem>>
        %dma_start3A_171 = arith.constant 0 : i32
        %dma_start3A_172 = tpu.memref_slice %arg9[%dma_start3A_171] : memref<1392640xf32, #tpu.memory_space<vmem_shared>> -> memref<1392640xf32, #tpu.memory_space<vmem_shared>>
        tpu.enqueue_indirect_dma source(%dma_start3A_167 : memref<128xf32, #tpu.memory_space<vmem>>) target(%dma_start3A_172 : memref<1392640xf32, #tpu.memory_space<vmem_shared>>) offsets(%dma_start3A_170 : memref<128xi32, #tpu.memory_space<vmem>>) semaphore(%arg10 : memref<!tpu.dma_semaphore, #tpu.memory_space<semaphore_mem>>) {add = true}
      } else {
      }
      %eq3A_85 = arith.constant 0 : i32
      %eq3A_86 = arith.cmpi eq, %arg0, %eq3A_85 : i32
      %convert_element_type3A_87 = arith.extui %eq3A_86 : i1 to i32
      %cond3A_88 = arith.constant 0 : i32
      %cond3A_89 = arith.cmpi ne, %convert_element_type3A_87, %cond3A_88 : i32
      scf.if %cond3A_89 {
        %add3A_161 = arith.constant 6 : i32
        %add3A_162 = arith.addi %add3A_24, %add3A_161 : i32
        %dma_start3A_163 = arith.constant 0 : i32
        %dma_start3A_164 = tpu.memref_slice %arg6[%add3A_162, %dma_start3A_163] : memref<160x128xi32, #tpu.memory_space<vmem>> -> memref<1x128xi32, #tpu.memory_space<vmem>>
        %dma_start3A_165 = tpu.memref_squeeze %dma_start3A_164 : memref<1x128xi32, #tpu.memory_space<vmem>> -> memref<128xi32, #tpu.memory_space<vmem>>
        %dma_start3A_166 = arith.constant 0 : i32
        %dma_start3A_167 = tpu.memref_slice %arg9[%dma_start3A_166] : memref<1392640xf32, #tpu.memory_space<vmem_shared>> -> memref<1392640xf32, #tpu.memory_space<vmem_shared>>
        tpu.enqueue_indirect_dma source(%arg8 : memref<128xf32, #tpu.memory_space<vmem>>) target(%dma_start3A_167 : memref<1392640xf32, #tpu.memory_space<vmem_shared>>) offsets(%dma_start3A_165 : memref<128xi32, #tpu.memory_space<vmem>>) semaphore(%arg10 : memref<!tpu.dma_semaphore, #tpu.memory_space<semaphore_mem>>) {add = true}
      } else {
      }
      %eq3A_90 = arith.constant 1 : i32
      %eq3A_91 = arith.cmpi eq, %arg0, %eq3A_90 : i32
      %convert_element_type3A_92 = arith.extui %eq3A_91 : i1 to i32
      %cond3A_93 = arith.constant 0 : i32
      %cond3A_94 = arith.cmpi ne, %convert_element_type3A_92, %cond3A_93 : i32
      scf.if %cond3A_94 {
        %add3A_161 = arith.constant 6 : i32
        %add3A_162 = arith.addi %add3A_24, %add3A_161 : i32
        %add3A_163 = arith.constant 6 : i32
        %add3A_164 = arith.addi %add3A_24, %add3A_163 : i32
        %dma_start3A_165 = arith.constant 0 : i32
        %dma_start3A_166 = tpu.memref_slice %arg7[%add3A_162, %dma_start3A_165] : memref<160x128xf32, #tpu.memory_space<vmem>> -> memref<1x128xf32, #tpu.memory_space<vmem>>
        %dma_start3A_167 = tpu.memref_squeeze %dma_start3A_166 : memref<1x128xf32, #tpu.memory_space<vmem>> -> memref<128xf32, #tpu.memory_space<vmem>>
        %dma_start3A_168 = arith.constant 0 : i32
        %dma_start3A_169 = tpu.memref_slice %arg6[%add3A_164, %dma_start3A_168] : memref<160x128xi32, #tpu.memory_space<vmem>> -> memref<1x128xi32, #tpu.memory_space<vmem>>
        %dma_start3A_170 = tpu.memref_squeeze %dma_start3A_169 : memref<1x128xi32, #tpu.memory_space<vmem>> -> memref<128xi32, #tpu.memory_space<vmem>>
        %dma_start3A_171 = arith.constant 0 : i32
        %dma_start3A_172 = tpu.memref_slice %arg9[%dma_start3A_171] : memref<1392640xf32, #tpu.memory_space<vmem_shared>> -> memref<1392640xf32, #tpu.memory_space<vmem_shared>>
        tpu.enqueue_indirect_dma source(%dma_start3A_167 : memref<128xf32, #tpu.memory_space<vmem>>) target(%dma_start3A_172 : memref<1392640xf32, #tpu.memory_space<vmem_shared>>) offsets(%dma_start3A_170 : memref<128xi32, #tpu.memory_space<vmem>>) semaphore(%arg10 : memref<!tpu.dma_semaphore, #tpu.memory_space<semaphore_mem>>) {add = true}
      } else {
      }
      %eq3A_95 = arith.constant 0 : i32
      %eq3A_96 = arith.cmpi eq, %arg0, %eq3A_95 : i32
      %convert_element_type3A_97 = arith.extui %eq3A_96 : i1 to i32
      %cond3A_98 = arith.constant 0 : i32
      %cond3A_99 = arith.cmpi ne, %convert_element_type3A_97, %cond3A_98 : i32
      scf.if %cond3A_99 {
        %add3A_161 = arith.constant 7 : i32
        %add3A_162 = arith.addi %add3A_24, %add3A_161 : i32
        %dma_start3A_163 = arith.constant 0 : i32
        %dma_start3A_164 = tpu.memref_slice %arg6[%add3A_162, %dma_start3A_163] : memref<160x128xi32, #tpu.memory_space<vmem>> -> memref<1x128xi32, #tpu.memory_space<vmem>>
        %dma_start3A_165 = tpu.memref_squeeze %dma_start3A_164 : memref<1x128xi32, #tpu.memory_space<vmem>> -> memref<128xi32, #tpu.memory_space<vmem>>
        %dma_start3A_166 = arith.constant 0 : i32
        %dma_start3A_167 = tpu.memref_slice %arg9[%dma_start3A_166] : memref<1392640xf32, #tpu.memory_space<vmem_shared>> -> memref<1392640xf32, #tpu.memory_space<vmem_shared>>
        tpu.enqueue_indirect_dma source(%arg8 : memref<128xf32, #tpu.memory_space<vmem>>) target(%dma_start3A_167 : memref<1392640xf32, #tpu.memory_space<vmem_shared>>) offsets(%dma_start3A_165 : memref<128xi32, #tpu.memory_space<vmem>>) semaphore(%arg10 : memref<!tpu.dma_semaphore, #tpu.memory_space<semaphore_mem>>) {add = true}
      } else {
      }
      %eq3A_100 = arith.constant 1 : i32
      %eq3A_101 = arith.cmpi eq, %arg0, %eq3A_100 : i32
      %convert_element_type3A_102 = arith.extui %eq3A_101 : i1 to i32
      %cond3A_103 = arith.constant 0 : i32
      %cond3A_104 = arith.cmpi ne, %convert_element_type3A_102, %cond3A_103 : i32
      scf.if %cond3A_104 {
        %add3A_161 = arith.constant 7 : i32
        %add3A_162 = arith.addi %add3A_24, %add3A_161 : i32
        %add3A_163 = arith.constant 7 : i32
        %add3A_164 = arith.addi %add3A_24, %add3A_163 : i32
        %dma_start3A_165 = arith.constant 0 : i32
        %dma_start3A_166 = tpu.memref_slice %arg7[%add3A_162, %dma_start3A_165] : memref<160x128xf32, #tpu.memory_space<vmem>> -> memref<1x128xf32, #tpu.memory_space<vmem>>
        %dma_start3A_167 = tpu.memref_squeeze %dma_start3A_166 : memref<1x128xf32, #tpu.memory_space<vmem>> -> memref<128xf32, #tpu.memory_space<vmem>>
        %dma_start3A_168 = arith.constant 0 : i32
        %dma_start3A_169 = tpu.memref_slice %arg6[%add3A_164, %dma_start3A_168] : memref<160x128xi32, #tpu.memory_space<vmem>> -> memref<1x128xi32, #tpu.memory_space<vmem>>
        %dma_start3A_170 = tpu.memref_squeeze %dma_start3A_169 : memref<1x128xi32, #tpu.memory_space<vmem>> -> memref<128xi32, #tpu.memory_space<vmem>>
        %dma_start3A_171 = arith.constant 0 : i32
        %dma_start3A_172 = tpu.memref_slice %arg9[%dma_start3A_171] : memref<1392640xf32, #tpu.memory_space<vmem_shared>> -> memref<1392640xf32, #tpu.memory_space<vmem_shared>>
        tpu.enqueue_indirect_dma source(%dma_start3A_167 : memref<128xf32, #tpu.memory_space<vmem>>) target(%dma_start3A_172 : memref<1392640xf32, #tpu.memory_space<vmem_shared>>) offsets(%dma_start3A_170 : memref<128xi32, #tpu.memory_space<vmem>>) semaphore(%arg10 : memref<!tpu.dma_semaphore, #tpu.memory_space<semaphore_mem>>) {add = true}
      } else {
      }
      %add3A_105 = arith.constant 0 : i32
      %add3A_106 = arith.addi %add3A_24, %add3A_105 : i32
      %dma_wait3A_107 = arith.constant 0 : i32
      %dma_wait3A_108 = tpu.memref_slice %arg6[%add3A_106, %dma_wait3A_107] : memref<160x128xi32, #tpu.memory_space<vmem>> -> memref<1x128xi32, #tpu.memory_space<vmem>>
      %dma_wait3A_109 = tpu.memref_squeeze %dma_wait3A_108 : memref<1x128xi32, #tpu.memory_space<vmem>> -> memref<128xi32, #tpu.memory_space<vmem>>
      %dma_wait3A_110 = arith.constant 0 : i32
      %dma_wait3A_111 = tpu.memref_slice %arg9[%dma_wait3A_110] : memref<1392640xf32, #tpu.memory_space<vmem_shared>> -> memref<1392640xf32, #tpu.memory_space<vmem_shared>>
      tpu.wait_indirect_dma semaphore(%arg10 : memref<!tpu.dma_semaphore, #tpu.memory_space<semaphore_mem>>) src(%arg8 : memref<128xf32, #tpu.memory_space<vmem>>) dst(%dma_wait3A_111 : memref<1392640xf32, #tpu.memory_space<vmem_shared>>)
      %add3A_112 = arith.constant 1 : i32
      %add3A_113 = arith.addi %add3A_24, %add3A_112 : i32
      %dma_wait3A_114 = arith.constant 0 : i32
      %dma_wait3A_115 = tpu.memref_slice %arg6[%add3A_113, %dma_wait3A_114] : memref<160x128xi32, #tpu.memory_space<vmem>> -> memref<1x128xi32, #tpu.memory_space<vmem>>
      %dma_wait3A_116 = tpu.memref_squeeze %dma_wait3A_115 : memref<1x128xi32, #tpu.memory_space<vmem>> -> memref<128xi32, #tpu.memory_space<vmem>>
      %dma_wait3A_117 = arith.constant 0 : i32
      %dma_wait3A_118 = tpu.memref_slice %arg9[%dma_wait3A_117] : memref<1392640xf32, #tpu.memory_space<vmem_shared>> -> memref<1392640xf32, #tpu.memory_space<vmem_shared>>
      tpu.wait_indirect_dma semaphore(%arg10 : memref<!tpu.dma_semaphore, #tpu.memory_space<semaphore_mem>>) src(%arg8 : memref<128xf32, #tpu.memory_space<vmem>>) dst(%dma_wait3A_118 : memref<1392640xf32, #tpu.memory_space<vmem_shared>>)
      %add3A_119 = arith.constant 2 : i32
      %add3A_120 = arith.addi %add3A_24, %add3A_119 : i32
      %dma_wait3A_121 = arith.constant 0 : i32
      %dma_wait3A_122 = tpu.memref_slice %arg6[%add3A_120, %dma_wait3A_121] : memref<160x128xi32, #tpu.memory_space<vmem>> -> memref<1x128xi32, #tpu.memory_space<vmem>>
      %dma_wait3A_123 = tpu.memref_squeeze %dma_wait3A_122 : memref<1x128xi32, #tpu.memory_space<vmem>> -> memref<128xi32, #tpu.memory_space<vmem>>
      %dma_wait3A_124 = arith.constant 0 : i32
      %dma_wait3A_125 = tpu.memref_slice %arg9[%dma_wait3A_124] : memref<1392640xf32, #tpu.memory_space<vmem_shared>> -> memref<1392640xf32, #tpu.memory_space<vmem_shared>>
      tpu.wait_indirect_dma semaphore(%arg10 : memref<!tpu.dma_semaphore, #tpu.memory_space<semaphore_mem>>) src(%arg8 : memref<128xf32, #tpu.memory_space<vmem>>) dst(%dma_wait3A_125 : memref<1392640xf32, #tpu.memory_space<vmem_shared>>)
      %add3A_126 = arith.constant 3 : i32
      %add3A_127 = arith.addi %add3A_24, %add3A_126 : i32
      %dma_wait3A_128 = arith.constant 0 : i32
      %dma_wait3A_129 = tpu.memref_slice %arg6[%add3A_127, %dma_wait3A_128] : memref<160x128xi32, #tpu.memory_space<vmem>> -> memref<1x128xi32, #tpu.memory_space<vmem>>
      %dma_wait3A_130 = tpu.memref_squeeze %dma_wait3A_129 : memref<1x128xi32, #tpu.memory_space<vmem>> -> memref<128xi32, #tpu.memory_space<vmem>>
      %dma_wait3A_131 = arith.constant 0 : i32
      %dma_wait3A_132 = tpu.memref_slice %arg9[%dma_wait3A_131] : memref<1392640xf32, #tpu.memory_space<vmem_shared>> -> memref<1392640xf32, #tpu.memory_space<vmem_shared>>
      tpu.wait_indirect_dma semaphore(%arg10 : memref<!tpu.dma_semaphore, #tpu.memory_space<semaphore_mem>>) src(%arg8 : memref<128xf32, #tpu.memory_space<vmem>>) dst(%dma_wait3A_132 : memref<1392640xf32, #tpu.memory_space<vmem_shared>>)
      %add3A_133 = arith.constant 4 : i32
      %add3A_134 = arith.addi %add3A_24, %add3A_133 : i32
      %dma_wait3A_135 = arith.constant 0 : i32
      %dma_wait3A_136 = tpu.memref_slice %arg6[%add3A_134, %dma_wait3A_135] : memref<160x128xi32, #tpu.memory_space<vmem>> -> memref<1x128xi32, #tpu.memory_space<vmem>>
      %dma_wait3A_137 = tpu.memref_squeeze %dma_wait3A_136 : memref<1x128xi32, #tpu.memory_space<vmem>> -> memref<128xi32, #tpu.memory_space<vmem>>
      %dma_wait3A_138 = arith.constant 0 : i32
      %dma_wait3A_139 = tpu.memref_slice %arg9[%dma_wait3A_138] : memref<1392640xf32, #tpu.memory_space<vmem_shared>> -> memref<1392640xf32, #tpu.memory_space<vmem_shared>>
      tpu.wait_indirect_dma semaphore(%arg10 : memref<!tpu.dma_semaphore, #tpu.memory_space<semaphore_mem>>) src(%arg8 : memref<128xf32, #tpu.memory_space<vmem>>) dst(%dma_wait3A_139 : memref<1392640xf32, #tpu.memory_space<vmem_shared>>)
      %add3A_140 = arith.constant 5 : i32
      %add3A_141 = arith.addi %add3A_24, %add3A_140 : i32
      %dma_wait3A_142 = arith.constant 0 : i32
      %dma_wait3A_143 = tpu.memref_slice %arg6[%add3A_141, %dma_wait3A_142] : memref<160x128xi32, #tpu.memory_space<vmem>> -> memref<1x128xi32, #tpu.memory_space<vmem>>
      %dma_wait3A_144 = tpu.memref_squeeze %dma_wait3A_143 : memref<1x128xi32, #tpu.memory_space<vmem>> -> memref<128xi32, #tpu.memory_space<vmem>>
      %dma_wait3A_145 = arith.constant 0 : i32
      %dma_wait3A_146 = tpu.memref_slice %arg9[%dma_wait3A_145] : memref<1392640xf32, #tpu.memory_space<vmem_shared>> -> memref<1392640xf32, #tpu.memory_space<vmem_shared>>
      tpu.wait_indirect_dma semaphore(%arg10 : memref<!tpu.dma_semaphore, #tpu.memory_space<semaphore_mem>>) src(%arg8 : memref<128xf32, #tpu.memory_space<vmem>>) dst(%dma_wait3A_146 : memref<1392640xf32, #tpu.memory_space<vmem_shared>>)
      %add3A_147 = arith.constant 6 : i32
      %add3A_148 = arith.addi %add3A_24, %add3A_147 : i32
      %dma_wait3A_149 = arith.constant 0 : i32
      %dma_wait3A_150 = tpu.memref_slice %arg6[%add3A_148, %dma_wait3A_149] : memref<160x128xi32, #tpu.memory_space<vmem>> -> memref<1x128xi32, #tpu.memory_space<vmem>>
      %dma_wait3A_151 = tpu.memref_squeeze %dma_wait3A_150 : memref<1x128xi32, #tpu.memory_space<vmem>> -> memref<128xi32, #tpu.memory_space<vmem>>
      %dma_wait3A_152 = arith.constant 0 : i32
      %dma_wait3A_153 = tpu.memref_slice %arg9[%dma_wait3A_152] : memref<1392640xf32, #tpu.memory_space<vmem_shared>> -> memref<1392640xf32, #tpu.memory_space<vmem_shared>>
      tpu.wait_indirect_dma semaphore(%arg10 : memref<!tpu.dma_semaphore, #tpu.memory_space<semaphore_mem>>) src(%arg8 : memref<128xf32, #tpu.memory_space<vmem>>) dst(%dma_wait3A_153 : memref<1392640xf32, #tpu.memory_space<vmem_shared>>)
      %add3A_154 = arith.constant 7 : i32
      %add3A_155 = arith.addi %add3A_24, %add3A_154 : i32
      %dma_wait3A_156 = arith.constant 0 : i32
      %dma_wait3A_157 = tpu.memref_slice %arg6[%add3A_155, %dma_wait3A_156] : memref<160x128xi32, #tpu.memory_space<vmem>> -> memref<1x128xi32, #tpu.memory_space<vmem>>
      %dma_wait3A_158 = tpu.memref_squeeze %dma_wait3A_157 : memref<1x128xi32, #tpu.memory_space<vmem>> -> memref<128xi32, #tpu.memory_space<vmem>>
      %dma_wait3A_159 = arith.constant 0 : i32
      %dma_wait3A_160 = tpu.memref_slice %arg9[%dma_wait3A_159] : memref<1392640xf32, #tpu.memory_space<vmem_shared>> -> memref<1392640xf32, #tpu.memory_space<vmem_shared>>
      tpu.wait_indirect_dma semaphore(%arg10 : memref<!tpu.dma_semaphore, #tpu.memory_space<semaphore_mem>>) src(%arg8 : memref<128xf32, #tpu.memory_space<vmem>>) dst(%dma_wait3A_160 : memref<1392640xf32, #tpu.memory_space<vmem_shared>>)
    }
    %scan3A_15 = arith.constant 20 : i32
    %barrier3A_16 = arith.constant 0 : index
    tpu.barrier barrier_id(%barrier3A_16)
    %mul3A_17 = arith.constant 87040 : i32
    %mul3A_18 = arith.muli %arg1, %mul3A_17 : i32
    %mul3A_19 = arith.constant 87040 : i32
    %mul3A_20 = arith.muli %arg1, %mul3A_19 : i32
    "tpu.region"() ({
      %run_scoped3A = tpu.sem_alloc : memref<!tpu.dma_semaphore, #tpu.memory_space<semaphore_mem>>
      %dma_start3A_21 = tpu.memref_slice %arg5[%arg0, %mul3A_20] : memref<2x1392640xf32, #tpu.memory_space<hbm>> -> memref<1x87040xf32, #tpu.memory_space<hbm>>
      %dma_start3A_22 = tpu.memref_squeeze %dma_start3A_21 : memref<1x87040xf32, #tpu.memory_space<hbm>> -> memref<87040xf32, #tpu.memory_space<hbm>>
      %dma_start3A_23 = tpu.memref_slice %arg9[%mul3A_18] : memref<1392640xf32, #tpu.memory_space<vmem_shared>> -> memref<87040xf32, #tpu.memory_space<vmem_shared>>
      tpu.enqueue_dma source(%dma_start3A_23 : memref<87040xf32, #tpu.memory_space<vmem_shared>>) target(%dma_start3A_22 : memref<87040xf32, #tpu.memory_space<hbm>>) target_semaphore(%run_scoped3A : memref<!tpu.dma_semaphore, #tpu.memory_space<semaphore_mem>>)
      %dma_wait3A_24 = tpu.memref_slice %arg5[%arg0, %mul3A_20] : memref<2x1392640xf32, #tpu.memory_space<hbm>> -> memref<1x87040xf32, #tpu.memory_space<hbm>>
      %dma_wait3A_25 = tpu.memref_squeeze %dma_wait3A_24 : memref<1x87040xf32, #tpu.memory_space<hbm>> -> memref<87040xf32, #tpu.memory_space<hbm>>
      %dma_wait3A_26 = tpu.memref_slice %arg9[%mul3A_18] : memref<1392640xf32, #tpu.memory_space<vmem_shared>> -> memref<87040xf32, #tpu.memory_space<vmem_shared>>
      tpu.wait_dma2 semaphore(%run_scoped3A : memref<!tpu.dma_semaphore, #tpu.memory_space<semaphore_mem>>) src(%dma_wait3A_26 : memref<87040xf32, #tpu.memory_space<vmem_shared>>) dst(%dma_wait3A_25 : memref<87040xf32, #tpu.memory_space<hbm>>)
      tpu.yield
    }) : () -> ()
    return
  }
}

#map = affine_map<(d0, d1) -> (0, 0)>
#map1 = affine_map<(d0, d1) -> (0, 0, 0)>
module attributes {stable_mosaic.version = 14 : i64} {
  func.func @_agg_body(%arg0: i32, %arg1: i32, %arg2: memref<10240x128xf32, #tpu.memory_space<hbm>>, %arg3: memref<2560x128xi32, #tpu.memory_space<hbm>>, %arg4: memref<2560x128xi32, #tpu.memory_space<hbm>>, %arg5: memref<640x128xf32, #tpu.memory_space<hbm>>, %arg6: memref<2x10240x128xf32, #tpu.memory_space<hbm>>, %arg7: memref<40x128xi32, #tpu.memory_space<vmem>>, %arg8: memref<40x128xi32, #tpu.memory_space<vmem>>, %arg9: memref<128x128xf32, #tpu.memory_space<vmem>>, %arg10: memref<128x128xf32, #tpu.memory_space<vmem>>, %arg11: memref<10240x128xf32, #tpu.memory_space<vmem_shared>>, %arg12: memref<!tpu.dma_semaphore, #tpu.memory_space<semaphore_mem>>, %arg13: memref<!tpu.dma_semaphore, #tpu.memory_space<semaphore_mem>>) attributes {dimension_semantics = [#tpu.dimension_semantics<core_parallel>, #tpu.dimension_semantics<subcore_parallel>], iteration_bounds = array<i64: 2, 16>, scalar_prefetch = 0 : i64, scratch_operands = 7 : i64, tpu.core_type = #tpu.core_type<sc_vector_subcore>, window_params = [{transform_indices = #map}, {transform_indices = #map}, {transform_indices = #map}, {transform_indices = #map}, {transform_indices = #map1}]} {
    %mul3A = arith.constant 16 : i32
    %mul3A_0 = arith.muli %arg0, %mul3A : i32
    %add3A = arith.addi %mul3A_0, %arg1 : i32
    %mul3A_1 = arith.constant 640 : i32
    %mul3A_2 = arith.muli %arg1, %mul3A_1 : i32
    %dma_start3A = arith.constant 0 : i32
    %dma_start3A_3 = tpu.memref_slice %arg11[%mul3A_2, %dma_start3A] : memref<10240x128xf32, #tpu.memory_space<vmem_shared>> -> memref<640x128xf32, #tpu.memory_space<vmem_shared>>
    tpu.enqueue_dma source(%arg5 : memref<640x128xf32, #tpu.memory_space<hbm>>) target(%dma_start3A_3 : memref<640x128xf32, #tpu.memory_space<vmem_shared>>) target_semaphore(%arg12 : memref<!tpu.dma_semaphore, #tpu.memory_space<semaphore_mem>>)
    %mul3A_4 = arith.constant 80 : i32
    %mul3A_5 = arith.muli %add3A, %mul3A_4 : i32
    "tpu.region"() ({
      %run_scoped3A = tpu.sem_alloc : memref<!tpu.dma_semaphore, #tpu.memory_space<semaphore_mem>>
      %dma_start3A_61 = arith.constant 0 : i32
      %dma_start3A_62 = tpu.memref_slice %arg3[%mul3A_5, %dma_start3A_61] : memref<2560x128xi32, #tpu.memory_space<hbm>> -> memref<40x128xi32, #tpu.memory_space<hbm>>
      %dma_start3A_63 = arith.constant 0 : i32
      %dma_start3A_64 = tpu.memref_slice %arg3[%mul3A_5, %dma_start3A_63] : memref<2560x128xi32, #tpu.memory_space<hbm>> -> memref<40x128xi32, #tpu.memory_space<hbm>>
      tpu.enqueue_dma source(%dma_start3A_64 : memref<40x128xi32, #tpu.memory_space<hbm>>) target(%arg7 : memref<40x128xi32, #tpu.memory_space<vmem>>) target_semaphore(%run_scoped3A : memref<!tpu.dma_semaphore, #tpu.memory_space<semaphore_mem>>)
      %dma_wait3A_65 = arith.constant 0 : i32
      %dma_wait3A_66 = tpu.memref_slice %arg3[%mul3A_5, %dma_wait3A_65] : memref<2560x128xi32, #tpu.memory_space<hbm>> -> memref<40x128xi32, #tpu.memory_space<hbm>>
      %dma_wait3A_67 = arith.constant 0 : i32
      %dma_wait3A_68 = tpu.memref_slice %arg3[%mul3A_5, %dma_wait3A_67] : memref<2560x128xi32, #tpu.memory_space<hbm>> -> memref<40x128xi32, #tpu.memory_space<hbm>>
      tpu.wait_dma2 semaphore(%run_scoped3A : memref<!tpu.dma_semaphore, #tpu.memory_space<semaphore_mem>>) src(%dma_wait3A_68 : memref<40x128xi32, #tpu.memory_space<hbm>>) dst(%arg7 : memref<40x128xi32, #tpu.memory_space<vmem>>)
      tpu.yield
    }) : () -> ()
    %mul3A_6 = arith.constant 80 : i32
    %mul3A_7 = arith.muli %add3A, %mul3A_6 : i32
    "tpu.region"() ({
      %run_scoped3A = tpu.sem_alloc : memref<!tpu.dma_semaphore, #tpu.memory_space<semaphore_mem>>
      %dma_start3A_61 = arith.constant 0 : i32
      %dma_start3A_62 = tpu.memref_slice %arg4[%mul3A_7, %dma_start3A_61] : memref<2560x128xi32, #tpu.memory_space<hbm>> -> memref<40x128xi32, #tpu.memory_space<hbm>>
      %dma_start3A_63 = arith.constant 0 : i32
      %dma_start3A_64 = tpu.memref_slice %arg4[%mul3A_7, %dma_start3A_63] : memref<2560x128xi32, #tpu.memory_space<hbm>> -> memref<40x128xi32, #tpu.memory_space<hbm>>
      tpu.enqueue_dma source(%dma_start3A_64 : memref<40x128xi32, #tpu.memory_space<hbm>>) target(%arg8 : memref<40x128xi32, #tpu.memory_space<vmem>>) target_semaphore(%run_scoped3A : memref<!tpu.dma_semaphore, #tpu.memory_space<semaphore_mem>>)
      %dma_wait3A_65 = arith.constant 0 : i32
      %dma_wait3A_66 = tpu.memref_slice %arg4[%mul3A_7, %dma_wait3A_65] : memref<2560x128xi32, #tpu.memory_space<hbm>> -> memref<40x128xi32, #tpu.memory_space<hbm>>
      %dma_wait3A_67 = arith.constant 0 : i32
      %dma_wait3A_68 = tpu.memref_slice %arg4[%mul3A_7, %dma_wait3A_67] : memref<2560x128xi32, #tpu.memory_space<hbm>> -> memref<40x128xi32, #tpu.memory_space<hbm>>
      tpu.wait_dma2 semaphore(%run_scoped3A : memref<!tpu.dma_semaphore, #tpu.memory_space<semaphore_mem>>) src(%dma_wait3A_68 : memref<40x128xi32, #tpu.memory_space<hbm>>) dst(%arg8 : memref<40x128xi32, #tpu.memory_space<vmem>>)
      tpu.yield
    }) : () -> ()
    %mul3A_8 = arith.constant 640 : i32
    %mul3A_9 = arith.muli %arg1, %mul3A_8 : i32
    %dma_wait3A = arith.constant 0 : i32
    %dma_wait3A_10 = tpu.memref_slice %arg11[%mul3A_9, %dma_wait3A] : memref<10240x128xf32, #tpu.memory_space<vmem_shared>> -> memref<640x128xf32, #tpu.memory_space<vmem_shared>>
    tpu.wait_dma2 semaphore(%arg12 : memref<!tpu.dma_semaphore, #tpu.memory_space<semaphore_mem>>) src(%arg5 : memref<640x128xf32, #tpu.memory_space<hbm>>) dst(%dma_wait3A_10 : memref<640x128xf32, #tpu.memory_space<vmem_shared>>)
    %barrier3A = arith.constant 0 : index
    tpu.barrier barrier_id(%barrier3A)
    %dma_start3A_11 = arith.constant 0 : i32
    %dma_start3A_12 = arith.constant 0 : i32
    %dma_start3A_13 = tpu.memref_slice %arg7[%dma_start3A_11, %dma_start3A_12] : memref<40x128xi32, #tpu.memory_space<vmem>> -> memref<1x128xi32, #tpu.memory_space<vmem>>
    %dma_start3A_14 = tpu.memref_squeeze %dma_start3A_13 : memref<1x128xi32, #tpu.memory_space<vmem>> -> memref<128xi32, #tpu.memory_space<vmem>>
    %dma_start3A_15 = arith.constant 0 : i32
    %dma_start3A_16 = arith.constant 0 : i32
    %dma_start3A_17 = tpu.memref_slice %arg2[%dma_start3A_15, %dma_start3A_16] : memref<10240x128xf32, #tpu.memory_space<hbm>> -> memref<10240x128xf32, #tpu.memory_space<hbm>>
    tpu.enqueue_indirect_dma source(%dma_start3A_17 : memref<10240x128xf32, #tpu.memory_space<hbm>>) target(%arg9 : memref<128x128xf32, #tpu.memory_space<vmem>>) offsets(%dma_start3A_14 : memref<128xi32, #tpu.memory_space<vmem>>) semaphore(%arg12 : memref<!tpu.dma_semaphore, #tpu.memory_space<semaphore_mem>>)
    %dma_start3A_18 = arith.constant 1 : i32
    %dma_start3A_19 = arith.constant 0 : i32
    %dma_start3A_20 = tpu.memref_slice %arg7[%dma_start3A_18, %dma_start3A_19] : memref<40x128xi32, #tpu.memory_space<vmem>> -> memref<1x128xi32, #tpu.memory_space<vmem>>
    %dma_start3A_21 = tpu.memref_squeeze %dma_start3A_20 : memref<1x128xi32, #tpu.memory_space<vmem>> -> memref<128xi32, #tpu.memory_space<vmem>>
    %dma_start3A_22 = arith.constant 0 : i32
    %dma_start3A_23 = arith.constant 0 : i32
    %dma_start3A_24 = tpu.memref_slice %arg2[%dma_start3A_22, %dma_start3A_23] : memref<10240x128xf32, #tpu.memory_space<hbm>> -> memref<10240x128xf32, #tpu.memory_space<hbm>>
    tpu.enqueue_indirect_dma source(%dma_start3A_24 : memref<10240x128xf32, #tpu.memory_space<hbm>>) target(%arg10 : memref<128x128xf32, #tpu.memory_space<vmem>>) offsets(%dma_start3A_21 : memref<128xi32, #tpu.memory_space<vmem>>) semaphore(%arg13 : memref<!tpu.dma_semaphore, #tpu.memory_space<semaphore_mem>>)
    %scan3A = arith.constant 0 : i32
    %scan3A_25 = arith.constant 20 : i32
    %scan3A_26 = arith.addi %scan3A, %scan3A_25 : i32
    %scan3A_27 = arith.constant 1 : i32
    scf.for %scan3A_61 = %scan3A to %scan3A_26 step %scan3A_27  : i32 {
      %mul3A_62 = arith.constant 2 : i32
      %mul3A_63 = arith.muli %scan3A_61, %mul3A_62 : i32
      %add3A_64 = arith.constant 0 : i32
      %add3A_65 = arith.addi %add3A_64, %mul3A_63 : i32
      %dma_wait3A_66 = arith.constant 0 : i32
      %dma_wait3A_67 = arith.constant 0 : i32
      %dma_wait3A_68 = tpu.memref_slice %arg2[%dma_wait3A_66, %dma_wait3A_67] : memref<10240x128xf32, #tpu.memory_space<hbm>> -> memref<128x128xf32, #tpu.memory_space<hbm>>
      %dma_wait3A_69 = arith.constant 0 : i32
      %dma_wait3A_70 = arith.constant 0 : i32
      %dma_wait3A_71 = tpu.memref_slice %arg2[%dma_wait3A_69, %dma_wait3A_70] : memref<10240x128xf32, #tpu.memory_space<hbm>> -> memref<128x128xf32, #tpu.memory_space<hbm>>
      tpu.wait_dma2 semaphore(%arg12 : memref<!tpu.dma_semaphore, #tpu.memory_space<semaphore_mem>>) src(%dma_wait3A_71 : memref<128x128xf32, #tpu.memory_space<hbm>>) dst(%arg9 : memref<128x128xf32, #tpu.memory_space<vmem>>)
      "tpu.region"() ({
        %run_scoped3A = tpu.sem_alloc : memref<!tpu.dma_semaphore, #tpu.memory_space<semaphore_mem>>
        %dma_start3A_91 = arith.constant 0 : i32
        %dma_start3A_92 = tpu.memref_slice %arg8[%add3A_65, %dma_start3A_91] : memref<40x128xi32, #tpu.memory_space<vmem>> -> memref<1x128xi32, #tpu.memory_space<vmem>>
        %dma_start3A_93 = tpu.memref_squeeze %dma_start3A_92 : memref<1x128xi32, #tpu.memory_space<vmem>> -> memref<128xi32, #tpu.memory_space<vmem>>
        %dma_start3A_94 = arith.constant 0 : i32
        %dma_start3A_95 = arith.constant 0 : i32
        %dma_start3A_96 = tpu.memref_slice %arg11[%dma_start3A_94, %dma_start3A_95] : memref<10240x128xf32, #tpu.memory_space<vmem_shared>> -> memref<10240x128xf32, #tpu.memory_space<vmem_shared>>
        tpu.enqueue_indirect_dma source(%arg9 : memref<128x128xf32, #tpu.memory_space<vmem>>) target(%dma_start3A_96 : memref<10240x128xf32, #tpu.memory_space<vmem_shared>>) offsets(%dma_start3A_93 : memref<128xi32, #tpu.memory_space<vmem>>) semaphore(%run_scoped3A : memref<!tpu.dma_semaphore, #tpu.memory_space<semaphore_mem>>) {add = true}
        %dma_wait3A_97 = arith.constant 0 : i32
        %dma_wait3A_98 = tpu.memref_slice %arg8[%add3A_65, %dma_wait3A_97] : memref<40x128xi32, #tpu.memory_space<vmem>> -> memref<1x128xi32, #tpu.memory_space<vmem>>
        %dma_wait3A_99 = tpu.memref_squeeze %dma_wait3A_98 : memref<1x128xi32, #tpu.memory_space<vmem>> -> memref<128xi32, #tpu.memory_space<vmem>>
        %dma_wait3A_100 = arith.constant 0 : i32
        %dma_wait3A_101 = arith.constant 0 : i32
        %dma_wait3A_102 = tpu.memref_slice %arg11[%dma_wait3A_100, %dma_wait3A_101] : memref<10240x128xf32, #tpu.memory_space<vmem_shared>> -> memref<10240x128xf32, #tpu.memory_space<vmem_shared>>
        tpu.wait_indirect_dma semaphore(%run_scoped3A : memref<!tpu.dma_semaphore, #tpu.memory_space<semaphore_mem>>) src(%arg9 : memref<128x128xf32, #tpu.memory_space<vmem>>) dst(%dma_wait3A_102 : memref<10240x128xf32, #tpu.memory_space<vmem_shared>>)
        tpu.yield
      }) : () -> ()
      %add3A_72 = arith.constant 2 : i32
      %add3A_73 = arith.addi %add3A_65, %add3A_72 : i32
      %lt3A = arith.constant 40 : i32
      %lt3A_74 = arith.cmpi slt, %add3A_73, %lt3A : i32
      %convert_element_type3A = arith.extui %lt3A_74 : i1 to i32
      %cond3A = arith.constant 0 : i32
      %cond3A_75 = arith.cmpi ne, %convert_element_type3A, %cond3A : i32
      scf.if %cond3A_75 {
        %add3A_91 = arith.constant 2 : i32
        %add3A_92 = arith.addi %add3A_65, %add3A_91 : i32
        %dma_start3A_93 = arith.constant 0 : i32
        %dma_start3A_94 = tpu.memref_slice %arg7[%add3A_92, %dma_start3A_93] : memref<40x128xi32, #tpu.memory_space<vmem>> -> memref<1x128xi32, #tpu.memory_space<vmem>>
        %dma_start3A_95 = tpu.memref_squeeze %dma_start3A_94 : memref<1x128xi32, #tpu.memory_space<vmem>> -> memref<128xi32, #tpu.memory_space<vmem>>
        %dma_start3A_96 = arith.constant 0 : i32
        %dma_start3A_97 = arith.constant 0 : i32
        %dma_start3A_98 = tpu.memref_slice %arg2[%dma_start3A_96, %dma_start3A_97] : memref<10240x128xf32, #tpu.memory_space<hbm>> -> memref<10240x128xf32, #tpu.memory_space<hbm>>
        tpu.enqueue_indirect_dma source(%dma_start3A_98 : memref<10240x128xf32, #tpu.memory_space<hbm>>) target(%arg9 : memref<128x128xf32, #tpu.memory_space<vmem>>) offsets(%dma_start3A_95 : memref<128xi32, #tpu.memory_space<vmem>>) semaphore(%arg12 : memref<!tpu.dma_semaphore, #tpu.memory_space<semaphore_mem>>)
      } else {
      }
      %dma_wait3A_76 = arith.constant 0 : i32
      %dma_wait3A_77 = arith.constant 0 : i32
      %dma_wait3A_78 = tpu.memref_slice %arg2[%dma_wait3A_76, %dma_wait3A_77] : memref<10240x128xf32, #tpu.memory_space<hbm>> -> memref<128x128xf32, #tpu.memory_space<hbm>>
      %dma_wait3A_79 = arith.constant 0 : i32
      %dma_wait3A_80 = arith.constant 0 : i32
      %dma_wait3A_81 = tpu.memref_slice %arg2[%dma_wait3A_79, %dma_wait3A_80] : memref<10240x128xf32, #tpu.memory_space<hbm>> -> memref<128x128xf32, #tpu.memory_space<hbm>>
      tpu.wait_dma2 semaphore(%arg13 : memref<!tpu.dma_semaphore, #tpu.memory_space<semaphore_mem>>) src(%dma_wait3A_81 : memref<128x128xf32, #tpu.memory_space<hbm>>) dst(%arg10 : memref<128x128xf32, #tpu.memory_space<vmem>>)
      %add3A_82 = arith.constant 1 : i32
      %add3A_83 = arith.addi %add3A_65, %add3A_82 : i32
      "tpu.region"() ({
        %run_scoped3A = tpu.sem_alloc : memref<!tpu.dma_semaphore, #tpu.memory_space<semaphore_mem>>
        %dma_start3A_91 = arith.constant 0 : i32
        %dma_start3A_92 = tpu.memref_slice %arg8[%add3A_83, %dma_start3A_91] : memref<40x128xi32, #tpu.memory_space<vmem>> -> memref<1x128xi32, #tpu.memory_space<vmem>>
        %dma_start3A_93 = tpu.memref_squeeze %dma_start3A_92 : memref<1x128xi32, #tpu.memory_space<vmem>> -> memref<128xi32, #tpu.memory_space<vmem>>
        %dma_start3A_94 = arith.constant 0 : i32
        %dma_start3A_95 = arith.constant 0 : i32
        %dma_start3A_96 = tpu.memref_slice %arg11[%dma_start3A_94, %dma_start3A_95] : memref<10240x128xf32, #tpu.memory_space<vmem_shared>> -> memref<10240x128xf32, #tpu.memory_space<vmem_shared>>
        tpu.enqueue_indirect_dma source(%arg10 : memref<128x128xf32, #tpu.memory_space<vmem>>) target(%dma_start3A_96 : memref<10240x128xf32, #tpu.memory_space<vmem_shared>>) offsets(%dma_start3A_93 : memref<128xi32, #tpu.memory_space<vmem>>) semaphore(%run_scoped3A : memref<!tpu.dma_semaphore, #tpu.memory_space<semaphore_mem>>) {add = true}
        %dma_wait3A_97 = arith.constant 0 : i32
        %dma_wait3A_98 = tpu.memref_slice %arg8[%add3A_83, %dma_wait3A_97] : memref<40x128xi32, #tpu.memory_space<vmem>> -> memref<1x128xi32, #tpu.memory_space<vmem>>
        %dma_wait3A_99 = tpu.memref_squeeze %dma_wait3A_98 : memref<1x128xi32, #tpu.memory_space<vmem>> -> memref<128xi32, #tpu.memory_space<vmem>>
        %dma_wait3A_100 = arith.constant 0 : i32
        %dma_wait3A_101 = arith.constant 0 : i32
        %dma_wait3A_102 = tpu.memref_slice %arg11[%dma_wait3A_100, %dma_wait3A_101] : memref<10240x128xf32, #tpu.memory_space<vmem_shared>> -> memref<10240x128xf32, #tpu.memory_space<vmem_shared>>
        tpu.wait_indirect_dma semaphore(%run_scoped3A : memref<!tpu.dma_semaphore, #tpu.memory_space<semaphore_mem>>) src(%arg10 : memref<128x128xf32, #tpu.memory_space<vmem>>) dst(%dma_wait3A_102 : memref<10240x128xf32, #tpu.memory_space<vmem_shared>>)
        tpu.yield
      }) : () -> ()
      %add3A_84 = arith.constant 3 : i32
      %add3A_85 = arith.addi %add3A_65, %add3A_84 : i32
      %lt3A_86 = arith.constant 40 : i32
      %lt3A_87 = arith.cmpi slt, %add3A_85, %lt3A_86 : i32
      %convert_element_type3A_88 = arith.extui %lt3A_87 : i1 to i32
      %cond3A_89 = arith.constant 0 : i32
      %cond3A_90 = arith.cmpi ne, %convert_element_type3A_88, %cond3A_89 : i32
      scf.if %cond3A_90 {
        %add3A_91 = arith.constant 3 : i32
        %add3A_92 = arith.addi %add3A_65, %add3A_91 : i32
        %dma_start3A_93 = arith.constant 0 : i32
        %dma_start3A_94 = tpu.memref_slice %arg7[%add3A_92, %dma_start3A_93] : memref<40x128xi32, #tpu.memory_space<vmem>> -> memref<1x128xi32, #tpu.memory_space<vmem>>
        %dma_start3A_95 = tpu.memref_squeeze %dma_start3A_94 : memref<1x128xi32, #tpu.memory_space<vmem>> -> memref<128xi32, #tpu.memory_space<vmem>>
        %dma_start3A_96 = arith.constant 0 : i32
        %dma_start3A_97 = arith.constant 0 : i32
        %dma_start3A_98 = tpu.memref_slice %arg2[%dma_start3A_96, %dma_start3A_97] : memref<10240x128xf32, #tpu.memory_space<hbm>> -> memref<10240x128xf32, #tpu.memory_space<hbm>>
        tpu.enqueue_indirect_dma source(%dma_start3A_98 : memref<10240x128xf32, #tpu.memory_space<hbm>>) target(%arg10 : memref<128x128xf32, #tpu.memory_space<vmem>>) offsets(%dma_start3A_95 : memref<128xi32, #tpu.memory_space<vmem>>) semaphore(%arg13 : memref<!tpu.dma_semaphore, #tpu.memory_space<semaphore_mem>>)
      } else {
      }
    }
    %scan3A_28 = arith.constant 20 : i32
    %mul3A_29 = arith.constant 80 : i32
    %mul3A_30 = arith.muli %add3A, %mul3A_29 : i32
    %add3A_31 = arith.constant 40 : i32
    %add3A_32 = arith.addi %mul3A_30, %add3A_31 : i32
    "tpu.region"() ({
      %run_scoped3A = tpu.sem_alloc : memref<!tpu.dma_semaphore, #tpu.memory_space<semaphore_mem>>
      %dma_start3A_61 = arith.constant 0 : i32
      %dma_start3A_62 = tpu.memref_slice %arg3[%add3A_32, %dma_start3A_61] : memref<2560x128xi32, #tpu.memory_space<hbm>> -> memref<40x128xi32, #tpu.memory_space<hbm>>
      %dma_start3A_63 = arith.constant 0 : i32
      %dma_start3A_64 = tpu.memref_slice %arg3[%add3A_32, %dma_start3A_63] : memref<2560x128xi32, #tpu.memory_space<hbm>> -> memref<40x128xi32, #tpu.memory_space<hbm>>
      tpu.enqueue_dma source(%dma_start3A_64 : memref<40x128xi32, #tpu.memory_space<hbm>>) target(%arg7 : memref<40x128xi32, #tpu.memory_space<vmem>>) target_semaphore(%run_scoped3A : memref<!tpu.dma_semaphore, #tpu.memory_space<semaphore_mem>>)
      %dma_wait3A_65 = arith.constant 0 : i32
      %dma_wait3A_66 = tpu.memref_slice %arg3[%add3A_32, %dma_wait3A_65] : memref<2560x128xi32, #tpu.memory_space<hbm>> -> memref<40x128xi32, #tpu.memory_space<hbm>>
      %dma_wait3A_67 = arith.constant 0 : i32
      %dma_wait3A_68 = tpu.memref_slice %arg3[%add3A_32, %dma_wait3A_67] : memref<2560x128xi32, #tpu.memory_space<hbm>> -> memref<40x128xi32, #tpu.memory_space<hbm>>
      tpu.wait_dma2 semaphore(%run_scoped3A : memref<!tpu.dma_semaphore, #tpu.memory_space<semaphore_mem>>) src(%dma_wait3A_68 : memref<40x128xi32, #tpu.memory_space<hbm>>) dst(%arg7 : memref<40x128xi32, #tpu.memory_space<vmem>>)
      tpu.yield
    }) : () -> ()
    %mul3A_33 = arith.constant 80 : i32
    %mul3A_34 = arith.muli %add3A, %mul3A_33 : i32
    %add3A_35 = arith.constant 40 : i32
    %add3A_36 = arith.addi %mul3A_34, %add3A_35 : i32
    "tpu.region"() ({
      %run_scoped3A = tpu.sem_alloc : memref<!tpu.dma_semaphore, #tpu.memory_space<semaphore_mem>>
      %dma_start3A_61 = arith.constant 0 : i32
      %dma_start3A_62 = tpu.memref_slice %arg4[%add3A_36, %dma_start3A_61] : memref<2560x128xi32, #tpu.memory_space<hbm>> -> memref<40x128xi32, #tpu.memory_space<hbm>>
      %dma_start3A_63 = arith.constant 0 : i32
      %dma_start3A_64 = tpu.memref_slice %arg4[%add3A_36, %dma_start3A_63] : memref<2560x128xi32, #tpu.memory_space<hbm>> -> memref<40x128xi32, #tpu.memory_space<hbm>>
      tpu.enqueue_dma source(%dma_start3A_64 : memref<40x128xi32, #tpu.memory_space<hbm>>) target(%arg8 : memref<40x128xi32, #tpu.memory_space<vmem>>) target_semaphore(%run_scoped3A : memref<!tpu.dma_semaphore, #tpu.memory_space<semaphore_mem>>)
      %dma_wait3A_65 = arith.constant 0 : i32
      %dma_wait3A_66 = tpu.memref_slice %arg4[%add3A_36, %dma_wait3A_65] : memref<2560x128xi32, #tpu.memory_space<hbm>> -> memref<40x128xi32, #tpu.memory_space<hbm>>
      %dma_wait3A_67 = arith.constant 0 : i32
      %dma_wait3A_68 = tpu.memref_slice %arg4[%add3A_36, %dma_wait3A_67] : memref<2560x128xi32, #tpu.memory_space<hbm>> -> memref<40x128xi32, #tpu.memory_space<hbm>>
      tpu.wait_dma2 semaphore(%run_scoped3A : memref<!tpu.dma_semaphore, #tpu.memory_space<semaphore_mem>>) src(%dma_wait3A_68 : memref<40x128xi32, #tpu.memory_space<hbm>>) dst(%arg8 : memref<40x128xi32, #tpu.memory_space<vmem>>)
      tpu.yield
    }) : () -> ()
    %dma_start3A_37 = arith.constant 0 : i32
    %dma_start3A_38 = arith.constant 0 : i32
    %dma_start3A_39 = tpu.memref_slice %arg7[%dma_start3A_37, %dma_start3A_38] : memref<40x128xi32, #tpu.memory_space<vmem>> -> memref<1x128xi32, #tpu.memory_space<vmem>>
    %dma_start3A_40 = tpu.memref_squeeze %dma_start3A_39 : memref<1x128xi32, #tpu.memory_space<vmem>> -> memref<128xi32, #tpu.memory_space<vmem>>
    %dma_start3A_41 = arith.constant 0 : i32
    %dma_start3A_42 = arith.constant 0 : i32
    %dma_start3A_43 = tpu.memref_slice %arg2[%dma_start3A_41, %dma_start3A_42] : memref<10240x128xf32, #tpu.memory_space<hbm>> -> memref<10240x128xf32, #tpu.memory_space<hbm>>
    tpu.enqueue_indirect_dma source(%dma_start3A_43 : memref<10240x128xf32, #tpu.memory_space<hbm>>) target(%arg9 : memref<128x128xf32, #tpu.memory_space<vmem>>) offsets(%dma_start3A_40 : memref<128xi32, #tpu.memory_space<vmem>>) semaphore(%arg12 : memref<!tpu.dma_semaphore, #tpu.memory_space<semaphore_mem>>)
    %dma_start3A_44 = arith.constant 1 : i32
    %dma_start3A_45 = arith.constant 0 : i32
    %dma_start3A_46 = tpu.memref_slice %arg7[%dma_start3A_44, %dma_start3A_45] : memref<40x128xi32, #tpu.memory_space<vmem>> -> memref<1x128xi32, #tpu.memory_space<vmem>>
    %dma_start3A_47 = tpu.memref_squeeze %dma_start3A_46 : memref<1x128xi32, #tpu.memory_space<vmem>> -> memref<128xi32, #tpu.memory_space<vmem>>
    %dma_start3A_48 = arith.constant 0 : i32
    %dma_start3A_49 = arith.constant 0 : i32
    %dma_start3A_50 = tpu.memref_slice %arg2[%dma_start3A_48, %dma_start3A_49] : memref<10240x128xf32, #tpu.memory_space<hbm>> -> memref<10240x128xf32, #tpu.memory_space<hbm>>
    tpu.enqueue_indirect_dma source(%dma_start3A_50 : memref<10240x128xf32, #tpu.memory_space<hbm>>) target(%arg10 : memref<128x128xf32, #tpu.memory_space<vmem>>) offsets(%dma_start3A_47 : memref<128xi32, #tpu.memory_space<vmem>>) semaphore(%arg13 : memref<!tpu.dma_semaphore, #tpu.memory_space<semaphore_mem>>)
    %scan3A_51 = arith.constant 0 : i32
    %scan3A_52 = arith.constant 20 : i32
    %scan3A_53 = arith.addi %scan3A_51, %scan3A_52 : i32
    %scan3A_54 = arith.constant 1 : i32
    scf.for %scan3A_61 = %scan3A_51 to %scan3A_53 step %scan3A_54  : i32 {
      %mul3A_62 = arith.constant 2 : i32
      %mul3A_63 = arith.muli %scan3A_61, %mul3A_62 : i32
      %add3A_64 = arith.constant 0 : i32
      %add3A_65 = arith.addi %add3A_64, %mul3A_63 : i32
      %dma_wait3A_66 = arith.constant 0 : i32
      %dma_wait3A_67 = arith.constant 0 : i32
      %dma_wait3A_68 = tpu.memref_slice %arg2[%dma_wait3A_66, %dma_wait3A_67] : memref<10240x128xf32, #tpu.memory_space<hbm>> -> memref<128x128xf32, #tpu.memory_space<hbm>>
      %dma_wait3A_69 = arith.constant 0 : i32
      %dma_wait3A_70 = arith.constant 0 : i32
      %dma_wait3A_71 = tpu.memref_slice %arg2[%dma_wait3A_69, %dma_wait3A_70] : memref<10240x128xf32, #tpu.memory_space<hbm>> -> memref<128x128xf32, #tpu.memory_space<hbm>>
      tpu.wait_dma2 semaphore(%arg12 : memref<!tpu.dma_semaphore, #tpu.memory_space<semaphore_mem>>) src(%dma_wait3A_71 : memref<128x128xf32, #tpu.memory_space<hbm>>) dst(%arg9 : memref<128x128xf32, #tpu.memory_space<vmem>>)
      "tpu.region"() ({
        %run_scoped3A = tpu.sem_alloc : memref<!tpu.dma_semaphore, #tpu.memory_space<semaphore_mem>>
        %dma_start3A_91 = arith.constant 0 : i32
        %dma_start3A_92 = tpu.memref_slice %arg8[%add3A_65, %dma_start3A_91] : memref<40x128xi32, #tpu.memory_space<vmem>> -> memref<1x128xi32, #tpu.memory_space<vmem>>
        %dma_start3A_93 = tpu.memref_squeeze %dma_start3A_92 : memref<1x128xi32, #tpu.memory_space<vmem>> -> memref<128xi32, #tpu.memory_space<vmem>>
        %dma_start3A_94 = arith.constant 0 : i32
        %dma_start3A_95 = arith.constant 0 : i32
        %dma_start3A_96 = tpu.memref_slice %arg11[%dma_start3A_94, %dma_start3A_95] : memref<10240x128xf32, #tpu.memory_space<vmem_shared>> -> memref<10240x128xf32, #tpu.memory_space<vmem_shared>>
        tpu.enqueue_indirect_dma source(%arg9 : memref<128x128xf32, #tpu.memory_space<vmem>>) target(%dma_start3A_96 : memref<10240x128xf32, #tpu.memory_space<vmem_shared>>) offsets(%dma_start3A_93 : memref<128xi32, #tpu.memory_space<vmem>>) semaphore(%run_scoped3A : memref<!tpu.dma_semaphore, #tpu.memory_space<semaphore_mem>>) {add = true}
        %dma_wait3A_97 = arith.constant 0 : i32
        %dma_wait3A_98 = tpu.memref_slice %arg8[%add3A_65, %dma_wait3A_97] : memref<40x128xi32, #tpu.memory_space<vmem>> -> memref<1x128xi32, #tpu.memory_space<vmem>>
        %dma_wait3A_99 = tpu.memref_squeeze %dma_wait3A_98 : memref<1x128xi32, #tpu.memory_space<vmem>> -> memref<128xi32, #tpu.memory_space<vmem>>
        %dma_wait3A_100 = arith.constant 0 : i32
        %dma_wait3A_101 = arith.constant 0 : i32
        %dma_wait3A_102 = tpu.memref_slice %arg11[%dma_wait3A_100, %dma_wait3A_101] : memref<10240x128xf32, #tpu.memory_space<vmem_shared>> -> memref<10240x128xf32, #tpu.memory_space<vmem_shared>>
        tpu.wait_indirect_dma semaphore(%run_scoped3A : memref<!tpu.dma_semaphore, #tpu.memory_space<semaphore_mem>>) src(%arg9 : memref<128x128xf32, #tpu.memory_space<vmem>>) dst(%dma_wait3A_102 : memref<10240x128xf32, #tpu.memory_space<vmem_shared>>)
        tpu.yield
      }) : () -> ()
      %add3A_72 = arith.constant 2 : i32
      %add3A_73 = arith.addi %add3A_65, %add3A_72 : i32
      %lt3A = arith.constant 40 : i32
      %lt3A_74 = arith.cmpi slt, %add3A_73, %lt3A : i32
      %convert_element_type3A = arith.extui %lt3A_74 : i1 to i32
      %cond3A = arith.constant 0 : i32
      %cond3A_75 = arith.cmpi ne, %convert_element_type3A, %cond3A : i32
      scf.if %cond3A_75 {
        %add3A_91 = arith.constant 2 : i32
        %add3A_92 = arith.addi %add3A_65, %add3A_91 : i32
        %dma_start3A_93 = arith.constant 0 : i32
        %dma_start3A_94 = tpu.memref_slice %arg7[%add3A_92, %dma_start3A_93] : memref<40x128xi32, #tpu.memory_space<vmem>> -> memref<1x128xi32, #tpu.memory_space<vmem>>
        %dma_start3A_95 = tpu.memref_squeeze %dma_start3A_94 : memref<1x128xi32, #tpu.memory_space<vmem>> -> memref<128xi32, #tpu.memory_space<vmem>>
        %dma_start3A_96 = arith.constant 0 : i32
        %dma_start3A_97 = arith.constant 0 : i32
        %dma_start3A_98 = tpu.memref_slice %arg2[%dma_start3A_96, %dma_start3A_97] : memref<10240x128xf32, #tpu.memory_space<hbm>> -> memref<10240x128xf32, #tpu.memory_space<hbm>>
        tpu.enqueue_indirect_dma source(%dma_start3A_98 : memref<10240x128xf32, #tpu.memory_space<hbm>>) target(%arg9 : memref<128x128xf32, #tpu.memory_space<vmem>>) offsets(%dma_start3A_95 : memref<128xi32, #tpu.memory_space<vmem>>) semaphore(%arg12 : memref<!tpu.dma_semaphore, #tpu.memory_space<semaphore_mem>>)
      } else {
      }
      %dma_wait3A_76 = arith.constant 0 : i32
      %dma_wait3A_77 = arith.constant 0 : i32
      %dma_wait3A_78 = tpu.memref_slice %arg2[%dma_wait3A_76, %dma_wait3A_77] : memref<10240x128xf32, #tpu.memory_space<hbm>> -> memref<128x128xf32, #tpu.memory_space<hbm>>
      %dma_wait3A_79 = arith.constant 0 : i32
      %dma_wait3A_80 = arith.constant 0 : i32
      %dma_wait3A_81 = tpu.memref_slice %arg2[%dma_wait3A_79, %dma_wait3A_80] : memref<10240x128xf32, #tpu.memory_space<hbm>> -> memref<128x128xf32, #tpu.memory_space<hbm>>
      tpu.wait_dma2 semaphore(%arg13 : memref<!tpu.dma_semaphore, #tpu.memory_space<semaphore_mem>>) src(%dma_wait3A_81 : memref<128x128xf32, #tpu.memory_space<hbm>>) dst(%arg10 : memref<128x128xf32, #tpu.memory_space<vmem>>)
      %add3A_82 = arith.constant 1 : i32
      %add3A_83 = arith.addi %add3A_65, %add3A_82 : i32
      "tpu.region"() ({
        %run_scoped3A = tpu.sem_alloc : memref<!tpu.dma_semaphore, #tpu.memory_space<semaphore_mem>>
        %dma_start3A_91 = arith.constant 0 : i32
        %dma_start3A_92 = tpu.memref_slice %arg8[%add3A_83, %dma_start3A_91] : memref<40x128xi32, #tpu.memory_space<vmem>> -> memref<1x128xi32, #tpu.memory_space<vmem>>
        %dma_start3A_93 = tpu.memref_squeeze %dma_start3A_92 : memref<1x128xi32, #tpu.memory_space<vmem>> -> memref<128xi32, #tpu.memory_space<vmem>>
        %dma_start3A_94 = arith.constant 0 : i32
        %dma_start3A_95 = arith.constant 0 : i32
        %dma_start3A_96 = tpu.memref_slice %arg11[%dma_start3A_94, %dma_start3A_95] : memref<10240x128xf32, #tpu.memory_space<vmem_shared>> -> memref<10240x128xf32, #tpu.memory_space<vmem_shared>>
        tpu.enqueue_indirect_dma source(%arg10 : memref<128x128xf32, #tpu.memory_space<vmem>>) target(%dma_start3A_96 : memref<10240x128xf32, #tpu.memory_space<vmem_shared>>) offsets(%dma_start3A_93 : memref<128xi32, #tpu.memory_space<vmem>>) semaphore(%run_scoped3A : memref<!tpu.dma_semaphore, #tpu.memory_space<semaphore_mem>>) {add = true}
        %dma_wait3A_97 = arith.constant 0 : i32
        %dma_wait3A_98 = tpu.memref_slice %arg8[%add3A_83, %dma_wait3A_97] : memref<40x128xi32, #tpu.memory_space<vmem>> -> memref<1x128xi32, #tpu.memory_space<vmem>>
        %dma_wait3A_99 = tpu.memref_squeeze %dma_wait3A_98 : memref<1x128xi32, #tpu.memory_space<vmem>> -> memref<128xi32, #tpu.memory_space<vmem>>
        %dma_wait3A_100 = arith.constant 0 : i32
        %dma_wait3A_101 = arith.constant 0 : i32
        %dma_wait3A_102 = tpu.memref_slice %arg11[%dma_wait3A_100, %dma_wait3A_101] : memref<10240x128xf32, #tpu.memory_space<vmem_shared>> -> memref<10240x128xf32, #tpu.memory_space<vmem_shared>>
        tpu.wait_indirect_dma semaphore(%run_scoped3A : memref<!tpu.dma_semaphore, #tpu.memory_space<semaphore_mem>>) src(%arg10 : memref<128x128xf32, #tpu.memory_space<vmem>>) dst(%dma_wait3A_102 : memref<10240x128xf32, #tpu.memory_space<vmem_shared>>)
        tpu.yield
      }) : () -> ()
      %add3A_84 = arith.constant 3 : i32
      %add3A_85 = arith.addi %add3A_65, %add3A_84 : i32
      %lt3A_86 = arith.constant 40 : i32
      %lt3A_87 = arith.cmpi slt, %add3A_85, %lt3A_86 : i32
      %convert_element_type3A_88 = arith.extui %lt3A_87 : i1 to i32
      %cond3A_89 = arith.constant 0 : i32
      %cond3A_90 = arith.cmpi ne, %convert_element_type3A_88, %cond3A_89 : i32
      scf.if %cond3A_90 {
        %add3A_91 = arith.constant 3 : i32
        %add3A_92 = arith.addi %add3A_65, %add3A_91 : i32
        %dma_start3A_93 = arith.constant 0 : i32
        %dma_start3A_94 = tpu.memref_slice %arg7[%add3A_92, %dma_start3A_93] : memref<40x128xi32, #tpu.memory_space<vmem>> -> memref<1x128xi32, #tpu.memory_space<vmem>>
        %dma_start3A_95 = tpu.memref_squeeze %dma_start3A_94 : memref<1x128xi32, #tpu.memory_space<vmem>> -> memref<128xi32, #tpu.memory_space<vmem>>
        %dma_start3A_96 = arith.constant 0 : i32
        %dma_start3A_97 = arith.constant 0 : i32
        %dma_start3A_98 = tpu.memref_slice %arg2[%dma_start3A_96, %dma_start3A_97] : memref<10240x128xf32, #tpu.memory_space<hbm>> -> memref<10240x128xf32, #tpu.memory_space<hbm>>
        tpu.enqueue_indirect_dma source(%dma_start3A_98 : memref<10240x128xf32, #tpu.memory_space<hbm>>) target(%arg10 : memref<128x128xf32, #tpu.memory_space<vmem>>) offsets(%dma_start3A_95 : memref<128xi32, #tpu.memory_space<vmem>>) semaphore(%arg13 : memref<!tpu.dma_semaphore, #tpu.memory_space<semaphore_mem>>)
      } else {
      }
    }
    %scan3A_55 = arith.constant 20 : i32
    %barrier3A_56 = arith.constant 0 : index
    tpu.barrier barrier_id(%barrier3A_56)
    %mul3A_57 = arith.constant 640 : i32
    %mul3A_58 = arith.muli %arg1, %mul3A_57 : i32
    %mul3A_59 = arith.constant 640 : i32
    %mul3A_60 = arith.muli %arg1, %mul3A_59 : i32
    "tpu.region"() ({
      %run_scoped3A = tpu.sem_alloc : memref<!tpu.dma_semaphore, #tpu.memory_space<semaphore_mem>>
      %dma_start3A_61 = arith.constant 0 : i32
      %dma_start3A_62 = tpu.memref_slice %arg6[%arg0, %mul3A_60, %dma_start3A_61] : memref<2x10240x128xf32, #tpu.memory_space<hbm>> -> memref<1x640x128xf32, #tpu.memory_space<hbm>>
      %dma_start3A_63 = tpu.memref_squeeze %dma_start3A_62 : memref<1x640x128xf32, #tpu.memory_space<hbm>> -> memref<640x128xf32, #tpu.memory_space<hbm>>
      %dma_start3A_64 = arith.constant 0 : i32
      %dma_start3A_65 = tpu.memref_slice %arg11[%mul3A_58, %dma_start3A_64] : memref<10240x128xf32, #tpu.memory_space<vmem_shared>> -> memref<640x128xf32, #tpu.memory_space<vmem_shared>>
      tpu.enqueue_dma source(%dma_start3A_65 : memref<640x128xf32, #tpu.memory_space<vmem_shared>>) target(%dma_start3A_63 : memref<640x128xf32, #tpu.memory_space<hbm>>) target_semaphore(%run_scoped3A : memref<!tpu.dma_semaphore, #tpu.memory_space<semaphore_mem>>)
      %dma_wait3A_66 = arith.constant 0 : i32
      %dma_wait3A_67 = tpu.memref_slice %arg6[%arg0, %mul3A_60, %dma_wait3A_66] : memref<2x10240x128xf32, #tpu.memory_space<hbm>> -> memref<1x640x128xf32, #tpu.memory_space<hbm>>
      %dma_wait3A_68 = tpu.memref_squeeze %dma_wait3A_67 : memref<1x640x128xf32, #tpu.memory_space<hbm>> -> memref<640x128xf32, #tpu.memory_space<hbm>>
      %dma_wait3A_69 = arith.constant 0 : i32
      %dma_wait3A_70 = tpu.memref_slice %arg11[%mul3A_58, %dma_wait3A_69] : memref<10240x128xf32, #tpu.memory_space<vmem_shared>> -> memref<640x128xf32, #tpu.memory_space<vmem_shared>>
      tpu.wait_dma2 semaphore(%run_scoped3A : memref<!tpu.dma_semaphore, #tpu.memory_space<semaphore_mem>>) src(%dma_wait3A_70 : memref<640x128xf32, #tpu.memory_space<vmem_shared>>) dst(%dma_wait3A_68 : memref<640x128xf32, #tpu.memory_space<hbm>>)
      tpu.yield
    }) : () -> ()
    return
  }
}

#map = affine_map<(d0, d1) -> (0, 0)>
#map1 = affine_map<(d0, d1) -> (0, 0, 0)>
module attributes {stable_mosaic.version = 14 : i64} {
  func.func @_agg_body(%arg0: i32, %arg1: i32, %arg2: memref<10240x128xf32, #tpu.memory_space<hbm>>, %arg3: memref<2560x128xi32, #tpu.memory_space<hbm>>, %arg4: memref<2560x128xi32, #tpu.memory_space<hbm>>, %arg5: memref<640x128xf32, #tpu.memory_space<hbm>>, %arg6: memref<2x10240x128xf32, #tpu.memory_space<hbm>>, %arg7: memref<40x128xi32, #tpu.memory_space<vmem>>, %arg8: memref<40x128xi32, #tpu.memory_space<vmem>>, %arg9: memref<128x128xf32, #tpu.memory_space<vmem>>, %arg10: memref<128x128xf32, #tpu.memory_space<vmem>>, %arg11: memref<10240x128xf32, #tpu.memory_space<vmem_shared>>, %arg12: memref<!tpu.dma_semaphore, #tpu.memory_space<semaphore_mem>>, %arg13: memref<!tpu.dma_semaphore, #tpu.memory_space<semaphore_mem>>) attributes {dimension_semantics = [#tpu.dimension_semantics<core_parallel>, #tpu.dimension_semantics<subcore_parallel>], iteration_bounds = array<i64: 2, 16>, scalar_prefetch = 0 : i64, scratch_operands = 7 : i64, tpu.core_type = #tpu.core_type<sc_vector_subcore>, window_params = [{transform_indices = #map}, {transform_indices = #map}, {transform_indices = #map}, {transform_indices = #map}, {transform_indices = #map1}]} {
    %mul3A = arith.constant 16 : i32
    %mul3A_0 = arith.muli %arg0, %mul3A : i32
    %add3A = arith.addi %mul3A_0, %arg1 : i32
    %mul3A_1 = arith.constant 640 : i32
    %mul3A_2 = arith.muli %arg1, %mul3A_1 : i32
    %dma_start3A = arith.constant 0 : i32
    %dma_start3A_3 = tpu.memref_slice %arg11[%mul3A_2, %dma_start3A] : memref<10240x128xf32, #tpu.memory_space<vmem_shared>> -> memref<640x128xf32, #tpu.memory_space<vmem_shared>>
    tpu.enqueue_dma source(%arg5 : memref<640x128xf32, #tpu.memory_space<hbm>>) target(%dma_start3A_3 : memref<640x128xf32, #tpu.memory_space<vmem_shared>>) target_semaphore(%arg12 : memref<!tpu.dma_semaphore, #tpu.memory_space<semaphore_mem>>)
    %mul3A_4 = arith.constant 80 : i32
    %mul3A_5 = arith.muli %add3A, %mul3A_4 : i32
    "tpu.region"() ({
      %run_scoped3A = tpu.sem_alloc : memref<!tpu.dma_semaphore, #tpu.memory_space<semaphore_mem>>
      %dma_start3A_61 = arith.constant 0 : i32
      %dma_start3A_62 = tpu.memref_slice %arg3[%mul3A_5, %dma_start3A_61] : memref<2560x128xi32, #tpu.memory_space<hbm>> -> memref<40x128xi32, #tpu.memory_space<hbm>>
      %dma_start3A_63 = arith.constant 0 : i32
      %dma_start3A_64 = tpu.memref_slice %arg3[%mul3A_5, %dma_start3A_63] : memref<2560x128xi32, #tpu.memory_space<hbm>> -> memref<40x128xi32, #tpu.memory_space<hbm>>
      tpu.enqueue_dma source(%dma_start3A_64 : memref<40x128xi32, #tpu.memory_space<hbm>>) target(%arg7 : memref<40x128xi32, #tpu.memory_space<vmem>>) target_semaphore(%run_scoped3A : memref<!tpu.dma_semaphore, #tpu.memory_space<semaphore_mem>>)
      %dma_wait3A_65 = arith.constant 0 : i32
      %dma_wait3A_66 = tpu.memref_slice %arg3[%mul3A_5, %dma_wait3A_65] : memref<2560x128xi32, #tpu.memory_space<hbm>> -> memref<40x128xi32, #tpu.memory_space<hbm>>
      %dma_wait3A_67 = arith.constant 0 : i32
      %dma_wait3A_68 = tpu.memref_slice %arg3[%mul3A_5, %dma_wait3A_67] : memref<2560x128xi32, #tpu.memory_space<hbm>> -> memref<40x128xi32, #tpu.memory_space<hbm>>
      tpu.wait_dma2 semaphore(%run_scoped3A : memref<!tpu.dma_semaphore, #tpu.memory_space<semaphore_mem>>) src(%dma_wait3A_68 : memref<40x128xi32, #tpu.memory_space<hbm>>) dst(%arg7 : memref<40x128xi32, #tpu.memory_space<vmem>>)
      tpu.yield
    }) : () -> ()
    %mul3A_6 = arith.constant 80 : i32
    %mul3A_7 = arith.muli %add3A, %mul3A_6 : i32
    "tpu.region"() ({
      %run_scoped3A = tpu.sem_alloc : memref<!tpu.dma_semaphore, #tpu.memory_space<semaphore_mem>>
      %dma_start3A_61 = arith.constant 0 : i32
      %dma_start3A_62 = tpu.memref_slice %arg4[%mul3A_7, %dma_start3A_61] : memref<2560x128xi32, #tpu.memory_space<hbm>> -> memref<40x128xi32, #tpu.memory_space<hbm>>
      %dma_start3A_63 = arith.constant 0 : i32
      %dma_start3A_64 = tpu.memref_slice %arg4[%mul3A_7, %dma_start3A_63] : memref<2560x128xi32, #tpu.memory_space<hbm>> -> memref<40x128xi32, #tpu.memory_space<hbm>>
      tpu.enqueue_dma source(%dma_start3A_64 : memref<40x128xi32, #tpu.memory_space<hbm>>) target(%arg8 : memref<40x128xi32, #tpu.memory_space<vmem>>) target_semaphore(%run_scoped3A : memref<!tpu.dma_semaphore, #tpu.memory_space<semaphore_mem>>)
      %dma_wait3A_65 = arith.constant 0 : i32
      %dma_wait3A_66 = tpu.memref_slice %arg4[%mul3A_7, %dma_wait3A_65] : memref<2560x128xi32, #tpu.memory_space<hbm>> -> memref<40x128xi32, #tpu.memory_space<hbm>>
      %dma_wait3A_67 = arith.constant 0 : i32
      %dma_wait3A_68 = tpu.memref_slice %arg4[%mul3A_7, %dma_wait3A_67] : memref<2560x128xi32, #tpu.memory_space<hbm>> -> memref<40x128xi32, #tpu.memory_space<hbm>>
      tpu.wait_dma2 semaphore(%run_scoped3A : memref<!tpu.dma_semaphore, #tpu.memory_space<semaphore_mem>>) src(%dma_wait3A_68 : memref<40x128xi32, #tpu.memory_space<hbm>>) dst(%arg8 : memref<40x128xi32, #tpu.memory_space<vmem>>)
      tpu.yield
    }) : () -> ()
    %mul3A_8 = arith.constant 640 : i32
    %mul3A_9 = arith.muli %arg1, %mul3A_8 : i32
    %dma_wait3A = arith.constant 0 : i32
    %dma_wait3A_10 = tpu.memref_slice %arg11[%mul3A_9, %dma_wait3A] : memref<10240x128xf32, #tpu.memory_space<vmem_shared>> -> memref<640x128xf32, #tpu.memory_space<vmem_shared>>
    tpu.wait_dma2 semaphore(%arg12 : memref<!tpu.dma_semaphore, #tpu.memory_space<semaphore_mem>>) src(%arg5 : memref<640x128xf32, #tpu.memory_space<hbm>>) dst(%dma_wait3A_10 : memref<640x128xf32, #tpu.memory_space<vmem_shared>>)
    %barrier3A = arith.constant 0 : index
    tpu.barrier barrier_id(%barrier3A)
    %dma_start3A_11 = arith.constant 0 : i32
    %dma_start3A_12 = arith.constant 0 : i32
    %dma_start3A_13 = tpu.memref_slice %arg7[%dma_start3A_11, %dma_start3A_12] : memref<40x128xi32, #tpu.memory_space<vmem>> -> memref<1x128xi32, #tpu.memory_space<vmem>>
    %dma_start3A_14 = tpu.memref_squeeze %dma_start3A_13 : memref<1x128xi32, #tpu.memory_space<vmem>> -> memref<128xi32, #tpu.memory_space<vmem>>
    %dma_start3A_15 = arith.constant 0 : i32
    %dma_start3A_16 = arith.constant 0 : i32
    %dma_start3A_17 = tpu.memref_slice %arg2[%dma_start3A_15, %dma_start3A_16] : memref<10240x128xf32, #tpu.memory_space<hbm>> -> memref<10240x128xf32, #tpu.memory_space<hbm>>
    tpu.enqueue_indirect_dma source(%dma_start3A_17 : memref<10240x128xf32, #tpu.memory_space<hbm>>) target(%arg9 : memref<128x128xf32, #tpu.memory_space<vmem>>) offsets(%dma_start3A_14 : memref<128xi32, #tpu.memory_space<vmem>>) semaphore(%arg12 : memref<!tpu.dma_semaphore, #tpu.memory_space<semaphore_mem>>)
    %dma_start3A_18 = arith.constant 1 : i32
    %dma_start3A_19 = arith.constant 0 : i32
    %dma_start3A_20 = tpu.memref_slice %arg7[%dma_start3A_18, %dma_start3A_19] : memref<40x128xi32, #tpu.memory_space<vmem>> -> memref<1x128xi32, #tpu.memory_space<vmem>>
    %dma_start3A_21 = tpu.memref_squeeze %dma_start3A_20 : memref<1x128xi32, #tpu.memory_space<vmem>> -> memref<128xi32, #tpu.memory_space<vmem>>
    %dma_start3A_22 = arith.constant 0 : i32
    %dma_start3A_23 = arith.constant 0 : i32
    %dma_start3A_24 = tpu.memref_slice %arg2[%dma_start3A_22, %dma_start3A_23] : memref<10240x128xf32, #tpu.memory_space<hbm>> -> memref<10240x128xf32, #tpu.memory_space<hbm>>
    tpu.enqueue_indirect_dma source(%dma_start3A_24 : memref<10240x128xf32, #tpu.memory_space<hbm>>) target(%arg10 : memref<128x128xf32, #tpu.memory_space<vmem>>) offsets(%dma_start3A_21 : memref<128xi32, #tpu.memory_space<vmem>>) semaphore(%arg13 : memref<!tpu.dma_semaphore, #tpu.memory_space<semaphore_mem>>)
    %scan3A = arith.constant 0 : i32
    %scan3A_25 = arith.constant 20 : i32
    %scan3A_26 = arith.addi %scan3A, %scan3A_25 : i32
    %scan3A_27 = arith.constant 1 : i32
    scf.for %scan3A_61 = %scan3A to %scan3A_26 step %scan3A_27  : i32 {
      %mul3A_62 = arith.constant 2 : i32
      %mul3A_63 = arith.muli %scan3A_61, %mul3A_62 : i32
      %add3A_64 = arith.constant 0 : i32
      %add3A_65 = arith.addi %add3A_64, %mul3A_63 : i32
      %dma_wait3A_66 = arith.constant 0 : i32
      %dma_wait3A_67 = arith.constant 0 : i32
      %dma_wait3A_68 = tpu.memref_slice %arg2[%dma_wait3A_66, %dma_wait3A_67] : memref<10240x128xf32, #tpu.memory_space<hbm>> -> memref<128x128xf32, #tpu.memory_space<hbm>>
      %dma_wait3A_69 = arith.constant 0 : i32
      %dma_wait3A_70 = arith.constant 0 : i32
      %dma_wait3A_71 = tpu.memref_slice %arg2[%dma_wait3A_69, %dma_wait3A_70] : memref<10240x128xf32, #tpu.memory_space<hbm>> -> memref<128x128xf32, #tpu.memory_space<hbm>>
      tpu.wait_dma2 semaphore(%arg12 : memref<!tpu.dma_semaphore, #tpu.memory_space<semaphore_mem>>) src(%dma_wait3A_71 : memref<128x128xf32, #tpu.memory_space<hbm>>) dst(%arg9 : memref<128x128xf32, #tpu.memory_space<vmem>>)
      "tpu.region"() ({
        %run_scoped3A = tpu.sem_alloc : memref<!tpu.dma_semaphore, #tpu.memory_space<semaphore_mem>>
        %dma_start3A_91 = arith.constant 0 : i32
        %dma_start3A_92 = tpu.memref_slice %arg8[%add3A_65, %dma_start3A_91] : memref<40x128xi32, #tpu.memory_space<vmem>> -> memref<1x128xi32, #tpu.memory_space<vmem>>
        %dma_start3A_93 = tpu.memref_squeeze %dma_start3A_92 : memref<1x128xi32, #tpu.memory_space<vmem>> -> memref<128xi32, #tpu.memory_space<vmem>>
        %dma_start3A_94 = arith.constant 0 : i32
        %dma_start3A_95 = arith.constant 0 : i32
        %dma_start3A_96 = tpu.memref_slice %arg11[%dma_start3A_94, %dma_start3A_95] : memref<10240x128xf32, #tpu.memory_space<vmem_shared>> -> memref<10240x128xf32, #tpu.memory_space<vmem_shared>>
        tpu.enqueue_indirect_dma source(%arg9 : memref<128x128xf32, #tpu.memory_space<vmem>>) target(%dma_start3A_96 : memref<10240x128xf32, #tpu.memory_space<vmem_shared>>) offsets(%dma_start3A_93 : memref<128xi32, #tpu.memory_space<vmem>>) semaphore(%run_scoped3A : memref<!tpu.dma_semaphore, #tpu.memory_space<semaphore_mem>>) {add = true}
        %dma_wait3A_97 = arith.constant 0 : i32
        %dma_wait3A_98 = tpu.memref_slice %arg8[%add3A_65, %dma_wait3A_97] : memref<40x128xi32, #tpu.memory_space<vmem>> -> memref<1x128xi32, #tpu.memory_space<vmem>>
        %dma_wait3A_99 = tpu.memref_squeeze %dma_wait3A_98 : memref<1x128xi32, #tpu.memory_space<vmem>> -> memref<128xi32, #tpu.memory_space<vmem>>
        %dma_wait3A_100 = arith.constant 0 : i32
        %dma_wait3A_101 = arith.constant 0 : i32
        %dma_wait3A_102 = tpu.memref_slice %arg11[%dma_wait3A_100, %dma_wait3A_101] : memref<10240x128xf32, #tpu.memory_space<vmem_shared>> -> memref<10240x128xf32, #tpu.memory_space<vmem_shared>>
        tpu.wait_indirect_dma semaphore(%run_scoped3A : memref<!tpu.dma_semaphore, #tpu.memory_space<semaphore_mem>>) src(%arg9 : memref<128x128xf32, #tpu.memory_space<vmem>>) dst(%dma_wait3A_102 : memref<10240x128xf32, #tpu.memory_space<vmem_shared>>)
        tpu.yield
      }) : () -> ()
      %add3A_72 = arith.constant 2 : i32
      %add3A_73 = arith.addi %add3A_65, %add3A_72 : i32
      %lt3A = arith.constant 40 : i32
      %lt3A_74 = arith.cmpi slt, %add3A_73, %lt3A : i32
      %convert_element_type3A = arith.extui %lt3A_74 : i1 to i32
      %cond3A = arith.constant 0 : i32
      %cond3A_75 = arith.cmpi ne, %convert_element_type3A, %cond3A : i32
      scf.if %cond3A_75 {
        %add3A_91 = arith.constant 2 : i32
        %add3A_92 = arith.addi %add3A_65, %add3A_91 : i32
        %dma_start3A_93 = arith.constant 0 : i32
        %dma_start3A_94 = tpu.memref_slice %arg7[%add3A_92, %dma_start3A_93] : memref<40x128xi32, #tpu.memory_space<vmem>> -> memref<1x128xi32, #tpu.memory_space<vmem>>
        %dma_start3A_95 = tpu.memref_squeeze %dma_start3A_94 : memref<1x128xi32, #tpu.memory_space<vmem>> -> memref<128xi32, #tpu.memory_space<vmem>>
        %dma_start3A_96 = arith.constant 0 : i32
        %dma_start3A_97 = arith.constant 0 : i32
        %dma_start3A_98 = tpu.memref_slice %arg2[%dma_start3A_96, %dma_start3A_97] : memref<10240x128xf32, #tpu.memory_space<hbm>> -> memref<10240x128xf32, #tpu.memory_space<hbm>>
        tpu.enqueue_indirect_dma source(%dma_start3A_98 : memref<10240x128xf32, #tpu.memory_space<hbm>>) target(%arg9 : memref<128x128xf32, #tpu.memory_space<vmem>>) offsets(%dma_start3A_95 : memref<128xi32, #tpu.memory_space<vmem>>) semaphore(%arg12 : memref<!tpu.dma_semaphore, #tpu.memory_space<semaphore_mem>>)
      } else {
      }
      %dma_wait3A_76 = arith.constant 0 : i32
      %dma_wait3A_77 = arith.constant 0 : i32
      %dma_wait3A_78 = tpu.memref_slice %arg2[%dma_wait3A_76, %dma_wait3A_77] : memref<10240x128xf32, #tpu.memory_space<hbm>> -> memref<128x128xf32, #tpu.memory_space<hbm>>
      %dma_wait3A_79 = arith.constant 0 : i32
      %dma_wait3A_80 = arith.constant 0 : i32
      %dma_wait3A_81 = tpu.memref_slice %arg2[%dma_wait3A_79, %dma_wait3A_80] : memref<10240x128xf32, #tpu.memory_space<hbm>> -> memref<128x128xf32, #tpu.memory_space<hbm>>
      tpu.wait_dma2 semaphore(%arg13 : memref<!tpu.dma_semaphore, #tpu.memory_space<semaphore_mem>>) src(%dma_wait3A_81 : memref<128x128xf32, #tpu.memory_space<hbm>>) dst(%arg10 : memref<128x128xf32, #tpu.memory_space<vmem>>)
      %add3A_82 = arith.constant 1 : i32
      %add3A_83 = arith.addi %add3A_65, %add3A_82 : i32
      "tpu.region"() ({
        %run_scoped3A = tpu.sem_alloc : memref<!tpu.dma_semaphore, #tpu.memory_space<semaphore_mem>>
        %dma_start3A_91 = arith.constant 0 : i32
        %dma_start3A_92 = tpu.memref_slice %arg8[%add3A_83, %dma_start3A_91] : memref<40x128xi32, #tpu.memory_space<vmem>> -> memref<1x128xi32, #tpu.memory_space<vmem>>
        %dma_start3A_93 = tpu.memref_squeeze %dma_start3A_92 : memref<1x128xi32, #tpu.memory_space<vmem>> -> memref<128xi32, #tpu.memory_space<vmem>>
        %dma_start3A_94 = arith.constant 0 : i32
        %dma_start3A_95 = arith.constant 0 : i32
        %dma_start3A_96 = tpu.memref_slice %arg11[%dma_start3A_94, %dma_start3A_95] : memref<10240x128xf32, #tpu.memory_space<vmem_shared>> -> memref<10240x128xf32, #tpu.memory_space<vmem_shared>>
        tpu.enqueue_indirect_dma source(%arg10 : memref<128x128xf32, #tpu.memory_space<vmem>>) target(%dma_start3A_96 : memref<10240x128xf32, #tpu.memory_space<vmem_shared>>) offsets(%dma_start3A_93 : memref<128xi32, #tpu.memory_space<vmem>>) semaphore(%run_scoped3A : memref<!tpu.dma_semaphore, #tpu.memory_space<semaphore_mem>>) {add = true}
        %dma_wait3A_97 = arith.constant 0 : i32
        %dma_wait3A_98 = tpu.memref_slice %arg8[%add3A_83, %dma_wait3A_97] : memref<40x128xi32, #tpu.memory_space<vmem>> -> memref<1x128xi32, #tpu.memory_space<vmem>>
        %dma_wait3A_99 = tpu.memref_squeeze %dma_wait3A_98 : memref<1x128xi32, #tpu.memory_space<vmem>> -> memref<128xi32, #tpu.memory_space<vmem>>
        %dma_wait3A_100 = arith.constant 0 : i32
        %dma_wait3A_101 = arith.constant 0 : i32
        %dma_wait3A_102 = tpu.memref_slice %arg11[%dma_wait3A_100, %dma_wait3A_101] : memref<10240x128xf32, #tpu.memory_space<vmem_shared>> -> memref<10240x128xf32, #tpu.memory_space<vmem_shared>>
        tpu.wait_indirect_dma semaphore(%run_scoped3A : memref<!tpu.dma_semaphore, #tpu.memory_space<semaphore_mem>>) src(%arg10 : memref<128x128xf32, #tpu.memory_space<vmem>>) dst(%dma_wait3A_102 : memref<10240x128xf32, #tpu.memory_space<vmem_shared>>)
        tpu.yield
      }) : () -> ()
      %add3A_84 = arith.constant 3 : i32
      %add3A_85 = arith.addi %add3A_65, %add3A_84 : i32
      %lt3A_86 = arith.constant 40 : i32
      %lt3A_87 = arith.cmpi slt, %add3A_85, %lt3A_86 : i32
      %convert_element_type3A_88 = arith.extui %lt3A_87 : i1 to i32
      %cond3A_89 = arith.constant 0 : i32
      %cond3A_90 = arith.cmpi ne, %convert_element_type3A_88, %cond3A_89 : i32
      scf.if %cond3A_90 {
        %add3A_91 = arith.constant 3 : i32
        %add3A_92 = arith.addi %add3A_65, %add3A_91 : i32
        %dma_start3A_93 = arith.constant 0 : i32
        %dma_start3A_94 = tpu.memref_slice %arg7[%add3A_92, %dma_start3A_93] : memref<40x128xi32, #tpu.memory_space<vmem>> -> memref<1x128xi32, #tpu.memory_space<vmem>>
        %dma_start3A_95 = tpu.memref_squeeze %dma_start3A_94 : memref<1x128xi32, #tpu.memory_space<vmem>> -> memref<128xi32, #tpu.memory_space<vmem>>
        %dma_start3A_96 = arith.constant 0 : i32
        %dma_start3A_97 = arith.constant 0 : i32
        %dma_start3A_98 = tpu.memref_slice %arg2[%dma_start3A_96, %dma_start3A_97] : memref<10240x128xf32, #tpu.memory_space<hbm>> -> memref<10240x128xf32, #tpu.memory_space<hbm>>
        tpu.enqueue_indirect_dma source(%dma_start3A_98 : memref<10240x128xf32, #tpu.memory_space<hbm>>) target(%arg10 : memref<128x128xf32, #tpu.memory_space<vmem>>) offsets(%dma_start3A_95 : memref<128xi32, #tpu.memory_space<vmem>>) semaphore(%arg13 : memref<!tpu.dma_semaphore, #tpu.memory_space<semaphore_mem>>)
      } else {
      }
    }
    %scan3A_28 = arith.constant 20 : i32
    %mul3A_29 = arith.constant 80 : i32
    %mul3A_30 = arith.muli %add3A, %mul3A_29 : i32
    %add3A_31 = arith.constant 40 : i32
    %add3A_32 = arith.addi %mul3A_30, %add3A_31 : i32
    "tpu.region"() ({
      %run_scoped3A = tpu.sem_alloc : memref<!tpu.dma_semaphore, #tpu.memory_space<semaphore_mem>>
      %dma_start3A_61 = arith.constant 0 : i32
      %dma_start3A_62 = tpu.memref_slice %arg3[%add3A_32, %dma_start3A_61] : memref<2560x128xi32, #tpu.memory_space<hbm>> -> memref<40x128xi32, #tpu.memory_space<hbm>>
      %dma_start3A_63 = arith.constant 0 : i32
      %dma_start3A_64 = tpu.memref_slice %arg3[%add3A_32, %dma_start3A_63] : memref<2560x128xi32, #tpu.memory_space<hbm>> -> memref<40x128xi32, #tpu.memory_space<hbm>>
      tpu.enqueue_dma source(%dma_start3A_64 : memref<40x128xi32, #tpu.memory_space<hbm>>) target(%arg7 : memref<40x128xi32, #tpu.memory_space<vmem>>) target_semaphore(%run_scoped3A : memref<!tpu.dma_semaphore, #tpu.memory_space<semaphore_mem>>)
      %dma_wait3A_65 = arith.constant 0 : i32
      %dma_wait3A_66 = tpu.memref_slice %arg3[%add3A_32, %dma_wait3A_65] : memref<2560x128xi32, #tpu.memory_space<hbm>> -> memref<40x128xi32, #tpu.memory_space<hbm>>
      %dma_wait3A_67 = arith.constant 0 : i32
      %dma_wait3A_68 = tpu.memref_slice %arg3[%add3A_32, %dma_wait3A_67] : memref<2560x128xi32, #tpu.memory_space<hbm>> -> memref<40x128xi32, #tpu.memory_space<hbm>>
      tpu.wait_dma2 semaphore(%run_scoped3A : memref<!tpu.dma_semaphore, #tpu.memory_space<semaphore_mem>>) src(%dma_wait3A_68 : memref<40x128xi32, #tpu.memory_space<hbm>>) dst(%arg7 : memref<40x128xi32, #tpu.memory_space<vmem>>)
      tpu.yield
    }) : () -> ()
    %mul3A_33 = arith.constant 80 : i32
    %mul3A_34 = arith.muli %add3A, %mul3A_33 : i32
    %add3A_35 = arith.constant 40 : i32
    %add3A_36 = arith.addi %mul3A_34, %add3A_35 : i32
    "tpu.region"() ({
      %run_scoped3A = tpu.sem_alloc : memref<!tpu.dma_semaphore, #tpu.memory_space<semaphore_mem>>
      %dma_start3A_61 = arith.constant 0 : i32
      %dma_start3A_62 = tpu.memref_slice %arg4[%add3A_36, %dma_start3A_61] : memref<2560x128xi32, #tpu.memory_space<hbm>> -> memref<40x128xi32, #tpu.memory_space<hbm>>
      %dma_start3A_63 = arith.constant 0 : i32
      %dma_start3A_64 = tpu.memref_slice %arg4[%add3A_36, %dma_start3A_63] : memref<2560x128xi32, #tpu.memory_space<hbm>> -> memref<40x128xi32, #tpu.memory_space<hbm>>
      tpu.enqueue_dma source(%dma_start3A_64 : memref<40x128xi32, #tpu.memory_space<hbm>>) target(%arg8 : memref<40x128xi32, #tpu.memory_space<vmem>>) target_semaphore(%run_scoped3A : memref<!tpu.dma_semaphore, #tpu.memory_space<semaphore_mem>>)
      %dma_wait3A_65 = arith.constant 0 : i32
      %dma_wait3A_66 = tpu.memref_slice %arg4[%add3A_36, %dma_wait3A_65] : memref<2560x128xi32, #tpu.memory_space<hbm>> -> memref<40x128xi32, #tpu.memory_space<hbm>>
      %dma_wait3A_67 = arith.constant 0 : i32
      %dma_wait3A_68 = tpu.memref_slice %arg4[%add3A_36, %dma_wait3A_67] : memref<2560x128xi32, #tpu.memory_space<hbm>> -> memref<40x128xi32, #tpu.memory_space<hbm>>
      tpu.wait_dma2 semaphore(%run_scoped3A : memref<!tpu.dma_semaphore, #tpu.memory_space<semaphore_mem>>) src(%dma_wait3A_68 : memref<40x128xi32, #tpu.memory_space<hbm>>) dst(%arg8 : memref<40x128xi32, #tpu.memory_space<vmem>>)
      tpu.yield
    }) : () -> ()
    %dma_start3A_37 = arith.constant 0 : i32
    %dma_start3A_38 = arith.constant 0 : i32
    %dma_start3A_39 = tpu.memref_slice %arg7[%dma_start3A_37, %dma_start3A_38] : memref<40x128xi32, #tpu.memory_space<vmem>> -> memref<1x128xi32, #tpu.memory_space<vmem>>
    %dma_start3A_40 = tpu.memref_squeeze %dma_start3A_39 : memref<1x128xi32, #tpu.memory_space<vmem>> -> memref<128xi32, #tpu.memory_space<vmem>>
    %dma_start3A_41 = arith.constant 0 : i32
    %dma_start3A_42 = arith.constant 0 : i32
    %dma_start3A_43 = tpu.memref_slice %arg2[%dma_start3A_41, %dma_start3A_42] : memref<10240x128xf32, #tpu.memory_space<hbm>> -> memref<10240x128xf32, #tpu.memory_space<hbm>>
    tpu.enqueue_indirect_dma source(%dma_start3A_43 : memref<10240x128xf32, #tpu.memory_space<hbm>>) target(%arg9 : memref<128x128xf32, #tpu.memory_space<vmem>>) offsets(%dma_start3A_40 : memref<128xi32, #tpu.memory_space<vmem>>) semaphore(%arg12 : memref<!tpu.dma_semaphore, #tpu.memory_space<semaphore_mem>>)
    %dma_start3A_44 = arith.constant 1 : i32
    %dma_start3A_45 = arith.constant 0 : i32
    %dma_start3A_46 = tpu.memref_slice %arg7[%dma_start3A_44, %dma_start3A_45] : memref<40x128xi32, #tpu.memory_space<vmem>> -> memref<1x128xi32, #tpu.memory_space<vmem>>
    %dma_start3A_47 = tpu.memref_squeeze %dma_start3A_46 : memref<1x128xi32, #tpu.memory_space<vmem>> -> memref<128xi32, #tpu.memory_space<vmem>>
    %dma_start3A_48 = arith.constant 0 : i32
    %dma_start3A_49 = arith.constant 0 : i32
    %dma_start3A_50 = tpu.memref_slice %arg2[%dma_start3A_48, %dma_start3A_49] : memref<10240x128xf32, #tpu.memory_space<hbm>> -> memref<10240x128xf32, #tpu.memory_space<hbm>>
    tpu.enqueue_indirect_dma source(%dma_start3A_50 : memref<10240x128xf32, #tpu.memory_space<hbm>>) target(%arg10 : memref<128x128xf32, #tpu.memory_space<vmem>>) offsets(%dma_start3A_47 : memref<128xi32, #tpu.memory_space<vmem>>) semaphore(%arg13 : memref<!tpu.dma_semaphore, #tpu.memory_space<semaphore_mem>>)
    %scan3A_51 = arith.constant 0 : i32
    %scan3A_52 = arith.constant 20 : i32
    %scan3A_53 = arith.addi %scan3A_51, %scan3A_52 : i32
    %scan3A_54 = arith.constant 1 : i32
    scf.for %scan3A_61 = %scan3A_51 to %scan3A_53 step %scan3A_54  : i32 {
      %mul3A_62 = arith.constant 2 : i32
      %mul3A_63 = arith.muli %scan3A_61, %mul3A_62 : i32
      %add3A_64 = arith.constant 0 : i32
      %add3A_65 = arith.addi %add3A_64, %mul3A_63 : i32
      %dma_wait3A_66 = arith.constant 0 : i32
      %dma_wait3A_67 = arith.constant 0 : i32
      %dma_wait3A_68 = tpu.memref_slice %arg2[%dma_wait3A_66, %dma_wait3A_67] : memref<10240x128xf32, #tpu.memory_space<hbm>> -> memref<128x128xf32, #tpu.memory_space<hbm>>
      %dma_wait3A_69 = arith.constant 0 : i32
      %dma_wait3A_70 = arith.constant 0 : i32
      %dma_wait3A_71 = tpu.memref_slice %arg2[%dma_wait3A_69, %dma_wait3A_70] : memref<10240x128xf32, #tpu.memory_space<hbm>> -> memref<128x128xf32, #tpu.memory_space<hbm>>
      tpu.wait_dma2 semaphore(%arg12 : memref<!tpu.dma_semaphore, #tpu.memory_space<semaphore_mem>>) src(%dma_wait3A_71 : memref<128x128xf32, #tpu.memory_space<hbm>>) dst(%arg9 : memref<128x128xf32, #tpu.memory_space<vmem>>)
      "tpu.region"() ({
        %run_scoped3A = tpu.sem_alloc : memref<!tpu.dma_semaphore, #tpu.memory_space<semaphore_mem>>
        %dma_start3A_91 = arith.constant 0 : i32
        %dma_start3A_92 = tpu.memref_slice %arg8[%add3A_65, %dma_start3A_91] : memref<40x128xi32, #tpu.memory_space<vmem>> -> memref<1x128xi32, #tpu.memory_space<vmem>>
        %dma_start3A_93 = tpu.memref_squeeze %dma_start3A_92 : memref<1x128xi32, #tpu.memory_space<vmem>> -> memref<128xi32, #tpu.memory_space<vmem>>
        %dma_start3A_94 = arith.constant 0 : i32
        %dma_start3A_95 = arith.constant 0 : i32
        %dma_start3A_96 = tpu.memref_slice %arg11[%dma_start3A_94, %dma_start3A_95] : memref<10240x128xf32, #tpu.memory_space<vmem_shared>> -> memref<10240x128xf32, #tpu.memory_space<vmem_shared>>
        tpu.enqueue_indirect_dma source(%arg9 : memref<128x128xf32, #tpu.memory_space<vmem>>) target(%dma_start3A_96 : memref<10240x128xf32, #tpu.memory_space<vmem_shared>>) offsets(%dma_start3A_93 : memref<128xi32, #tpu.memory_space<vmem>>) semaphore(%run_scoped3A : memref<!tpu.dma_semaphore, #tpu.memory_space<semaphore_mem>>) {add = true}
        %dma_wait3A_97 = arith.constant 0 : i32
        %dma_wait3A_98 = tpu.memref_slice %arg8[%add3A_65, %dma_wait3A_97] : memref<40x128xi32, #tpu.memory_space<vmem>> -> memref<1x128xi32, #tpu.memory_space<vmem>>
        %dma_wait3A_99 = tpu.memref_squeeze %dma_wait3A_98 : memref<1x128xi32, #tpu.memory_space<vmem>> -> memref<128xi32, #tpu.memory_space<vmem>>
        %dma_wait3A_100 = arith.constant 0 : i32
        %dma_wait3A_101 = arith.constant 0 : i32
        %dma_wait3A_102 = tpu.memref_slice %arg11[%dma_wait3A_100, %dma_wait3A_101] : memref<10240x128xf32, #tpu.memory_space<vmem_shared>> -> memref<10240x128xf32, #tpu.memory_space<vmem_shared>>
        tpu.wait_indirect_dma semaphore(%run_scoped3A : memref<!tpu.dma_semaphore, #tpu.memory_space<semaphore_mem>>) src(%arg9 : memref<128x128xf32, #tpu.memory_space<vmem>>) dst(%dma_wait3A_102 : memref<10240x128xf32, #tpu.memory_space<vmem_shared>>)
        tpu.yield
      }) : () -> ()
      %add3A_72 = arith.constant 2 : i32
      %add3A_73 = arith.addi %add3A_65, %add3A_72 : i32
      %lt3A = arith.constant 40 : i32
      %lt3A_74 = arith.cmpi slt, %add3A_73, %lt3A : i32
      %convert_element_type3A = arith.extui %lt3A_74 : i1 to i32
      %cond3A = arith.constant 0 : i32
      %cond3A_75 = arith.cmpi ne, %convert_element_type3A, %cond3A : i32
      scf.if %cond3A_75 {
        %add3A_91 = arith.constant 2 : i32
        %add3A_92 = arith.addi %add3A_65, %add3A_91 : i32
        %dma_start3A_93 = arith.constant 0 : i32
        %dma_start3A_94 = tpu.memref_slice %arg7[%add3A_92, %dma_start3A_93] : memref<40x128xi32, #tpu.memory_space<vmem>> -> memref<1x128xi32, #tpu.memory_space<vmem>>
        %dma_start3A_95 = tpu.memref_squeeze %dma_start3A_94 : memref<1x128xi32, #tpu.memory_space<vmem>> -> memref<128xi32, #tpu.memory_space<vmem>>
        %dma_start3A_96 = arith.constant 0 : i32
        %dma_start3A_97 = arith.constant 0 : i32
        %dma_start3A_98 = tpu.memref_slice %arg2[%dma_start3A_96, %dma_start3A_97] : memref<10240x128xf32, #tpu.memory_space<hbm>> -> memref<10240x128xf32, #tpu.memory_space<hbm>>
        tpu.enqueue_indirect_dma source(%dma_start3A_98 : memref<10240x128xf32, #tpu.memory_space<hbm>>) target(%arg9 : memref<128x128xf32, #tpu.memory_space<vmem>>) offsets(%dma_start3A_95 : memref<128xi32, #tpu.memory_space<vmem>>) semaphore(%arg12 : memref<!tpu.dma_semaphore, #tpu.memory_space<semaphore_mem>>)
      } else {
      }
      %dma_wait3A_76 = arith.constant 0 : i32
      %dma_wait3A_77 = arith.constant 0 : i32
      %dma_wait3A_78 = tpu.memref_slice %arg2[%dma_wait3A_76, %dma_wait3A_77] : memref<10240x128xf32, #tpu.memory_space<hbm>> -> memref<128x128xf32, #tpu.memory_space<hbm>>
      %dma_wait3A_79 = arith.constant 0 : i32
      %dma_wait3A_80 = arith.constant 0 : i32
      %dma_wait3A_81 = tpu.memref_slice %arg2[%dma_wait3A_79, %dma_wait3A_80] : memref<10240x128xf32, #tpu.memory_space<hbm>> -> memref<128x128xf32, #tpu.memory_space<hbm>>
      tpu.wait_dma2 semaphore(%arg13 : memref<!tpu.dma_semaphore, #tpu.memory_space<semaphore_mem>>) src(%dma_wait3A_81 : memref<128x128xf32, #tpu.memory_space<hbm>>) dst(%arg10 : memref<128x128xf32, #tpu.memory_space<vmem>>)
      %add3A_82 = arith.constant 1 : i32
      %add3A_83 = arith.addi %add3A_65, %add3A_82 : i32
      "tpu.region"() ({
        %run_scoped3A = tpu.sem_alloc : memref<!tpu.dma_semaphore, #tpu.memory_space<semaphore_mem>>
        %dma_start3A_91 = arith.constant 0 : i32
        %dma_start3A_92 = tpu.memref_slice %arg8[%add3A_83, %dma_start3A_91] : memref<40x128xi32, #tpu.memory_space<vmem>> -> memref<1x128xi32, #tpu.memory_space<vmem>>
        %dma_start3A_93 = tpu.memref_squeeze %dma_start3A_92 : memref<1x128xi32, #tpu.memory_space<vmem>> -> memref<128xi32, #tpu.memory_space<vmem>>
        %dma_start3A_94 = arith.constant 0 : i32
        %dma_start3A_95 = arith.constant 0 : i32
        %dma_start3A_96 = tpu.memref_slice %arg11[%dma_start3A_94, %dma_start3A_95] : memref<10240x128xf32, #tpu.memory_space<vmem_shared>> -> memref<10240x128xf32, #tpu.memory_space<vmem_shared>>
        tpu.enqueue_indirect_dma source(%arg10 : memref<128x128xf32, #tpu.memory_space<vmem>>) target(%dma_start3A_96 : memref<10240x128xf32, #tpu.memory_space<vmem_shared>>) offsets(%dma_start3A_93 : memref<128xi32, #tpu.memory_space<vmem>>) semaphore(%run_scoped3A : memref<!tpu.dma_semaphore, #tpu.memory_space<semaphore_mem>>) {add = true}
        %dma_wait3A_97 = arith.constant 0 : i32
        %dma_wait3A_98 = tpu.memref_slice %arg8[%add3A_83, %dma_wait3A_97] : memref<40x128xi32, #tpu.memory_space<vmem>> -> memref<1x128xi32, #tpu.memory_space<vmem>>
        %dma_wait3A_99 = tpu.memref_squeeze %dma_wait3A_98 : memref<1x128xi32, #tpu.memory_space<vmem>> -> memref<128xi32, #tpu.memory_space<vmem>>
        %dma_wait3A_100 = arith.constant 0 : i32
        %dma_wait3A_101 = arith.constant 0 : i32
        %dma_wait3A_102 = tpu.memref_slice %arg11[%dma_wait3A_100, %dma_wait3A_101] : memref<10240x128xf32, #tpu.memory_space<vmem_shared>> -> memref<10240x128xf32, #tpu.memory_space<vmem_shared>>
        tpu.wait_indirect_dma semaphore(%run_scoped3A : memref<!tpu.dma_semaphore, #tpu.memory_space<semaphore_mem>>) src(%arg10 : memref<128x128xf32, #tpu.memory_space<vmem>>) dst(%dma_wait3A_102 : memref<10240x128xf32, #tpu.memory_space<vmem_shared>>)
        tpu.yield
      }) : () -> ()
      %add3A_84 = arith.constant 3 : i32
      %add3A_85 = arith.addi %add3A_65, %add3A_84 : i32
      %lt3A_86 = arith.constant 40 : i32
      %lt3A_87 = arith.cmpi slt, %add3A_85, %lt3A_86 : i32
      %convert_element_type3A_88 = arith.extui %lt3A_87 : i1 to i32
      %cond3A_89 = arith.constant 0 : i32
      %cond3A_90 = arith.cmpi ne, %convert_element_type3A_88, %cond3A_89 : i32
      scf.if %cond3A_90 {
        %add3A_91 = arith.constant 3 : i32
        %add3A_92 = arith.addi %add3A_65, %add3A_91 : i32
        %dma_start3A_93 = arith.constant 0 : i32
        %dma_start3A_94 = tpu.memref_slice %arg7[%add3A_92, %dma_start3A_93] : memref<40x128xi32, #tpu.memory_space<vmem>> -> memref<1x128xi32, #tpu.memory_space<vmem>>
        %dma_start3A_95 = tpu.memref_squeeze %dma_start3A_94 : memref<1x128xi32, #tpu.memory_space<vmem>> -> memref<128xi32, #tpu.memory_space<vmem>>
        %dma_start3A_96 = arith.constant 0 : i32
        %dma_start3A_97 = arith.constant 0 : i32
        %dma_start3A_98 = tpu.memref_slice %arg2[%dma_start3A_96, %dma_start3A_97] : memref<10240x128xf32, #tpu.memory_space<hbm>> -> memref<10240x128xf32, #tpu.memory_space<hbm>>
        tpu.enqueue_indirect_dma source(%dma_start3A_98 : memref<10240x128xf32, #tpu.memory_space<hbm>>) target(%arg10 : memref<128x128xf32, #tpu.memory_space<vmem>>) offsets(%dma_start3A_95 : memref<128xi32, #tpu.memory_space<vmem>>) semaphore(%arg13 : memref<!tpu.dma_semaphore, #tpu.memory_space<semaphore_mem>>)
      } else {
      }
    }
    %scan3A_55 = arith.constant 20 : i32
    %barrier3A_56 = arith.constant 0 : index
    tpu.barrier barrier_id(%barrier3A_56)
    %mul3A_57 = arith.constant 640 : i32
    %mul3A_58 = arith.muli %arg1, %mul3A_57 : i32
    %mul3A_59 = arith.constant 640 : i32
    %mul3A_60 = arith.muli %arg1, %mul3A_59 : i32
    "tpu.region"() ({
      %run_scoped3A = tpu.sem_alloc : memref<!tpu.dma_semaphore, #tpu.memory_space<semaphore_mem>>
      %dma_start3A_61 = arith.constant 0 : i32
      %dma_start3A_62 = tpu.memref_slice %arg6[%arg0, %mul3A_60, %dma_start3A_61] : memref<2x10240x128xf32, #tpu.memory_space<hbm>> -> memref<1x640x128xf32, #tpu.memory_space<hbm>>
      %dma_start3A_63 = tpu.memref_squeeze %dma_start3A_62 : memref<1x640x128xf32, #tpu.memory_space<hbm>> -> memref<640x128xf32, #tpu.memory_space<hbm>>
      %dma_start3A_64 = arith.constant 0 : i32
      %dma_start3A_65 = tpu.memref_slice %arg11[%mul3A_58, %dma_start3A_64] : memref<10240x128xf32, #tpu.memory_space<vmem_shared>> -> memref<640x128xf32, #tpu.memory_space<vmem_shared>>
      tpu.enqueue_dma source(%dma_start3A_65 : memref<640x128xf32, #tpu.memory_space<vmem_shared>>) target(%dma_start3A_63 : memref<640x128xf32, #tpu.memory_space<hbm>>) target_semaphore(%run_scoped3A : memref<!tpu.dma_semaphore, #tpu.memory_space<semaphore_mem>>)
      %dma_wait3A_66 = arith.constant 0 : i32
      %dma_wait3A_67 = tpu.memref_slice %arg6[%arg0, %mul3A_60, %dma_wait3A_66] : memref<2x10240x128xf32, #tpu.memory_space<hbm>> -> memref<1x640x128xf32, #tpu.memory_space<hbm>>
      %dma_wait3A_68 = tpu.memref_squeeze %dma_wait3A_67 : memref<1x640x128xf32, #tpu.memory_space<hbm>> -> memref<640x128xf32, #tpu.memory_space<hbm>>
      %dma_wait3A_69 = arith.constant 0 : i32
      %dma_wait3A_70 = tpu.memref_slice %arg11[%mul3A_58, %dma_wait3A_69] : memref<10240x128xf32, #tpu.memory_space<vmem_shared>> -> memref<640x128xf32, #tpu.memory_space<vmem_shared>>
      tpu.wait_dma2 semaphore(%run_scoped3A : memref<!tpu.dma_semaphore, #tpu.memory_space<semaphore_mem>>) src(%dma_wait3A_70 : memref<640x128xf32, #tpu.memory_space<vmem_shared>>) dst(%dma_wait3A_68 : memref<640x128xf32, #tpu.memory_space<hbm>>)
      tpu.yield
    }) : () -> ()
    return
  }
}

#map = affine_map<(d0, d1) -> (0, 0)>
#map1 = affine_map<(d0, d1) -> (0, 0, 0)>
module attributes {stable_mosaic.version = 14 : i64} {
  func.func @_agg_body(%arg0: i32, %arg1: i32, %arg2: memref<10240x128xf32, #tpu.memory_space<hbm>>, %arg3: memref<2560x128xi32, #tpu.memory_space<hbm>>, %arg4: memref<2560x128xi32, #tpu.memory_space<hbm>>, %arg5: memref<640x128xf32, #tpu.memory_space<hbm>>, %arg6: memref<2x10240x128xf32, #tpu.memory_space<hbm>>, %arg7: memref<40x128xi32, #tpu.memory_space<vmem>>, %arg8: memref<40x128xi32, #tpu.memory_space<vmem>>, %arg9: memref<128x128xf32, #tpu.memory_space<vmem>>, %arg10: memref<128x128xf32, #tpu.memory_space<vmem>>, %arg11: memref<10240x128xf32, #tpu.memory_space<vmem_shared>>, %arg12: memref<!tpu.dma_semaphore, #tpu.memory_space<semaphore_mem>>, %arg13: memref<!tpu.dma_semaphore, #tpu.memory_space<semaphore_mem>>) attributes {dimension_semantics = [#tpu.dimension_semantics<core_parallel>, #tpu.dimension_semantics<subcore_parallel>], iteration_bounds = array<i64: 2, 16>, scalar_prefetch = 0 : i64, scratch_operands = 7 : i64, tpu.core_type = #tpu.core_type<sc_vector_subcore>, window_params = [{transform_indices = #map}, {transform_indices = #map}, {transform_indices = #map}, {transform_indices = #map}, {transform_indices = #map1}]} {
    %mul3A = arith.constant 16 : i32
    %mul3A_0 = arith.muli %arg0, %mul3A : i32
    %add3A = arith.addi %mul3A_0, %arg1 : i32
    %mul3A_1 = arith.constant 640 : i32
    %mul3A_2 = arith.muli %arg1, %mul3A_1 : i32
    %dma_start3A = arith.constant 0 : i32
    %dma_start3A_3 = tpu.memref_slice %arg11[%mul3A_2, %dma_start3A] : memref<10240x128xf32, #tpu.memory_space<vmem_shared>> -> memref<640x128xf32, #tpu.memory_space<vmem_shared>>
    tpu.enqueue_dma source(%arg5 : memref<640x128xf32, #tpu.memory_space<hbm>>) target(%dma_start3A_3 : memref<640x128xf32, #tpu.memory_space<vmem_shared>>) target_semaphore(%arg12 : memref<!tpu.dma_semaphore, #tpu.memory_space<semaphore_mem>>)
    %mul3A_4 = arith.constant 80 : i32
    %mul3A_5 = arith.muli %add3A, %mul3A_4 : i32
    "tpu.region"() ({
      %run_scoped3A = tpu.sem_alloc : memref<!tpu.dma_semaphore, #tpu.memory_space<semaphore_mem>>
      %dma_start3A_61 = arith.constant 0 : i32
      %dma_start3A_62 = tpu.memref_slice %arg3[%mul3A_5, %dma_start3A_61] : memref<2560x128xi32, #tpu.memory_space<hbm>> -> memref<40x128xi32, #tpu.memory_space<hbm>>
      %dma_start3A_63 = arith.constant 0 : i32
      %dma_start3A_64 = tpu.memref_slice %arg3[%mul3A_5, %dma_start3A_63] : memref<2560x128xi32, #tpu.memory_space<hbm>> -> memref<40x128xi32, #tpu.memory_space<hbm>>
      tpu.enqueue_dma source(%dma_start3A_64 : memref<40x128xi32, #tpu.memory_space<hbm>>) target(%arg7 : memref<40x128xi32, #tpu.memory_space<vmem>>) target_semaphore(%run_scoped3A : memref<!tpu.dma_semaphore, #tpu.memory_space<semaphore_mem>>)
      %dma_wait3A_65 = arith.constant 0 : i32
      %dma_wait3A_66 = tpu.memref_slice %arg3[%mul3A_5, %dma_wait3A_65] : memref<2560x128xi32, #tpu.memory_space<hbm>> -> memref<40x128xi32, #tpu.memory_space<hbm>>
      %dma_wait3A_67 = arith.constant 0 : i32
      %dma_wait3A_68 = tpu.memref_slice %arg3[%mul3A_5, %dma_wait3A_67] : memref<2560x128xi32, #tpu.memory_space<hbm>> -> memref<40x128xi32, #tpu.memory_space<hbm>>
      tpu.wait_dma2 semaphore(%run_scoped3A : memref<!tpu.dma_semaphore, #tpu.memory_space<semaphore_mem>>) src(%dma_wait3A_68 : memref<40x128xi32, #tpu.memory_space<hbm>>) dst(%arg7 : memref<40x128xi32, #tpu.memory_space<vmem>>)
      tpu.yield
    }) : () -> ()
    %mul3A_6 = arith.constant 80 : i32
    %mul3A_7 = arith.muli %add3A, %mul3A_6 : i32
    "tpu.region"() ({
      %run_scoped3A = tpu.sem_alloc : memref<!tpu.dma_semaphore, #tpu.memory_space<semaphore_mem>>
      %dma_start3A_61 = arith.constant 0 : i32
      %dma_start3A_62 = tpu.memref_slice %arg4[%mul3A_7, %dma_start3A_61] : memref<2560x128xi32, #tpu.memory_space<hbm>> -> memref<40x128xi32, #tpu.memory_space<hbm>>
      %dma_start3A_63 = arith.constant 0 : i32
      %dma_start3A_64 = tpu.memref_slice %arg4[%mul3A_7, %dma_start3A_63] : memref<2560x128xi32, #tpu.memory_space<hbm>> -> memref<40x128xi32, #tpu.memory_space<hbm>>
      tpu.enqueue_dma source(%dma_start3A_64 : memref<40x128xi32, #tpu.memory_space<hbm>>) target(%arg8 : memref<40x128xi32, #tpu.memory_space<vmem>>) target_semaphore(%run_scoped3A : memref<!tpu.dma_semaphore, #tpu.memory_space<semaphore_mem>>)
      %dma_wait3A_65 = arith.constant 0 : i32
      %dma_wait3A_66 = tpu.memref_slice %arg4[%mul3A_7, %dma_wait3A_65] : memref<2560x128xi32, #tpu.memory_space<hbm>> -> memref<40x128xi32, #tpu.memory_space<hbm>>
      %dma_wait3A_67 = arith.constant 0 : i32
      %dma_wait3A_68 = tpu.memref_slice %arg4[%mul3A_7, %dma_wait3A_67] : memref<2560x128xi32, #tpu.memory_space<hbm>> -> memref<40x128xi32, #tpu.memory_space<hbm>>
      tpu.wait_dma2 semaphore(%run_scoped3A : memref<!tpu.dma_semaphore, #tpu.memory_space<semaphore_mem>>) src(%dma_wait3A_68 : memref<40x128xi32, #tpu.memory_space<hbm>>) dst(%arg8 : memref<40x128xi32, #tpu.memory_space<vmem>>)
      tpu.yield
    }) : () -> ()
    %mul3A_8 = arith.constant 640 : i32
    %mul3A_9 = arith.muli %arg1, %mul3A_8 : i32
    %dma_wait3A = arith.constant 0 : i32
    %dma_wait3A_10 = tpu.memref_slice %arg11[%mul3A_9, %dma_wait3A] : memref<10240x128xf32, #tpu.memory_space<vmem_shared>> -> memref<640x128xf32, #tpu.memory_space<vmem_shared>>
    tpu.wait_dma2 semaphore(%arg12 : memref<!tpu.dma_semaphore, #tpu.memory_space<semaphore_mem>>) src(%arg5 : memref<640x128xf32, #tpu.memory_space<hbm>>) dst(%dma_wait3A_10 : memref<640x128xf32, #tpu.memory_space<vmem_shared>>)
    %barrier3A = arith.constant 0 : index
    tpu.barrier barrier_id(%barrier3A)
    %dma_start3A_11 = arith.constant 0 : i32
    %dma_start3A_12 = arith.constant 0 : i32
    %dma_start3A_13 = tpu.memref_slice %arg7[%dma_start3A_11, %dma_start3A_12] : memref<40x128xi32, #tpu.memory_space<vmem>> -> memref<1x128xi32, #tpu.memory_space<vmem>>
    %dma_start3A_14 = tpu.memref_squeeze %dma_start3A_13 : memref<1x128xi32, #tpu.memory_space<vmem>> -> memref<128xi32, #tpu.memory_space<vmem>>
    %dma_start3A_15 = arith.constant 0 : i32
    %dma_start3A_16 = arith.constant 0 : i32
    %dma_start3A_17 = tpu.memref_slice %arg2[%dma_start3A_15, %dma_start3A_16] : memref<10240x128xf32, #tpu.memory_space<hbm>> -> memref<10240x128xf32, #tpu.memory_space<hbm>>
    tpu.enqueue_indirect_dma source(%dma_start3A_17 : memref<10240x128xf32, #tpu.memory_space<hbm>>) target(%arg9 : memref<128x128xf32, #tpu.memory_space<vmem>>) offsets(%dma_start3A_14 : memref<128xi32, #tpu.memory_space<vmem>>) semaphore(%arg12 : memref<!tpu.dma_semaphore, #tpu.memory_space<semaphore_mem>>)
    %dma_start3A_18 = arith.constant 1 : i32
    %dma_start3A_19 = arith.constant 0 : i32
    %dma_start3A_20 = tpu.memref_slice %arg7[%dma_start3A_18, %dma_start3A_19] : memref<40x128xi32, #tpu.memory_space<vmem>> -> memref<1x128xi32, #tpu.memory_space<vmem>>
    %dma_start3A_21 = tpu.memref_squeeze %dma_start3A_20 : memref<1x128xi32, #tpu.memory_space<vmem>> -> memref<128xi32, #tpu.memory_space<vmem>>
    %dma_start3A_22 = arith.constant 0 : i32
    %dma_start3A_23 = arith.constant 0 : i32
    %dma_start3A_24 = tpu.memref_slice %arg2[%dma_start3A_22, %dma_start3A_23] : memref<10240x128xf32, #tpu.memory_space<hbm>> -> memref<10240x128xf32, #tpu.memory_space<hbm>>
    tpu.enqueue_indirect_dma source(%dma_start3A_24 : memref<10240x128xf32, #tpu.memory_space<hbm>>) target(%arg10 : memref<128x128xf32, #tpu.memory_space<vmem>>) offsets(%dma_start3A_21 : memref<128xi32, #tpu.memory_space<vmem>>) semaphore(%arg13 : memref<!tpu.dma_semaphore, #tpu.memory_space<semaphore_mem>>)
    %scan3A = arith.constant 0 : i32
    %scan3A_25 = arith.constant 20 : i32
    %scan3A_26 = arith.addi %scan3A, %scan3A_25 : i32
    %scan3A_27 = arith.constant 1 : i32
    scf.for %scan3A_61 = %scan3A to %scan3A_26 step %scan3A_27  : i32 {
      %mul3A_62 = arith.constant 2 : i32
      %mul3A_63 = arith.muli %scan3A_61, %mul3A_62 : i32
      %add3A_64 = arith.constant 0 : i32
      %add3A_65 = arith.addi %add3A_64, %mul3A_63 : i32
      %dma_wait3A_66 = arith.constant 0 : i32
      %dma_wait3A_67 = arith.constant 0 : i32
      %dma_wait3A_68 = tpu.memref_slice %arg2[%dma_wait3A_66, %dma_wait3A_67] : memref<10240x128xf32, #tpu.memory_space<hbm>> -> memref<128x128xf32, #tpu.memory_space<hbm>>
      %dma_wait3A_69 = arith.constant 0 : i32
      %dma_wait3A_70 = arith.constant 0 : i32
      %dma_wait3A_71 = tpu.memref_slice %arg2[%dma_wait3A_69, %dma_wait3A_70] : memref<10240x128xf32, #tpu.memory_space<hbm>> -> memref<128x128xf32, #tpu.memory_space<hbm>>
      tpu.wait_dma2 semaphore(%arg12 : memref<!tpu.dma_semaphore, #tpu.memory_space<semaphore_mem>>) src(%dma_wait3A_71 : memref<128x128xf32, #tpu.memory_space<hbm>>) dst(%arg9 : memref<128x128xf32, #tpu.memory_space<vmem>>)
      "tpu.region"() ({
        %run_scoped3A = tpu.sem_alloc : memref<!tpu.dma_semaphore, #tpu.memory_space<semaphore_mem>>
        %dma_start3A_91 = arith.constant 0 : i32
        %dma_start3A_92 = tpu.memref_slice %arg8[%add3A_65, %dma_start3A_91] : memref<40x128xi32, #tpu.memory_space<vmem>> -> memref<1x128xi32, #tpu.memory_space<vmem>>
        %dma_start3A_93 = tpu.memref_squeeze %dma_start3A_92 : memref<1x128xi32, #tpu.memory_space<vmem>> -> memref<128xi32, #tpu.memory_space<vmem>>
        %dma_start3A_94 = arith.constant 0 : i32
        %dma_start3A_95 = arith.constant 0 : i32
        %dma_start3A_96 = tpu.memref_slice %arg11[%dma_start3A_94, %dma_start3A_95] : memref<10240x128xf32, #tpu.memory_space<vmem_shared>> -> memref<10240x128xf32, #tpu.memory_space<vmem_shared>>
        tpu.enqueue_indirect_dma source(%arg9 : memref<128x128xf32, #tpu.memory_space<vmem>>) target(%dma_start3A_96 : memref<10240x128xf32, #tpu.memory_space<vmem_shared>>) offsets(%dma_start3A_93 : memref<128xi32, #tpu.memory_space<vmem>>) semaphore(%run_scoped3A : memref<!tpu.dma_semaphore, #tpu.memory_space<semaphore_mem>>) {add = true}
        %dma_wait3A_97 = arith.constant 0 : i32
        %dma_wait3A_98 = tpu.memref_slice %arg8[%add3A_65, %dma_wait3A_97] : memref<40x128xi32, #tpu.memory_space<vmem>> -> memref<1x128xi32, #tpu.memory_space<vmem>>
        %dma_wait3A_99 = tpu.memref_squeeze %dma_wait3A_98 : memref<1x128xi32, #tpu.memory_space<vmem>> -> memref<128xi32, #tpu.memory_space<vmem>>
        %dma_wait3A_100 = arith.constant 0 : i32
        %dma_wait3A_101 = arith.constant 0 : i32
        %dma_wait3A_102 = tpu.memref_slice %arg11[%dma_wait3A_100, %dma_wait3A_101] : memref<10240x128xf32, #tpu.memory_space<vmem_shared>> -> memref<10240x128xf32, #tpu.memory_space<vmem_shared>>
        tpu.wait_indirect_dma semaphore(%run_scoped3A : memref<!tpu.dma_semaphore, #tpu.memory_space<semaphore_mem>>) src(%arg9 : memref<128x128xf32, #tpu.memory_space<vmem>>) dst(%dma_wait3A_102 : memref<10240x128xf32, #tpu.memory_space<vmem_shared>>)
        tpu.yield
      }) : () -> ()
      %add3A_72 = arith.constant 2 : i32
      %add3A_73 = arith.addi %add3A_65, %add3A_72 : i32
      %lt3A = arith.constant 40 : i32
      %lt3A_74 = arith.cmpi slt, %add3A_73, %lt3A : i32
      %convert_element_type3A = arith.extui %lt3A_74 : i1 to i32
      %cond3A = arith.constant 0 : i32
      %cond3A_75 = arith.cmpi ne, %convert_element_type3A, %cond3A : i32
      scf.if %cond3A_75 {
        %add3A_91 = arith.constant 2 : i32
        %add3A_92 = arith.addi %add3A_65, %add3A_91 : i32
        %dma_start3A_93 = arith.constant 0 : i32
        %dma_start3A_94 = tpu.memref_slice %arg7[%add3A_92, %dma_start3A_93] : memref<40x128xi32, #tpu.memory_space<vmem>> -> memref<1x128xi32, #tpu.memory_space<vmem>>
        %dma_start3A_95 = tpu.memref_squeeze %dma_start3A_94 : memref<1x128xi32, #tpu.memory_space<vmem>> -> memref<128xi32, #tpu.memory_space<vmem>>
        %dma_start3A_96 = arith.constant 0 : i32
        %dma_start3A_97 = arith.constant 0 : i32
        %dma_start3A_98 = tpu.memref_slice %arg2[%dma_start3A_96, %dma_start3A_97] : memref<10240x128xf32, #tpu.memory_space<hbm>> -> memref<10240x128xf32, #tpu.memory_space<hbm>>
        tpu.enqueue_indirect_dma source(%dma_start3A_98 : memref<10240x128xf32, #tpu.memory_space<hbm>>) target(%arg9 : memref<128x128xf32, #tpu.memory_space<vmem>>) offsets(%dma_start3A_95 : memref<128xi32, #tpu.memory_space<vmem>>) semaphore(%arg12 : memref<!tpu.dma_semaphore, #tpu.memory_space<semaphore_mem>>)
      } else {
      }
      %dma_wait3A_76 = arith.constant 0 : i32
      %dma_wait3A_77 = arith.constant 0 : i32
      %dma_wait3A_78 = tpu.memref_slice %arg2[%dma_wait3A_76, %dma_wait3A_77] : memref<10240x128xf32, #tpu.memory_space<hbm>> -> memref<128x128xf32, #tpu.memory_space<hbm>>
      %dma_wait3A_79 = arith.constant 0 : i32
      %dma_wait3A_80 = arith.constant 0 : i32
      %dma_wait3A_81 = tpu.memref_slice %arg2[%dma_wait3A_79, %dma_wait3A_80] : memref<10240x128xf32, #tpu.memory_space<hbm>> -> memref<128x128xf32, #tpu.memory_space<hbm>>
      tpu.wait_dma2 semaphore(%arg13 : memref<!tpu.dma_semaphore, #tpu.memory_space<semaphore_mem>>) src(%dma_wait3A_81 : memref<128x128xf32, #tpu.memory_space<hbm>>) dst(%arg10 : memref<128x128xf32, #tpu.memory_space<vmem>>)
      %add3A_82 = arith.constant 1 : i32
      %add3A_83 = arith.addi %add3A_65, %add3A_82 : i32
      "tpu.region"() ({
        %run_scoped3A = tpu.sem_alloc : memref<!tpu.dma_semaphore, #tpu.memory_space<semaphore_mem>>
        %dma_start3A_91 = arith.constant 0 : i32
        %dma_start3A_92 = tpu.memref_slice %arg8[%add3A_83, %dma_start3A_91] : memref<40x128xi32, #tpu.memory_space<vmem>> -> memref<1x128xi32, #tpu.memory_space<vmem>>
        %dma_start3A_93 = tpu.memref_squeeze %dma_start3A_92 : memref<1x128xi32, #tpu.memory_space<vmem>> -> memref<128xi32, #tpu.memory_space<vmem>>
        %dma_start3A_94 = arith.constant 0 : i32
        %dma_start3A_95 = arith.constant 0 : i32
        %dma_start3A_96 = tpu.memref_slice %arg11[%dma_start3A_94, %dma_start3A_95] : memref<10240x128xf32, #tpu.memory_space<vmem_shared>> -> memref<10240x128xf32, #tpu.memory_space<vmem_shared>>
        tpu.enqueue_indirect_dma source(%arg10 : memref<128x128xf32, #tpu.memory_space<vmem>>) target(%dma_start3A_96 : memref<10240x128xf32, #tpu.memory_space<vmem_shared>>) offsets(%dma_start3A_93 : memref<128xi32, #tpu.memory_space<vmem>>) semaphore(%run_scoped3A : memref<!tpu.dma_semaphore, #tpu.memory_space<semaphore_mem>>) {add = true}
        %dma_wait3A_97 = arith.constant 0 : i32
        %dma_wait3A_98 = tpu.memref_slice %arg8[%add3A_83, %dma_wait3A_97] : memref<40x128xi32, #tpu.memory_space<vmem>> -> memref<1x128xi32, #tpu.memory_space<vmem>>
        %dma_wait3A_99 = tpu.memref_squeeze %dma_wait3A_98 : memref<1x128xi32, #tpu.memory_space<vmem>> -> memref<128xi32, #tpu.memory_space<vmem>>
        %dma_wait3A_100 = arith.constant 0 : i32
        %dma_wait3A_101 = arith.constant 0 : i32
        %dma_wait3A_102 = tpu.memref_slice %arg11[%dma_wait3A_100, %dma_wait3A_101] : memref<10240x128xf32, #tpu.memory_space<vmem_shared>> -> memref<10240x128xf32, #tpu.memory_space<vmem_shared>>
        tpu.wait_indirect_dma semaphore(%run_scoped3A : memref<!tpu.dma_semaphore, #tpu.memory_space<semaphore_mem>>) src(%arg10 : memref<128x128xf32, #tpu.memory_space<vmem>>) dst(%dma_wait3A_102 : memref<10240x128xf32, #tpu.memory_space<vmem_shared>>)
        tpu.yield
      }) : () -> ()
      %add3A_84 = arith.constant 3 : i32
      %add3A_85 = arith.addi %add3A_65, %add3A_84 : i32
      %lt3A_86 = arith.constant 40 : i32
      %lt3A_87 = arith.cmpi slt, %add3A_85, %lt3A_86 : i32
      %convert_element_type3A_88 = arith.extui %lt3A_87 : i1 to i32
      %cond3A_89 = arith.constant 0 : i32
      %cond3A_90 = arith.cmpi ne, %convert_element_type3A_88, %cond3A_89 : i32
      scf.if %cond3A_90 {
        %add3A_91 = arith.constant 3 : i32
        %add3A_92 = arith.addi %add3A_65, %add3A_91 : i32
        %dma_start3A_93 = arith.constant 0 : i32
        %dma_start3A_94 = tpu.memref_slice %arg7[%add3A_92, %dma_start3A_93] : memref<40x128xi32, #tpu.memory_space<vmem>> -> memref<1x128xi32, #tpu.memory_space<vmem>>
        %dma_start3A_95 = tpu.memref_squeeze %dma_start3A_94 : memref<1x128xi32, #tpu.memory_space<vmem>> -> memref<128xi32, #tpu.memory_space<vmem>>
        %dma_start3A_96 = arith.constant 0 : i32
        %dma_start3A_97 = arith.constant 0 : i32
        %dma_start3A_98 = tpu.memref_slice %arg2[%dma_start3A_96, %dma_start3A_97] : memref<10240x128xf32, #tpu.memory_space<hbm>> -> memref<10240x128xf32, #tpu.memory_space<hbm>>
        tpu.enqueue_indirect_dma source(%dma_start3A_98 : memref<10240x128xf32, #tpu.memory_space<hbm>>) target(%arg10 : memref<128x128xf32, #tpu.memory_space<vmem>>) offsets(%dma_start3A_95 : memref<128xi32, #tpu.memory_space<vmem>>) semaphore(%arg13 : memref<!tpu.dma_semaphore, #tpu.memory_space<semaphore_mem>>)
      } else {
      }
    }
    %scan3A_28 = arith.constant 20 : i32
    %mul3A_29 = arith.constant 80 : i32
    %mul3A_30 = arith.muli %add3A, %mul3A_29 : i32
    %add3A_31 = arith.constant 40 : i32
    %add3A_32 = arith.addi %mul3A_30, %add3A_31 : i32
    "tpu.region"() ({
      %run_scoped3A = tpu.sem_alloc : memref<!tpu.dma_semaphore, #tpu.memory_space<semaphore_mem>>
      %dma_start3A_61 = arith.constant 0 : i32
      %dma_start3A_62 = tpu.memref_slice %arg3[%add3A_32, %dma_start3A_61] : memref<2560x128xi32, #tpu.memory_space<hbm>> -> memref<40x128xi32, #tpu.memory_space<hbm>>
      %dma_start3A_63 = arith.constant 0 : i32
      %dma_start3A_64 = tpu.memref_slice %arg3[%add3A_32, %dma_start3A_63] : memref<2560x128xi32, #tpu.memory_space<hbm>> -> memref<40x128xi32, #tpu.memory_space<hbm>>
      tpu.enqueue_dma source(%dma_start3A_64 : memref<40x128xi32, #tpu.memory_space<hbm>>) target(%arg7 : memref<40x128xi32, #tpu.memory_space<vmem>>) target_semaphore(%run_scoped3A : memref<!tpu.dma_semaphore, #tpu.memory_space<semaphore_mem>>)
      %dma_wait3A_65 = arith.constant 0 : i32
      %dma_wait3A_66 = tpu.memref_slice %arg3[%add3A_32, %dma_wait3A_65] : memref<2560x128xi32, #tpu.memory_space<hbm>> -> memref<40x128xi32, #tpu.memory_space<hbm>>
      %dma_wait3A_67 = arith.constant 0 : i32
      %dma_wait3A_68 = tpu.memref_slice %arg3[%add3A_32, %dma_wait3A_67] : memref<2560x128xi32, #tpu.memory_space<hbm>> -> memref<40x128xi32, #tpu.memory_space<hbm>>
      tpu.wait_dma2 semaphore(%run_scoped3A : memref<!tpu.dma_semaphore, #tpu.memory_space<semaphore_mem>>) src(%dma_wait3A_68 : memref<40x128xi32, #tpu.memory_space<hbm>>) dst(%arg7 : memref<40x128xi32, #tpu.memory_space<vmem>>)
      tpu.yield
    }) : () -> ()
    %mul3A_33 = arith.constant 80 : i32
    %mul3A_34 = arith.muli %add3A, %mul3A_33 : i32
    %add3A_35 = arith.constant 40 : i32
    %add3A_36 = arith.addi %mul3A_34, %add3A_35 : i32
    "tpu.region"() ({
      %run_scoped3A = tpu.sem_alloc : memref<!tpu.dma_semaphore, #tpu.memory_space<semaphore_mem>>
      %dma_start3A_61 = arith.constant 0 : i32
      %dma_start3A_62 = tpu.memref_slice %arg4[%add3A_36, %dma_start3A_61] : memref<2560x128xi32, #tpu.memory_space<hbm>> -> memref<40x128xi32, #tpu.memory_space<hbm>>
      %dma_start3A_63 = arith.constant 0 : i32
      %dma_start3A_64 = tpu.memref_slice %arg4[%add3A_36, %dma_start3A_63] : memref<2560x128xi32, #tpu.memory_space<hbm>> -> memref<40x128xi32, #tpu.memory_space<hbm>>
      tpu.enqueue_dma source(%dma_start3A_64 : memref<40x128xi32, #tpu.memory_space<hbm>>) target(%arg8 : memref<40x128xi32, #tpu.memory_space<vmem>>) target_semaphore(%run_scoped3A : memref<!tpu.dma_semaphore, #tpu.memory_space<semaphore_mem>>)
      %dma_wait3A_65 = arith.constant 0 : i32
      %dma_wait3A_66 = tpu.memref_slice %arg4[%add3A_36, %dma_wait3A_65] : memref<2560x128xi32, #tpu.memory_space<hbm>> -> memref<40x128xi32, #tpu.memory_space<hbm>>
      %dma_wait3A_67 = arith.constant 0 : i32
      %dma_wait3A_68 = tpu.memref_slice %arg4[%add3A_36, %dma_wait3A_67] : memref<2560x128xi32, #tpu.memory_space<hbm>> -> memref<40x128xi32, #tpu.memory_space<hbm>>
      tpu.wait_dma2 semaphore(%run_scoped3A : memref<!tpu.dma_semaphore, #tpu.memory_space<semaphore_mem>>) src(%dma_wait3A_68 : memref<40x128xi32, #tpu.memory_space<hbm>>) dst(%arg8 : memref<40x128xi32, #tpu.memory_space<vmem>>)
      tpu.yield
    }) : () -> ()
    %dma_start3A_37 = arith.constant 0 : i32
    %dma_start3A_38 = arith.constant 0 : i32
    %dma_start3A_39 = tpu.memref_slice %arg7[%dma_start3A_37, %dma_start3A_38] : memref<40x128xi32, #tpu.memory_space<vmem>> -> memref<1x128xi32, #tpu.memory_space<vmem>>
    %dma_start3A_40 = tpu.memref_squeeze %dma_start3A_39 : memref<1x128xi32, #tpu.memory_space<vmem>> -> memref<128xi32, #tpu.memory_space<vmem>>
    %dma_start3A_41 = arith.constant 0 : i32
    %dma_start3A_42 = arith.constant 0 : i32
    %dma_start3A_43 = tpu.memref_slice %arg2[%dma_start3A_41, %dma_start3A_42] : memref<10240x128xf32, #tpu.memory_space<hbm>> -> memref<10240x128xf32, #tpu.memory_space<hbm>>
    tpu.enqueue_indirect_dma source(%dma_start3A_43 : memref<10240x128xf32, #tpu.memory_space<hbm>>) target(%arg9 : memref<128x128xf32, #tpu.memory_space<vmem>>) offsets(%dma_start3A_40 : memref<128xi32, #tpu.memory_space<vmem>>) semaphore(%arg12 : memref<!tpu.dma_semaphore, #tpu.memory_space<semaphore_mem>>)
    %dma_start3A_44 = arith.constant 1 : i32
    %dma_start3A_45 = arith.constant 0 : i32
    %dma_start3A_46 = tpu.memref_slice %arg7[%dma_start3A_44, %dma_start3A_45] : memref<40x128xi32, #tpu.memory_space<vmem>> -> memref<1x128xi32, #tpu.memory_space<vmem>>
    %dma_start3A_47 = tpu.memref_squeeze %dma_start3A_46 : memref<1x128xi32, #tpu.memory_space<vmem>> -> memref<128xi32, #tpu.memory_space<vmem>>
    %dma_start3A_48 = arith.constant 0 : i32
    %dma_start3A_49 = arith.constant 0 : i32
    %dma_start3A_50 = tpu.memref_slice %arg2[%dma_start3A_48, %dma_start3A_49] : memref<10240x128xf32, #tpu.memory_space<hbm>> -> memref<10240x128xf32, #tpu.memory_space<hbm>>
    tpu.enqueue_indirect_dma source(%dma_start3A_50 : memref<10240x128xf32, #tpu.memory_space<hbm>>) target(%arg10 : memref<128x128xf32, #tpu.memory_space<vmem>>) offsets(%dma_start3A_47 : memref<128xi32, #tpu.memory_space<vmem>>) semaphore(%arg13 : memref<!tpu.dma_semaphore, #tpu.memory_space<semaphore_mem>>)
    %scan3A_51 = arith.constant 0 : i32
    %scan3A_52 = arith.constant 20 : i32
    %scan3A_53 = arith.addi %scan3A_51, %scan3A_52 : i32
    %scan3A_54 = arith.constant 1 : i32
    scf.for %scan3A_61 = %scan3A_51 to %scan3A_53 step %scan3A_54  : i32 {
      %mul3A_62 = arith.constant 2 : i32
      %mul3A_63 = arith.muli %scan3A_61, %mul3A_62 : i32
      %add3A_64 = arith.constant 0 : i32
      %add3A_65 = arith.addi %add3A_64, %mul3A_63 : i32
      %dma_wait3A_66 = arith.constant 0 : i32
      %dma_wait3A_67 = arith.constant 0 : i32
      %dma_wait3A_68 = tpu.memref_slice %arg2[%dma_wait3A_66, %dma_wait3A_67] : memref<10240x128xf32, #tpu.memory_space<hbm>> -> memref<128x128xf32, #tpu.memory_space<hbm>>
      %dma_wait3A_69 = arith.constant 0 : i32
      %dma_wait3A_70 = arith.constant 0 : i32
      %dma_wait3A_71 = tpu.memref_slice %arg2[%dma_wait3A_69, %dma_wait3A_70] : memref<10240x128xf32, #tpu.memory_space<hbm>> -> memref<128x128xf32, #tpu.memory_space<hbm>>
      tpu.wait_dma2 semaphore(%arg12 : memref<!tpu.dma_semaphore, #tpu.memory_space<semaphore_mem>>) src(%dma_wait3A_71 : memref<128x128xf32, #tpu.memory_space<hbm>>) dst(%arg9 : memref<128x128xf32, #tpu.memory_space<vmem>>)
      "tpu.region"() ({
        %run_scoped3A = tpu.sem_alloc : memref<!tpu.dma_semaphore, #tpu.memory_space<semaphore_mem>>
        %dma_start3A_91 = arith.constant 0 : i32
        %dma_start3A_92 = tpu.memref_slice %arg8[%add3A_65, %dma_start3A_91] : memref<40x128xi32, #tpu.memory_space<vmem>> -> memref<1x128xi32, #tpu.memory_space<vmem>>
        %dma_start3A_93 = tpu.memref_squeeze %dma_start3A_92 : memref<1x128xi32, #tpu.memory_space<vmem>> -> memref<128xi32, #tpu.memory_space<vmem>>
        %dma_start3A_94 = arith.constant 0 : i32
        %dma_start3A_95 = arith.constant 0 : i32
        %dma_start3A_96 = tpu.memref_slice %arg11[%dma_start3A_94, %dma_start3A_95] : memref<10240x128xf32, #tpu.memory_space<vmem_shared>> -> memref<10240x128xf32, #tpu.memory_space<vmem_shared>>
        tpu.enqueue_indirect_dma source(%arg9 : memref<128x128xf32, #tpu.memory_space<vmem>>) target(%dma_start3A_96 : memref<10240x128xf32, #tpu.memory_space<vmem_shared>>) offsets(%dma_start3A_93 : memref<128xi32, #tpu.memory_space<vmem>>) semaphore(%run_scoped3A : memref<!tpu.dma_semaphore, #tpu.memory_space<semaphore_mem>>) {add = true}
        %dma_wait3A_97 = arith.constant 0 : i32
        %dma_wait3A_98 = tpu.memref_slice %arg8[%add3A_65, %dma_wait3A_97] : memref<40x128xi32, #tpu.memory_space<vmem>> -> memref<1x128xi32, #tpu.memory_space<vmem>>
        %dma_wait3A_99 = tpu.memref_squeeze %dma_wait3A_98 : memref<1x128xi32, #tpu.memory_space<vmem>> -> memref<128xi32, #tpu.memory_space<vmem>>
        %dma_wait3A_100 = arith.constant 0 : i32
        %dma_wait3A_101 = arith.constant 0 : i32
        %dma_wait3A_102 = tpu.memref_slice %arg11[%dma_wait3A_100, %dma_wait3A_101] : memref<10240x128xf32, #tpu.memory_space<vmem_shared>> -> memref<10240x128xf32, #tpu.memory_space<vmem_shared>>
        tpu.wait_indirect_dma semaphore(%run_scoped3A : memref<!tpu.dma_semaphore, #tpu.memory_space<semaphore_mem>>) src(%arg9 : memref<128x128xf32, #tpu.memory_space<vmem>>) dst(%dma_wait3A_102 : memref<10240x128xf32, #tpu.memory_space<vmem_shared>>)
        tpu.yield
      }) : () -> ()
      %add3A_72 = arith.constant 2 : i32
      %add3A_73 = arith.addi %add3A_65, %add3A_72 : i32
      %lt3A = arith.constant 40 : i32
      %lt3A_74 = arith.cmpi slt, %add3A_73, %lt3A : i32
      %convert_element_type3A = arith.extui %lt3A_74 : i1 to i32
      %cond3A = arith.constant 0 : i32
      %cond3A_75 = arith.cmpi ne, %convert_element_type3A, %cond3A : i32
      scf.if %cond3A_75 {
        %add3A_91 = arith.constant 2 : i32
        %add3A_92 = arith.addi %add3A_65, %add3A_91 : i32
        %dma_start3A_93 = arith.constant 0 : i32
        %dma_start3A_94 = tpu.memref_slice %arg7[%add3A_92, %dma_start3A_93] : memref<40x128xi32, #tpu.memory_space<vmem>> -> memref<1x128xi32, #tpu.memory_space<vmem>>
        %dma_start3A_95 = tpu.memref_squeeze %dma_start3A_94 : memref<1x128xi32, #tpu.memory_space<vmem>> -> memref<128xi32, #tpu.memory_space<vmem>>
        %dma_start3A_96 = arith.constant 0 : i32
        %dma_start3A_97 = arith.constant 0 : i32
        %dma_start3A_98 = tpu.memref_slice %arg2[%dma_start3A_96, %dma_start3A_97] : memref<10240x128xf32, #tpu.memory_space<hbm>> -> memref<10240x128xf32, #tpu.memory_space<hbm>>
        tpu.enqueue_indirect_dma source(%dma_start3A_98 : memref<10240x128xf32, #tpu.memory_space<hbm>>) target(%arg9 : memref<128x128xf32, #tpu.memory_space<vmem>>) offsets(%dma_start3A_95 : memref<128xi32, #tpu.memory_space<vmem>>) semaphore(%arg12 : memref<!tpu.dma_semaphore, #tpu.memory_space<semaphore_mem>>)
      } else {
      }
      %dma_wait3A_76 = arith.constant 0 : i32
      %dma_wait3A_77 = arith.constant 0 : i32
      %dma_wait3A_78 = tpu.memref_slice %arg2[%dma_wait3A_76, %dma_wait3A_77] : memref<10240x128xf32, #tpu.memory_space<hbm>> -> memref<128x128xf32, #tpu.memory_space<hbm>>
      %dma_wait3A_79 = arith.constant 0 : i32
      %dma_wait3A_80 = arith.constant 0 : i32
      %dma_wait3A_81 = tpu.memref_slice %arg2[%dma_wait3A_79, %dma_wait3A_80] : memref<10240x128xf32, #tpu.memory_space<hbm>> -> memref<128x128xf32, #tpu.memory_space<hbm>>
      tpu.wait_dma2 semaphore(%arg13 : memref<!tpu.dma_semaphore, #tpu.memory_space<semaphore_mem>>) src(%dma_wait3A_81 : memref<128x128xf32, #tpu.memory_space<hbm>>) dst(%arg10 : memref<128x128xf32, #tpu.memory_space<vmem>>)
      %add3A_82 = arith.constant 1 : i32
      %add3A_83 = arith.addi %add3A_65, %add3A_82 : i32
      "tpu.region"() ({
        %run_scoped3A = tpu.sem_alloc : memref<!tpu.dma_semaphore, #tpu.memory_space<semaphore_mem>>
        %dma_start3A_91 = arith.constant 0 : i32
        %dma_start3A_92 = tpu.memref_slice %arg8[%add3A_83, %dma_start3A_91] : memref<40x128xi32, #tpu.memory_space<vmem>> -> memref<1x128xi32, #tpu.memory_space<vmem>>
        %dma_start3A_93 = tpu.memref_squeeze %dma_start3A_92 : memref<1x128xi32, #tpu.memory_space<vmem>> -> memref<128xi32, #tpu.memory_space<vmem>>
        %dma_start3A_94 = arith.constant 0 : i32
        %dma_start3A_95 = arith.constant 0 : i32
        %dma_start3A_96 = tpu.memref_slice %arg11[%dma_start3A_94, %dma_start3A_95] : memref<10240x128xf32, #tpu.memory_space<vmem_shared>> -> memref<10240x128xf32, #tpu.memory_space<vmem_shared>>
        tpu.enqueue_indirect_dma source(%arg10 : memref<128x128xf32, #tpu.memory_space<vmem>>) target(%dma_start3A_96 : memref<10240x128xf32, #tpu.memory_space<vmem_shared>>) offsets(%dma_start3A_93 : memref<128xi32, #tpu.memory_space<vmem>>) semaphore(%run_scoped3A : memref<!tpu.dma_semaphore, #tpu.memory_space<semaphore_mem>>) {add = true}
        %dma_wait3A_97 = arith.constant 0 : i32
        %dma_wait3A_98 = tpu.memref_slice %arg8[%add3A_83, %dma_wait3A_97] : memref<40x128xi32, #tpu.memory_space<vmem>> -> memref<1x128xi32, #tpu.memory_space<vmem>>
        %dma_wait3A_99 = tpu.memref_squeeze %dma_wait3A_98 : memref<1x128xi32, #tpu.memory_space<vmem>> -> memref<128xi32, #tpu.memory_space<vmem>>
        %dma_wait3A_100 = arith.constant 0 : i32
        %dma_wait3A_101 = arith.constant 0 : i32
        %dma_wait3A_102 = tpu.memref_slice %arg11[%dma_wait3A_100, %dma_wait3A_101] : memref<10240x128xf32, #tpu.memory_space<vmem_shared>> -> memref<10240x128xf32, #tpu.memory_space<vmem_shared>>
        tpu.wait_indirect_dma semaphore(%run_scoped3A : memref<!tpu.dma_semaphore, #tpu.memory_space<semaphore_mem>>) src(%arg10 : memref<128x128xf32, #tpu.memory_space<vmem>>) dst(%dma_wait3A_102 : memref<10240x128xf32, #tpu.memory_space<vmem_shared>>)
        tpu.yield
      }) : () -> ()
      %add3A_84 = arith.constant 3 : i32
      %add3A_85 = arith.addi %add3A_65, %add3A_84 : i32
      %lt3A_86 = arith.constant 40 : i32
      %lt3A_87 = arith.cmpi slt, %add3A_85, %lt3A_86 : i32
      %convert_element_type3A_88 = arith.extui %lt3A_87 : i1 to i32
      %cond3A_89 = arith.constant 0 : i32
      %cond3A_90 = arith.cmpi ne, %convert_element_type3A_88, %cond3A_89 : i32
      scf.if %cond3A_90 {
        %add3A_91 = arith.constant 3 : i32
        %add3A_92 = arith.addi %add3A_65, %add3A_91 : i32
        %dma_start3A_93 = arith.constant 0 : i32
        %dma_start3A_94 = tpu.memref_slice %arg7[%add3A_92, %dma_start3A_93] : memref<40x128xi32, #tpu.memory_space<vmem>> -> memref<1x128xi32, #tpu.memory_space<vmem>>
        %dma_start3A_95 = tpu.memref_squeeze %dma_start3A_94 : memref<1x128xi32, #tpu.memory_space<vmem>> -> memref<128xi32, #tpu.memory_space<vmem>>
        %dma_start3A_96 = arith.constant 0 : i32
        %dma_start3A_97 = arith.constant 0 : i32
        %dma_start3A_98 = tpu.memref_slice %arg2[%dma_start3A_96, %dma_start3A_97] : memref<10240x128xf32, #tpu.memory_space<hbm>> -> memref<10240x128xf32, #tpu.memory_space<hbm>>
        tpu.enqueue_indirect_dma source(%dma_start3A_98 : memref<10240x128xf32, #tpu.memory_space<hbm>>) target(%arg10 : memref<128x128xf32, #tpu.memory_space<vmem>>) offsets(%dma_start3A_95 : memref<128xi32, #tpu.memory_space<vmem>>) semaphore(%arg13 : memref<!tpu.dma_semaphore, #tpu.memory_space<semaphore_mem>>)
      } else {
      }
    }
    %scan3A_55 = arith.constant 20 : i32
    %barrier3A_56 = arith.constant 0 : index
    tpu.barrier barrier_id(%barrier3A_56)
    %mul3A_57 = arith.constant 640 : i32
    %mul3A_58 = arith.muli %arg1, %mul3A_57 : i32
    %mul3A_59 = arith.constant 640 : i32
    %mul3A_60 = arith.muli %arg1, %mul3A_59 : i32
    "tpu.region"() ({
      %run_scoped3A = tpu.sem_alloc : memref<!tpu.dma_semaphore, #tpu.memory_space<semaphore_mem>>
      %dma_start3A_61 = arith.constant 0 : i32
      %dma_start3A_62 = tpu.memref_slice %arg6[%arg0, %mul3A_60, %dma_start3A_61] : memref<2x10240x128xf32, #tpu.memory_space<hbm>> -> memref<1x640x128xf32, #tpu.memory_space<hbm>>
      %dma_start3A_63 = tpu.memref_squeeze %dma_start3A_62 : memref<1x640x128xf32, #tpu.memory_space<hbm>> -> memref<640x128xf32, #tpu.memory_space<hbm>>
      %dma_start3A_64 = arith.constant 0 : i32
      %dma_start3A_65 = tpu.memref_slice %arg11[%mul3A_58, %dma_start3A_64] : memref<10240x128xf32, #tpu.memory_space<vmem_shared>> -> memref<640x128xf32, #tpu.memory_space<vmem_shared>>
      tpu.enqueue_dma source(%dma_start3A_65 : memref<640x128xf32, #tpu.memory_space<vmem_shared>>) target(%dma_start3A_63 : memref<640x128xf32, #tpu.memory_space<hbm>>) target_semaphore(%run_scoped3A : memref<!tpu.dma_semaphore, #tpu.memory_space<semaphore_mem>>)
      %dma_wait3A_66 = arith.constant 0 : i32
      %dma_wait3A_67 = tpu.memref_slice %arg6[%arg0, %mul3A_60, %dma_wait3A_66] : memref<2x10240x128xf32, #tpu.memory_space<hbm>> -> memref<1x640x128xf32, #tpu.memory_space<hbm>>
      %dma_wait3A_68 = tpu.memref_squeeze %dma_wait3A_67 : memref<1x640x128xf32, #tpu.memory_space<hbm>> -> memref<640x128xf32, #tpu.memory_space<hbm>>
      %dma_wait3A_69 = arith.constant 0 : i32
      %dma_wait3A_70 = tpu.memref_slice %arg11[%mul3A_58, %dma_wait3A_69] : memref<10240x128xf32, #tpu.memory_space<vmem_shared>> -> memref<640x128xf32, #tpu.memory_space<vmem_shared>>
      tpu.wait_dma2 semaphore(%run_scoped3A : memref<!tpu.dma_semaphore, #tpu.memory_space<semaphore_mem>>) src(%dma_wait3A_70 : memref<640x128xf32, #tpu.memory_space<vmem_shared>>) dst(%dma_wait3A_68 : memref<640x128xf32, #tpu.memory_space<hbm>>)
      tpu.yield
    }) : () -> ()
    return
  }
}

#map = affine_map<(d0, d1) -> (0, 0)>
#map1 = affine_map<(d0, d1) -> (0, 0, 0)>
module attributes {stable_mosaic.version = 14 : i64} {
  func.func @_agg_body(%arg0: i32, %arg1: i32, %arg2: memref<10240x128xf32, #tpu.memory_space<hbm>>, %arg3: memref<2560x128xi32, #tpu.memory_space<hbm>>, %arg4: memref<2560x128xi32, #tpu.memory_space<hbm>>, %arg5: memref<640x128xf32, #tpu.memory_space<hbm>>, %arg6: memref<2x10240x128xf32, #tpu.memory_space<hbm>>, %arg7: memref<40x128xi32, #tpu.memory_space<vmem>>, %arg8: memref<40x128xi32, #tpu.memory_space<vmem>>, %arg9: memref<128x128xf32, #tpu.memory_space<vmem>>, %arg10: memref<128x128xf32, #tpu.memory_space<vmem>>, %arg11: memref<10240x128xf32, #tpu.memory_space<vmem_shared>>, %arg12: memref<!tpu.dma_semaphore, #tpu.memory_space<semaphore_mem>>, %arg13: memref<!tpu.dma_semaphore, #tpu.memory_space<semaphore_mem>>) attributes {dimension_semantics = [#tpu.dimension_semantics<core_parallel>, #tpu.dimension_semantics<subcore_parallel>], iteration_bounds = array<i64: 2, 16>, scalar_prefetch = 0 : i64, scratch_operands = 7 : i64, tpu.core_type = #tpu.core_type<sc_vector_subcore>, window_params = [{transform_indices = #map}, {transform_indices = #map}, {transform_indices = #map}, {transform_indices = #map}, {transform_indices = #map1}]} {
    %mul3A = arith.constant 16 : i32
    %mul3A_0 = arith.muli %arg0, %mul3A : i32
    %add3A = arith.addi %mul3A_0, %arg1 : i32
    %mul3A_1 = arith.constant 640 : i32
    %mul3A_2 = arith.muli %arg1, %mul3A_1 : i32
    %dma_start3A = arith.constant 0 : i32
    %dma_start3A_3 = tpu.memref_slice %arg11[%mul3A_2, %dma_start3A] : memref<10240x128xf32, #tpu.memory_space<vmem_shared>> -> memref<640x128xf32, #tpu.memory_space<vmem_shared>>
    tpu.enqueue_dma source(%arg5 : memref<640x128xf32, #tpu.memory_space<hbm>>) target(%dma_start3A_3 : memref<640x128xf32, #tpu.memory_space<vmem_shared>>) target_semaphore(%arg12 : memref<!tpu.dma_semaphore, #tpu.memory_space<semaphore_mem>>)
    %mul3A_4 = arith.constant 80 : i32
    %mul3A_5 = arith.muli %add3A, %mul3A_4 : i32
    "tpu.region"() ({
      %run_scoped3A = tpu.sem_alloc : memref<!tpu.dma_semaphore, #tpu.memory_space<semaphore_mem>>
      %dma_start3A_61 = arith.constant 0 : i32
      %dma_start3A_62 = tpu.memref_slice %arg3[%mul3A_5, %dma_start3A_61] : memref<2560x128xi32, #tpu.memory_space<hbm>> -> memref<40x128xi32, #tpu.memory_space<hbm>>
      %dma_start3A_63 = arith.constant 0 : i32
      %dma_start3A_64 = tpu.memref_slice %arg3[%mul3A_5, %dma_start3A_63] : memref<2560x128xi32, #tpu.memory_space<hbm>> -> memref<40x128xi32, #tpu.memory_space<hbm>>
      tpu.enqueue_dma source(%dma_start3A_64 : memref<40x128xi32, #tpu.memory_space<hbm>>) target(%arg7 : memref<40x128xi32, #tpu.memory_space<vmem>>) target_semaphore(%run_scoped3A : memref<!tpu.dma_semaphore, #tpu.memory_space<semaphore_mem>>)
      %dma_wait3A_65 = arith.constant 0 : i32
      %dma_wait3A_66 = tpu.memref_slice %arg3[%mul3A_5, %dma_wait3A_65] : memref<2560x128xi32, #tpu.memory_space<hbm>> -> memref<40x128xi32, #tpu.memory_space<hbm>>
      %dma_wait3A_67 = arith.constant 0 : i32
      %dma_wait3A_68 = tpu.memref_slice %arg3[%mul3A_5, %dma_wait3A_67] : memref<2560x128xi32, #tpu.memory_space<hbm>> -> memref<40x128xi32, #tpu.memory_space<hbm>>
      tpu.wait_dma2 semaphore(%run_scoped3A : memref<!tpu.dma_semaphore, #tpu.memory_space<semaphore_mem>>) src(%dma_wait3A_68 : memref<40x128xi32, #tpu.memory_space<hbm>>) dst(%arg7 : memref<40x128xi32, #tpu.memory_space<vmem>>)
      tpu.yield
    }) : () -> ()
    %mul3A_6 = arith.constant 80 : i32
    %mul3A_7 = arith.muli %add3A, %mul3A_6 : i32
    "tpu.region"() ({
      %run_scoped3A = tpu.sem_alloc : memref<!tpu.dma_semaphore, #tpu.memory_space<semaphore_mem>>
      %dma_start3A_61 = arith.constant 0 : i32
      %dma_start3A_62 = tpu.memref_slice %arg4[%mul3A_7, %dma_start3A_61] : memref<2560x128xi32, #tpu.memory_space<hbm>> -> memref<40x128xi32, #tpu.memory_space<hbm>>
      %dma_start3A_63 = arith.constant 0 : i32
      %dma_start3A_64 = tpu.memref_slice %arg4[%mul3A_7, %dma_start3A_63] : memref<2560x128xi32, #tpu.memory_space<hbm>> -> memref<40x128xi32, #tpu.memory_space<hbm>>
      tpu.enqueue_dma source(%dma_start3A_64 : memref<40x128xi32, #tpu.memory_space<hbm>>) target(%arg8 : memref<40x128xi32, #tpu.memory_space<vmem>>) target_semaphore(%run_scoped3A : memref<!tpu.dma_semaphore, #tpu.memory_space<semaphore_mem>>)
      %dma_wait3A_65 = arith.constant 0 : i32
      %dma_wait3A_66 = tpu.memref_slice %arg4[%mul3A_7, %dma_wait3A_65] : memref<2560x128xi32, #tpu.memory_space<hbm>> -> memref<40x128xi32, #tpu.memory_space<hbm>>
      %dma_wait3A_67 = arith.constant 0 : i32
      %dma_wait3A_68 = tpu.memref_slice %arg4[%mul3A_7, %dma_wait3A_67] : memref<2560x128xi32, #tpu.memory_space<hbm>> -> memref<40x128xi32, #tpu.memory_space<hbm>>
      tpu.wait_dma2 semaphore(%run_scoped3A : memref<!tpu.dma_semaphore, #tpu.memory_space<semaphore_mem>>) src(%dma_wait3A_68 : memref<40x128xi32, #tpu.memory_space<hbm>>) dst(%arg8 : memref<40x128xi32, #tpu.memory_space<vmem>>)
      tpu.yield
    }) : () -> ()
    %mul3A_8 = arith.constant 640 : i32
    %mul3A_9 = arith.muli %arg1, %mul3A_8 : i32
    %dma_wait3A = arith.constant 0 : i32
    %dma_wait3A_10 = tpu.memref_slice %arg11[%mul3A_9, %dma_wait3A] : memref<10240x128xf32, #tpu.memory_space<vmem_shared>> -> memref<640x128xf32, #tpu.memory_space<vmem_shared>>
    tpu.wait_dma2 semaphore(%arg12 : memref<!tpu.dma_semaphore, #tpu.memory_space<semaphore_mem>>) src(%arg5 : memref<640x128xf32, #tpu.memory_space<hbm>>) dst(%dma_wait3A_10 : memref<640x128xf32, #tpu.memory_space<vmem_shared>>)
    %barrier3A = arith.constant 0 : index
    tpu.barrier barrier_id(%barrier3A)
    %dma_start3A_11 = arith.constant 0 : i32
    %dma_start3A_12 = arith.constant 0 : i32
    %dma_start3A_13 = tpu.memref_slice %arg7[%dma_start3A_11, %dma_start3A_12] : memref<40x128xi32, #tpu.memory_space<vmem>> -> memref<1x128xi32, #tpu.memory_space<vmem>>
    %dma_start3A_14 = tpu.memref_squeeze %dma_start3A_13 : memref<1x128xi32, #tpu.memory_space<vmem>> -> memref<128xi32, #tpu.memory_space<vmem>>
    %dma_start3A_15 = arith.constant 0 : i32
    %dma_start3A_16 = arith.constant 0 : i32
    %dma_start3A_17 = tpu.memref_slice %arg2[%dma_start3A_15, %dma_start3A_16] : memref<10240x128xf32, #tpu.memory_space<hbm>> -> memref<10240x128xf32, #tpu.memory_space<hbm>>
    tpu.enqueue_indirect_dma source(%dma_start3A_17 : memref<10240x128xf32, #tpu.memory_space<hbm>>) target(%arg9 : memref<128x128xf32, #tpu.memory_space<vmem>>) offsets(%dma_start3A_14 : memref<128xi32, #tpu.memory_space<vmem>>) semaphore(%arg12 : memref<!tpu.dma_semaphore, #tpu.memory_space<semaphore_mem>>)
    %dma_start3A_18 = arith.constant 1 : i32
    %dma_start3A_19 = arith.constant 0 : i32
    %dma_start3A_20 = tpu.memref_slice %arg7[%dma_start3A_18, %dma_start3A_19] : memref<40x128xi32, #tpu.memory_space<vmem>> -> memref<1x128xi32, #tpu.memory_space<vmem>>
    %dma_start3A_21 = tpu.memref_squeeze %dma_start3A_20 : memref<1x128xi32, #tpu.memory_space<vmem>> -> memref<128xi32, #tpu.memory_space<vmem>>
    %dma_start3A_22 = arith.constant 0 : i32
    %dma_start3A_23 = arith.constant 0 : i32
    %dma_start3A_24 = tpu.memref_slice %arg2[%dma_start3A_22, %dma_start3A_23] : memref<10240x128xf32, #tpu.memory_space<hbm>> -> memref<10240x128xf32, #tpu.memory_space<hbm>>
    tpu.enqueue_indirect_dma source(%dma_start3A_24 : memref<10240x128xf32, #tpu.memory_space<hbm>>) target(%arg10 : memref<128x128xf32, #tpu.memory_space<vmem>>) offsets(%dma_start3A_21 : memref<128xi32, #tpu.memory_space<vmem>>) semaphore(%arg13 : memref<!tpu.dma_semaphore, #tpu.memory_space<semaphore_mem>>)
    %scan3A = arith.constant 0 : i32
    %scan3A_25 = arith.constant 20 : i32
    %scan3A_26 = arith.addi %scan3A, %scan3A_25 : i32
    %scan3A_27 = arith.constant 1 : i32
    scf.for %scan3A_61 = %scan3A to %scan3A_26 step %scan3A_27  : i32 {
      %mul3A_62 = arith.constant 2 : i32
      %mul3A_63 = arith.muli %scan3A_61, %mul3A_62 : i32
      %add3A_64 = arith.constant 0 : i32
      %add3A_65 = arith.addi %add3A_64, %mul3A_63 : i32
      %dma_wait3A_66 = arith.constant 0 : i32
      %dma_wait3A_67 = arith.constant 0 : i32
      %dma_wait3A_68 = tpu.memref_slice %arg2[%dma_wait3A_66, %dma_wait3A_67] : memref<10240x128xf32, #tpu.memory_space<hbm>> -> memref<128x128xf32, #tpu.memory_space<hbm>>
      %dma_wait3A_69 = arith.constant 0 : i32
      %dma_wait3A_70 = arith.constant 0 : i32
      %dma_wait3A_71 = tpu.memref_slice %arg2[%dma_wait3A_69, %dma_wait3A_70] : memref<10240x128xf32, #tpu.memory_space<hbm>> -> memref<128x128xf32, #tpu.memory_space<hbm>>
      tpu.wait_dma2 semaphore(%arg12 : memref<!tpu.dma_semaphore, #tpu.memory_space<semaphore_mem>>) src(%dma_wait3A_71 : memref<128x128xf32, #tpu.memory_space<hbm>>) dst(%arg9 : memref<128x128xf32, #tpu.memory_space<vmem>>)
      "tpu.region"() ({
        %run_scoped3A = tpu.sem_alloc : memref<!tpu.dma_semaphore, #tpu.memory_space<semaphore_mem>>
        %dma_start3A_91 = arith.constant 0 : i32
        %dma_start3A_92 = tpu.memref_slice %arg8[%add3A_65, %dma_start3A_91] : memref<40x128xi32, #tpu.memory_space<vmem>> -> memref<1x128xi32, #tpu.memory_space<vmem>>
        %dma_start3A_93 = tpu.memref_squeeze %dma_start3A_92 : memref<1x128xi32, #tpu.memory_space<vmem>> -> memref<128xi32, #tpu.memory_space<vmem>>
        %dma_start3A_94 = arith.constant 0 : i32
        %dma_start3A_95 = arith.constant 0 : i32
        %dma_start3A_96 = tpu.memref_slice %arg11[%dma_start3A_94, %dma_start3A_95] : memref<10240x128xf32, #tpu.memory_space<vmem_shared>> -> memref<10240x128xf32, #tpu.memory_space<vmem_shared>>
        tpu.enqueue_indirect_dma source(%arg9 : memref<128x128xf32, #tpu.memory_space<vmem>>) target(%dma_start3A_96 : memref<10240x128xf32, #tpu.memory_space<vmem_shared>>) offsets(%dma_start3A_93 : memref<128xi32, #tpu.memory_space<vmem>>) semaphore(%run_scoped3A : memref<!tpu.dma_semaphore, #tpu.memory_space<semaphore_mem>>) {add = true}
        %dma_wait3A_97 = arith.constant 0 : i32
        %dma_wait3A_98 = tpu.memref_slice %arg8[%add3A_65, %dma_wait3A_97] : memref<40x128xi32, #tpu.memory_space<vmem>> -> memref<1x128xi32, #tpu.memory_space<vmem>>
        %dma_wait3A_99 = tpu.memref_squeeze %dma_wait3A_98 : memref<1x128xi32, #tpu.memory_space<vmem>> -> memref<128xi32, #tpu.memory_space<vmem>>
        %dma_wait3A_100 = arith.constant 0 : i32
        %dma_wait3A_101 = arith.constant 0 : i32
        %dma_wait3A_102 = tpu.memref_slice %arg11[%dma_wait3A_100, %dma_wait3A_101] : memref<10240x128xf32, #tpu.memory_space<vmem_shared>> -> memref<10240x128xf32, #tpu.memory_space<vmem_shared>>
        tpu.wait_indirect_dma semaphore(%run_scoped3A : memref<!tpu.dma_semaphore, #tpu.memory_space<semaphore_mem>>) src(%arg9 : memref<128x128xf32, #tpu.memory_space<vmem>>) dst(%dma_wait3A_102 : memref<10240x128xf32, #tpu.memory_space<vmem_shared>>)
        tpu.yield
      }) : () -> ()
      %add3A_72 = arith.constant 2 : i32
      %add3A_73 = arith.addi %add3A_65, %add3A_72 : i32
      %lt3A = arith.constant 40 : i32
      %lt3A_74 = arith.cmpi slt, %add3A_73, %lt3A : i32
      %convert_element_type3A = arith.extui %lt3A_74 : i1 to i32
      %cond3A = arith.constant 0 : i32
      %cond3A_75 = arith.cmpi ne, %convert_element_type3A, %cond3A : i32
      scf.if %cond3A_75 {
        %add3A_91 = arith.constant 2 : i32
        %add3A_92 = arith.addi %add3A_65, %add3A_91 : i32
        %dma_start3A_93 = arith.constant 0 : i32
        %dma_start3A_94 = tpu.memref_slice %arg7[%add3A_92, %dma_start3A_93] : memref<40x128xi32, #tpu.memory_space<vmem>> -> memref<1x128xi32, #tpu.memory_space<vmem>>
        %dma_start3A_95 = tpu.memref_squeeze %dma_start3A_94 : memref<1x128xi32, #tpu.memory_space<vmem>> -> memref<128xi32, #tpu.memory_space<vmem>>
        %dma_start3A_96 = arith.constant 0 : i32
        %dma_start3A_97 = arith.constant 0 : i32
        %dma_start3A_98 = tpu.memref_slice %arg2[%dma_start3A_96, %dma_start3A_97] : memref<10240x128xf32, #tpu.memory_space<hbm>> -> memref<10240x128xf32, #tpu.memory_space<hbm>>
        tpu.enqueue_indirect_dma source(%dma_start3A_98 : memref<10240x128xf32, #tpu.memory_space<hbm>>) target(%arg9 : memref<128x128xf32, #tpu.memory_space<vmem>>) offsets(%dma_start3A_95 : memref<128xi32, #tpu.memory_space<vmem>>) semaphore(%arg12 : memref<!tpu.dma_semaphore, #tpu.memory_space<semaphore_mem>>)
      } else {
      }
      %dma_wait3A_76 = arith.constant 0 : i32
      %dma_wait3A_77 = arith.constant 0 : i32
      %dma_wait3A_78 = tpu.memref_slice %arg2[%dma_wait3A_76, %dma_wait3A_77] : memref<10240x128xf32, #tpu.memory_space<hbm>> -> memref<128x128xf32, #tpu.memory_space<hbm>>
      %dma_wait3A_79 = arith.constant 0 : i32
      %dma_wait3A_80 = arith.constant 0 : i32
      %dma_wait3A_81 = tpu.memref_slice %arg2[%dma_wait3A_79, %dma_wait3A_80] : memref<10240x128xf32, #tpu.memory_space<hbm>> -> memref<128x128xf32, #tpu.memory_space<hbm>>
      tpu.wait_dma2 semaphore(%arg13 : memref<!tpu.dma_semaphore, #tpu.memory_space<semaphore_mem>>) src(%dma_wait3A_81 : memref<128x128xf32, #tpu.memory_space<hbm>>) dst(%arg10 : memref<128x128xf32, #tpu.memory_space<vmem>>)
      %add3A_82 = arith.constant 1 : i32
      %add3A_83 = arith.addi %add3A_65, %add3A_82 : i32
      "tpu.region"() ({
        %run_scoped3A = tpu.sem_alloc : memref<!tpu.dma_semaphore, #tpu.memory_space<semaphore_mem>>
        %dma_start3A_91 = arith.constant 0 : i32
        %dma_start3A_92 = tpu.memref_slice %arg8[%add3A_83, %dma_start3A_91] : memref<40x128xi32, #tpu.memory_space<vmem>> -> memref<1x128xi32, #tpu.memory_space<vmem>>
        %dma_start3A_93 = tpu.memref_squeeze %dma_start3A_92 : memref<1x128xi32, #tpu.memory_space<vmem>> -> memref<128xi32, #tpu.memory_space<vmem>>
        %dma_start3A_94 = arith.constant 0 : i32
        %dma_start3A_95 = arith.constant 0 : i32
        %dma_start3A_96 = tpu.memref_slice %arg11[%dma_start3A_94, %dma_start3A_95] : memref<10240x128xf32, #tpu.memory_space<vmem_shared>> -> memref<10240x128xf32, #tpu.memory_space<vmem_shared>>
        tpu.enqueue_indirect_dma source(%arg10 : memref<128x128xf32, #tpu.memory_space<vmem>>) target(%dma_start3A_96 : memref<10240x128xf32, #tpu.memory_space<vmem_shared>>) offsets(%dma_start3A_93 : memref<128xi32, #tpu.memory_space<vmem>>) semaphore(%run_scoped3A : memref<!tpu.dma_semaphore, #tpu.memory_space<semaphore_mem>>) {add = true}
        %dma_wait3A_97 = arith.constant 0 : i32
        %dma_wait3A_98 = tpu.memref_slice %arg8[%add3A_83, %dma_wait3A_97] : memref<40x128xi32, #tpu.memory_space<vmem>> -> memref<1x128xi32, #tpu.memory_space<vmem>>
        %dma_wait3A_99 = tpu.memref_squeeze %dma_wait3A_98 : memref<1x128xi32, #tpu.memory_space<vmem>> -> memref<128xi32, #tpu.memory_space<vmem>>
        %dma_wait3A_100 = arith.constant 0 : i32
        %dma_wait3A_101 = arith.constant 0 : i32
        %dma_wait3A_102 = tpu.memref_slice %arg11[%dma_wait3A_100, %dma_wait3A_101] : memref<10240x128xf32, #tpu.memory_space<vmem_shared>> -> memref<10240x128xf32, #tpu.memory_space<vmem_shared>>
        tpu.wait_indirect_dma semaphore(%run_scoped3A : memref<!tpu.dma_semaphore, #tpu.memory_space<semaphore_mem>>) src(%arg10 : memref<128x128xf32, #tpu.memory_space<vmem>>) dst(%dma_wait3A_102 : memref<10240x128xf32, #tpu.memory_space<vmem_shared>>)
        tpu.yield
      }) : () -> ()
      %add3A_84 = arith.constant 3 : i32
      %add3A_85 = arith.addi %add3A_65, %add3A_84 : i32
      %lt3A_86 = arith.constant 40 : i32
      %lt3A_87 = arith.cmpi slt, %add3A_85, %lt3A_86 : i32
      %convert_element_type3A_88 = arith.extui %lt3A_87 : i1 to i32
      %cond3A_89 = arith.constant 0 : i32
      %cond3A_90 = arith.cmpi ne, %convert_element_type3A_88, %cond3A_89 : i32
      scf.if %cond3A_90 {
        %add3A_91 = arith.constant 3 : i32
        %add3A_92 = arith.addi %add3A_65, %add3A_91 : i32
        %dma_start3A_93 = arith.constant 0 : i32
        %dma_start3A_94 = tpu.memref_slice %arg7[%add3A_92, %dma_start3A_93] : memref<40x128xi32, #tpu.memory_space<vmem>> -> memref<1x128xi32, #tpu.memory_space<vmem>>
        %dma_start3A_95 = tpu.memref_squeeze %dma_start3A_94 : memref<1x128xi32, #tpu.memory_space<vmem>> -> memref<128xi32, #tpu.memory_space<vmem>>
        %dma_start3A_96 = arith.constant 0 : i32
        %dma_start3A_97 = arith.constant 0 : i32
        %dma_start3A_98 = tpu.memref_slice %arg2[%dma_start3A_96, %dma_start3A_97] : memref<10240x128xf32, #tpu.memory_space<hbm>> -> memref<10240x128xf32, #tpu.memory_space<hbm>>
        tpu.enqueue_indirect_dma source(%dma_start3A_98 : memref<10240x128xf32, #tpu.memory_space<hbm>>) target(%arg10 : memref<128x128xf32, #tpu.memory_space<vmem>>) offsets(%dma_start3A_95 : memref<128xi32, #tpu.memory_space<vmem>>) semaphore(%arg13 : memref<!tpu.dma_semaphore, #tpu.memory_space<semaphore_mem>>)
      } else {
      }
    }
    %scan3A_28 = arith.constant 20 : i32
    %mul3A_29 = arith.constant 80 : i32
    %mul3A_30 = arith.muli %add3A, %mul3A_29 : i32
    %add3A_31 = arith.constant 40 : i32
    %add3A_32 = arith.addi %mul3A_30, %add3A_31 : i32
    "tpu.region"() ({
      %run_scoped3A = tpu.sem_alloc : memref<!tpu.dma_semaphore, #tpu.memory_space<semaphore_mem>>
      %dma_start3A_61 = arith.constant 0 : i32
      %dma_start3A_62 = tpu.memref_slice %arg3[%add3A_32, %dma_start3A_61] : memref<2560x128xi32, #tpu.memory_space<hbm>> -> memref<40x128xi32, #tpu.memory_space<hbm>>
      %dma_start3A_63 = arith.constant 0 : i32
      %dma_start3A_64 = tpu.memref_slice %arg3[%add3A_32, %dma_start3A_63] : memref<2560x128xi32, #tpu.memory_space<hbm>> -> memref<40x128xi32, #tpu.memory_space<hbm>>
      tpu.enqueue_dma source(%dma_start3A_64 : memref<40x128xi32, #tpu.memory_space<hbm>>) target(%arg7 : memref<40x128xi32, #tpu.memory_space<vmem>>) target_semaphore(%run_scoped3A : memref<!tpu.dma_semaphore, #tpu.memory_space<semaphore_mem>>)
      %dma_wait3A_65 = arith.constant 0 : i32
      %dma_wait3A_66 = tpu.memref_slice %arg3[%add3A_32, %dma_wait3A_65] : memref<2560x128xi32, #tpu.memory_space<hbm>> -> memref<40x128xi32, #tpu.memory_space<hbm>>
      %dma_wait3A_67 = arith.constant 0 : i32
      %dma_wait3A_68 = tpu.memref_slice %arg3[%add3A_32, %dma_wait3A_67] : memref<2560x128xi32, #tpu.memory_space<hbm>> -> memref<40x128xi32, #tpu.memory_space<hbm>>
      tpu.wait_dma2 semaphore(%run_scoped3A : memref<!tpu.dma_semaphore, #tpu.memory_space<semaphore_mem>>) src(%dma_wait3A_68 : memref<40x128xi32, #tpu.memory_space<hbm>>) dst(%arg7 : memref<40x128xi32, #tpu.memory_space<vmem>>)
      tpu.yield
    }) : () -> ()
    %mul3A_33 = arith.constant 80 : i32
    %mul3A_34 = arith.muli %add3A, %mul3A_33 : i32
    %add3A_35 = arith.constant 40 : i32
    %add3A_36 = arith.addi %mul3A_34, %add3A_35 : i32
    "tpu.region"() ({
      %run_scoped3A = tpu.sem_alloc : memref<!tpu.dma_semaphore, #tpu.memory_space<semaphore_mem>>
      %dma_start3A_61 = arith.constant 0 : i32
      %dma_start3A_62 = tpu.memref_slice %arg4[%add3A_36, %dma_start3A_61] : memref<2560x128xi32, #tpu.memory_space<hbm>> -> memref<40x128xi32, #tpu.memory_space<hbm>>
      %dma_start3A_63 = arith.constant 0 : i32
      %dma_start3A_64 = tpu.memref_slice %arg4[%add3A_36, %dma_start3A_63] : memref<2560x128xi32, #tpu.memory_space<hbm>> -> memref<40x128xi32, #tpu.memory_space<hbm>>
      tpu.enqueue_dma source(%dma_start3A_64 : memref<40x128xi32, #tpu.memory_space<hbm>>) target(%arg8 : memref<40x128xi32, #tpu.memory_space<vmem>>) target_semaphore(%run_scoped3A : memref<!tpu.dma_semaphore, #tpu.memory_space<semaphore_mem>>)
      %dma_wait3A_65 = arith.constant 0 : i32
      %dma_wait3A_66 = tpu.memref_slice %arg4[%add3A_36, %dma_wait3A_65] : memref<2560x128xi32, #tpu.memory_space<hbm>> -> memref<40x128xi32, #tpu.memory_space<hbm>>
      %dma_wait3A_67 = arith.constant 0 : i32
      %dma_wait3A_68 = tpu.memref_slice %arg4[%add3A_36, %dma_wait3A_67] : memref<2560x128xi32, #tpu.memory_space<hbm>> -> memref<40x128xi32, #tpu.memory_space<hbm>>
      tpu.wait_dma2 semaphore(%run_scoped3A : memref<!tpu.dma_semaphore, #tpu.memory_space<semaphore_mem>>) src(%dma_wait3A_68 : memref<40x128xi32, #tpu.memory_space<hbm>>) dst(%arg8 : memref<40x128xi32, #tpu.memory_space<vmem>>)
      tpu.yield
    }) : () -> ()
    %dma_start3A_37 = arith.constant 0 : i32
    %dma_start3A_38 = arith.constant 0 : i32
    %dma_start3A_39 = tpu.memref_slice %arg7[%dma_start3A_37, %dma_start3A_38] : memref<40x128xi32, #tpu.memory_space<vmem>> -> memref<1x128xi32, #tpu.memory_space<vmem>>
    %dma_start3A_40 = tpu.memref_squeeze %dma_start3A_39 : memref<1x128xi32, #tpu.memory_space<vmem>> -> memref<128xi32, #tpu.memory_space<vmem>>
    %dma_start3A_41 = arith.constant 0 : i32
    %dma_start3A_42 = arith.constant 0 : i32
    %dma_start3A_43 = tpu.memref_slice %arg2[%dma_start3A_41, %dma_start3A_42] : memref<10240x128xf32, #tpu.memory_space<hbm>> -> memref<10240x128xf32, #tpu.memory_space<hbm>>
    tpu.enqueue_indirect_dma source(%dma_start3A_43 : memref<10240x128xf32, #tpu.memory_space<hbm>>) target(%arg9 : memref<128x128xf32, #tpu.memory_space<vmem>>) offsets(%dma_start3A_40 : memref<128xi32, #tpu.memory_space<vmem>>) semaphore(%arg12 : memref<!tpu.dma_semaphore, #tpu.memory_space<semaphore_mem>>)
    %dma_start3A_44 = arith.constant 1 : i32
    %dma_start3A_45 = arith.constant 0 : i32
    %dma_start3A_46 = tpu.memref_slice %arg7[%dma_start3A_44, %dma_start3A_45] : memref<40x128xi32, #tpu.memory_space<vmem>> -> memref<1x128xi32, #tpu.memory_space<vmem>>
    %dma_start3A_47 = tpu.memref_squeeze %dma_start3A_46 : memref<1x128xi32, #tpu.memory_space<vmem>> -> memref<128xi32, #tpu.memory_space<vmem>>
    %dma_start3A_48 = arith.constant 0 : i32
    %dma_start3A_49 = arith.constant 0 : i32
    %dma_start3A_50 = tpu.memref_slice %arg2[%dma_start3A_48, %dma_start3A_49] : memref<10240x128xf32, #tpu.memory_space<hbm>> -> memref<10240x128xf32, #tpu.memory_space<hbm>>
    tpu.enqueue_indirect_dma source(%dma_start3A_50 : memref<10240x128xf32, #tpu.memory_space<hbm>>) target(%arg10 : memref<128x128xf32, #tpu.memory_space<vmem>>) offsets(%dma_start3A_47 : memref<128xi32, #tpu.memory_space<vmem>>) semaphore(%arg13 : memref<!tpu.dma_semaphore, #tpu.memory_space<semaphore_mem>>)
    %scan3A_51 = arith.constant 0 : i32
    %scan3A_52 = arith.constant 20 : i32
    %scan3A_53 = arith.addi %scan3A_51, %scan3A_52 : i32
    %scan3A_54 = arith.constant 1 : i32
    scf.for %scan3A_61 = %scan3A_51 to %scan3A_53 step %scan3A_54  : i32 {
      %mul3A_62 = arith.constant 2 : i32
      %mul3A_63 = arith.muli %scan3A_61, %mul3A_62 : i32
      %add3A_64 = arith.constant 0 : i32
      %add3A_65 = arith.addi %add3A_64, %mul3A_63 : i32
      %dma_wait3A_66 = arith.constant 0 : i32
      %dma_wait3A_67 = arith.constant 0 : i32
      %dma_wait3A_68 = tpu.memref_slice %arg2[%dma_wait3A_66, %dma_wait3A_67] : memref<10240x128xf32, #tpu.memory_space<hbm>> -> memref<128x128xf32, #tpu.memory_space<hbm>>
      %dma_wait3A_69 = arith.constant 0 : i32
      %dma_wait3A_70 = arith.constant 0 : i32
      %dma_wait3A_71 = tpu.memref_slice %arg2[%dma_wait3A_69, %dma_wait3A_70] : memref<10240x128xf32, #tpu.memory_space<hbm>> -> memref<128x128xf32, #tpu.memory_space<hbm>>
      tpu.wait_dma2 semaphore(%arg12 : memref<!tpu.dma_semaphore, #tpu.memory_space<semaphore_mem>>) src(%dma_wait3A_71 : memref<128x128xf32, #tpu.memory_space<hbm>>) dst(%arg9 : memref<128x128xf32, #tpu.memory_space<vmem>>)
      "tpu.region"() ({
        %run_scoped3A = tpu.sem_alloc : memref<!tpu.dma_semaphore, #tpu.memory_space<semaphore_mem>>
        %dma_start3A_91 = arith.constant 0 : i32
        %dma_start3A_92 = tpu.memref_slice %arg8[%add3A_65, %dma_start3A_91] : memref<40x128xi32, #tpu.memory_space<vmem>> -> memref<1x128xi32, #tpu.memory_space<vmem>>
        %dma_start3A_93 = tpu.memref_squeeze %dma_start3A_92 : memref<1x128xi32, #tpu.memory_space<vmem>> -> memref<128xi32, #tpu.memory_space<vmem>>
        %dma_start3A_94 = arith.constant 0 : i32
        %dma_start3A_95 = arith.constant 0 : i32
        %dma_start3A_96 = tpu.memref_slice %arg11[%dma_start3A_94, %dma_start3A_95] : memref<10240x128xf32, #tpu.memory_space<vmem_shared>> -> memref<10240x128xf32, #tpu.memory_space<vmem_shared>>
        tpu.enqueue_indirect_dma source(%arg9 : memref<128x128xf32, #tpu.memory_space<vmem>>) target(%dma_start3A_96 : memref<10240x128xf32, #tpu.memory_space<vmem_shared>>) offsets(%dma_start3A_93 : memref<128xi32, #tpu.memory_space<vmem>>) semaphore(%run_scoped3A : memref<!tpu.dma_semaphore, #tpu.memory_space<semaphore_mem>>) {add = true}
        %dma_wait3A_97 = arith.constant 0 : i32
        %dma_wait3A_98 = tpu.memref_slice %arg8[%add3A_65, %dma_wait3A_97] : memref<40x128xi32, #tpu.memory_space<vmem>> -> memref<1x128xi32, #tpu.memory_space<vmem>>
        %dma_wait3A_99 = tpu.memref_squeeze %dma_wait3A_98 : memref<1x128xi32, #tpu.memory_space<vmem>> -> memref<128xi32, #tpu.memory_space<vmem>>
        %dma_wait3A_100 = arith.constant 0 : i32
        %dma_wait3A_101 = arith.constant 0 : i32
        %dma_wait3A_102 = tpu.memref_slice %arg11[%dma_wait3A_100, %dma_wait3A_101] : memref<10240x128xf32, #tpu.memory_space<vmem_shared>> -> memref<10240x128xf32, #tpu.memory_space<vmem_shared>>
        tpu.wait_indirect_dma semaphore(%run_scoped3A : memref<!tpu.dma_semaphore, #tpu.memory_space<semaphore_mem>>) src(%arg9 : memref<128x128xf32, #tpu.memory_space<vmem>>) dst(%dma_wait3A_102 : memref<10240x128xf32, #tpu.memory_space<vmem_shared>>)
        tpu.yield
      }) : () -> ()
      %add3A_72 = arith.constant 2 : i32
      %add3A_73 = arith.addi %add3A_65, %add3A_72 : i32
      %lt3A = arith.constant 40 : i32
      %lt3A_74 = arith.cmpi slt, %add3A_73, %lt3A : i32
      %convert_element_type3A = arith.extui %lt3A_74 : i1 to i32
      %cond3A = arith.constant 0 : i32
      %cond3A_75 = arith.cmpi ne, %convert_element_type3A, %cond3A : i32
      scf.if %cond3A_75 {
        %add3A_91 = arith.constant 2 : i32
        %add3A_92 = arith.addi %add3A_65, %add3A_91 : i32
        %dma_start3A_93 = arith.constant 0 : i32
        %dma_start3A_94 = tpu.memref_slice %arg7[%add3A_92, %dma_start3A_93] : memref<40x128xi32, #tpu.memory_space<vmem>> -> memref<1x128xi32, #tpu.memory_space<vmem>>
        %dma_start3A_95 = tpu.memref_squeeze %dma_start3A_94 : memref<1x128xi32, #tpu.memory_space<vmem>> -> memref<128xi32, #tpu.memory_space<vmem>>
        %dma_start3A_96 = arith.constant 0 : i32
        %dma_start3A_97 = arith.constant 0 : i32
        %dma_start3A_98 = tpu.memref_slice %arg2[%dma_start3A_96, %dma_start3A_97] : memref<10240x128xf32, #tpu.memory_space<hbm>> -> memref<10240x128xf32, #tpu.memory_space<hbm>>
        tpu.enqueue_indirect_dma source(%dma_start3A_98 : memref<10240x128xf32, #tpu.memory_space<hbm>>) target(%arg9 : memref<128x128xf32, #tpu.memory_space<vmem>>) offsets(%dma_start3A_95 : memref<128xi32, #tpu.memory_space<vmem>>) semaphore(%arg12 : memref<!tpu.dma_semaphore, #tpu.memory_space<semaphore_mem>>)
      } else {
      }
      %dma_wait3A_76 = arith.constant 0 : i32
      %dma_wait3A_77 = arith.constant 0 : i32
      %dma_wait3A_78 = tpu.memref_slice %arg2[%dma_wait3A_76, %dma_wait3A_77] : memref<10240x128xf32, #tpu.memory_space<hbm>> -> memref<128x128xf32, #tpu.memory_space<hbm>>
      %dma_wait3A_79 = arith.constant 0 : i32
      %dma_wait3A_80 = arith.constant 0 : i32
      %dma_wait3A_81 = tpu.memref_slice %arg2[%dma_wait3A_79, %dma_wait3A_80] : memref<10240x128xf32, #tpu.memory_space<hbm>> -> memref<128x128xf32, #tpu.memory_space<hbm>>
      tpu.wait_dma2 semaphore(%arg13 : memref<!tpu.dma_semaphore, #tpu.memory_space<semaphore_mem>>) src(%dma_wait3A_81 : memref<128x128xf32, #tpu.memory_space<hbm>>) dst(%arg10 : memref<128x128xf32, #tpu.memory_space<vmem>>)
      %add3A_82 = arith.constant 1 : i32
      %add3A_83 = arith.addi %add3A_65, %add3A_82 : i32
      "tpu.region"() ({
        %run_scoped3A = tpu.sem_alloc : memref<!tpu.dma_semaphore, #tpu.memory_space<semaphore_mem>>
        %dma_start3A_91 = arith.constant 0 : i32
        %dma_start3A_92 = tpu.memref_slice %arg8[%add3A_83, %dma_start3A_91] : memref<40x128xi32, #tpu.memory_space<vmem>> -> memref<1x128xi32, #tpu.memory_space<vmem>>
        %dma_start3A_93 = tpu.memref_squeeze %dma_start3A_92 : memref<1x128xi32, #tpu.memory_space<vmem>> -> memref<128xi32, #tpu.memory_space<vmem>>
        %dma_start3A_94 = arith.constant 0 : i32
        %dma_start3A_95 = arith.constant 0 : i32
        %dma_start3A_96 = tpu.memref_slice %arg11[%dma_start3A_94, %dma_start3A_95] : memref<10240x128xf32, #tpu.memory_space<vmem_shared>> -> memref<10240x128xf32, #tpu.memory_space<vmem_shared>>
        tpu.enqueue_indirect_dma source(%arg10 : memref<128x128xf32, #tpu.memory_space<vmem>>) target(%dma_start3A_96 : memref<10240x128xf32, #tpu.memory_space<vmem_shared>>) offsets(%dma_start3A_93 : memref<128xi32, #tpu.memory_space<vmem>>) semaphore(%run_scoped3A : memref<!tpu.dma_semaphore, #tpu.memory_space<semaphore_mem>>) {add = true}
        %dma_wait3A_97 = arith.constant 0 : i32
        %dma_wait3A_98 = tpu.memref_slice %arg8[%add3A_83, %dma_wait3A_97] : memref<40x128xi32, #tpu.memory_space<vmem>> -> memref<1x128xi32, #tpu.memory_space<vmem>>
        %dma_wait3A_99 = tpu.memref_squeeze %dma_wait3A_98 : memref<1x128xi32, #tpu.memory_space<vmem>> -> memref<128xi32, #tpu.memory_space<vmem>>
        %dma_wait3A_100 = arith.constant 0 : i32
        %dma_wait3A_101 = arith.constant 0 : i32
        %dma_wait3A_102 = tpu.memref_slice %arg11[%dma_wait3A_100, %dma_wait3A_101] : memref<10240x128xf32, #tpu.memory_space<vmem_shared>> -> memref<10240x128xf32, #tpu.memory_space<vmem_shared>>
        tpu.wait_indirect_dma semaphore(%run_scoped3A : memref<!tpu.dma_semaphore, #tpu.memory_space<semaphore_mem>>) src(%arg10 : memref<128x128xf32, #tpu.memory_space<vmem>>) dst(%dma_wait3A_102 : memref<10240x128xf32, #tpu.memory_space<vmem_shared>>)
        tpu.yield
      }) : () -> ()
      %add3A_84 = arith.constant 3 : i32
      %add3A_85 = arith.addi %add3A_65, %add3A_84 : i32
      %lt3A_86 = arith.constant 40 : i32
      %lt3A_87 = arith.cmpi slt, %add3A_85, %lt3A_86 : i32
      %convert_element_type3A_88 = arith.extui %lt3A_87 : i1 to i32
      %cond3A_89 = arith.constant 0 : i32
      %cond3A_90 = arith.cmpi ne, %convert_element_type3A_88, %cond3A_89 : i32
      scf.if %cond3A_90 {
        %add3A_91 = arith.constant 3 : i32
        %add3A_92 = arith.addi %add3A_65, %add3A_91 : i32
        %dma_start3A_93 = arith.constant 0 : i32
        %dma_start3A_94 = tpu.memref_slice %arg7[%add3A_92, %dma_start3A_93] : memref<40x128xi32, #tpu.memory_space<vmem>> -> memref<1x128xi32, #tpu.memory_space<vmem>>
        %dma_start3A_95 = tpu.memref_squeeze %dma_start3A_94 : memref<1x128xi32, #tpu.memory_space<vmem>> -> memref<128xi32, #tpu.memory_space<vmem>>
        %dma_start3A_96 = arith.constant 0 : i32
        %dma_start3A_97 = arith.constant 0 : i32
        %dma_start3A_98 = tpu.memref_slice %arg2[%dma_start3A_96, %dma_start3A_97] : memref<10240x128xf32, #tpu.memory_space<hbm>> -> memref<10240x128xf32, #tpu.memory_space<hbm>>
        tpu.enqueue_indirect_dma source(%dma_start3A_98 : memref<10240x128xf32, #tpu.memory_space<hbm>>) target(%arg10 : memref<128x128xf32, #tpu.memory_space<vmem>>) offsets(%dma_start3A_95 : memref<128xi32, #tpu.memory_space<vmem>>) semaphore(%arg13 : memref<!tpu.dma_semaphore, #tpu.memory_space<semaphore_mem>>)
      } else {
      }
    }
    %scan3A_55 = arith.constant 20 : i32
    %barrier3A_56 = arith.constant 0 : index
    tpu.barrier barrier_id(%barrier3A_56)
    %mul3A_57 = arith.constant 640 : i32
    %mul3A_58 = arith.muli %arg1, %mul3A_57 : i32
    %mul3A_59 = arith.constant 640 : i32
    %mul3A_60 = arith.muli %arg1, %mul3A_59 : i32
    "tpu.region"() ({
      %run_scoped3A = tpu.sem_alloc : memref<!tpu.dma_semaphore, #tpu.memory_space<semaphore_mem>>
      %dma_start3A_61 = arith.constant 0 : i32
      %dma_start3A_62 = tpu.memref_slice %arg6[%arg0, %mul3A_60, %dma_start3A_61] : memref<2x10240x128xf32, #tpu.memory_space<hbm>> -> memref<1x640x128xf32, #tpu.memory_space<hbm>>
      %dma_start3A_63 = tpu.memref_squeeze %dma_start3A_62 : memref<1x640x128xf32, #tpu.memory_space<hbm>> -> memref<640x128xf32, #tpu.memory_space<hbm>>
      %dma_start3A_64 = arith.constant 0 : i32
      %dma_start3A_65 = tpu.memref_slice %arg11[%mul3A_58, %dma_start3A_64] : memref<10240x128xf32, #tpu.memory_space<vmem_shared>> -> memref<640x128xf32, #tpu.memory_space<vmem_shared>>
      tpu.enqueue_dma source(%dma_start3A_65 : memref<640x128xf32, #tpu.memory_space<vmem_shared>>) target(%dma_start3A_63 : memref<640x128xf32, #tpu.memory_space<hbm>>) target_semaphore(%run_scoped3A : memref<!tpu.dma_semaphore, #tpu.memory_space<semaphore_mem>>)
      %dma_wait3A_66 = arith.constant 0 : i32
      %dma_wait3A_67 = tpu.memref_slice %arg6[%arg0, %mul3A_60, %dma_wait3A_66] : memref<2x10240x128xf32, #tpu.memory_space<hbm>> -> memref<1x640x128xf32, #tpu.memory_space<hbm>>
      %dma_wait3A_68 = tpu.memref_squeeze %dma_wait3A_67 : memref<1x640x128xf32, #tpu.memory_space<hbm>> -> memref<640x128xf32, #tpu.memory_space<hbm>>
      %dma_wait3A_69 = arith.constant 0 : i32
      %dma_wait3A_70 = tpu.memref_slice %arg11[%mul3A_58, %dma_wait3A_69] : memref<10240x128xf32, #tpu.memory_space<vmem_shared>> -> memref<640x128xf32, #tpu.memory_space<vmem_shared>>
      tpu.wait_dma2 semaphore(%run_scoped3A : memref<!tpu.dma_semaphore, #tpu.memory_space<semaphore_mem>>) src(%dma_wait3A_70 : memref<640x128xf32, #tpu.memory_space<vmem_shared>>) dst(%dma_wait3A_68 : memref<640x128xf32, #tpu.memory_space<hbm>>)
      tpu.yield
    }) : () -> ()
    return
  }
}

module attributes {stable_mosaic.version = 14 : i64} {
  func.func @_rank_body(%arg0: i32, %arg1: memref<128x128xi32, #tpu.memory_space<vmem>>, %arg2: memref<128x128xf32, #tpu.memory_space<vmem>>, %arg3: memref<1x16xf32, #tpu.memory_space<vmem>>, %arg4: memref<17x128xf32, #tpu.memory_space<vmem>>, %arg5: memref<1x128xf32, #tpu.memory_space<vmem>>, %arg6: memref<128x128xi32, #tpu.memory_space<vmem>>, %arg7: memref<128x1xf32, #tpu.memory_space<vmem>>) attributes {dimension_semantics = [#tpu.dimension_semantics<arbitrary>], iteration_bounds = array<i64: 20>, scalar_prefetch = 0 : i64, scratch_operands = 1 : i64, tpu.core_type = #tpu.core_type<tc>, window_params = [{transform_indices = @transform_0, window_bounds = array<i64: 128, 128>}, {transform_indices = @transform_1, window_bounds = array<i64: 128, 128>}, {pipeline_mode = #tpu.pipeline_mode<synchronous>, transform_indices = @transform_2, window_bounds = array<i64: 1, 16>}, {pipeline_mode = #tpu.pipeline_mode<synchronous>, transform_indices = @transform_3, window_bounds = array<i64: 17, 128>}, {pipeline_mode = #tpu.pipeline_mode<synchronous>, transform_indices = @transform_4, window_bounds = array<i64: 1, 128>}, {transform_indices = @transform_5, window_bounds = array<i64: 128, 128>}]} {
    %eq3A = arith.constant 0 : i32
    %eq3A_0 = arith.cmpi eq, %arg0, %eq3A : i32
    %convert_element_type3A = arith.extui %eq3A_0 : i1 to i32
    %cond3A = arith.constant 0 : i32
    %cond3A_1 = arith.cmpi ne, %convert_element_type3A, %cond3A : i32
    scf.if %cond3A_1 {
      %get3A_21 = arith.constant 0 : index
      %get3A_22 = arith.constant 0 : index
      %get3A_23 = vector.load %arg3[%get3A_21, %get3A_22] : memref<1x16xf32, #tpu.memory_space<vmem>>, vector<1x16xf32>
      %get3A_24 = arith.constant 0 : index
      %get3A_25 = arith.constant 0 : index
      %get3A_26 = vector.load %arg4[%get3A_24, %get3A_25] : memref<17x128xf32, #tpu.memory_space<vmem>>, vector<16x128xf32>
      %dot_general3A = arith.constant dense<0.000000e+00> : vector<1x128xf32>
      %dot_general3A_27 = tpu.matmul %get3A_23, %get3A_26, %dot_general3A {dimension_numbers = #tpu.dot_dimension_numbers<[1], [0], [0], [1], [0, 0, 1, 1], [], []>, transpose_lhs_hint = false} : vector<1x16xf32>, vector<16x128xf32>, vector<1x128xf32> -> vector<1x128xf32>
      %get3A_28 = arith.constant 0 : index
      %get3A_29 = arith.constant 0 : index
      %get3A_30 = vector.load %arg5[%get3A_28, %get3A_29] : memref<1x128xf32, #tpu.memory_space<vmem>>, vector<1x128xf32>
      %add3A_31 = arith.addf %dot_general3A_27, %get3A_30 : vector<1x128xf32>
      %get3A_32 = arith.constant 16 : index
      %get3A_33 = arith.constant 0 : index
      %get3A_34 = vector.load %arg4[%get3A_32, %get3A_33] : memref<17x128xf32, #tpu.memory_space<vmem>>, vector<1x128xf32>
      %get3A_35 = vector.shape_cast %get3A_34 : vector<1x128xf32> to vector<128xf32>
      %broadcast_in_dim3A_36 = vector.shape_cast %get3A_35 : vector<128xf32> to vector<1x128xf32>
      %eq3A_37 = arith.constant 0.000000e+00 : f32
      %eq3A_38 = vector.broadcast %eq3A_37 : f32 to vector<1x128xf32>
      %eq3A_39 = arith.cmpf oeq, %broadcast_in_dim3A_36, %eq3A_38 : vector<1x128xf32>
      %neg3A = arith.constant 0.000000e+00 : f32
      %neg3A_40 = vector.broadcast %neg3A : f32 to vector<1x128xf32>
      %neg3A_41 = arith.subf %neg3A_40, %add3A_31 : vector<1x128xf32>
      %jit3A = arith.constant 1.000000e+00 : f32
      %broadcast_in_dim3A_42 = vector.broadcast %jit3A : f32 to vector<1x128xf32>
      %select_n3A = arith.select %eq3A_39, %broadcast_in_dim3A_42, %broadcast_in_dim3A_36 : vector<1x128xi1>, vector<1x128xf32>
      %div3A = arith.divf %neg3A_41, %select_n3A : vector<1x128xf32>
      %jit3A_43 = arith.constant 1.000000e+30 : f32
      %broadcast_in_dim3A_44 = vector.broadcast %jit3A_43 : f32 to vector<1x128xf32>
      %select_n3A_45 = arith.select %eq3A_39, %broadcast_in_dim3A_44, %div3A : vector<1x128xi1>, vector<1x128xf32>
      %jit3A_46 = arith.constant -1.000000e+30 : f32
      %jit3A_47 = arith.constant 1.000000e+30 : f32
      %max3A = vector.broadcast %jit3A_46 : f32 to vector<1x128xf32>
      %max3A_48 = arith.maximumf %max3A, %select_n3A_45 : vector<1x128xf32>
      %min3A = vector.broadcast %jit3A_47 : f32 to vector<1x128xf32>
      %min3A_49 = arith.minimumf %min3A, %max3A_48 : vector<1x128xf32>
      %broadcast_in_dim3A_50 = vector.shape_cast %min3A_49 : vector<1x128xf32> to vector<1x128xf32>
      %broadcast_in_dim3A_51 = vector.broadcast %broadcast_in_dim3A_50 : vector<1x128xf32> to vector<128x128xf32>
      %iota3A = tpu.iota {dimensions = array<i32: 0>} : vector<128x128xi32>
      %iota3A_52 = tpu.iota {dimensions = array<i32: 1>} : vector<128x128xi32>
      %eq3A_53 = arith.cmpi eq, %iota3A, %iota3A_52 : vector<128x128xi32>
      %jit3A_54 = arith.constant 0.000000e+00 : f32
      %broadcast_in_dim3A_55 = vector.broadcast %jit3A_54 : f32 to vector<128x128xf32>
      %select_n3A_56 = arith.select %eq3A_53, %broadcast_in_dim3A_51, %broadcast_in_dim3A_55 : vector<128x128xi1>, vector<128x128xf32>
      %reduce_sum3A_57 = arith.constant dense<0.000000e+00> : vector<128xf32>
      %reduce_sum3A_58 = vector.multi_reduction <add>, %select_n3A_56, %reduce_sum3A_57 [1] : vector<128x128xf32> to vector<128xf32>
      %broadcast_in_dim3A_59 = vector.shape_cast %reduce_sum3A_58 : vector<128xf32> to vector<128x1xf32>
      %swap3A_60 = arith.constant 0 : index
      %swap3A_61 = arith.constant 0 : index
      %swap3A_62 = vector.load %arg7[%swap3A_60, %swap3A_61] : memref<128x1xf32, #tpu.memory_space<vmem>>, vector<128x1xf32>
      tpu.vector_store %arg7[%swap3A_60, %swap3A_61], %broadcast_in_dim3A_59 {strides = array<i32>} : memref<128x1xf32, #tpu.memory_space<vmem>>, vector<128x1xf32>,
    } else {
    }
    %get3A = arith.constant 0 : index
    %get3A_2 = arith.constant 0 : index
    %get3A_3 = vector.load %arg2[%get3A, %get3A_2] : memref<128x128xf32, #tpu.memory_space<vmem>>, vector<128x128xf32>
    %broadcast_in_dim3A = vector.shape_cast %get3A_3 : vector<128x128xf32> to vector<128x1x128xf32>
    %get3A_4 = arith.constant 0 : index
    %get3A_5 = arith.constant 0 : index
    %get3A_6 = vector.load %arg7[%get3A_4, %get3A_5] : memref<128x1xf32, #tpu.memory_space<vmem>>, vector<128x1xf32>
    %broadcast_in_dim3A_7 = vector.shape_cast %get3A_6 : vector<128x1xf32> to vector<1x128x1xf32>
    %gt3A = vector.broadcast %broadcast_in_dim3A : vector<128x1x128xf32> to vector<128x128x128xf32>
    %gt3A_8 = vector.broadcast %broadcast_in_dim3A_7 : vector<1x128x1xf32> to vector<128x128x128xf32>
    %gt3A_9 = arith.cmpf ogt, %gt3A, %gt3A_8 : vector<128x128x128xf32>
    %convert_element_type3A_10 = arith.extui %gt3A_9 : vector<128x128x128xi1> to vector<128x128x128xi32>
    %convert_element_type3A_11 = arith.sitofp %convert_element_type3A_10 : vector<128x128x128xi32> to vector<128x128x128xf32>
    %reduce_sum3A = arith.constant dense<0.000000e+00> : vector<128x128xf32>
    %reduce_sum3A_12 = vector.multi_reduction <add>, %convert_element_type3A_11, %reduce_sum3A [1] : vector<128x128x128xf32> to vector<128x128xf32>
    %convert_element_type3A_13 = arith.fptosi %reduce_sum3A_12 : vector<128x128xf32> to vector<128x128xi32>
    %get3A_14 = arith.constant 0 : index
    %get3A_15 = arith.constant 0 : index
    %get3A_16 = vector.load %arg1[%get3A_14, %get3A_15] : memref<128x128xi32, #tpu.memory_space<vmem>>, vector<128x128xi32>
    %mul3A = arith.constant 136 : i32
    %mul3A_17 = vector.broadcast %mul3A : i32 to vector<128x128xi32>
    %mul3A_18 = arith.muli %get3A_16, %mul3A_17 : vector<128x128xi32>
    %add3A = arith.addi %mul3A_18, %convert_element_type3A_13 : vector<128x128xi32>
    %swap3A = arith.constant 0 : index
    %swap3A_19 = arith.constant 0 : index
    %swap3A_20 = vector.load %arg6[%swap3A, %swap3A_19] : memref<128x128xi32, #tpu.memory_space<vmem>>, vector<128x128xi32>
    tpu.vector_store %arg6[%swap3A, %swap3A_19], %add3A {strides = array<i32>} : memref<128x128xi32, #tpu.memory_space<vmem>>, vector<128x128xi32>,
    return
  }
  func.func @transform_0(%arg0: i32) -> (i32, i32) {
    %c0_i32 = arith.constant 0 : i32
    %c0_i32_0 = arith.constant 0 : i32
    return %arg0, %c0_i32 : i32, i32
  }
  func.func @transform_1(%arg0: i32) -> (i32, i32) {
    %c0_i32 = arith.constant 0 : i32
    %c0_i32_0 = arith.constant 0 : i32
    return %arg0, %c0_i32 : i32, i32
  }
  func.func @transform_2(%arg0: i32) -> (i32, i32) {
    %c0_i32 = arith.constant 0 : i32
    %c0_i32_0 = arith.constant 0 : i32
    %c0_i32_1 = arith.constant 0 : i32
    return %c0_i32, %c0_i32_0 : i32, i32
  }
  func.func @transform_3(%arg0: i32) -> (i32, i32) {
    %c0_i32 = arith.constant 0 : i32
    %c0_i32_0 = arith.constant 0 : i32
    %c0_i32_1 = arith.constant 0 : i32
    return %c0_i32, %c0_i32_0 : i32, i32
  }
  func.func @transform_4(%arg0: i32) -> (i32, i32) {
    %c0_i32 = arith.constant 0 : i32
    %c0_i32_0 = arith.constant 0 : i32
    %c0_i32_1 = arith.constant 0 : i32
    return %c0_i32, %c0_i32_0 : i32, i32
  }
  func.func @transform_5(%arg0: i32) -> (i32, i32) {
    %c0_i32 = arith.constant 0 : i32
    %c0_i32_0 = arith.constant 0 : i32
    return %arg0, %c0_i32 : i32, i32
  }
}

module attributes {stable_mosaic.version = 14 : i64} {
  func.func @_prep_body(%arg0: i32, %arg1: memref<2048x128xf32, #tpu.memory_space<vmem>>, %arg2: memref<128x128xf32, #tpu.memory_space<vmem>>, %arg3: memref<1x128xf32, #tpu.memory_space<vmem>>, %arg4: memref<1x128xf32, #tpu.memory_space<vmem>>, %arg5: memref<1x128xf32, #tpu.memory_space<vmem>>, %arg6: memref<2048x128xf32, #tpu.memory_space<vmem>>) attributes {dimension_semantics = [#tpu.dimension_semantics<arbitrary>], iteration_bounds = array<i64: 5>, scalar_prefetch = 0 : i64, scratch_operands = 0 : i64, tpu.core_type = #tpu.core_type<tc>, window_params = [{transform_indices = @transform_0, window_bounds = array<i64: 2048, 128>}, {pipeline_mode = #tpu.pipeline_mode<synchronous>, transform_indices = @transform_1, window_bounds = array<i64: 128, 128>}, {pipeline_mode = #tpu.pipeline_mode<synchronous>, transform_indices = @transform_2, window_bounds = array<i64: 1, 128>}, {pipeline_mode = #tpu.pipeline_mode<synchronous>, transform_indices = @transform_3, window_bounds = array<i64: 1, 128>}, {pipeline_mode = #tpu.pipeline_mode<synchronous>, transform_indices = @transform_4, window_bounds = array<i64: 1, 128>}, {transform_indices = @transform_5, window_bounds = array<i64: 2048, 128>}]} {
    %get3A = arith.constant 0 : index
    %get3A_0 = arith.constant 0 : index
    %get3A_1 = vector.load %arg1[%get3A, %get3A_0] : memref<2048x128xf32, #tpu.memory_space<vmem>>, vector<2048x128xf32>
    %get3A_2 = arith.constant 0 : index
    %get3A_3 = arith.constant 0 : index
    %get3A_4 = vector.load %arg2[%get3A_2, %get3A_3] : memref<128x128xf32, #tpu.memory_space<vmem>>, vector<128x128xf32>
    %dot_general3A = arith.constant dense<0.000000e+00> : vector<2048x128xf32>
    %dot_general3A_5 = tpu.matmul %get3A_1, %get3A_4, %dot_general3A {dimension_numbers = #tpu.dot_dimension_numbers<[1], [0], [0], [1], [0, 0, 1, 1], [], []>, transpose_lhs_hint = false} : vector<2048x128xf32>, vector<128x128xf32>, vector<2048x128xf32> -> vector<2048x128xf32>
    %get3A_6 = arith.constant 0 : index
    %get3A_7 = arith.constant 0 : index
    %get3A_8 = vector.load %arg3[%get3A_6, %get3A_7] : memref<1x128xf32, #tpu.memory_space<vmem>>, vector<1x128xf32>
    %add3A = vector.broadcast %get3A_8 : vector<1x128xf32> to vector<2048x128xf32>
    %add3A_9 = arith.addf %dot_general3A_5, %add3A : vector<2048x128xf32>
    %reduce_sum3A = arith.constant dense<0.000000e+00> : vector<2048xf32>
    %reduce_sum3A_10 = vector.multi_reduction <add>, %add3A_9, %reduce_sum3A [1] : vector<2048x128xf32> to vector<2048xf32>
    %broadcast_in_dim3A = vector.shape_cast %reduce_sum3A_10 : vector<2048xf32> to vector<2048x1xf32>
    %div3A = arith.constant 1.280000e+02 : f32
    %div3A_11 = vector.broadcast %div3A : f32 to vector<2048x1xf32>
    %div3A_12 = arith.divf %broadcast_in_dim3A, %div3A_11 : vector<2048x1xf32>
    %sub3A = vector.broadcast %div3A_12 : vector<2048x1xf32> to vector<2048x128xf32>
    %sub3A_13 = arith.subf %add3A_9, %sub3A : vector<2048x128xf32>
    %integer_pow3A = arith.mulf %sub3A_13, %sub3A_13 : vector<2048x128xf32>
    %reduce_sum3A_14 = arith.constant dense<0.000000e+00> : vector<2048xf32>
    %reduce_sum3A_15 = vector.multi_reduction <add>, %integer_pow3A, %reduce_sum3A_14 [1] : vector<2048x128xf32> to vector<2048xf32>
    %broadcast_in_dim3A_16 = vector.shape_cast %reduce_sum3A_15 : vector<2048xf32> to vector<2048x1xf32>
    %div3A_17 = arith.constant 1.280000e+02 : f32
    %div3A_18 = vector.broadcast %div3A_17 : f32 to vector<2048x1xf32>
    %div3A_19 = arith.divf %broadcast_in_dim3A_16, %div3A_18 : vector<2048x1xf32>
    %sub3A_20 = vector.broadcast %div3A_12 : vector<2048x1xf32> to vector<2048x128xf32>
    %sub3A_21 = arith.subf %add3A_9, %sub3A_20 : vector<2048x128xf32>
    %add3A_22 = arith.constant 9.99999974E-6 : f32
    %add3A_23 = vector.broadcast %add3A_22 : f32 to vector<2048x1xf32>
    %add3A_24 = arith.addf %div3A_19, %add3A_23 : vector<2048x1xf32>
    %sqrt3A = math.sqrt %add3A_24 : vector<2048x1xf32>
    %div3A_25 = vector.broadcast %sqrt3A : vector<2048x1xf32> to vector<2048x128xf32>
    %div3A_26 = arith.divf %sub3A_21, %div3A_25 : vector<2048x128xf32>
    %get3A_27 = arith.constant 0 : index
    %get3A_28 = arith.constant 0 : index
    %get3A_29 = vector.load %arg4[%get3A_27, %get3A_28] : memref<1x128xf32, #tpu.memory_space<vmem>>, vector<1x128xf32>
    %mul3A = vector.broadcast %get3A_29 : vector<1x128xf32> to vector<2048x128xf32>
    %mul3A_30 = arith.mulf %div3A_26, %mul3A : vector<2048x128xf32>
    %get3A_31 = arith.constant 0 : index
    %get3A_32 = arith.constant 0 : index
    %get3A_33 = vector.load %arg5[%get3A_31, %get3A_32] : memref<1x128xf32, #tpu.memory_space<vmem>>, vector<1x128xf32>
    %add3A_34 = vector.broadcast %get3A_33 : vector<1x128xf32> to vector<2048x128xf32>
    %add3A_35 = arith.addf %mul3A_30, %add3A_34 : vector<2048x128xf32>
    %max3A = arith.constant 0.000000e+00 : f32
    %max3A_36 = vector.broadcast %max3A : f32 to vector<2048x128xf32>
    %max3A_37 = arith.maximumf %add3A_35, %max3A_36 : vector<2048x128xf32>
    %swap3A = arith.constant 0 : index
    %swap3A_38 = arith.constant 0 : index
    %swap3A_39 = vector.load %arg6[%swap3A, %swap3A_38] : memref<2048x128xf32, #tpu.memory_space<vmem>>, vector<2048x128xf32>
    tpu.vector_store %arg6[%swap3A, %swap3A_38], %max3A_37 {strides = array<i32>} : memref<2048x128xf32, #tpu.memory_space<vmem>>, vector<2048x128xf32>,
    return
  }
  func.func @transform_0(%arg0: i32) -> (i32, i32) {
    %c0_i32 = arith.constant 0 : i32
    %c0_i32_0 = arith.constant 0 : i32
    return %arg0, %c0_i32 : i32, i32
  }
  func.func @transform_1(%arg0: i32) -> (i32, i32) {
    %c0_i32 = arith.constant 0 : i32
    %c0_i32_0 = arith.constant 0 : i32
    %c0_i32_1 = arith.constant 0 : i32
    return %c0_i32, %c0_i32_0 : i32, i32
  }
  func.func @transform_2(%arg0: i32) -> (i32, i32) {
    %c0_i32 = arith.constant 0 : i32
    %c0_i32_0 = arith.constant 0 : i32
    %c0_i32_1 = arith.constant 0 : i32
    return %c0_i32, %c0_i32_0 : i32, i32
  }
  func.func @transform_3(%arg0: i32) -> (i32, i32) {
    %c0_i32 = arith.constant 0 : i32
    %c0_i32_0 = arith.constant 0 : i32
    %c0_i32_1 = arith.constant 0 : i32
    return %c0_i32, %c0_i32_0 : i32, i32
  }
  func.func @transform_4(%arg0: i32) -> (i32, i32) {
    %c0_i32 = arith.constant 0 : i32
    %c0_i32_0 = arith.constant 0 : i32
    %c0_i32_1 = arith.constant 0 : i32
    return %c0_i32, %c0_i32_0 : i32, i32
  }
  func.func @transform_5(%arg0: i32) -> (i32, i32) {
    %c0_i32 = arith.constant 0 : i32
    %c0_i32_0 = arith.constant 0 : i32
    return %arg0, %c0_i32 : i32, i32
  }
}

module attributes {stable_mosaic.version = 14 : i64} {
  func.func @_etdeg_body(%arg0: i32, %arg1: memref<2048x136xf32, #tpu.memory_space<vmem>>, %arg2: memref<2048x136xf32, #tpu.memory_space<vmem>>, %arg3: memref<1x16xf32, #tpu.memory_space<vmem>>, %arg4: memref<17x128xf32, #tpu.memory_space<vmem>>, %arg5: memref<1x128xf32, #tpu.memory_space<vmem>>, %arg6: memref<2048x128xf32, #tpu.memory_space<vmem>>, %arg7: memref<2048x1xf32, #tpu.memory_space<vmem>>, %arg8: memref<136x128xf32, #tpu.memory_space<vmem>>, %arg9: memref<136x128xf32, #tpu.memory_space<vmem>>) attributes {dimension_semantics = [#tpu.dimension_semantics<arbitrary>], iteration_bounds = array<i64: 5>, scalar_prefetch = 0 : i64, scratch_operands = 2 : i64, tpu.core_type = #tpu.core_type<tc>, window_params = [{transform_indices = @transform_0, window_bounds = array<i64: 2048, 136>}, {transform_indices = @transform_1, window_bounds = array<i64: 2048, 136>}, {pipeline_mode = #tpu.pipeline_mode<synchronous>, transform_indices = @transform_2, window_bounds = array<i64: 1, 16>}, {pipeline_mode = #tpu.pipeline_mode<synchronous>, transform_indices = @transform_3, window_bounds = array<i64: 17, 128>}, {pipeline_mode = #tpu.pipeline_mode<synchronous>, transform_indices = @transform_4, window_bounds = array<i64: 1, 128>}, {transform_indices = @transform_5, window_bounds = array<i64: 2048, 128>}, {transform_indices = @transform_6, window_bounds = array<i64: 2048, 1>}]} {
    %eq3A = arith.constant 0 : i32
    %eq3A_0 = arith.cmpi eq, %arg0, %eq3A : i32
    %convert_element_type3A = arith.extui %eq3A_0 : i1 to i32
    %cond3A = arith.constant 0 : i32
    %cond3A_1 = arith.cmpi ne, %convert_element_type3A, %cond3A : i32
    scf.if %cond3A_1 {
      %get3A_25 = arith.constant 0 : index
      %get3A_26 = arith.constant 0 : index
      %get3A_27 = vector.load %arg3[%get3A_25, %get3A_26] : memref<1x16xf32, #tpu.memory_space<vmem>>, vector<1x16xf32>
      %get3A_28 = arith.constant 0 : index
      %get3A_29 = arith.constant 0 : index
      %get3A_30 = vector.load %arg4[%get3A_28, %get3A_29] : memref<17x128xf32, #tpu.memory_space<vmem>>, vector<16x128xf32>
      %dot_general3A_31 = arith.constant dense<0.000000e+00> : vector<1x128xf32>
      %dot_general3A_32 = tpu.matmul %get3A_27, %get3A_30, %dot_general3A_31 {dimension_numbers = #tpu.dot_dimension_numbers<[1], [0], [0], [1], [0, 0, 1, 1], [], []>, transpose_lhs_hint = false} : vector<1x16xf32>, vector<16x128xf32>, vector<1x128xf32> -> vector<1x128xf32>
      %get3A_33 = arith.constant 0 : index
      %get3A_34 = arith.constant 0 : index
      %get3A_35 = vector.load %arg5[%get3A_33, %get3A_34] : memref<1x128xf32, #tpu.memory_space<vmem>>, vector<1x128xf32>
      %add3A_36 = arith.addf %dot_general3A_32, %get3A_35 : vector<1x128xf32>
      %get3A_37 = arith.constant 16 : index
      %get3A_38 = arith.constant 0 : index
      %get3A_39 = vector.load %arg4[%get3A_37, %get3A_38] : memref<17x128xf32, #tpu.memory_space<vmem>>, vector<1x128xf32>
      %get3A_40 = vector.shape_cast %get3A_39 : vector<1x128xf32> to vector<128xf32>
      %broadcast_in_dim3A_41 = vector.shape_cast %get3A_40 : vector<128xf32> to vector<1x128xf32>
      %eq3A_42 = arith.constant 0.000000e+00 : f32
      %eq3A_43 = vector.broadcast %eq3A_42 : f32 to vector<1x128xf32>
      %eq3A_44 = arith.cmpf oeq, %broadcast_in_dim3A_41, %eq3A_43 : vector<1x128xf32>
      %neg3A = arith.constant 0.000000e+00 : f32
      %neg3A_45 = vector.broadcast %neg3A : f32 to vector<1x128xf32>
      %neg3A_46 = arith.subf %neg3A_45, %add3A_36 : vector<1x128xf32>
      %jit3A = arith.constant 1.000000e+00 : f32
      %broadcast_in_dim3A_47 = vector.broadcast %jit3A : f32 to vector<1x128xf32>
      %select_n3A = arith.select %eq3A_44, %broadcast_in_dim3A_47, %broadcast_in_dim3A_41 : vector<1x128xi1>, vector<1x128xf32>
      %div3A = arith.divf %neg3A_46, %select_n3A : vector<1x128xf32>
      %jit3A_48 = arith.constant 1.000000e+30 : f32
      %broadcast_in_dim3A_49 = vector.broadcast %jit3A_48 : f32 to vector<1x128xf32>
      %select_n3A_50 = arith.select %eq3A_44, %broadcast_in_dim3A_49, %div3A : vector<1x128xi1>, vector<1x128xf32>
      %jit3A_51 = arith.constant -1.000000e+30 : f32
      %jit3A_52 = arith.constant 1.000000e+30 : f32
      %max3A = vector.broadcast %jit3A_51 : f32 to vector<1x128xf32>
      %max3A_53 = arith.maximumf %max3A, %select_n3A_50 : vector<1x128xf32>
      %min3A = vector.broadcast %jit3A_52 : f32 to vector<1x128xf32>
      %min3A_54 = arith.minimumf %min3A, %max3A_53 : vector<1x128xf32>
      %squeeze3A = vector.shape_cast %min3A_54 : vector<1x128xf32> to vector<128xf32>
      %broadcast_in_dim3A_55 = vector.shape_cast %squeeze3A : vector<128xf32> to vector<128x1xf32>
      %broadcast_in_dim3A_56 = vector.shape_cast %squeeze3A : vector<128xf32> to vector<1x128xf32>
      %lt3A = vector.broadcast %broadcast_in_dim3A_55 : vector<128x1xf32> to vector<128x128xf32>
      %lt3A_57 = vector.broadcast %broadcast_in_dim3A_56 : vector<1x128xf32> to vector<128x128xf32>
      %lt3A_58 = arith.cmpf olt, %lt3A, %lt3A_57 : vector<128x128xf32>
      %convert_element_type3A_59 = arith.extui %lt3A_58 : vector<128x128xi1> to vector<128x128xi32>
      %convert_element_type3A_60 = arith.sitofp %convert_element_type3A_59 : vector<128x128xi32> to vector<128x128xf32>
      %iota3A = tpu.iota {dimensions = array<i32: 0>} : vector<128x128xi32>
      %iota3A_61 = tpu.iota {dimensions = array<i32: 1>} : vector<128x128xi32>
      %broadcast_in_dim3A_62 = vector.shape_cast %squeeze3A : vector<128xf32> to vector<128x1xf32>
      %broadcast_in_dim3A_63 = vector.shape_cast %squeeze3A : vector<128xf32> to vector<1x128xf32>
      %eq3A_64 = vector.broadcast %broadcast_in_dim3A_62 : vector<128x1xf32> to vector<128x128xf32>
      %eq3A_65 = vector.broadcast %broadcast_in_dim3A_63 : vector<1x128xf32> to vector<128x128xf32>
      %eq3A_66 = arith.cmpf oeq, %eq3A_64, %eq3A_65 : vector<128x128xf32>
      %lt3A_67 = arith.cmpi slt, %iota3A, %iota3A_61 : vector<128x128xi32>
      %and3A = arith.andi %eq3A_66, %lt3A_67 : vector<128x128xi1>
      %convert_element_type3A_68 = arith.extui %and3A : vector<128x128xi1> to vector<128x128xi32>
      %convert_element_type3A_69 = arith.sitofp %convert_element_type3A_68 : vector<128x128xi32> to vector<128x128xf32>
      %add3A_70 = arith.addf %convert_element_type3A_60, %convert_element_type3A_69 : vector<128x128xf32>
      %reduce_sum3A_71 = arith.constant dense<0.000000e+00> : vector<128xf32>
      %reduce_sum3A_72 = vector.multi_reduction <add>, %add3A_70, %reduce_sum3A_71 [0] : vector<128x128xf32> to vector<128xf32>
      %iota3A_73 = tpu.iota {dimensions = array<i32: 0>} : vector<136x128xi32>
      %convert_element_type3A_74 = arith.sitofp %iota3A_73 : vector<136x128xi32> to vector<136x128xf32>
      %broadcast_in_dim3A_75 = vector.shape_cast %reduce_sum3A_72 : vector<128xf32> to vector<1x128xf32>
      %gt3A = vector.broadcast %broadcast_in_dim3A_75 : vector<1x128xf32> to vector<136x128xf32>
      %gt3A_76 = arith.cmpf ogt, %convert_element_type3A_74, %gt3A : vector<136x128xf32>
      %convert_element_type3A_77 = arith.extui %gt3A_76 : vector<136x128xi1> to vector<136x128xi32>
      %convert_element_type3A_78 = arith.sitofp %convert_element_type3A_77 : vector<136x128xi32> to vector<136x128xf32>
      %gt3A_79 = arith.constant 0.000000e+00 : f32
      %gt3A_80 = vector.broadcast %gt3A_79 : f32 to vector<1x128xf32>
      %gt3A_81 = arith.cmpf ogt, %broadcast_in_dim3A_41, %gt3A_80 : vector<1x128xf32>
      %convert_element_type3A_82 = arith.extui %gt3A_81 : vector<1x128xi1> to vector<1x128xi32>
      %convert_element_type3A_83 = arith.sitofp %convert_element_type3A_82 : vector<1x128xi32> to vector<1x128xf32>
      %mul3A = vector.broadcast %convert_element_type3A_83 : vector<1x128xf32> to vector<136x128xf32>
      %mul3A_84 = arith.mulf %mul3A, %convert_element_type3A_78 : vector<136x128xf32>
      %lt3A_85 = arith.constant 0.000000e+00 : f32
      %lt3A_86 = vector.broadcast %lt3A_85 : f32 to vector<1x128xf32>
      %lt3A_87 = arith.cmpf olt, %broadcast_in_dim3A_41, %lt3A_86 : vector<1x128xf32>
      %convert_element_type3A_88 = arith.extui %lt3A_87 : vector<1x128xi1> to vector<1x128xi32>
      %convert_element_type3A_89 = arith.sitofp %convert_element_type3A_88 : vector<1x128xi32> to vector<1x128xf32>
      %sub3A = arith.constant 1.000000e+00 : f32
      %sub3A_90 = vector.broadcast %sub3A : f32 to vector<136x128xf32>
      %sub3A_91 = arith.subf %sub3A_90, %convert_element_type3A_78 : vector<136x128xf32>
      %mul3A_92 = vector.broadcast %convert_element_type3A_89 : vector<1x128xf32> to vector<136x128xf32>
      %mul3A_93 = arith.mulf %mul3A_92, %sub3A_91 : vector<136x128xf32>
      %add3A_94 = arith.addf %mul3A_84, %mul3A_93 : vector<136x128xf32>
      %eq3A_95 = arith.constant 0.000000e+00 : f32
      %eq3A_96 = vector.broadcast %eq3A_95 : f32 to vector<1x128xf32>
      %eq3A_97 = arith.cmpf oeq, %broadcast_in_dim3A_41, %eq3A_96 : vector<1x128xf32>
      %convert_element_type3A_98 = arith.extui %eq3A_97 : vector<1x128xi1> to vector<1x128xi32>
      %convert_element_type3A_99 = arith.sitofp %convert_element_type3A_98 : vector<1x128xi32> to vector<1x128xf32>
      %gt3A_100 = arith.constant 0.000000e+00 : f32
      %gt3A_101 = vector.broadcast %gt3A_100 : f32 to vector<1x128xf32>
      %gt3A_102 = arith.cmpf ogt, %add3A_36, %gt3A_101 : vector<1x128xf32>
      %convert_element_type3A_103 = arith.extui %gt3A_102 : vector<1x128xi1> to vector<1x128xi32>
      %convert_element_type3A_104 = arith.sitofp %convert_element_type3A_103 : vector<1x128xi32> to vector<1x128xf32>
      %mul3A_105 = arith.mulf %convert_element_type3A_99, %convert_element_type3A_104 : vector<1x128xf32>
      %add3A_106 = vector.broadcast %mul3A_105 : vector<1x128xf32> to vector<136x128xf32>
      %add3A_107 = arith.addf %add3A_94, %add3A_106 : vector<136x128xf32>
      %mul3A_108 = vector.broadcast %add3A_36 : vector<1x128xf32> to vector<136x128xf32>
      %mul3A_109 = arith.mulf %mul3A_108, %add3A_107 : vector<136x128xf32>
      %swap3A_110 = arith.constant 0 : index
      %swap3A_111 = arith.constant 0 : index
      %swap3A_112 = vector.load %arg8[%swap3A_110, %swap3A_111] : memref<136x128xf32, #tpu.memory_space<vmem>>, vector<136x128xf32>
      tpu.vector_store %arg8[%swap3A_110, %swap3A_111], %mul3A_109 {strides = array<i32>} : memref<136x128xf32, #tpu.memory_space<vmem>>, vector<136x128xf32>,
      %mul3A_113 = vector.broadcast %broadcast_in_dim3A_41 : vector<1x128xf32> to vector<136x128xf32>
      %mul3A_114 = arith.mulf %mul3A_113, %add3A_107 : vector<136x128xf32>
      %swap3A_115 = arith.constant 0 : index
      %swap3A_116 = arith.constant 0 : index
      %swap3A_117 = vector.load %arg9[%swap3A_115, %swap3A_116] : memref<136x128xf32, #tpu.memory_space<vmem>>, vector<136x128xf32>
      tpu.vector_store %arg9[%swap3A_115, %swap3A_116], %mul3A_114 {strides = array<i32>} : memref<136x128xf32, #tpu.memory_space<vmem>>, vector<136x128xf32>,
    } else {
    }
    %get3A = arith.constant 0 : index
    %get3A_2 = arith.constant 0 : index
    %get3A_3 = vector.load %arg1[%get3A, %get3A_2] : memref<2048x136xf32, #tpu.memory_space<vmem>>, vector<2048x136xf32>
    %get3A_4 = arith.constant 0 : index
    %get3A_5 = arith.constant 0 : index
    %get3A_6 = vector.load %arg8[%get3A_4, %get3A_5] : memref<136x128xf32, #tpu.memory_space<vmem>>, vector<136x128xf32>
    %dot_general3A = arith.constant dense<0.000000e+00> : vector<2048x128xf32>
    %dot_general3A_7 = tpu.matmul %get3A_3, %get3A_6, %dot_general3A {dimension_numbers = #tpu.dot_dimension_numbers<[1], [0], [0], [1], [0, 0, 1, 1], [], []>, transpose_lhs_hint = false} : vector<2048x136xf32>, vector<136x128xf32>, vector<2048x128xf32> -> vector<2048x128xf32>
    %get3A_8 = arith.constant 0 : index
    %get3A_9 = arith.constant 0 : index
    %get3A_10 = vector.load %arg2[%get3A_8, %get3A_9] : memref<2048x136xf32, #tpu.memory_space<vmem>>, vector<2048x136xf32>
    %get3A_11 = arith.constant 0 : index
    %get3A_12 = arith.constant 0 : index
    %get3A_13 = vector.load %arg9[%get3A_11, %get3A_12] : memref<136x128xf32, #tpu.memory_space<vmem>>, vector<136x128xf32>
    %dot_general3A_14 = arith.constant dense<0.000000e+00> : vector<2048x128xf32>
    %dot_general3A_15 = tpu.matmul %get3A_10, %get3A_13, %dot_general3A_14 {dimension_numbers = #tpu.dot_dimension_numbers<[1], [0], [0], [1], [0, 0, 1, 1], [], []>, transpose_lhs_hint = false} : vector<2048x136xf32>, vector<136x128xf32>, vector<2048x128xf32> -> vector<2048x128xf32>
    %add3A = arith.addf %dot_general3A_7, %dot_general3A_15 : vector<2048x128xf32>
    %swap3A = arith.constant 0 : index
    %swap3A_16 = arith.constant 0 : index
    %swap3A_17 = vector.load %arg6[%swap3A, %swap3A_16] : memref<2048x128xf32, #tpu.memory_space<vmem>>, vector<2048x128xf32>
    tpu.vector_store %arg6[%swap3A, %swap3A_16], %add3A {strides = array<i32>} : memref<2048x128xf32, #tpu.memory_space<vmem>>, vector<2048x128xf32>,
    %get3A_18 = arith.constant 0 : index
    %get3A_19 = arith.constant 0 : index
    %get3A_20 = vector.load %arg1[%get3A_18, %get3A_19] : memref<2048x136xf32, #tpu.memory_space<vmem>>, vector<2048x136xf32>
    %reduce_sum3A = arith.constant dense<0.000000e+00> : vector<2048xf32>
    %reduce_sum3A_21 = vector.multi_reduction <add>, %get3A_20, %reduce_sum3A [1] : vector<2048x136xf32> to vector<2048xf32>
    %broadcast_in_dim3A = vector.shape_cast %reduce_sum3A_21 : vector<2048xf32> to vector<2048x1xf32>
    %swap3A_22 = arith.constant 0 : index
    %swap3A_23 = arith.constant 0 : index
    %swap3A_24 = vector.load %arg7[%swap3A_22, %swap3A_23] : memref<2048x1xf32, #tpu.memory_space<vmem>>, vector<2048x1xf32>
    tpu.vector_store %arg7[%swap3A_22, %swap3A_23], %broadcast_in_dim3A {strides = array<i32>} : memref<2048x1xf32, #tpu.memory_space<vmem>>, vector<2048x1xf32>,
    return
  }
  func.func @transform_0(%arg0: i32) -> (i32, i32) {
    %c0_i32 = arith.constant 0 : i32
    %c0_i32_0 = arith.constant 0 : i32
    return %arg0, %c0_i32 : i32, i32
  }
  func.func @transform_1(%arg0: i32) -> (i32, i32) {
    %c0_i32 = arith.constant 0 : i32
    %c0_i32_0 = arith.constant 0 : i32
    return %arg0, %c0_i32 : i32, i32
  }
  func.func @transform_2(%arg0: i32) -> (i32, i32) {
    %c0_i32 = arith.constant 0 : i32
    %c0_i32_0 = arith.constant 0 : i32
    %c0_i32_1 = arith.constant 0 : i32
    return %c0_i32, %c0_i32_0 : i32, i32
  }
  func.func @transform_3(%arg0: i32) -> (i32, i32) {
    %c0_i32 = arith.constant 0 : i32
    %c0_i32_0 = arith.constant 0 : i32
    %c0_i32_1 = arith.constant 0 : i32
    return %c0_i32, %c0_i32_0 : i32, i32
  }
  func.func @transform_4(%arg0: i32) -> (i32, i32) {
    %c0_i32 = arith.constant 0 : i32
    %c0_i32_0 = arith.constant 0 : i32
    %c0_i32_1 = arith.constant 0 : i32
    return %c0_i32, %c0_i32_0 : i32, i32
  }
  func.func @transform_5(%arg0: i32) -> (i32, i32) {
    %c0_i32 = arith.constant 0 : i32
    %c0_i32_0 = arith.constant 0 : i32
    return %arg0, %c0_i32 : i32, i32
  }
  func.func @transform_6(%arg0: i32) -> (i32, i32) {
    %c0_i32 = arith.constant 0 : i32
    %c0_i32_0 = arith.constant 0 : i32
    return %arg0, %c0_i32 : i32, i32
  }
}

module attributes {stable_mosaic.version = 14 : i64} {
  func.func @_layer_body(%arg0: i32, %arg1: memref<2x2048x128xf32, #tpu.memory_space<vmem>>, %arg2: memref<2048x128xf32, #tpu.memory_space<vmem>>, %arg3: memref<2048x1xf32, #tpu.memory_space<vmem>>, %arg4: memref<2048x128xf32, #tpu.memory_space<vmem>>, %arg5: memref<16x128x128xf32, #tpu.memory_space<vmem>>, %arg6: memref<16x1xf32, #tpu.memory_space<vmem>>, %arg7: memref<128x128xf32, #tpu.memory_space<vmem>>, %arg8: memref<1x128xf32, #tpu.memory_space<vmem>>, %arg9: memref<1x128xf32, #tpu.memory_space<vmem>>, %arg10: memref<1x128xf32, #tpu.memory_space<vmem>>, %arg11: memref<2048x128xf32, #tpu.memory_space<vmem>>, %arg12: memref<128x128xf32, #tpu.memory_space<vmem>>) attributes {dimension_semantics = [#tpu.dimension_semantics<arbitrary>], iteration_bounds = array<i64: 5>, scalar_prefetch = 0 : i64, scratch_operands = 1 : i64, tpu.core_type = #tpu.core_type<tc>, window_params = [{transform_indices = @transform_0, window_bounds = array<i64: 2, 2048, 128>}, {transform_indices = @transform_1, window_bounds = array<i64: 2048, 128>}, {transform_indices = @transform_2, window_bounds = array<i64: 2048, 1>}, {transform_indices = @transform_3, window_bounds = array<i64: 2048, 128>}, {pipeline_mode = #tpu.pipeline_mode<synchronous>, transform_indices = @transform_4, window_bounds = array<i64: 16, 128, 128>}, {pipeline_mode = #tpu.pipeline_mode<synchronous>, transform_indices = @transform_5, window_bounds = array<i64: 16, 1>}, {pipeline_mode = #tpu.pipeline_mode<synchronous>, transform_indices = @transform_6, window_bounds = array<i64: 128, 128>}, {pipeline_mode = #tpu.pipeline_mode<synchronous>, transform_indices = @transform_7, window_bounds = array<i64: 1, 128>}, {pipeline_mode = #tpu.pipeline_mode<synchronous>, transform_indices = @transform_8, window_bounds = array<i64: 1, 128>}, {pipeline_mode = #tpu.pipeline_mode<synchronous>, transform_indices = @transform_9, window_bounds = array<i64: 1, 128>}, {transform_indices = @transform_10, window_bounds = array<i64: 2048, 128>}]} {
    %eq3A = arith.constant 0 : i32
    %eq3A_0 = arith.cmpi eq, %arg0, %eq3A : i32
    %convert_element_type3A = arith.extui %eq3A_0 : i1 to i32
    %cond3A = arith.constant 0 : i32
    %cond3A_1 = arith.cmpi ne, %convert_element_type3A, %cond3A : i32
    scf.if %cond3A_1 {
      %get3A_80 = arith.constant 0 : index
      %get3A_81 = arith.constant 0 : index
      %get3A_82 = vector.load %arg6[%get3A_80, %get3A_81] : memref<16x1xf32, #tpu.memory_space<vmem>>, vector<16x1xf32>
      %broadcast_in_dim3A_83 = vector.shape_cast %get3A_82 : vector<16x1xf32> to vector<16x1x1xf32>
      %get3A_84 = arith.constant 0 : index
      %get3A_85 = arith.constant 0 : index
      %get3A_86 = arith.constant 0 : index
      %get3A_87 = vector.load %arg5[%get3A_84, %get3A_85, %get3A_86] : memref<16x128x128xf32, #tpu.memory_space<vmem>>, vector<16x128x128xf32>
      %mul3A_88 = vector.broadcast %broadcast_in_dim3A_83 : vector<16x1x1xf32> to vector<16x128x128xf32>
      %mul3A_89 = arith.mulf %mul3A_88, %get3A_87 : vector<16x128x128xf32>
      %reduce_sum3A_90 = arith.constant dense<0.000000e+00> : vector<128x128xf32>
      %reduce_sum3A_91 = vector.multi_reduction <add>, %mul3A_89, %reduce_sum3A_90 [0] : vector<16x128x128xf32> to vector<128x128xf32>
      %swap3A_92 = arith.constant 0 : index
      %swap3A_93 = arith.constant 0 : index
      %swap3A_94 = vector.load %arg12[%swap3A_92, %swap3A_93] : memref<128x128xf32, #tpu.memory_space<vmem>>, vector<128x128xf32>
      tpu.vector_store %arg12[%swap3A_92, %swap3A_93], %reduce_sum3A_91 {strides = array<i32>} : memref<128x128xf32, #tpu.memory_space<vmem>>, vector<128x128xf32>,
    } else {
    }
    %get3A = arith.constant 0 : index
    %get3A_2 = arith.constant 0 : index
    %get3A_3 = vector.load %arg3[%get3A, %get3A_2] : memref<2048x1xf32, #tpu.memory_space<vmem>>, vector<2048x1xf32>
    %max3A = arith.constant 1.000000e+00 : f32
    %max3A_4 = vector.broadcast %max3A : f32 to vector<2048x1xf32>
    %max3A_5 = arith.maximumf %get3A_3, %max3A_4 : vector<2048x1xf32>
    %div3A = arith.constant 1.000000e+00 : f32
    %div3A_6 = vector.broadcast %div3A : f32 to vector<2048x1xf32>
    %div3A_7 = arith.divf %div3A_6, %max3A_5 : vector<2048x1xf32>
    %get3A_8 = arith.constant 0 : index
    %get3A_9 = arith.constant 0 : index
    %get3A_10 = arith.constant 0 : index
    %get3A_11 = vector.load %arg1[%get3A_8, %get3A_9, %get3A_10] : memref<2x2048x128xf32, #tpu.memory_space<vmem>>, vector<1x2048x128xf32>
    %get3A_12 = vector.shape_cast %get3A_11 : vector<1x2048x128xf32> to vector<2048x128xf32>
    %get3A_13 = arith.constant 1 : index
    %get3A_14 = arith.constant 0 : index
    %get3A_15 = arith.constant 0 : index
    %get3A_16 = vector.load %arg1[%get3A_13, %get3A_14, %get3A_15] : memref<2x2048x128xf32, #tpu.memory_space<vmem>>, vector<1x2048x128xf32>
    %get3A_17 = vector.shape_cast %get3A_16 : vector<1x2048x128xf32> to vector<2048x128xf32>
    %add3A = arith.addf %get3A_12, %get3A_17 : vector<2048x128xf32>
    %get3A_18 = arith.constant 0 : index
    %get3A_19 = arith.constant 0 : index
    %get3A_20 = vector.load %arg12[%get3A_18, %get3A_19] : memref<128x128xf32, #tpu.memory_space<vmem>>, vector<128x128xf32>
    %dot_general3A = arith.constant dense<0.000000e+00> : vector<2048x128xf32>
    %dot_general3A_21 = tpu.matmul %add3A, %get3A_20, %dot_general3A {dimension_numbers = #tpu.dot_dimension_numbers<[1], [0], [0], [1], [0, 0, 1, 1], [], []>, transpose_lhs_hint = false} : vector<2048x128xf32>, vector<128x128xf32>, vector<2048x128xf32> -> vector<2048x128xf32>
    %mul3A = vector.broadcast %div3A_7 : vector<2048x1xf32> to vector<2048x128xf32>
    %mul3A_22 = arith.mulf %dot_general3A_21, %mul3A : vector<2048x128xf32>
    %get3A_23 = arith.constant 0 : index
    %get3A_24 = arith.constant 0 : index
    %get3A_25 = vector.load %arg2[%get3A_23, %get3A_24] : memref<2048x128xf32, #tpu.memory_space<vmem>>, vector<2048x128xf32>
    %mul3A_26 = arith.constant 1.000000e-01 : f32
    %mul3A_27 = vector.broadcast %mul3A_26 : f32 to vector<2048x128xf32>
    %mul3A_28 = arith.mulf %mul3A_27, %get3A_25 : vector<2048x128xf32>
    %mul3A_29 = vector.broadcast %div3A_7 : vector<2048x1xf32> to vector<2048x128xf32>
    %mul3A_30 = arith.mulf %mul3A_28, %mul3A_29 : vector<2048x128xf32>
    %get3A_31 = arith.constant 0 : index
    %get3A_32 = arith.constant 0 : index
    %get3A_33 = vector.load %arg4[%get3A_31, %get3A_32] : memref<2048x128xf32, #tpu.memory_space<vmem>>, vector<2048x128xf32>
    %get3A_34 = arith.constant 0 : index
    %get3A_35 = arith.constant 0 : index
    %get3A_36 = vector.load %arg7[%get3A_34, %get3A_35] : memref<128x128xf32, #tpu.memory_space<vmem>>, vector<128x128xf32>
    %dot_general3A_37 = arith.constant dense<0.000000e+00> : vector<2048x128xf32>
    %dot_general3A_38 = tpu.matmul %get3A_33, %get3A_36, %dot_general3A_37 {dimension_numbers = #tpu.dot_dimension_numbers<[1], [0], [0], [1], [0, 0, 1, 1], [], []>, transpose_lhs_hint = false} : vector<2048x128xf32>, vector<128x128xf32>, vector<2048x128xf32> -> vector<2048x128xf32>
    %add3A_39 = arith.addf %mul3A_22, %dot_general3A_38 : vector<2048x128xf32>
    %get3A_40 = arith.constant 0 : index
    %get3A_41 = arith.constant 0 : index
    %get3A_42 = vector.load %arg8[%get3A_40, %get3A_41] : memref<1x128xf32, #tpu.memory_space<vmem>>, vector<1x128xf32>
    %add3A_43 = vector.broadcast %get3A_42 : vector<1x128xf32> to vector<2048x128xf32>
    %add3A_44 = arith.addf %add3A_39, %add3A_43 : vector<2048x128xf32>
    %add3A_45 = arith.addf %add3A_44, %mul3A_30 : vector<2048x128xf32>
    %reduce_sum3A = arith.constant dense<0.000000e+00> : vector<2048xf32>
    %reduce_sum3A_46 = vector.multi_reduction <add>, %add3A_45, %reduce_sum3A [1] : vector<2048x128xf32> to vector<2048xf32>
    %broadcast_in_dim3A = vector.shape_cast %reduce_sum3A_46 : vector<2048xf32> to vector<2048x1xf32>
    %div3A_47 = arith.constant 1.280000e+02 : f32
    %div3A_48 = vector.broadcast %div3A_47 : f32 to vector<2048x1xf32>
    %div3A_49 = arith.divf %broadcast_in_dim3A, %div3A_48 : vector<2048x1xf32>
    %sub3A = vector.broadcast %div3A_49 : vector<2048x1xf32> to vector<2048x128xf32>
    %sub3A_50 = arith.subf %add3A_45, %sub3A : vector<2048x128xf32>
    %integer_pow3A = arith.mulf %sub3A_50, %sub3A_50 : vector<2048x128xf32>
    %reduce_sum3A_51 = arith.constant dense<0.000000e+00> : vector<2048xf32>
    %reduce_sum3A_52 = vector.multi_reduction <add>, %integer_pow3A, %reduce_sum3A_51 [1] : vector<2048x128xf32> to vector<2048xf32>
    %broadcast_in_dim3A_53 = vector.shape_cast %reduce_sum3A_52 : vector<2048xf32> to vector<2048x1xf32>
    %div3A_54 = arith.constant 1.280000e+02 : f32
    %div3A_55 = vector.broadcast %div3A_54 : f32 to vector<2048x1xf32>
    %div3A_56 = arith.divf %broadcast_in_dim3A_53, %div3A_55 : vector<2048x1xf32>
    %sub3A_57 = vector.broadcast %div3A_49 : vector<2048x1xf32> to vector<2048x128xf32>
    %sub3A_58 = arith.subf %add3A_45, %sub3A_57 : vector<2048x128xf32>
    %add3A_59 = arith.constant 9.99999974E-6 : f32
    %add3A_60 = vector.broadcast %add3A_59 : f32 to vector<2048x1xf32>
    %add3A_61 = arith.addf %div3A_56, %add3A_60 : vector<2048x1xf32>
    %sqrt3A = math.sqrt %add3A_61 : vector<2048x1xf32>
    %div3A_62 = vector.broadcast %sqrt3A : vector<2048x1xf32> to vector<2048x128xf32>
    %div3A_63 = arith.divf %sub3A_58, %div3A_62 : vector<2048x128xf32>
    %get3A_64 = arith.constant 0 : index
    %get3A_65 = arith.constant 0 : index
    %get3A_66 = vector.load %arg9[%get3A_64, %get3A_65] : memref<1x128xf32, #tpu.memory_space<vmem>>, vector<1x128xf32>
    %mul3A_67 = vector.broadcast %get3A_66 : vector<1x128xf32> to vector<2048x128xf32>
    %mul3A_68 = arith.mulf %div3A_63, %mul3A_67 : vector<2048x128xf32>
    %get3A_69 = arith.constant 0 : index
    %get3A_70 = arith.constant 0 : index
    %get3A_71 = vector.load %arg10[%get3A_69, %get3A_70] : memref<1x128xf32, #tpu.memory_space<vmem>>, vector<1x128xf32>
    %add3A_72 = vector.broadcast %get3A_71 : vector<1x128xf32> to vector<2048x128xf32>
    %add3A_73 = arith.addf %mul3A_68, %add3A_72 : vector<2048x128xf32>
    %max3A_74 = arith.constant 0.000000e+00 : f32
    %max3A_75 = vector.broadcast %max3A_74 : f32 to vector<2048x128xf32>
    %max3A_76 = arith.maximumf %add3A_73, %max3A_75 : vector<2048x128xf32>
    %add3A_77 = arith.addf %max3A_76, %get3A_33 : vector<2048x128xf32>
    %swap3A = arith.constant 0 : index
    %swap3A_78 = arith.constant 0 : index
    %swap3A_79 = vector.load %arg11[%swap3A, %swap3A_78] : memref<2048x128xf32, #tpu.memory_space<vmem>>, vector<2048x128xf32>
    tpu.vector_store %arg11[%swap3A, %swap3A_78], %add3A_77 {strides = array<i32>} : memref<2048x128xf32, #tpu.memory_space<vmem>>, vector<2048x128xf32>,
    return
  }
  func.func @transform_0(%arg0: i32) -> (i32, i32, i32) {
    %c0_i32 = arith.constant 0 : i32
    %c0_i32_0 = arith.constant 0 : i32
    %c0_i32_1 = arith.constant 0 : i32
    return %c0_i32, %arg0, %c0_i32_0 : i32, i32, i32
  }
  func.func @transform_1(%arg0: i32) -> (i32, i32) {
    %c0_i32 = arith.constant 0 : i32
    %c0_i32_0 = arith.constant 0 : i32
    return %arg0, %c0_i32 : i32, i32
  }
  func.func @transform_2(%arg0: i32) -> (i32, i32) {
    %c0_i32 = arith.constant 0 : i32
    %c0_i32_0 = arith.constant 0 : i32
    return %arg0, %c0_i32 : i32, i32
  }
  func.func @transform_3(%arg0: i32) -> (i32, i32) {
    %c0_i32 = arith.constant 0 : i32
    %c0_i32_0 = arith.constant 0 : i32
    return %arg0, %c0_i32 : i32, i32
  }
  func.func @transform_4(%arg0: i32) -> (i32, i32, i32) {
    %c0_i32 = arith.constant 0 : i32
    %c0_i32_0 = arith.constant 0 : i32
    %c0_i32_1 = arith.constant 0 : i32
    %c0_i32_2 = arith.constant 0 : i32
    return %c0_i32, %c0_i32_0, %c0_i32_1 : i32, i32, i32
  }
  func.func @transform_5(%arg0: i32) -> (i32, i32) {
    %c0_i32 = arith.constant 0 : i32
    %c0_i32_0 = arith.constant 0 : i32
    %c0_i32_1 = arith.constant 0 : i32
    return %c0_i32, %c0_i32_0 : i32, i32
  }
  func.func @transform_6(%arg0: i32) -> (i32, i32) {
    %c0_i32 = arith.constant 0 : i32
    %c0_i32_0 = arith.constant 0 : i32
    %c0_i32_1 = arith.constant 0 : i32
    return %c0_i32, %c0_i32_0 : i32, i32
  }
  func.func @transform_7(%arg0: i32) -> (i32, i32) {
    %c0_i32 = arith.constant 0 : i32
    %c0_i32_0 = arith.constant 0 : i32
    %c0_i32_1 = arith.constant 0 : i32
    return %c0_i32, %c0_i32_0 : i32, i32
  }
  func.func @transform_8(%arg0: i32) -> (i32, i32) {
    %c0_i32 = arith.constant 0 : i32
    %c0_i32_0 = arith.constant 0 : i32
    %c0_i32_1 = arith.constant 0 : i32
    return %c0_i32, %c0_i32_0 : i32, i32
  }
  func.func @transform_9(%arg0: i32) -> (i32, i32) {
    %c0_i32 = arith.constant 0 : i32
    %c0_i32_0 = arith.constant 0 : i32
    %c0_i32_1 = arith.constant 0 : i32
    return %c0_i32, %c0_i32_0 : i32, i32
  }
  func.func @transform_10(%arg0: i32) -> (i32, i32) {
    %c0_i32 = arith.constant 0 : i32
    %c0_i32_0 = arith.constant 0 : i32
    return %arg0, %c0_i32 : i32, i32
  }
}

</mosaic_0001>

<sc_bundles>
// kernel: kernel.14.cloned.1.call-start
scs
__scs_entry_jumppad:
0x0: {  	(pc) =	sbr.rel $0x88, $3  }
0x1: {  	(tag) =	ssettag $0x0;
	lr =	simm.s32 $0x1  }
0x2: {  	[smem:$0x3F91] =	sst lr;
	_ =	strace $0xD0000000  }
0x3: {  	_ = 	snop  }
0x4: {  	_ = 	snop  }
0x5: {  	_ = 	snop  }
0x6: {  	_ = 	snop  }
0x7: {  	_ = 	snop  }
__scs_overlays_trampoline_lowered:
0x8: {  	[smem:$0x3FA0] =	sst s0  }
0x9: {  	[smem:$0x3FA1] =	sst s1  }
0xa: {  	[smem:$0x3FA2] =	sst s2  }
0xb: {  	[smem:$0x3FA3] =	sst s3  }
0xc: {  	[smem:$0x3FA4] =	sst s4  }
0xd: {  	[smem:$0x3FA5] =	sst s5  }
0xe: {  	[smem:$0x3FA6] =	sst s6  }
0xf: {  	[smem:$0x3FA7] =	sst s7  }
0x10: {  	[smem:$0x3FA8] =	sst s8  }
0x11: {  	[smem:$0x3FA9] =	sst s9;
	s0 =	simm.s32 @!p0 $0x0  }
0x12: {  	s1 =	sld [smem:$0x3F8F];
	s0 =	simm.s32 @p0 $0x1  }
0x13: {  	[smem:$0x3FAA] =	sst s0;
	s0 =	simm.s32 @!p1 $0x0  }
0x14: {  	s2 =	sld [smem:$0x3F8E];
	s0 =	simm.s32 @p1 $0x1  }
0x15: {  	[smem:$0x3FAB] =	sst s0;
	s0 =	simm.s32 @!p2 $0x0  }
0x16: {  	s3 =	sld [smem:$0x3FDB];
	s0 =	simm.s32 @p2 $0x1  }
0x17: {  	s4 =	simm.s32 $0x1BF5;
	[smem:$0x3FAD] =	sst s0  }
0x18: {  	s0 =	sld [smem:$0x3F90];
	_ =	swait.ge [sflag:s4], $0x0  }
0x19: {  	s7 =	sld [smem:$0x3F91]  }
0x1a: {  	s8 =	sadd.s32 $0xFFFFE003, lr  }
0x1b: {  	s9 =	sadd.s32 $0xFFFFFEF7, lr;
	s5 =	simm.s32 $0xFFFFFFFF;
	p2 =	slt.u32 s8, $0xFFFFF086  }
0x1c: {  	p1 =	slt.u32 s9, $0xF7A;
	s5 =	simm.s32 @!p2 $0x0  }
0x1d: {  	s5 =	simm.s32 @p1 $0x1;
	p0 =	seq.s32 s7, s2  }
0x1e: {  	s7 =	smul.u32 @!p0 $0xF7A, s2;
	p2 =	seq.s32 @!p0 s5, $0x0  }
0x1f: {  	s9 =	smul.u32 $0xF7A, s1;
	s8 =	simm.s32 @!p0 $0x1BF5;
	p2 =	por !p2, p0  }
0x20: {  	[sflag:s8] =	ssyncset.s32 @!p0 $0xFFFFF086;
	s6 =	sadd.s32 @!p0 s3, s7;
	s7 =	simm.s32 @!p0 $0x108  }
0x21: {  	s3 =	sadd.s32 s3, s9;
	s6 =	sadd.s32 @!p0 $0x88, s6;
	s7 =	simm.s32 @p2 $0x1082  }
0x22: {  	[simem:s7], [sflag:s8] =	dma.local @!p0 [hbm:s6], $0xF7A  }
0x23: {  	s9 =	sor.u32 $0xD0000000, s2;
	s6 =	simm.s32 $0x108;
	_ =	swait.ge @!p0 [sflag:s8], $0x0  }
0x24: {  	s3 =	sadd.s32 $0x88, s3;
	s6 =	simm.s32 @!p1 $0x1082;
	[sflag:s4] =	ssyncset.s32 $0xFFFFF086  }
0x25: {  	[simem:s6], [sflag:s4] =	dma.local [hbm:s3], $0xF7A  }
0x26: {  	[smem:$0x3F91] =	sst s1;
	(tag) =	ssettag s2;
	_ =	strace s9  }
0x27: {  	s1 =	sld [smem:$0x3FA1]  }
0x28: {  	s2 =	sld [smem:$0x3FA2]  }
0x29: {  	s4 =	sld [smem:$0x3FA4]  }
0x2a: {  	p0 =	seq.s32 s5, $0x0;
	s5 =	sld [smem:$0x3FA5]  }
0x2b: {  	s6 =	sld [smem:$0x3FA6]  }
0x2c: {  	s7 =	sld [smem:$0x3FA7]  }
0x2d: {  	s3 =	simm.s32 $0x108;
	s8 =	sld [smem:$0x3FA8]  }
0x2e: {  	s3 =	simm.s32 @!p0 $0x1082;
	s9 =	sld [smem:$0x3FA9]  }
0x2f: {  	lr =	sadd.s32 s0, s3;
	s0 =	sld [smem:$0x3FA0]  }
0x30: {  	s3 =	sld [smem:$0x3FA3]  }
0x31: {  	[smem:$0x3FAC] =	sst s10  }
0x32: {  	s10 =	sld [smem:$0x3FAA];
	_ =	sdelay $0x3  }
0x33: {  	p0 =	seq.s32 s10, $0x1;
	s10 =	sld [smem:$0x3FAC];
	_ =	sdelay $0x3  }
0x34: {  	[smem:$0x3FAC] =	sst s10  }
0x35: {  	s10 =	sld [smem:$0x3FAB];
	_ =	sdelay $0x3  }
0x36: {  	p1 =	seq.s32 s10, $0x1;
	s10 =	sld [smem:$0x3FAC];
	_ =	sdelay $0x3  }
0x37: {  	[smem:$0x3FAC] =	sst s10  }
0x38: {  	s10 =	sld [smem:$0x3FAD]  }
0x39: {  	_ = 	snop;
	(pc) =	sbr.ind lr, $3  }
0x3a: {  	_ = 	snop  }
0x3b: {  	_ = 	snop  }
0x3c: {  	p2 =	seq.s32 s10, $0x1;
	s10 =	sld [smem:$0x3FAC]  }
0x3d: {  	_ =	shalt  }
0x3e: {  	_ =	shalt  }
0x3f: {  	_ =	shalt  }
0x40: {  	_ =	shalt  }
0x41: {  	_ =	shalt  }
0x42: {  	_ =	shalt  }
0x43: {  	_ =	shalt  }
0x44: {  	_ =	shalt  }
0x45: {  	_ =	shalt  }
0x46: {  	_ =	shalt  }
0x47: {  	_ =	shalt  }
0x48: {  	_ =	shalt  }
0x49: {  	_ =	shalt  }
0x4a: {  	_ =	shalt  }
0x4b: {  	_ =	shalt  }
0x4c: {  	_ =	shalt  }
0x4d: {  	_ =	shalt  }
0x4e: {  	_ =	shalt  }
0x4f: {  	_ =	shalt  }
0x50: {  	_ =	shalt  }
0x51: {  	_ =	shalt  }
0x52: {  	_ =	shalt  }
0x53: {  	_ =	shalt  }
0x54: {  	_ =	shalt  }
0x55: {  	_ =	shalt  }
0x56: {  	_ =	shalt  }
0x57: {  	_ =	shalt  }
0x58: {  	_ =	shalt  }
0x59: {  	_ =	shalt  }
0x5a: {  	_ =	shalt  }
0x5b: {  	_ =	shalt  }
0x5c: {  	_ =	shalt  }
0x5d: {  	_ =	shalt  }
0x5e: {  	_ =	shalt  }
0x5f: {  	_ =	shalt  }
0x60: {  	_ =	shalt  }
0x61: {  	_ =	shalt  }
0x62: {  	_ =	shalt  }
0x63: {  	_ =	shalt  }
0x64: {  	_ =	shalt  }
0x65: {  	_ =	shalt  }
0x66: {  	_ =	shalt  }
0x67: {  	_ =	shalt  }
0x68: {  	_ =	shalt  }
0x69: {  	_ =	shalt  }
0x6a: {  	_ =	shalt  }
0x6b: {  	_ =	shalt  }
0x6c: {  	_ =	shalt  }
0x6d: {  	_ =	shalt  }
0x6e: {  	_ =	shalt  }
0x6f: {  	_ =	shalt  }
0x70: {  	_ =	shalt  }
0x71: {  	_ =	shalt  }
0x72: {  	_ =	shalt  }
0x73: {  	_ =	shalt  }
0x74: {  	_ =	shalt  }
0x75: {  	_ =	shalt  }
0x76: {  	_ =	shalt  }
0x77: {  	_ =	shalt  }
0x78: {  	_ =	shalt  }
0x79: {  	_ =	shalt  }
0x7a: {  	_ =	shalt  }
0x7b: {  	_ =	shalt  }
0x7c: {  	_ =	shalt  }
0x7d: {  	_ =	shalt  }
0x7e: {  	_ =	shalt  }
0x7f: {  	_ =	shalt  }
0x80: {  	_ =	shalt  }
0x81: {  	_ =	shalt  }
0x82: {  	_ =	shalt  }
0x83: {  	_ =	shalt  }
0x84: {  	_ =	shalt  }
0x85: {  	_ =	shalt  }
0x86: {  	_ =	shalt  }
0x87: {  	_ =	shalt  }
.Lfunc_end0:
.L_simem_size_0:
called_computation_lowered:
.L_overlay_start_0:
0x88: {  	s2 =	sld [smem:$0x3FD9]  }
0x89: {  	s3 =	sld [smem:$0x3FFE];
	_ =	sdelay $0x1  }
0x8a: {  	s1 =	srdreg.scid  }
0x8b: {  	s0 =	sand.u32 $0x1, s1  }
0x8c: {  	s16 =	sshll.u32 s0, $0xA;
	s2 =	sadd.s32 s3, s2  }
0x8d: {  	s2 =	sadd.s32 s2, s16  }
0x8e: {  	[smem:$0x3FB8] =	sst s2  }
0x8f: {  	_ = 	snop  }
0x90: {  	(tm) =	ssettm $0x1  }
0x91: {  	s17 =	sld [smem:$0x3FFB];
	_ =	sdelay $0x3  }
0x92: {  	_ =	strace s17  }
0x93: {  	s2 =	sld [smem:$0x3FFC];
	_ =	sdelay $0x3  }
0x94: {  	_ =	strace s2  }
0x95: {  	s2 =	sld [smem:$0x3FFD];
	_ =	sdelay $0x3  }
0x96: {  	_ =	strace s2  }
0x97: {  	_ =	strace $0x8FFFFFFF  }
0x98: {  	s18 =	sld [smem:$0x3FDB];
	_ =	sdelay $0x1  }
0x99: {  	s19 =	simm.s32 $_scs_section_size  }
0x9a: {  	s4 =	simm.s32 $_size__tile_overlayer_lowered;
	s5 =	simm.s32 $_tile_overlayer_lowered  }
0x9b: {  	s22 =	simm.s32 $0x1BFF;
	s21 =	sshll.u32 s5, $0x1;
	s2 =	sadd.s32 s19, s18  }
0x9c: {  	s6 =	simm.s32 $0x0;
	s20 =	sshll.u32 s4, $0x1;
	s4 =	sadd.s32 s21, s2  }
0x9d: {  	[timem:s6], [sflag:s22] =	dma.local [hbm:s4], s20  }
0x9e: {  	_ =	swait.ge [sflag:s22], s20  }
0x9f: {  	s3 =	ssub.s32 $0x0, s20;
	[sflag:s22] =	ssyncset.done $0x0  }
0xa0: {  	[sflag:s22] =	ssyncadd.s32 s3;
	_ =	sdelay $0x1  }
0xa1: {  	s23 =	simm.s32 $0x1B8B  }
0xa2: {  	_ =	swait.ge [sflag:s23], $0x1  }
0xa3: {  	[sflag:s23] =	ssyncset.done $0x0  }
0xa4: {  	s25 =	simm.s32 $0x1B8E;
	s24 =	sld [smem:$0x3FFE];
	[sflag:s23] =	ssyncadd.s32 $0xFFFFFFFF  }
0xa5: {  	s26 =	simm.s32 $execute0_lowered;
	[smem:$0x3FD2] =	sst s25  }
0xa6: {  	s4 =	sshll.u32 s26, $0x1;
	_ =	strace $0x80000046;
	[dreg:$0x1] =	wrdreg $0xFFFFFFFF  }
0xa7: {  	s28 =	simm.s32 $_size_execute0_lowered;
	s2 =	sadd.s32 s2, s4;
	[dreg:$0x0] =	wrdreg $0x0  }
0xa8: {  	s4 =	sshll.u32 s28, $0x1;
	[dreg:$0x2] =	wrdreg s2  }
0xa9: {  	[dreg:$0x3] =	wrdreg s4  }
0xaa: {  	[dreg:$0x4] =	wrdreg $0xC0  }
0xab: {  	_ =	task [dreg:s6], $0x5FFFF  }
0xac: {  	[dreg:$0x1] =	wrdreg $0xFFFFFFFF  }
0xad: {  	[dreg:$0x0] =	wrdreg $0x60  }
0xae: {  	[dreg:$0x2] =	wrdreg s24  }
0xaf: {  	[dreg:$0x3] =	wrdreg $0xA0800  }
0xb0: {  	[dreg:$0x4] =	wrdreg $0x9  }
0xb1: {  	_ =	task.clear_ibuf [dreg:s6], $0x5FFFF;
	_ =	strace $0x90000046  }
0xb2: {  	s29 =	simm.s32 $0x9;
	_ =	strace $0x80000048  }
0xb3: {  	_ =	swait.ge [sflag:s29], $0x1  }
0xb4: {  	[sflag:s29] =	ssyncadd.s32 $0xFFFFFFFF  }
0xb5: {  	_ =	strace $0x90000048  }
0xb6: {  	_ =	sfence  }
0xb7: {  	s30 =	sld [smem:$0x0];
	_ =	sdelay $0x2  }
0xb8: {  	s31 =	sshll.u32 s1, $0xD;
	s1 =	sshrl.u32 s1, $0x2  }
0xb9: {  	s3 =	sand.u32 $0x4000, s31;
	s1 =	sadd.s32 s1, s30  }
0xba: {  	s0 =	sor.u32 s3, s0;
	s1 =	sshll.u32 s1, $0x11  }
0xbb: {  	s0 =	sor.u32 s1, s0  }
0xbc: {  	s0 =	sadd.s32 $0x8F2B, s0  }
0xbd: {  	[sflag:s0] =	ssyncadd.remote.s32 $0x1  }
0xbe: {  	_ =	sfence.sel $0xFFFF  }
0xbf: {  	[dreg:$0x0] =	wrdreg $0xFFFFFFFF;
	(pc) =	sbr.abs _section_cstart, $3  }
0xc0: {  	[dreg:$0x1] =	wrdreg $0xFFFFFFFF  }
0xc1: {  	_ =	task.clear_ibuf [dreg:s6], $0x2FFFF;
	_ =	strace $0x9FFFFFFF  }
0xc2: {  	(tm) =	ssettm $0x7FFFFFFF  }
0xc3: {  	_ =	shalt  }
tec
execute0_lowered:
.L_overlay_start_1:
0x0: {  	(tag) =	ssettag $0x1  }
0x1: {  	s5 =	rddreg [dreg:$0x0]  }
0x2: {  	s2 =	rddreg [dreg:$0x1]  }
0x3: {  	s0 =	rddreg [dreg:$0x2]  }
0x4: {  	s1 =	stileid.u32;
	s6 =	srdreg.scid  }
0x5: {  	s3 =	simm.s32 $0x0;
	s15 =	simm.s32 $0x10;
	s4 =	smul.u32 $0xA00, s1  }
0x6: {  	s16 =	simm.s32 $0x0;
	s13 =	sand.u32 $0x1, s6;
	s26 =	smul.u32 $0x2A800, s1  }
0x7: {  	[smem:$0x7FF] =	sst s3;
	s9 =	smul.u32 $0x55000, s1;
	s14 =	sshll.u32 s1, $0x6  }
0x8: {  	s7 =	sshll.u32 s13, $0x7;
	_ =	strace $0x80000047;
	s29 =	ssub.s32 $0x2, s13  }
0x9: {  	p0 =	seq.s32 s13, $0x0;
	p1 =	sne.s32 s13, $0x0;
	s13 =	sor.u32 $0x1C02, s14  }
0xa: {  	s8 =	sadd.s32 s4, s5;
	s28 =	sor.u32 s7, s26;
	s4 =	sadd.s32 $0x23600, s5  }
0xb: {  	s30 =	sshrl.u32 s29, $0x1;
	s31 =	sshrl.u32 s9, $0x2;
	s6 =	sshrl.u32 s28, $0x3  }
0xc: {  	s11 =	ssub.s32 s29, s30;
	s12 =	sadd.s32 s31, s2;
	s7 =	sadd.s32 $0x5600, s8  }
0xd: {  	s10 =	sadd.s32 s6, s5;
	s5 =	sor.u32 $0x1C01, s14;
	s6 =	sadd.s32 $0x19600, s8  }
0xe: {  	s9 =	smax.u32 s11, $0x1;
	s11 =	simm.s32 $0x2;
	s14 =	simm.s32 $0x20  }
0xf: {  	s8 =	sadd.s32 $0x26200, s10;
	s10 =	sshrl.u32 s12, $0x3;
	s12 =	simm.s32 $0x1  }
.LBB2_1:
0x10: {  	[spmem:s10], [sflag:s5] =	dma.local [hbm:s4], $0x2A80  }
0x11: {  	[tilespmem:s3], [sflag:$0x2] =	stream.linear.gather [hbm4b:s6+s3], $0x5000, $0x38;
	[tilespmem:$0x1F480] =	vst v63  }
0x12: {  	_ =	swait.ge [sflag:s11], $0x5000  }
0x13: {  	[sflag:s11] =	ssyncset.done $0x0  }
0x14: {  	v0 =	vimm.f32 @p0 $1.000000000e+00;
	[sflag:s11] =	ssyncadd.s32 $0xFFFFB000  }
0x15: {  	[tilespmem:$0xA000] =	vst @p0 v0  }
0x16: {  	[tilespmem:$0xA010] =	vst @p0 v0  }
0x17: {  	[tilespmem:$0xA020] =	vst @p0 v0  }
0x18: {  	[tilespmem:$0xA030] =	vst @p0 v0  }
0x19: {  	[tilespmem:$0xA040] =	vst @p0 v0  }
0x1a: {  	[tilespmem:$0xA050] =	vst @p0 v0  }
0x1b: {  	[tilespmem:$0xA060] =	vst @p0 v0  }
0x1c: {  	s17 =	simm.s32 @!p0 $0x0;
	s18 =	simm.s32 @!p0 $0x5000;
	[tilespmem:$0xA070] =	vst @p0 v0  }
0x1d: {  	[tilespmem:s18], [sflag:$0x2] =	stream.linear.gather @!p0 [hbm4b:s7+s17], $0x5000, $0x38;
	[tilespmem:$0x1F480] =	vst v63  }
0x1e: {  	s17 =	simm.s32 @!p0 $0x2  }
0x1f: {  	_ =	swait.ge @!p0 [sflag:s17], $0x5000  }
0x20: {  	[sflag:s17] =	ssyncset.done @!p0 $0x0  }
0x21: {  	[sflag:s17] =	ssyncadd.s32 @!p0 $0xFFFFB000  }
0x22: {  	_ =	swait.ge [sflag:s12], $0x2A80  }
0x23: {  	[sflag:s12] =	ssyncset.done $0x0  }
0x24: {  	s19 =	simm.s32 @p1 $0x5000;
	[sflag:s12] =	ssyncadd.s32 $0xFFFFD580  }
0x25: {  	s18 =	simm.s32 @p1 $0x0;
	s17 =	simm.s32 @p1 $0x80;
	[bflag:$0x0] =	sbarrier.arrive $0xFFFF  }
0x26: {  	[spmem:s2] =	stream.indirect.scatter.add.f32 @p1 [tilespmem:s19], [sflag:$0x1], $0x1, s18, s17, $0xb8;
	[tilespmem:$0x1F480] =	vst v63  }
0x27: {  	s18 =	simm.s32 @p1 $0x5080;
	s19 =	simm.s32 @p1 $0x80  }
0x28: {  	[spmem:s2] =	stream.indirect.scatter.add.f32 @p1 [tilespmem:s18], [sflag:$0x1], $0x1, s19, s17, $0xb8;
	[tilespmem:$0x1F480] =	vst v63  }
0x29: {  	s18 =	simm.s32 @p1 $0x5100;
	s19 =	simm.s32 @p1 $0x100  }
0x2a: {  	[spmem:s2] =	stream.indirect.scatter.add.f32 @p1 [tilespmem:s18], [sflag:$0x1], $0x1, s19, s17, $0xb8;
	[tilespmem:$0x1F480] =	vst v63  }
0x2b: {  	s18 =	simm.s32 @p1 $0x5180;
	s19 =	simm.s32 @p1 $0x180  }
0x2c: {  	[spmem:s2] =	stream.indirect.scatter.add.f32 @p1 [tilespmem:s18], [sflag:$0x1], $0x1, s19, s17, $0xb8;
	[tilespmem:$0x1F480] =	vst v63  }
0x2d: {  	s18 =	simm.s32 @p1 $0x5200;
	s19 =	simm.s32 @p1 $0x200  }
0x2e: {  	[spmem:s2] =	stream.indirect.scatter.add.f32 @p1 [tilespmem:s18], [sflag:$0x1], $0x1, s19, s17, $0xb8;
	[tilespmem:$0x1F480] =	vst v63  }
0x2f: {  	s18 =	simm.s32 @p1 $0x5280;
	s19 =	simm.s32 @p1 $0x280  }
0x30: {  	[spmem:s2] =	stream.indirect.scatter.add.f32 @p1 [tilespmem:s18], [sflag:$0x1], $0x1, s19, s17, $0xb8;
	[tilespmem:$0x1F480] =	vst v63  }
0x31: {  	s18 =	simm.s32 @p1 $0x5300;
	s19 =	simm.s32 @p1 $0x300  }
0x32: {  	[spmem:s2] =	stream.indirect.scatter.add.f32 @p1 [tilespmem:s18], [sflag:$0x1], $0x1, s19, s17, $0xb8;
	[tilespmem:$0x1F480] =	vst v63  }
0x33: {  	s18 =	simm.s32 @p1 $0x5380;
	s19 =	simm.s32 @p1 $0x380  }
0x34: {  	[spmem:s2] =	stream.indirect.scatter.add.f32 @p1 [tilespmem:s18], [sflag:$0x1], $0x1, s19, s17, $0xb8;
	[tilespmem:$0x1F480] =	vst v63  }
0x35: {  	s20 =	simm.s32 @!p1 $0x0;
	s18 =	simm.s32 @!p1 $0x80;
	s19 =	simm.s32 @!p1 $0xA000  }
0x36: {  	[spmem:s2] =	stream.indirect.scatter.add.f32 @!p1 [tilespmem:s19], [sflag:$0x1], $0x1, s20, s18, $0xb8;
	[tilespmem:$0x1F480] =	vst v63  }
0x37: {  	s20 =	simm.s32 @!p1 $0x80  }
0x38: {  	[spmem:s2] =	stream.indirect.scatter.add.f32 @!p1 [tilespmem:s19], [sflag:$0x1], $0x1, s20, s18, $0xb8;
	[tilespmem:$0x1F480] =	vst v63  }
0x39: {  	s20 =	simm.s32 @!p1 $0x100  }
0x3a: {  	[spmem:s2] =	stream.indirect.scatter.add.f32 @!p1 [tilespmem:s19], [sflag:$0x1], $0x1, s20, s18, $0xb8;
	[tilespmem:$0x1F480] =	vst v63  }
0x3b: {  	s20 =	simm.s32 @!p1 $0x180  }
0x3c: {  	[spmem:s2] =	stream.indirect.scatter.add.f32 @!p1 [tilespmem:s19], [sflag:$0x1], $0x1, s20, s18, $0xb8;
	[tilespmem:$0x1F480] =	vst v63  }
0x3d: {  	s20 =	simm.s32 @!p1 $0x200  }
0x3e: {  	[spmem:s2] =	stream.indirect.scatter.add.f32 @!p1 [tilespmem:s19], [sflag:$0x1], $0x1, s20, s18, $0xb8;
	[tilespmem:$0x1F480] =	vst v63  }
0x3f: {  	s20 =	simm.s32 @!p1 $0x280  }
0x40: {  	[spmem:s2] =	stream.indirect.scatter.add.f32 @!p1 [tilespmem:s19], [sflag:$0x1], $0x1, s20, s18, $0xb8;
	[tilespmem:$0x1F480] =	vst v63  }
0x41: {  	s20 =	simm.s32 @!p1 $0x300  }
0x42: {  	[spmem:s2] =	stream.indirect.scatter.add.f32 @!p1 [tilespmem:s19], [sflag:$0x1], $0x1, s20, s18, $0xb8;
	[tilespmem:$0x1F480] =	vst v63  }
0x43: {  	s20 =	simm.s32 @!p1 $0x380  }
0x44: {  	[spmem:s2] =	stream.indirect.scatter.add.f32 @!p1 [tilespmem:s19], [sflag:$0x1], $0x1, s20, s18, $0xb8;
	[tilespmem:$0x1F480] =	vst v63  }
0x45: {  	_ =	swait.ge [sflag:s12], $0x80  }
0x46: {  	[sflag:s12] =	ssyncset.done $0x0  }
0x47: {  	[sflag:s12] =	ssyncadd.s32 $0xFFFFFF80  }
0x48: {  	_ =	swait.ge [sflag:s12], $0x80  }
0x49: {  	[sflag:s12] =	ssyncset.done $0x0  }
0x4a: {  	[sflag:s12] =	ssyncadd.s32 $0xFFFFFF80  }
0x4b: {  	_ =	swait.ge [sflag:s12], $0x80  }
0x4c: {  	[sflag:s12] =	ssyncset.done $0x0  }
0x4d: {  	[sflag:s12] =	ssyncadd.s32 $0xFFFFFF80  }
0x4e: {  	_ =	swait.ge [sflag:s12], $0x80  }
0x4f: {  	[sflag:s12] =	ssyncset.done $0x0  }
0x50: {  	[sflag:s12] =	ssyncadd.s32 $0xFFFFFF80  }
0x51: {  	_ =	swait.ge [sflag:s12], $0x80  }
0x52: {  	[sflag:s12] =	ssyncset.done $0x0  }
0x53: {  	[sflag:s12] =	ssyncadd.s32 $0xFFFFFF80  }
0x54: {  	_ =	swait.ge [sflag:s12], $0x80  }
0x55: {  	[sflag:s12] =	ssyncset.done $0x0  }
0x56: {  	[sflag:s12] =	ssyncadd.s32 $0xFFFFFF80  }
0x57: {  	_ =	swait.ge [sflag:s12], $0x80  }
0x58: {  	[sflag:s12] =	ssyncset.done $0x0  }
0x59: {  	[sflag:s12] =	ssyncadd.s32 $0xFFFFFF80  }
0x5a: {  	s22 =	simm.s32 $0x2000;
	s23 =	simm.s32 @p1 $0x400;
	_ =	swait.ge [sflag:s12], $0x80  }
0x5b: {  	s21 =	simm.s32 @p1 $0x80;
	s20 =	simm.s32 $0x1000;
	[sflag:s12] =	ssyncset.done $0x0  }
.LBB2_2:
0x5c: {  	s24 =	sadd.s32 @p1 $0x5000, s23;
	[sflag:s12] =	ssyncadd.s32 $0xFFFFFF80;
	s25 =	smov.u32 s22  }
0x5d: {  	[spmem:s2] =	stream.indirect.scatter.add.f32 @p1 [tilespmem:s24], [sflag:$0x1], $0x1, s23, s21, $0xb8;
	[tilespmem:$0x1F480] =	vst v63  }
0x5e: {  	s22 =	sadd.s32 $0x1000, s22;
	s26 =	sadd.s32 @p1 $0x80, s23;
	s24 =	sadd.s32 @p1 $0x5080, s23  }
0x5f: {  	[spmem:s2] =	stream.indirect.scatter.add.f32 @p1 [tilespmem:s24], [sflag:$0x1], $0x1, s26, s21, $0xb8;
	[tilespmem:$0x1F480] =	vst v63  }
0x60: {  	p2 =	sne.s32 s22, $0x14000;
	s24 =	sadd.s32 @p1 $0x5100, s23;
	s26 =	sadd.s32 @p1 $0x100, s23  }
0x61: {  	[spmem:s2] =	stream.indirect.scatter.add.f32 @p1 [tilespmem:s24], [sflag:$0x1], $0x1, s26, s21, $0xb8;
	[tilespmem:$0x1F480] =	vst v63  }
0x62: {  	s24 =	sadd.s32 @p1 $0x5180, s23;
	s26 =	sadd.s32 @p1 $0x180, s23  }
0x63: {  	[spmem:s2] =	stream.indirect.scatter.add.f32 @p1 [tilespmem:s24], [sflag:$0x1], $0x1, s26, s21, $0xb8;
	[tilespmem:$0x1F480] =	vst v63  }
0x64: {  	s24 =	sadd.s32 @p1 $0x5200, s23;
	s26 =	sadd.s32 @p1 $0x200, s23  }
0x65: {  	[spmem:s2] =	stream.indirect.scatter.add.f32 @p1 [tilespmem:s24], [sflag:$0x1], $0x1, s26, s21, $0xb8;
	[tilespmem:$0x1F480] =	vst v63  }
0x66: {  	s24 =	sadd.s32 @p1 $0x5280, s23;
	s26 =	sadd.s32 @p1 $0x280, s23  }
0x67: {  	[spmem:s2] =	stream.indirect.scatter.add.f32 @p1 [tilespmem:s24], [sflag:$0x1], $0x1, s26, s21, $0xb8;
	[tilespmem:$0x1F480] =	vst v63  }
0x68: {  	s24 =	sadd.s32 @p1 $0x5300, s23;
	s26 =	sadd.s32 @p1 $0x300, s23  }
0x69: {  	[spmem:s2] =	stream.indirect.scatter.add.f32 @p1 [tilespmem:s24], [sflag:$0x1], $0x1, s26, s21, $0xb8;
	[tilespmem:$0x1F480] =	vst v63  }
0x6a: {  	s24 =	sadd.s32 @p1 $0x5380, s23;
	s23 =	sadd.s32 @p1 $0x380, s23  }
0x6b: {  	[spmem:s2] =	stream.indirect.scatter.add.f32 @p1 [tilespmem:s24], [sflag:$0x1], $0x1, s23, s21, $0xb8;
	[tilespmem:$0x1F480] =	vst v63  }
0x6c: {  	s23 =	sshra.s32 @!p1 s20, $0x2  }
0x6d: {  	[spmem:s2] =	stream.indirect.scatter.add.f32 @!p1 [tilespmem:s19], [sflag:$0x1], $0x1, s23, s18, $0xb8;
	[tilespmem:$0x1F480] =	vst v63  }
0x6e: {  	s21 =	smov.u32 s17;
	s20 =	smov.u32 s25;
	s24 =	sadd.s32 @!p1 $0x80, s23  }
0x6f: {  	[spmem:s2] =	stream.indirect.scatter.add.f32 @!p1 [tilespmem:s19], [sflag:$0x1], $0x1, s24, s18, $0xb8;
	[tilespmem:$0x1F480] =	vst v63  }
0x70: {  	s24 =	sadd.s32 @!p1 $0x100, s23  }
0x71: {  	[spmem:s2] =	stream.indirect.scatter.add.f32 @!p1 [tilespmem:s19], [sflag:$0x1], $0x1, s24, s18, $0xb8;
	[tilespmem:$0x1F480] =	vst v63  }
0x72: {  	s24 =	sadd.s32 @!p1 $0x180, s23  }
0x73: {  	[spmem:s2] =	stream.indirect.scatter.add.f32 @!p1 [tilespmem:s19], [sflag:$0x1], $0x1, s24, s18, $0xb8;
	[tilespmem:$0x1F480] =	vst v63  }
0x74: {  	s24 =	sadd.s32 @!p1 $0x200, s23  }
0x75: {  	[spmem:s2] =	stream.indirect.scatter.add.f32 @!p1 [tilespmem:s19], [sflag:$0x1], $0x1, s24, s18, $0xb8;
	[tilespmem:$0x1F480] =	vst v63  }
0x76: {  	s24 =	sadd.s32 @!p1 $0x280, s23  }
0x77: {  	[spmem:s2] =	stream.indirect.scatter.add.f32 @!p1 [tilespmem:s19], [sflag:$0x1], $0x1, s24, s18, $0xb8;
	[tilespmem:$0x1F480] =	vst v63  }
0x78: {  	s24 =	sadd.s32 @!p1 $0x300, s23  }
0x79: {  	[spmem:s2] =	stream.indirect.scatter.add.f32 @!p1 [tilespmem:s19], [sflag:$0x1], $0x1, s24, s18, $0xb8;
	[tilespmem:$0x1F480] =	vst v63  }
0x7a: {  	s23 =	sadd.s32 @!p1 $0x380, s23  }
0x7b: {  	[spmem:s2] =	stream.indirect.scatter.add.f32 @!p1 [tilespmem:s19], [sflag:$0x1], $0x1, s23, s18, $0xb8;
	[tilespmem:$0x1F480] =	vst v63  }
0x7c: {  	_ =	swait.ge [sflag:s12], $0x80  }
0x7d: {  	[sflag:s12] =	ssyncset.done $0x0  }
0x7e: {  	[sflag:s12] =	ssyncadd.s32 $0xFFFFFF80  }
0x7f: {  	_ =	swait.ge [sflag:s12], $0x80  }
0x80: {  	[sflag:s12] =	ssyncset.done $0x0  }
0x81: {  	[sflag:s12] =	ssyncadd.s32 $0xFFFFFF80  }
0x82: {  	_ =	swait.ge [sflag:s12], $0x80  }
0x83: {  	[sflag:s12] =	ssyncset.done $0x0  }
0x84: {  	[sflag:s12] =	ssyncadd.s32 $0xFFFFFF80  }
0x85: {  	_ =	swait.ge [sflag:s12], $0x80  }
0x86: {  	[sflag:s12] =	ssyncset.done $0x0  }
0x87: {  	[sflag:s12] =	ssyncadd.s32 $0xFFFFFF80  }
0x88: {  	_ =	swait.ge [sflag:s12], $0x80  }
0x89: {  	[sflag:s12] =	ssyncset.done $0x0  }
0x8a: {  	[sflag:s12] =	ssyncadd.s32 $0xFFFFFF80  }
0x8b: {  	_ =	swait.ge [sflag:s12], $0x80  }
0x8c: {  	[sflag:s12] =	ssyncset.done $0x0  }
0x8d: {  	[sflag:s12] =	ssyncadd.s32 $0xFFFFFF80  }
.Ltmp0:
0x8e: {  	_ =	swait.ge [sflag:s12], $0x80;
	(pc) =	sbr.rel @p2 .LBB2_2-.Ltmp0, $4  }
0x8f: {  	[sflag:s12] =	ssyncset.done $0x0  }
0x90: {  	[sflag:s12] =	ssyncadd.s32 $0xFFFFFF80  }
0x91: {  	_ =	swait.ge [sflag:s12], $0x80  }
0x92: {  	s23 =	sshra.s32 @p1 s20, $0x2;
	[sflag:s12] =	ssyncset.done $0x0  }
0x93: {  	s17 =	sadd.s32 @p1 $0x5000, s23;
	[sflag:s12] =	ssyncadd.s32 $0xFFFFFF80  }
0x94: {  	[spmem:s2] =	stream.indirect.scatter.add.f32 @p1 [tilespmem:s17], [sflag:$0x1], $0x1, s23, s21, $0xb8;
	[tilespmem:$0x1F480] =	vst v63  }
0x95: {  	s18 =	sadd.s32 @p1 $0x80, s23;
	s17 =	sadd.s32 @p1 $0x5080, s23  }
0x96: {  	[spmem:s2] =	stream.indirect.scatter.add.f32 @p1 [tilespmem:s17], [sflag:$0x1], $0x1, s18, s21, $0xb8;
	[tilespmem:$0x1F480] =	vst v63  }
0x97: {  	s17 =	sadd.s32 @p1 $0x5100, s23;
	s18 =	sadd.s32 @p1 $0x100, s23  }
0x98: {  	[spmem:s2] =	stream.indirect.scatter.add.f32 @p1 [tilespmem:s17], [sflag:$0x1], $0x1, s18, s21, $0xb8;
	[tilespmem:$0x1F480] =	vst v63  }
0x99: {  	s17 =	sadd.s32 @p1 $0x5180, s23;
	s18 =	sadd.s32 @p1 $0x180, s23  }
0x9a: {  	[spmem:s2] =	stream.indirect.scatter.add.f32 @p1 [tilespmem:s17], [sflag:$0x1], $0x1, s18, s21, $0xb8;
	[tilespmem:$0x1F480] =	vst v63  }
0x9b: {  	s17 =	sadd.s32 @p1 $0x5200, s23;
	s18 =	sadd.s32 @p1 $0x200, s23  }
0x9c: {  	[spmem:s2] =	stream.indirect.scatter.add.f32 @p1 [tilespmem:s17], [sflag:$0x1], $0x1, s18, s21, $0xb8;
	[tilespmem:$0x1F480] =	vst v63  }
0x9d: {  	s17 =	sadd.s32 @p1 $0x5280, s23;
	s18 =	sadd.s32 @p1 $0x280, s23  }
0x9e: {  	[spmem:s2] =	stream.indirect.scatter.add.f32 @p1 [tilespmem:s17], [sflag:$0x1], $0x1, s18, s21, $0xb8;
	[tilespmem:$0x1F480] =	vst v63  }
0x9f: {  	s17 =	sadd.s32 @p1 $0x5300, s23;
	s18 =	sadd.s32 @p1 $0x300, s23  }
0xa0: {  	[spmem:s2] =	stream.indirect.scatter.add.f32 @p1 [tilespmem:s17], [sflag:$0x1], $0x1, s18, s21, $0xb8;
	[tilespmem:$0x1F480] =	vst v63  }
0xa1: {  	s17 =	sadd.s32 @p1 $0x5380, s23;
	s18 =	sadd.s32 @p1 $0x380, s23  }
0xa2: {  	[spmem:s2] =	stream.indirect.scatter.add.f32 @p1 [tilespmem:s17], [sflag:$0x1], $0x1, s18, s21, $0xb8;
	[tilespmem:$0x1F480] =	vst v63  }
0xa3: {  	s19 =	simm.s32 @!p1 $0xA000;
	s17 =	sshra.s32 @!p1 s20, $0x2;
	s18 =	simm.s32 @!p1 $0x80  }
0xa4: {  	[spmem:s2] =	stream.indirect.scatter.add.f32 @!p1 [tilespmem:s19], [sflag:$0x1], $0x1, s17, s18, $0xb8;
	[tilespmem:$0x1F480] =	vst v63  }
0xa5: {  	s20 =	sadd.s32 @!p1 $0x80, s17  }
0xa6: {  	[spmem:s2] =	stream.indirect.scatter.add.f32 @!p1 [tilespmem:s19], [sflag:$0x1], $0x1, s20, s18, $0xb8;
	[tilespmem:$0x1F480] =	vst v63  }
0xa7: {  	s20 =	sadd.s32 @!p1 $0x100, s17  }
0xa8: {  	[spmem:s2] =	stream.indirect.scatter.add.f32 @!p1 [tilespmem:s19], [sflag:$0x1], $0x1, s20, s18, $0xb8;
	[tilespmem:$0x1F480] =	vst v63  }
0xa9: {  	s20 =	sadd.s32 @!p1 $0x180, s17  }
0xaa: {  	[spmem:s2] =	stream.indirect.scatter.add.f32 @!p1 [tilespmem:s19], [sflag:$0x1], $0x1, s20, s18, $0xb8;
	[tilespmem:$0x1F480] =	vst v63  }
0xab: {  	s20 =	sadd.s32 @!p1 $0x200, s17  }
0xac: {  	[spmem:s2] =	stream.indirect.scatter.add.f32 @!p1 [tilespmem:s19], [sflag:$0x1], $0x1, s20, s18, $0xb8;
	[tilespmem:$0x1F480] =	vst v63  }
0xad: {  	s20 =	sadd.s32 @!p1 $0x280, s17  }
0xae: {  	[spmem:s2] =	stream.indirect.scatter.add.f32 @!p1 [tilespmem:s19], [sflag:$0x1], $0x1, s20, s18, $0xb8;
	[tilespmem:$0x1F480] =	vst v63  }
0xaf: {  	s20 =	sadd.s32 @!p1 $0x300, s17  }
0xb0: {  	[spmem:s2] =	stream.indirect.scatter.add.f32 @!p1 [tilespmem:s19], [sflag:$0x1], $0x1, s20, s18, $0xb8;
	[tilespmem:$0x1F480] =	vst v63  }
0xb1: {  	s17 =	sadd.s32 @!p1 $0x380, s17  }
0xb2: {  	[spmem:s2] =	stream.indirect.scatter.add.f32 @!p1 [tilespmem:s19], [sflag:$0x1], $0x1, s17, s18, $0xb8;
	[tilespmem:$0x1F480] =	vst v63  }
0xb3: {  	_ =	swait.ge [sflag:s12], $0x80  }
0xb4: {  	[sflag:s12] =	ssyncset.done $0x0  }
0xb5: {  	[sflag:s12] =	ssyncadd.s32 $0xFFFFFF80  }
0xb6: {  	_ =	swait.ge [sflag:s12], $0x80  }
0xb7: {  	[sflag:s12] =	ssyncset.done $0x0  }
0xb8: {  	[sflag:s12] =	ssyncadd.s32 $0xFFFFFF80  }
0xb9: {  	_ =	swait.ge [sflag:s12], $0x80  }
0xba: {  	[sflag:s12] =	ssyncset.done $0x0  }
0xbb: {  	[sflag:s12] =	ssyncadd.s32 $0xFFFFFF80  }
0xbc: {  	_ =	swait.ge [sflag:s12], $0x80  }
0xbd: {  	[sflag:s12] =	ssyncset.done $0x0  }
0xbe: {  	[sflag:s12] =	ssyncadd.s32 $0xFFFFFF80  }
0xbf: {  	_ =	swait.ge [sflag:s12], $0x80  }
0xc0: {  	[sflag:s12] =	ssyncset.done $0x0  }
0xc1: {  	[sflag:s12] =	ssyncadd.s32 $0xFFFFFF80  }
0xc2: {  	_ =	swait.ge [sflag:s12], $0x80  }
0xc3: {  	[sflag:s12] =	ssyncset.done $0x0  }
0xc4: {  	[sflag:s12] =	ssyncadd.s32 $0xFFFFFF80  }
0xc5: {  	_ =	swait.ge [sflag:s12], $0x80  }
0xc6: {  	[sflag:s12] =	ssyncset.done $0x0  }
0xc7: {  	[sflag:s12] =	ssyncadd.s32 $0xFFFFFF80  }
0xc8: {  	_ =	swait.ge [sflag:s12], $0x80  }
0xc9: {  	s16 =	sadd.s32 $0x1, s16;
	[sflag:s12] =	ssyncset.done $0x0  }
0xca: {  	p2 =	sne.s32 s16, s9;
	[sflag:s12] =	ssyncadd.s32 $0xFFFFFF80  }
.Ltmp1:
0xcb: {  	[bflag:$0x0] =	sbarrier.arrive $0xFFFF;
	(pc) =	sbr.rel @p2 .LBB2_1-.Ltmp1, $4  }
0xcc: {  	[hbm:s8@s14], [sflag:s13] =	dma.strided [spmem:s10@s15], $0x2A80, s12, $0x10   }
0xcd: {  	_ =	swait.ge [sflag:s11], $0x2A80  }
0xce: {  	[sflag:s11] =	ssyncset.done $0x0  }
0xcf: {  	[sflag:s11] =	ssyncadd.s32 $0xFFFFD580  }
0xd0: {  	_ =	sfence.sel $0x180000  }
0xd1: {  	[bflag:$0x0] =	sbarrier.arrive $0xFFFF  }
0xd2: {  	p0 =	sne.s32 s1, $0x0;
	_ =	strace $0x90000047  }
0xd3: {  	s0 =	sadd.s32 @!p0 $0x100000, s0;
	[bflag:$0x2] =	sbarrier.arrive $0xFFFF  }
0xd4: {  	[sflag:s0] =	ssyncadd.tile.s32 @!p0 $0x1;
	_ =	shalt  }
.Lfunc_end2:
_tile_overlayer_lowered:
.L_overlay_start_2:
0xd5: {  	(tag) =	ssettag $0x2  }
0xd6: {  	s0 =	rddreg [dreg:$0x0];
	s2 =	stileid.u32  }
0xd7: {  	s1 =	rddreg [dreg:$0x1];
	p0 =	sne.s32 s2, $0x0  }
0xd8: {  	s3 =	rddreg [dreg:$0x2];
	[bflag:$0x3] =	sbarrier.arrive $0xFFFF;
	s2 =	simm.s32 @!p0 $0x1C02  }
0xd9: {  	[timem:s3], [sflag:s2] =	dma.local @!p0 [hbm:s0], s1  }
0xda: {  	s0 =	simm.s32 @!p0 $0x2  }
0xdb: {  	_ =	swait.ge @!p0 [sflag:s0], s1  }
0xdc: {  	s1 =	ssub.s32 @!p0 $0x0, s1;
	[sflag:s0] =	ssyncset.done @!p0 $0x0  }
0xdd: {  	[sflag:s0] =	ssyncadd.s32 @!p0 s1  }
0xde: {  	[bflag:$0x3] =	sbarrier.arrive $0xFFFF  }
0xdf: {  	_ =	shalt  }

// kernel: kernel.17.cloned.1.call-start
scs
__scs_entry_jumppad:
0x0: {  	(pc) =	sbr.rel $0x88, $3  }
0x1: {  	(tag) =	ssettag $0x0;
	lr =	simm.s32 $0x1  }
0x2: {  	[smem:$0x3F91] =	sst lr;
	_ =	strace $0xD0000000  }
0x3: {  	_ = 	snop  }
0x4: {  	_ = 	snop  }
0x5: {  	_ = 	snop  }
0x6: {  	_ = 	snop  }
0x7: {  	_ = 	snop  }
__scs_overlays_trampoline_lowered:
0x8: {  	[smem:$0x3FA0] =	sst s0  }
0x9: {  	[smem:$0x3FA1] =	sst s1  }
0xa: {  	[smem:$0x3FA2] =	sst s2  }
0xb: {  	[smem:$0x3FA3] =	sst s3  }
0xc: {  	[smem:$0x3FA4] =	sst s4  }
0xd: {  	[smem:$0x3FA5] =	sst s5  }
0xe: {  	[smem:$0x3FA6] =	sst s6  }
0xf: {  	[smem:$0x3FA7] =	sst s7  }
0x10: {  	[smem:$0x3FA8] =	sst s8  }
0x11: {  	[smem:$0x3FA9] =	sst s9;
	s0 =	simm.s32 @!p0 $0x0  }
0x12: {  	s1 =	sld [smem:$0x3F8F];
	s0 =	simm.s32 @p0 $0x1  }
0x13: {  	[smem:$0x3FAA] =	sst s0;
	s0 =	simm.s32 @!p1 $0x0  }
0x14: {  	s2 =	sld [smem:$0x3F8E];
	s0 =	simm.s32 @p1 $0x1  }
0x15: {  	[smem:$0x3FAB] =	sst s0;
	s0 =	simm.s32 @!p2 $0x0  }
0x16: {  	s3 =	sld [smem:$0x3FDB];
	s0 =	simm.s32 @p2 $0x1  }
0x17: {  	s4 =	simm.s32 $0x1BF5;
	[smem:$0x3FAD] =	sst s0  }
0x18: {  	s0 =	sld [smem:$0x3F90];
	_ =	swait.ge [sflag:s4], $0x0  }
0x19: {  	s7 =	sld [smem:$0x3F91]  }
0x1a: {  	s8 =	sadd.s32 $0xFFFFE003, lr  }
0x1b: {  	s9 =	sadd.s32 $0xFFFFFEF7, lr;
	s5 =	simm.s32 $0xFFFFFFFF;
	p2 =	slt.u32 s8, $0xFFFFF086  }
0x1c: {  	p1 =	slt.u32 s9, $0xF7A;
	s5 =	simm.s32 @!p2 $0x0  }
0x1d: {  	s5 =	simm.s32 @p1 $0x1;
	p0 =	seq.s32 s7, s2  }
0x1e: {  	s7 =	smul.u32 @!p0 $0xF7A, s2;
	p2 =	seq.s32 @!p0 s5, $0x0  }
0x1f: {  	s9 =	smul.u32 $0xF7A, s1;
	s8 =	simm.s32 @!p0 $0x1BF5;
	p2 =	por !p2, p0  }
0x20: {  	[sflag:s8] =	ssyncset.s32 @!p0 $0xFFFFF086;
	s6 =	sadd.s32 @!p0 s3, s7;
	s7 =	simm.s32 @!p0 $0x108  }
0x21: {  	s3 =	sadd.s32 s3, s9;
	s6 =	sadd.s32 @!p0 $0x88, s6;
	s7 =	simm.s32 @p2 $0x1082  }
0x22: {  	[simem:s7], [sflag:s8] =	dma.local @!p0 [hbm:s6], $0xF7A  }
0x23: {  	s9 =	sor.u32 $0xD0000000, s2;
	s6 =	simm.s32 $0x108;
	_ =	swait.ge @!p0 [sflag:s8], $0x0  }
0x24: {  	s3 =	sadd.s32 $0x88, s3;
	s6 =	simm.s32 @!p1 $0x1082;
	[sflag:s4] =	ssyncset.s32 $0xFFFFF086  }
0x25: {  	[simem:s6], [sflag:s4] =	dma.local [hbm:s3], $0xF7A  }
0x26: {  	[smem:$0x3F91] =	sst s1;
	(tag) =	ssettag s2;
	_ =	strace s9  }
0x27: {  	s1 =	sld [smem:$0x3FA1]  }
0x28: {  	s2 =	sld [smem:$0x3FA2]  }
0x29: {  	s4 =	sld [smem:$0x3FA4]  }
0x2a: {  	p0 =	seq.s32 s5, $0x0;
	s5 =	sld [smem:$0x3FA5]  }
0x2b: {  	s6 =	sld [smem:$0x3FA6]  }
0x2c: {  	s7 =	sld [smem:$0x3FA7]  }
0x2d: {  	s3 =	simm.s32 $0x108;
	s8 =	sld [smem:$0x3FA8]  }
0x2e: {  	s3 =	simm.s32 @!p0 $0x1082;
	s9 =	sld [smem:$0x3FA9]  }
0x2f: {  	lr =	sadd.s32 s0, s3;
	s0 =	sld [smem:$0x3FA0]  }
0x30: {  	s3 =	sld [smem:$0x3FA3]  }
0x31: {  	[smem:$0x3FAC] =	sst s10  }
0x32: {  	s10 =	sld [smem:$0x3FAA];
	_ =	sdelay $0x3  }
0x33: {  	p0 =	seq.s32 s10, $0x1;
	s10 =	sld [smem:$0x3FAC];
	_ =	sdelay $0x3  }
0x34: {  	[smem:$0x3FAC] =	sst s10  }
0x35: {  	s10 =	sld [smem:$0x3FAB];
	_ =	sdelay $0x3  }
0x36: {  	p1 =	seq.s32 s10, $0x1;
	s10 =	sld [smem:$0x3FAC];
	_ =	sdelay $0x3  }
0x37: {  	[smem:$0x3FAC] =	sst s10  }
0x38: {  	s10 =	sld [smem:$0x3FAD]  }
0x39: {  	_ = 	snop;
	(pc) =	sbr.ind lr, $3  }
0x3a: {  	_ = 	snop  }
0x3b: {  	_ = 	snop  }
0x3c: {  	p2 =	seq.s32 s10, $0x1;
	s10 =	sld [smem:$0x3FAC]  }
0x3d: {  	_ =	shalt  }
0x3e: {  	_ =	shalt  }
0x3f: {  	_ =	shalt  }
0x40: {  	_ =	shalt  }
0x41: {  	_ =	shalt  }
0x42: {  	_ =	shalt  }
0x43: {  	_ =	shalt  }
0x44: {  	_ =	shalt  }
0x45: {  	_ =	shalt  }
0x46: {  	_ =	shalt  }
0x47: {  	_ =	shalt  }
0x48: {  	_ =	shalt  }
0x49: {  	_ =	shalt  }
0x4a: {  	_ =	shalt  }
0x4b: {  	_ =	shalt  }
0x4c: {  	_ =	shalt  }
0x4d: {  	_ =	shalt  }
0x4e: {  	_ =	shalt  }
0x4f: {  	_ =	shalt  }
0x50: {  	_ =	shalt  }
0x51: {  	_ =	shalt  }
0x52: {  	_ =	shalt  }
0x53: {  	_ =	shalt  }
0x54: {  	_ =	shalt  }
0x55: {  	_ =	shalt  }
0x56: {  	_ =	shalt  }
0x57: {  	_ =	shalt  }
0x58: {  	_ =	shalt  }
0x59: {  	_ =	shalt  }
0x5a: {  	_ =	shalt  }
0x5b: {  	_ =	shalt  }
0x5c: {  	_ =	shalt  }
0x5d: {  	_ =	shalt  }
0x5e: {  	_ =	shalt  }
0x5f: {  	_ =	shalt  }
0x60: {  	_ =	shalt  }
0x61: {  	_ =	shalt  }
0x62: {  	_ =	shalt  }
0x63: {  	_ =	shalt  }
0x64: {  	_ =	shalt  }
0x65: {  	_ =	shalt  }
0x66: {  	_ =	shalt  }
0x67: {  	_ =	shalt  }
0x68: {  	_ =	shalt  }
0x69: {  	_ =	shalt  }
0x6a: {  	_ =	shalt  }
0x6b: {  	_ =	shalt  }
0x6c: {  	_ =	shalt  }
0x6d: {  	_ =	shalt  }
0x6e: {  	_ =	shalt  }
0x6f: {  	_ =	shalt  }
0x70: {  	_ =	shalt  }
0x71: {  	_ =	shalt  }
0x72: {  	_ =	shalt  }
0x73: {  	_ =	shalt  }
0x74: {  	_ =	shalt  }
0x75: {  	_ =	shalt  }
0x76: {  	_ =	shalt  }
0x77: {  	_ =	shalt  }
0x78: {  	_ =	shalt  }
0x79: {  	_ =	shalt  }
0x7a: {  	_ =	shalt  }
0x7b: {  	_ =	shalt  }
0x7c: {  	_ =	shalt  }
0x7d: {  	_ =	shalt  }
0x7e: {  	_ =	shalt  }
0x7f: {  	_ =	shalt  }
0x80: {  	_ =	shalt  }
0x81: {  	_ =	shalt  }
0x82: {  	_ =	shalt  }
0x83: {  	_ =	shalt  }
0x84: {  	_ =	shalt  }
0x85: {  	_ =	shalt  }
0x86: {  	_ =	shalt  }
0x87: {  	_ =	shalt  }
.Lfunc_end0:
.L_simem_size_0:
called_computation.1_lowered:
.L_overlay_start_0:
0x88: {  	s2 =	sld [smem:$0x3FD9]  }
0x89: {  	s3 =	sld [smem:$0x3FFE];
	_ =	sdelay $0x1  }
0x8a: {  	s1 =	srdreg.scid  }
0x8b: {  	s0 =	sand.u32 $0x1, s1  }
0x8c: {  	s17 =	sshll.u32 s0, $0xA;
	s2 =	sadd.s32 s3, s2  }
0x8d: {  	s2 =	sadd.s32 s2, s17  }
0x8e: {  	[smem:$0x3FB8] =	sst s2  }
0x8f: {  	_ = 	snop  }
0x90: {  	s18 =	sld [smem:$0x3FD0];
	(tm) =	ssettm $0x1  }
0x91: {  	s19 =	sld [smem:$0x3FFB];
	_ =	sdelay $0x3  }
0x92: {  	_ =	strace s19  }
0x93: {  	s2 =	sld [smem:$0x3FFC];
	_ =	sdelay $0x3  }
0x94: {  	_ =	strace s2  }
0x95: {  	s2 =	sld [smem:$0x3FFD];
	_ =	sdelay $0x3  }
0x96: {  	_ =	strace s2  }
0x97: {  	_ =	strace $0x8FFFFFFF  }
0x98: {  	s20 =	sld [smem:$0x3FDB];
	_ =	sdelay $0x1  }
0x99: {  	s4 =	simm.s32 $_scs_section_size  }
0x9a: {  	s5 =	simm.s32 $_size__tile_overlayer_lowered;
	s6 =	simm.s32 $_tile_overlayer_lowered  }
0x9b: {  	s7 =	simm.s32 $0x1BFF;
	s21 =	sshll.u32 s6, $0x1;
	s4 =	sadd.s32 s4, s20  }
0x9c: {  	s22 =	simm.s32 $0x0;
	s5 =	sshll.u32 s5, $0x1;
	s6 =	sadd.s32 s21, s4  }
0x9d: {  	[timem:s22], [sflag:s7] =	dma.local [hbm:s6], s5  }
0x9e: {  	_ =	swait.ge [sflag:s7], s5  }
0x9f: {  	s5 =	ssub.s32 $0x0, s5;
	[sflag:s7] =	ssyncset.done $0x0  }
0xa0: {  	[sflag:s7] =	ssyncadd.s32 s5;
	_ =	sdelay $0x1  }
0xa1: {  	s23 =	simm.s32 $0x1B8B  }
0xa2: {  	_ =	swait.ge [sflag:s23], $0x1  }
0xa3: {  	[sflag:s23] =	ssyncset.done $0x0  }
0xa4: {  	[sflag:s23] =	ssyncadd.s32 $0xFFFFFFFF  }
0xa5: {  	s5 =	sld [smem:$0x0]  }
0xa6: {  	s6 =	sand.u32 $0xFFFFFFFE, s1  }
0xa7: {  	p0 =	sne.s32 s1, s6  }
0xa8: {  	s6 =	sshll.u32 @p0 s6, $0xE  }
0xa9: {  	s6 =	sadd.s32 @p0 $0x11B8D, s6;
	s7 =	sshll.u32 @p0 s5, $0x11  }
0xaa: {  	s6 =	sor.u32 @p0 s7, s6  }
0xab: {  	[sflag:s6] =	ssyncadd.remote.s32 @p0 $0x1;
	_ =	sdelay $0x1  }
0xac: {  	s6 =	simm.s32 @p0 $0x1B8D  }
0xad: {  	_ =	swait.eq @p0 [sflag:s6], $0x1  }
0xae: {  	[sflag:s6] =	ssyncadd.s32 @p0 $0xFFFFFFFF  }
0xaf: {  	s7 =	sshll.u32 @!p0 s1, $0xE  }
0xb0: {  	s7 =	sor.u32 @!p0 $0x4000, s7;
	s6 =	simm.s32 @!p0 $0x1B8D  }
0xb1: {  	s5 =	sshll.u32 @!p0 s5, $0x11;
	s7 =	sadd.s32 @!p0 $0x11B8D, s7;
	_ =	swait.eq @!p0 [sflag:s6], $0x1  }
0xb2: {  	s5 =	sor.u32 @!p0 s5, s7;
	[sflag:s6] =	ssyncadd.s32 @!p0 $0xFFFFFFFF  }
0xb3: {  	s25 =	simm.s32 $0x1B8E;
	s24 =	sld [smem:$0x3FFE];
	[sflag:s5] =	ssyncadd.remote.s32 @!p0 $0x1  }
0xb4: {  	s26 =	simm.s32 $execute0_lowered;
	[smem:$0x3FD2] =	sst s25  }
0xb5: {  	s6 =	sshll.u32 s26, $0x1;
	_ =	strace $0x80000049;
	[dreg:$0x1] =	wrdreg $0xFFFFFFFF  }
0xb6: {  	s28 =	simm.s32 $_size_execute0_lowered;
	s4 =	sadd.s32 s4, s6;
	[dreg:$0x0] =	wrdreg $0x0  }
0xb7: {  	s6 =	sshll.u32 s28, $0x1;
	[dreg:$0x2] =	wrdreg s4  }
0xb8: {  	[dreg:$0x3] =	wrdreg s6  }
0xb9: {  	[dreg:$0x4] =	wrdreg $0xC0  }
0xba: {  	_ =	task [dreg:s22], $0x5FFFF  }
0xbb: {  	[dreg:$0x1] =	wrdreg $0xFFFFFFFF  }
0xbc: {  	[dreg:$0x0] =	wrdreg $0x60  }
0xbd: {  	[dreg:$0x2] =	wrdreg s24  }
0xbe: {  	[dreg:$0x3] =	wrdreg s18  }
0xbf: {  	[dreg:$0x4] =	wrdreg $0xA8000  }
0xc0: {  	[dreg:$0x5] =	wrdreg $0xA  }
0xc1: {  	_ =	task.clear_ibuf [dreg:s22], $0x6FFFF;
	_ =	strace $0x90000049  }
0xc2: {  	s29 =	simm.s32 $0xA;
	_ =	strace $0x8000004B  }
0xc3: {  	_ =	swait.ge [sflag:s29], $0x1  }
0xc4: {  	[sflag:s29] =	ssyncadd.s32 $0xFFFFFFFF  }
0xc5: {  	_ =	strace $0x9000004B  }
0xc6: {  	_ =	sfence  }
0xc7: {  	s30 =	sld [smem:$0x0];
	_ =	sdelay $0x2  }
0xc8: {  	s31 =	sshll.u32 s1, $0xD;
	s1 =	sshrl.u32 s1, $0x2  }
0xc9: {  	s4 =	sand.u32 $0x4000, s31;
	s1 =	sadd.s32 s1, s30  }
0xca: {  	s0 =	sor.u32 s4, s0;
	s1 =	sshll.u32 s1, $0x11  }
0xcb: {  	s0 =	sor.u32 s1, s0  }
0xcc: {  	s0 =	sadd.s32 $0x8F2B, s0  }
0xcd: {  	[sflag:s0] =	ssyncadd.remote.s32 $0x1  }
0xce: {  	_ =	sfence.sel $0xFFFF  }
0xcf: {  	[dreg:$0x0] =	wrdreg $0xFFFFFFFF;
	(pc) =	sbr.abs _section_cstart, $3  }
0xd0: {  	[dreg:$0x1] =	wrdreg $0xFFFFFFFF  }
0xd1: {  	_ =	task.clear_ibuf [dreg:s22], $0x2FFFF;
	_ =	strace $0x9FFFFFFF  }
0xd2: {  	(tm) =	ssettm $0x7FFFFFFF  }
0xd3: {  	_ =	shalt  }
tec
execute0_lowered:
.L_overlay_start_1:
0x0: {  	(tag) =	ssettag $0x1  }
0x1: {  	s6 =	rddreg [dreg:$0x0]  }
0x2: {  	s10 =	rddreg [dreg:$0x1]  }
0x3: {  	s1 =	rddreg [dreg:$0x2];
	s2 =	srdreg.scid  }
0x4: {  	s0 =	rddreg [dreg:$0x3];
	s3 =	simm.s32 $0x0;
	s17 =	simm.s32 $0x1  }
0x5: {  	s18 =	simm.s32 $0x80;
	s19 =	simm.s32 $0x2800;
	s20 =	simm.s32 $0x6800  }
0x6: {  	s21 =	simm.s32 $0x2;
	s22 =	simm.s32 $0x2700;
	s23 =	simm.s32 $0x2780  }
0x7: {  	s24 =	simm.s32 $0x0;
	s7 =	sand.u32 $0x1, s2;
	s2 =	stileid.u32  }
0x8: {  	[smem:$0x7FF] =	sst s3;
	s4 =	sadd.s32 $0x7B200, s6;
	s8 =	smul.u32 $0x140000, s7  }
0x9: {  	s11 =	sadd.s32 $0xF600, s6;
	s5 =	sadd.s32 $0xA3200, s6;
	s9 =	smul.u32 $0x14000, s2  }
0xa: {  	_ =	strace $0x8000004A;
	s25 =	ssub.s32 $0x2, s7;
	s7 =	sshll.u32 s7, $0x4  }
0xb: {  	s13 =	smul.u32 $0x50000, s2;
	s12 =	sshrl.u32 s25, $0x1;
	s7 =	sor.u32 s2, s7  }
0xc: {  	s8 =	sadd.s32 s9, s8;
	s15 =	ssub.s32 s25, s12;
	s26 =	smul.u32 $0x2800, s7  }
0xd: {  	s28 =	sshrl.u32 s13, $0x2;
	s29 =	smul.u32 $0x500, s7;
	s8 =	sshrl.u32 s8, $0x3  }
0xe: {  	s16 =	sadd.s32 s28, s1;
	s13 =	smax.u32 s15, $0x1;
	s15 =	simm.s32 $0x3  }
0xf: {  	s14 =	sadd.s32 s8, s6;
	s6 =	sshll.u32 s2, $0x6;
	s30 =	sshrl.u32 s26, $0x3  }
0x10: {  	s8 =	sadd.s32 s10, s29;
	s9 =	sadd.s32 s11, s29;
	s7 =	sor.u32 $0x1C01, s6  }
0x11: {  	s31 =	sadd.s32 $0x280, s30;
	s12 =	sadd.s32 $0xA5A00, s14;
	s14 =	sshrl.u32 s16, $0x3  }
0x12: {  	s16 =	simm.s32 $0x1400;
	s10 =	sadd.s32 s10, s31;
	s11 =	sadd.s32 s11, s31  }
.LBB2_1:
0x13: {  	[spmem:s14], [sflag:s7] =	dma.local [hbm:s5], $0x2800  }
0x14: {  	[tilespmem:s3], [sflag:$0x3] =	stream.linear.gather [hbm4b:s8+s3], $0x1400, $0x38;
	[tilespmem:$0x1E800] =	vst v63  }
0x15: {  	_ =	swait.ge [sflag:s15], $0x1400  }
0x16: {  	[sflag:s15] =	ssyncset.done $0x0  }
0x17: {  	[sflag:s15] =	ssyncadd.s32 $0xFFFFEC00  }
0x18: {  	[tilespmem:s16], [sflag:$0x3] =	stream.linear.gather [hbm4b:s9+s3], $0x1400, $0x38;
	[tilespmem:$0x1E800] =	vst v63  }
0x19: {  	_ =	swait.ge [sflag:s15], $0x1400  }
0x1a: {  	[sflag:s15] =	ssyncset.done $0x0  }
0x1b: {  	[sflag:s15] =	ssyncadd.s32 $0xFFFFEC00  }
0x1c: {  	_ =	swait.ge [sflag:s17], $0x2800  }
0x1d: {  	[sflag:s17] =	ssyncset.done $0x0  }
0x1e: {  	[sflag:s17] =	ssyncadd.s32 $0xFFFFD800  }
0x1f: {  	[bflag:$0x0] =	sbarrier.arrive $0xFFFF  }
0x20: {  	[tilespmem:s19], [sflag:$0x1] =	stream.indirect.gather [hbm4b:s4+s18], $0x80, s3, s18, $0xb8;
	[tilespmem:$0x1E800] =	vst v63  }
0x21: {  	_ = 	snop  }
0x22: {  	[tilespmem:s20], [sflag:$0x2] =	stream.indirect.gather [hbm4b:s4+s18], $0x80, s18, s18, $0xb8;
	[tilespmem:$0x1E800] =	vst v63  }
0x23: {  	_ =	swait.ge [sflag:s17], $0x4000  }
0x24: {  	[sflag:s17] =	ssyncset.done $0x0  }
0x25: {  	s25 =	simm.s32 $0x1400;
	[sflag:s17] =	ssyncadd.s32 $0xFFFFC000  }
0x26: {  	[spmem:s1] =	stream.indirect.scatter.add.f32 [tilespmem:s19], [sflag:$0x3], $0x80, s25, s18, $0xb8;
	[tilespmem:$0x1E800] =	vst v63  }
0x27: {  	_ =	swait.ge [sflag:s15], $0x4000  }
0x28: {  	[sflag:s15] =	ssyncset.done $0x0  }
0x29: {  	s30 =	simm.s32 $0x100;
	[sflag:s15] =	ssyncadd.s32 $0xFFFFC000  }
0x2a: {  	[tilespmem:s19], [sflag:$0x1] =	stream.indirect.gather [hbm4b:s4+s18], $0x80, s30, s18, $0xb8;
	[tilespmem:$0x1E800] =	vst v63  }
0x2b: {  	_ =	swait.ge [sflag:s21], $0x4000  }
0x2c: {  	[sflag:s21] =	ssyncset.done $0x0  }
0x2d: {  	s31 =	simm.s32 $0x1480;
	[sflag:s21] =	ssyncadd.s32 $0xFFFFC000  }
0x2e: {  	[spmem:s1] =	stream.indirect.scatter.add.f32 [tilespmem:s20], [sflag:$0x3], $0x80, s31, s18, $0xb8;
	[tilespmem:$0x1E800] =	vst v63  }
0x2f: {  	_ =	swait.ge [sflag:s15], $0x4000  }
0x30: {  	[sflag:s15] =	ssyncset.done $0x0  }
0x31: {  	s26 =	simm.s32 $0x180;
	s25 =	simm.s32 $0x400;
	[sflag:s15] =	ssyncadd.s32 $0xFFFFC000  }
.LBB2_2:
0x32: {  	[tilespmem:s20], [sflag:$0x2] =	stream.indirect.gather [hbm4b:s4+s18], $0x80, s26, s18, $0xb8;
	[tilespmem:$0x1E800] =	vst v63  }
0x33: {  	s26 =	smov.u32 s25  }
0x34: {  	p0 =	sne.s32 s25, $0x4800;
	s25 =	sadd.s32 $0x400, s25;
	_ =	swait.ge [sflag:s17], $0x4000  }
0x35: {  	s26 =	sshra.s32 s26, $0x2;
	[sflag:s17] =	ssyncset.done $0x0  }
0x36: {  	s28 =	sadd.s32 $0x1400, s26;
	[sflag:s17] =	ssyncadd.s32 $0xFFFFC000  }
0x37: {  	[spmem:s1] =	stream.indirect.scatter.add.f32 [tilespmem:s19], [sflag:$0x3], $0x80, s28, s18, $0xb8;
	[tilespmem:$0x1E800] =	vst v63  }
0x38: {  	_ =	swait.ge [sflag:s15], $0x4000  }
0x39: {  	[sflag:s15] =	ssyncset.done $0x0  }
0x3a: {  	s28 =	sadd.s32 $0x100, s26;
	[sflag:s15] =	ssyncadd.s32 $0xFFFFC000  }
0x3b: {  	[tilespmem:s19], [sflag:$0x1] =	stream.indirect.gather [hbm4b:s4+s18], $0x80, s28, s18, $0xb8;
	[tilespmem:$0x1E800] =	vst v63  }
0x3c: {  	_ =	swait.ge [sflag:s21], $0x4000  }
0x3d: {  	[sflag:s21] =	ssyncset.done $0x0  }
.Ltmp0:
0x3e: {  	s28 =	sadd.s32 $0x1480, s26;
	[sflag:s21] =	ssyncadd.s32 $0xFFFFC000;
	(pc) =	sbr.rel @p0 .LBB2_2-.Ltmp0, $4  }
0x3f: {  	[spmem:s1] =	stream.indirect.scatter.add.f32 [tilespmem:s20], [sflag:$0x3], $0x80, s28, s18, $0xb8;
	[tilespmem:$0x1E800] =	vst v63  }
0x40: {  	_ =	swait.ge [sflag:s15], $0x4000  }
0x41: {  	[sflag:s15] =	ssyncset.done $0x0  }
0x42: {  	s26 =	sadd.s32 $0x180, s26;
	[sflag:s15] =	ssyncadd.s32 $0xFFFFC000  }
0x43: {  	[tilespmem:s20], [sflag:$0x2] =	stream.indirect.gather [hbm4b:s4+s18], $0x80, s26, s18, $0xb8;
	[tilespmem:$0x1E800] =	vst v63  }
0x44: {  	_ =	swait.ge [sflag:s17], $0x4000  }
0x45: {  	[sflag:s17] =	ssyncset.done $0x0  }
0x46: {  	[sflag:s17] =	ssyncadd.s32 $0xFFFFC000  }
0x47: {  	[spmem:s1] =	stream.indirect.scatter.add.f32 [tilespmem:s19], [sflag:$0x3], $0x80, s22, s18, $0xb8;
	[tilespmem:$0x1E800] =	vst v63  }
0x48: {  	_ =	swait.ge [sflag:s15], $0x4000  }
0x49: {  	[sflag:s15] =	ssyncset.done $0x0  }
0x4a: {  	[sflag:s15] =	ssyncadd.s32 $0xFFFFC000  }
0x4b: {  	_ =	swait.ge [sflag:s21], $0x4000  }
0x4c: {  	[sflag:s21] =	ssyncset.done $0x0  }
0x4d: {  	[sflag:s21] =	ssyncadd.s32 $0xFFFFC000  }
0x4e: {  	[spmem:s1] =	stream.indirect.scatter.add.f32 [tilespmem:s20], [sflag:$0x3], $0x80, s23, s18, $0xb8;
	[tilespmem:$0x1E800] =	vst v63  }
0x4f: {  	_ =	swait.ge [sflag:s15], $0x4000  }
0x50: {  	[sflag:s15] =	ssyncset.done $0x0  }
0x51: {  	s25 =	simm.s32 $0x0;
	[sflag:s15] =	ssyncadd.s32 $0xFFFFC000  }
0x52: {  	[tilespmem:s25], [sflag:$0x3] =	stream.linear.gather [hbm4b:s10+s25], $0x1400, $0x38;
	[tilespmem:$0x1E800] =	vst v63  }
0x53: {  	_ =	swait.ge [sflag:s15], $0x1400  }
0x54: {  	[sflag:s15] =	ssyncset.done $0x0  }
0x55: {  	[sflag:s15] =	ssyncadd.s32 $0xFFFFEC00  }
0x56: {  	[tilespmem:s16], [sflag:$0x3] =	stream.linear.gather [hbm4b:s11+s25], $0x1400, $0x38;
	[tilespmem:$0x1E800] =	vst v63  }
0x57: {  	_ =	swait.ge [sflag:s15], $0x1400  }
0x58: {  	[sflag:s15] =	ssyncset.done $0x0  }
0x59: {  	[sflag:s15] =	ssyncadd.s32 $0xFFFFEC00  }
0x5a: {  	[tilespmem:s19], [sflag:$0x1] =	stream.indirect.gather [hbm4b:s4+s18], $0x80, s25, s18, $0xb8;
	[tilespmem:$0x1E800] =	vst v63  }
0x5b: {  	_ = 	snop  }
0x5c: {  	[tilespmem:s20], [sflag:$0x2] =	stream.indirect.gather [hbm4b:s4+s18], $0x80, s18, s18, $0xb8;
	[tilespmem:$0x1E800] =	vst v63  }
0x5d: {  	_ =	swait.ge [sflag:s17], $0x4000  }
0x5e: {  	[sflag:s17] =	ssyncset.done $0x0  }
0x5f: {  	s29 =	simm.s32 $0x1400;
	[sflag:s17] =	ssyncadd.s32 $0xFFFFC000  }
0x60: {  	[spmem:s1] =	stream.indirect.scatter.add.f32 [tilespmem:s19], [sflag:$0x3], $0x80, s29, s18, $0xb8;
	[tilespmem:$0x1E800] =	vst v63  }
0x61: {  	_ =	swait.ge [sflag:s15], $0x4000  }
0x62: {  	[sflag:s15] =	ssyncset.done $0x0  }
0x63: {  	s30 =	simm.s32 $0x100;
	[sflag:s15] =	ssyncadd.s32 $0xFFFFC000  }
0x64: {  	[tilespmem:s19], [sflag:$0x1] =	stream.indirect.gather [hbm4b:s4+s18], $0x80, s30, s18, $0xb8;
	[tilespmem:$0x1E800] =	vst v63  }
0x65: {  	_ =	swait.ge [sflag:s21], $0x4000  }
0x66: {  	[sflag:s21] =	ssyncset.done $0x0  }
0x67: {  	s31 =	simm.s32 $0x1480;
	[sflag:s21] =	ssyncadd.s32 $0xFFFFC000  }
0x68: {  	[spmem:s1] =	stream.indirect.scatter.add.f32 [tilespmem:s20], [sflag:$0x3], $0x80, s31, s18, $0xb8;
	[tilespmem:$0x1E800] =	vst v63  }
0x69: {  	_ =	swait.ge [sflag:s15], $0x4000  }
0x6a: {  	[sflag:s15] =	ssyncset.done $0x0  }
0x6b: {  	s26 =	simm.s32 $0x180;
	s25 =	simm.s32 $0x400;
	[sflag:s15] =	ssyncadd.s32 $0xFFFFC000  }
.LBB2_4:
0x6c: {  	[tilespmem:s20], [sflag:$0x2] =	stream.indirect.gather [hbm4b:s4+s18], $0x80, s26, s18, $0xb8;
	[tilespmem:$0x1E800] =	vst v63  }
0x6d: {  	s26 =	smov.u32 s25  }
0x6e: {  	p0 =	sne.s32 s25, $0x4800;
	s25 =	sadd.s32 $0x400, s25;
	_ =	swait.ge [sflag:s17], $0x4000  }
0x6f: {  	s26 =	sshra.s32 s26, $0x2;
	[sflag:s17] =	ssyncset.done $0x0  }
0x70: {  	s28 =	sadd.s32 $0x1400, s26;
	[sflag:s17] =	ssyncadd.s32 $0xFFFFC000  }
0x71: {  	[spmem:s1] =	stream.indirect.scatter.add.f32 [tilespmem:s19], [sflag:$0x3], $0x80, s28, s18, $0xb8;
	[tilespmem:$0x1E800] =	vst v63  }
0x72: {  	_ =	swait.ge [sflag:s15], $0x4000  }
0x73: {  	[sflag:s15] =	ssyncset.done $0x0  }
0x74: {  	s28 =	sadd.s32 $0x100, s26;
	[sflag:s15] =	ssyncadd.s32 $0xFFFFC000  }
0x75: {  	[tilespmem:s19], [sflag:$0x1] =	stream.indirect.gather [hbm4b:s4+s18], $0x80, s28, s18, $0xb8;
	[tilespmem:$0x1E800] =	vst v63  }
0x76: {  	_ =	swait.ge [sflag:s21], $0x4000  }
0x77: {  	[sflag:s21] =	ssyncset.done $0x0  }
.Ltmp1:
0x78: {  	s28 =	sadd.s32 $0x1480, s26;
	[sflag:s21] =	ssyncadd.s32 $0xFFFFC000;
	(pc) =	sbr.rel @p0 .LBB2_4-.Ltmp1, $4  }
0x79: {  	[spmem:s1] =	stream.indirect.scatter.add.f32 [tilespmem:s20], [sflag:$0x3], $0x80, s28, s18, $0xb8;
	[tilespmem:$0x1E800] =	vst v63  }
0x7a: {  	_ =	swait.ge [sflag:s15], $0x4000  }
0x7b: {  	[sflag:s15] =	ssyncset.done $0x0  }
0x7c: {  	s26 =	sadd.s32 $0x180, s26;
	[sflag:s15] =	ssyncadd.s32 $0xFFFFC000  }
0x7d: {  	[tilespmem:s20], [sflag:$0x2] =	stream.indirect.gather [hbm4b:s4+s18], $0x80, s26, s18, $0xb8;
	[tilespmem:$0x1E800] =	vst v63  }
0x7e: {  	_ =	swait.ge [sflag:s17], $0x4000  }
0x7f: {  	[sflag:s17] =	ssyncset.done $0x0  }
0x80: {  	[sflag:s17] =	ssyncadd.s32 $0xFFFFC000  }
0x81: {  	[spmem:s1] =	stream.indirect.scatter.add.f32 [tilespmem:s19], [sflag:$0x3], $0x80, s22, s18, $0xb8;
	[tilespmem:$0x1E800] =	vst v63  }
0x82: {  	_ =	swait.ge [sflag:s15], $0x4000  }
0x83: {  	[sflag:s15] =	ssyncset.done $0x0  }
0x84: {  	[sflag:s15] =	ssyncadd.s32 $0xFFFFC000  }
0x85: {  	_ =	swait.ge [sflag:s21], $0x4000  }
0x86: {  	[sflag:s21] =	ssyncset.done $0x0  }
0x87: {  	[sflag:s21] =	ssyncadd.s32 $0xFFFFC000  }
0x88: {  	[spmem:s1] =	stream.indirect.scatter.add.f32 [tilespmem:s20], [sflag:$0x3], $0x80, s23, s18, $0xb8;
	[tilespmem:$0x1E800] =	vst v63  }
0x89: {  	_ =	swait.ge [sflag:s15], $0x4000  }
0x8a: {  	s24 =	sadd.s32 $0x1, s24;
	[sflag:s15] =	ssyncset.done $0x0  }
0x8b: {  	p0 =	sne.s32 s24, s13;
	[sflag:s15] =	ssyncadd.s32 $0xFFFFC000  }
.Ltmp2:
0x8c: {  	s25 =	sor.u32 $0x1C03, s6;
	[bflag:$0x0] =	sbarrier.arrive $0xFFFF;
	(pc) =	sbr.rel @p0 .LBB2_1-.Ltmp2, $4  }
0x8d: {  	[hbm:s12], [sflag:s25] =	dma.local [spmem:s14], $0x2800  }
0x8e: {  	_ =	swait.ge [sflag:s15], $0x2800  }
0x8f: {  	[sflag:s15] =	ssyncset.done $0x0  }
0x90: {  	[sflag:s15] =	ssyncadd.s32 $0xFFFFD800  }
0x91: {  	_ =	sfence.sel $0x180000  }
0x92: {  	[bflag:$0x0] =	sbarrier.arrive $0xFFFF  }
0x93: {  	p0 =	sne.s32 s2, $0x0;
	_ =	strace $0x9000004A  }
0x94: {  	s0 =	sadd.s32 @!p0 $0x100000, s0;
	[bflag:$0x2] =	sbarrier.arrive $0xFFFF  }
0x95: {  	[sflag:s0] =	ssyncadd.tile.s32 @!p0 $0x1;
	_ =	shalt  }
.Lfunc_end2:
_tile_overlayer_lowered:
.L_overlay_start_2:
0x96: {  	(tag) =	ssettag $0x2  }
0x97: {  	s0 =	rddreg [dreg:$0x0];
	s2 =	stileid.u32  }
0x98: {  	s1 =	rddreg [dreg:$0x1];
	p0 =	sne.s32 s2, $0x0  }
0x99: {  	s3 =	rddreg [dreg:$0x2];
	[bflag:$0x3] =	sbarrier.arrive $0xFFFF;
	s2 =	simm.s32 @!p0 $0x1C03  }
0x9a: {  	[timem:s3], [sflag:s2] =	dma.local @!p0 [hbm:s0], s1  }
0x9b: {  	s0 =	simm.s32 @!p0 $0x3  }
0x9c: {  	_ =	swait.ge @!p0 [sflag:s0], s1  }
0x9d: {  	s1 =	ssub.s32 @!p0 $0x0, s1;
	[sflag:s0] =	ssyncset.done @!p0 $0x0  }
0x9e: {  	[sflag:s0] =	ssyncadd.s32 @!p0 s1  }
0x9f: {  	[bflag:$0x3] =	sbarrier.arrive $0xFFFF  }
0xa0: {  	_ =	shalt  }

// kernel: kernel.20.cloned.1.call-start
scs
__scs_entry_jumppad:
0x0: {  	(pc) =	sbr.rel $0x88, $3  }
0x1: {  	(tag) =	ssettag $0x0;
	lr =	simm.s32 $0x1  }
0x2: {  	[smem:$0x3F91] =	sst lr;
	_ =	strace $0xD0000000  }
0x3: {  	_ = 	snop  }
0x4: {  	_ = 	snop  }
0x5: {  	_ = 	snop  }
0x6: {  	_ = 	snop  }
0x7: {  	_ = 	snop  }
__scs_overlays_trampoline_lowered:
0x8: {  	[smem:$0x3FA0] =	sst s0  }
0x9: {  	[smem:$0x3FA1] =	sst s1  }
0xa: {  	[smem:$0x3FA2] =	sst s2  }
0xb: {  	[smem:$0x3FA3] =	sst s3  }
0xc: {  	[smem:$0x3FA4] =	sst s4  }
0xd: {  	[smem:$0x3FA5] =	sst s5  }
0xe: {  	[smem:$0x3FA6] =	sst s6  }
0xf: {  	[smem:$0x3FA7] =	sst s7  }
0x10: {  	[smem:$0x3FA8] =	sst s8  }
0x11: {  	[smem:$0x3FA9] =	sst s9;
	s0 =	simm.s32 @!p0 $0x0  }
0x12: {  	s1 =	sld [smem:$0x3F8F];
	s0 =	simm.s32 @p0 $0x1  }
0x13: {  	[smem:$0x3FAA] =	sst s0;
	s0 =	simm.s32 @!p1 $0x0  }
0x14: {  	s2 =	sld [smem:$0x3F8E];
	s0 =	simm.s32 @p1 $0x1  }
0x15: {  	[smem:$0x3FAB] =	sst s0;
	s0 =	simm.s32 @!p2 $0x0  }
0x16: {  	s3 =	sld [smem:$0x3FDB];
	s0 =	simm.s32 @p2 $0x1  }
0x17: {  	s4 =	simm.s32 $0x1BF5;
	[smem:$0x3FAD] =	sst s0  }
0x18: {  	s0 =	sld [smem:$0x3F90];
	_ =	swait.ge [sflag:s4], $0x0  }
0x19: {  	s7 =	sld [smem:$0x3F91]  }
0x1a: {  	s8 =	sadd.s32 $0xFFFFE003, lr  }
0x1b: {  	s9 =	sadd.s32 $0xFFFFFEF7, lr;
	s5 =	simm.s32 $0xFFFFFFFF;
	p2 =	slt.u32 s8, $0xFFFFF086  }
0x1c: {  	p1 =	slt.u32 s9, $0xF7A;
	s5 =	simm.s32 @!p2 $0x0  }
0x1d: {  	s5 =	simm.s32 @p1 $0x1;
	p0 =	seq.s32 s7, s2  }
0x1e: {  	s7 =	smul.u32 @!p0 $0xF7A, s2;
	p2 =	seq.s32 @!p0 s5, $0x0  }
0x1f: {  	s9 =	smul.u32 $0xF7A, s1;
	s8 =	simm.s32 @!p0 $0x1BF5;
	p2 =	por !p2, p0  }
0x20: {  	[sflag:s8] =	ssyncset.s32 @!p0 $0xFFFFF086;
	s6 =	sadd.s32 @!p0 s3, s7;
	s7 =	simm.s32 @!p0 $0x108  }
0x21: {  	s3 =	sadd.s32 s3, s9;
	s6 =	sadd.s32 @!p0 $0x88, s6;
	s7 =	simm.s32 @p2 $0x1082  }
0x22: {  	[simem:s7], [sflag:s8] =	dma.local @!p0 [hbm:s6], $0xF7A  }
0x23: {  	s9 =	sor.u32 $0xD0000000, s2;
	s6 =	simm.s32 $0x108;
	_ =	swait.ge @!p0 [sflag:s8], $0x0  }
0x24: {  	s3 =	sadd.s32 $0x88, s3;
	s6 =	simm.s32 @!p1 $0x1082;
	[sflag:s4] =	ssyncset.s32 $0xFFFFF086  }
0x25: {  	[simem:s6], [sflag:s4] =	dma.local [hbm:s3], $0xF7A  }
0x26: {  	[smem:$0x3F91] =	sst s1;
	(tag) =	ssettag s2;
	_ =	strace s9  }
0x27: {  	s1 =	sld [smem:$0x3FA1]  }
0x28: {  	s2 =	sld [smem:$0x3FA2]  }
0x29: {  	s4 =	sld [smem:$0x3FA4]  }
0x2a: {  	p0 =	seq.s32 s5, $0x0;
	s5 =	sld [smem:$0x3FA5]  }
0x2b: {  	s6 =	sld [smem:$0x3FA6]  }
0x2c: {  	s7 =	sld [smem:$0x3FA7]  }
0x2d: {  	s3 =	simm.s32 $0x108;
	s8 =	sld [smem:$0x3FA8]  }
0x2e: {  	s3 =	simm.s32 @!p0 $0x1082;
	s9 =	sld [smem:$0x3FA9]  }
0x2f: {  	lr =	sadd.s32 s0, s3;
	s0 =	sld [smem:$0x3FA0]  }
0x30: {  	s3 =	sld [smem:$0x3FA3]  }
0x31: {  	[smem:$0x3FAC] =	sst s10  }
0x32: {  	s10 =	sld [smem:$0x3FAA];
	_ =	sdelay $0x3  }
0x33: {  	p0 =	seq.s32 s10, $0x1;
	s10 =	sld [smem:$0x3FAC];
	_ =	sdelay $0x3  }
0x34: {  	[smem:$0x3FAC] =	sst s10  }
0x35: {  	s10 =	sld [smem:$0x3FAB];
	_ =	sdelay $0x3  }
0x36: {  	p1 =	seq.s32 s10, $0x1;
	s10 =	sld [smem:$0x3FAC];
	_ =	sdelay $0x3  }
0x37: {  	[smem:$0x3FAC] =	sst s10  }
0x38: {  	s10 =	sld [smem:$0x3FAD]  }
0x39: {  	_ = 	snop;
	(pc) =	sbr.ind lr, $3  }
0x3a: {  	_ = 	snop  }
0x3b: {  	_ = 	snop  }
0x3c: {  	p2 =	seq.s32 s10, $0x1;
	s10 =	sld [smem:$0x3FAC]  }
0x3d: {  	_ =	shalt  }
0x3e: {  	_ =	shalt  }
0x3f: {  	_ =	shalt  }
0x40: {  	_ =	shalt  }
0x41: {  	_ =	shalt  }
0x42: {  	_ =	shalt  }
0x43: {  	_ =	shalt  }
0x44: {  	_ =	shalt  }
0x45: {  	_ =	shalt  }
0x46: {  	_ =	shalt  }
0x47: {  	_ =	shalt  }
0x48: {  	_ =	shalt  }
0x49: {  	_ =	shalt  }
0x4a: {  	_ =	shalt  }
0x4b: {  	_ =	shalt  }
0x4c: {  	_ =	shalt  }
0x4d: {  	_ =	shalt  }
0x4e: {  	_ =	shalt  }
0x4f: {  	_ =	shalt  }
0x50: {  	_ =	shalt  }
0x51: {  	_ =	shalt  }
0x52: {  	_ =	shalt  }
0x53: {  	_ =	shalt  }
0x54: {  	_ =	shalt  }
0x55: {  	_ =	shalt  }
0x56: {  	_ =	shalt  }
0x57: {  	_ =	shalt  }
0x58: {  	_ =	shalt  }
0x59: {  	_ =	shalt  }
0x5a: {  	_ =	shalt  }
0x5b: {  	_ =	shalt  }
0x5c: {  	_ =	shalt  }
0x5d: {  	_ =	shalt  }
0x5e: {  	_ =	shalt  }
0x5f: {  	_ =	shalt  }
0x60: {  	_ =	shalt  }
0x61: {  	_ =	shalt  }
0x62: {  	_ =	shalt  }
0x63: {  	_ =	shalt  }
0x64: {  	_ =	shalt  }
0x65: {  	_ =	shalt  }
0x66: {  	_ =	shalt  }
0x67: {  	_ =	shalt  }
0x68: {  	_ =	shalt  }
0x69: {  	_ =	shalt  }
0x6a: {  	_ =	shalt  }
0x6b: {  	_ =	shalt  }
0x6c: {  	_ =	shalt  }
0x6d: {  	_ =	shalt  }
0x6e: {  	_ =	shalt  }
0x6f: {  	_ =	shalt  }
0x70: {  	_ =	shalt  }
0x71: {  	_ =	shalt  }
0x72: {  	_ =	shalt  }
0x73: {  	_ =	shalt  }
0x74: {  	_ =	shalt  }
0x75: {  	_ =	shalt  }
0x76: {  	_ =	shalt  }
0x77: {  	_ =	shalt  }
0x78: {  	_ =	shalt  }
0x79: {  	_ =	shalt  }
0x7a: {  	_ =	shalt  }
0x7b: {  	_ =	shalt  }
0x7c: {  	_ =	shalt  }
0x7d: {  	_ =	shalt  }
0x7e: {  	_ =	shalt  }
0x7f: {  	_ =	shalt  }
0x80: {  	_ =	shalt  }
0x81: {  	_ =	shalt  }
0x82: {  	_ =	shalt  }
0x83: {  	_ =	shalt  }
0x84: {  	_ =	shalt  }
0x85: {  	_ =	shalt  }
0x86: {  	_ =	shalt  }
0x87: {  	_ =	shalt  }
.Lfunc_end0:
.L_simem_size_0:
called_computation.2_lowered:
.L_overlay_start_0:
0x88: {  	s2 =	sld [smem:$0x3FD9]  }
0x89: {  	s3 =	sld [smem:$0x3FFE];
	_ =	sdelay $0x1  }
0x8a: {  	s1 =	srdreg.scid  }
0x8b: {  	s0 =	sand.u32 $0x1, s1  }
0x8c: {  	s17 =	sshll.u32 s0, $0xA;
	s2 =	sadd.s32 s3, s2  }
0x8d: {  	s2 =	sadd.s32 s2, s17  }
0x8e: {  	[smem:$0x3FB8] =	sst s2  }
0x8f: {  	_ = 	snop  }
0x90: {  	s2 =	sld [smem:$0x3FD0];
	(tm) =	ssettm $0x1  }
0x91: {  	s18 =	sld [smem:$0x3FFB];
	_ =	sdelay $0x3  }
0x92: {  	_ =	strace s18  }
0x93: {  	s3 =	sld [smem:$0x3FFC];
	_ =	sdelay $0x3  }
0x94: {  	_ =	strace s3  }
0x95: {  	s3 =	sld [smem:$0x3FFD];
	_ =	sdelay $0x3  }
0x96: {  	_ =	strace s3  }
0x97: {  	_ =	strace $0x8FFFFFFF  }
0x98: {  	s19 =	sld [smem:$0x3FDB];
	_ =	sdelay $0x1  }
0x99: {  	s4 =	simm.s32 $_scs_section_size  }
0x9a: {  	s5 =	simm.s32 $_size__tile_overlayer_lowered;
	s6 =	simm.s32 $_tile_overlayer_lowered  }
0x9b: {  	s22 =	simm.s32 $0x1BFF;
	s21 =	sshll.u32 s6, $0x1;
	s3 =	sadd.s32 s4, s19  }
0x9c: {  	s7 =	simm.s32 $0x0;
	s20 =	sshll.u32 s5, $0x1;
	s5 =	sadd.s32 s21, s3  }
0x9d: {  	[timem:s7], [sflag:s22] =	dma.local [hbm:s5], s20  }
0x9e: {  	_ =	swait.ge [sflag:s22], s20  }
0x9f: {  	s4 =	ssub.s32 $0x0, s20;
	[sflag:s22] =	ssyncset.done $0x0  }
0xa0: {  	[sflag:s22] =	ssyncadd.s32 s4;
	_ =	sdelay $0x1  }
0xa1: {  	s23 =	simm.s32 $0x1B8B  }
0xa2: {  	_ =	swait.ge [sflag:s23], $0x1  }
0xa3: {  	[sflag:s23] =	ssyncset.done $0x0  }
0xa4: {  	s25 =	simm.s32 $0x1B8E;
	s24 =	sld [smem:$0x3FFE];
	[sflag:s23] =	ssyncadd.s32 $0xFFFFFFFF  }
0xa5: {  	s26 =	simm.s32 $execute0_lowered;
	[smem:$0x3FD2] =	sst s25  }
0xa6: {  	s5 =	sshll.u32 s26, $0x1;
	_ =	strace $0x8000004C;
	[dreg:$0x1] =	wrdreg $0xFFFFFFFF  }
0xa7: {  	s28 =	simm.s32 $_size_execute0_lowered;
	s3 =	sadd.s32 s3, s5;
	[dreg:$0x0] =	wrdreg $0x0  }
0xa8: {  	s5 =	sshll.u32 s28, $0x1;
	[dreg:$0x2] =	wrdreg s3  }
0xa9: {  	[dreg:$0x3] =	wrdreg s5  }
0xaa: {  	[dreg:$0x4] =	wrdreg $0xC0  }
0xab: {  	_ =	task [dreg:s7], $0x5FFFF  }
0xac: {  	[dreg:$0x1] =	wrdreg $0xFFFFFFFF  }
0xad: {  	[dreg:$0x0] =	wrdreg $0x60  }
0xae: {  	[dreg:$0x2] =	wrdreg s24  }
0xaf: {  	[dreg:$0x3] =	wrdreg s2  }
0xb0: {  	[dreg:$0x4] =	wrdreg $0xA8000  }
0xb1: {  	[dreg:$0x5] =	wrdreg $0x9  }
0xb2: {  	_ =	task.clear_ibuf [dreg:s7], $0x6FFFF;
	_ =	strace $0x9000004C  }
0xb3: {  	s29 =	simm.s32 $0x9;
	_ =	strace $0x8000004E  }
0xb4: {  	_ =	swait.ge [sflag:s29], $0x1  }
0xb5: {  	[sflag:s29] =	ssyncadd.s32 $0xFFFFFFFF  }
0xb6: {  	_ =	strace $0x9000004E  }
0xb7: {  	_ =	sfence  }
0xb8: {  	s30 =	sld [smem:$0x0];
	_ =	sdelay $0x2  }
0xb9: {  	s31 =	sshll.u32 s1, $0xD;
	s1 =	sshrl.u32 s1, $0x2  }
0xba: {  	s3 =	sand.u32 $0x4000, s31;
	s1 =	sadd.s32 s1, s30  }
0xbb: {  	s0 =	sor.u32 s3, s0;
	s1 =	sshll.u32 s1, $0x11  }
0xbc: {  	s0 =	sor.u32 s1, s0  }
0xbd: {  	s0 =	sadd.s32 $0x8F2B, s0  }
0xbe: {  	[sflag:s0] =	ssyncadd.remote.s32 $0x1  }
0xbf: {  	_ =	sfence.sel $0xFFFF  }
0xc0: {  	[dreg:$0x0] =	wrdreg $0xFFFFFFFF;
	(pc) =	sbr.abs _section_cstart, $3  }
0xc1: {  	[dreg:$0x1] =	wrdreg $0xFFFFFFFF  }
0xc2: {  	_ =	task.clear_ibuf [dreg:s7], $0x2FFFF;
	_ =	strace $0x9FFFFFFF  }
0xc3: {  	(tm) =	ssettm $0x7FFFFFFF  }
tec
execute0_lowered:
.L_overlay_start_1:
0x0: {  	(tag) =	ssettag $0x1  }
0x1: {  	s6 =	rddreg [dreg:$0x0]  }
0x2: {  	s10 =	rddreg [dreg:$0x1]  }
0x3: {  	s1 =	rddreg [dreg:$0x2];
	s2 =	srdreg.scid  }
0x4: {  	s0 =	rddreg [dreg:$0x3];
	s3 =	simm.s32 $0x0;
	s17 =	simm.s32 $0x1  }
0x5: {  	s18 =	simm.s32 $0x80;
	s19 =	simm.s32 $0x2800;
	s20 =	simm.s32 $0x6800  }
0x6: {  	s21 =	simm.s32 $0x2;
	s22 =	simm.s32 $0x2700;
	s23 =	simm.s32 $0x2780  }
0x7: {  	s24 =	simm.s32 $0x0;
	s7 =	sand.u32 $0x1, s2;
	s2 =	stileid.u32  }
0x8: {  	[smem:$0x7FF] =	sst s3;
	s4 =	sadd.s32 $0xA5A00, s6;
	s8 =	smul.u32 $0x140000, s7  }
0x9: {  	s11 =	sadd.s32 $0xF600, s6;
	s5 =	sadd.s32 $0xA3200, s6;
	s9 =	smul.u32 $0x14000, s2  }
0xa: {  	_ =	strace $0x8000004D;
	s25 =	ssub.s32 $0x2, s7;
	s7 =	sshll.u32 s7, $0x4  }
0xb: {  	s13 =	smul.u32 $0x50000, s2;
	s12 =	sshrl.u32 s25, $0x1;
	s7 =	sor.u32 s2, s7  }
0xc: {  	s8 =	sadd.s32 s9, s8;
	s15 =	ssub.s32 s25, s12;
	s26 =	smul.u32 $0x2800, s7  }
0xd: {  	s28 =	sshrl.u32 s13, $0x2;
	s29 =	smul.u32 $0x500, s7;
	s8 =	sshrl.u32 s8, $0x3  }
0xe: {  	s16 =	sadd.s32 s28, s1;
	s13 =	smax.u32 s15, $0x1;
	s15 =	simm.s32 $0x3  }
0xf: {  	s14 =	sadd.s32 s8, s6;
	s6 =	sshll.u32 s2, $0x6;
	s30 =	sshrl.u32 s26, $0x3  }
0x10: {  	s8 =	sadd.s32 s10, s29;
	s9 =	sadd.s32 s11, s29;
	s7 =	sor.u32 $0x1C01, s6  }
0x11: {  	s31 =	sadd.s32 $0x280, s30;
	s12 =	sadd.s32 $0x41600, s14;
	s14 =	sshrl.u32 s16, $0x3  }
0x12: {  	s16 =	simm.s32 $0x1400;
	s10 =	sadd.s32 s10, s31;
	s11 =	sadd.s32 s11, s31  }
.LBB2_1:
0x13: {  	[spmem:s14], [sflag:s7] =	dma.local [hbm:s5], $0x2800  }
0x14: {  	[tilespmem:s3], [sflag:$0x3] =	stream.linear.gather [hbm4b:s8+s3], $0x1400, $0x38;
	[tilespmem:$0x1E800] =	vst v63  }
0x15: {  	_ =	swait.ge [sflag:s15], $0x1400  }
0x16: {  	[sflag:s15] =	ssyncset.done $0x0  }
0x17: {  	[sflag:s15] =	ssyncadd.s32 $0xFFFFEC00  }
0x18: {  	[tilespmem:s16], [sflag:$0x3] =	stream.linear.gather [hbm4b:s9+s3], $0x1400, $0x38;
	[tilespmem:$0x1E800] =	vst v63  }
0x19: {  	_ =	swait.ge [sflag:s15], $0x1400  }
0x1a: {  	[sflag:s15] =	ssyncset.done $0x0  }
0x1b: {  	[sflag:s15] =	ssyncadd.s32 $0xFFFFEC00  }
0x1c: {  	_ =	swait.ge [sflag:s17], $0x2800  }
0x1d: {  	[sflag:s17] =	ssyncset.done $0x0  }
0x1e: {  	[sflag:s17] =	ssyncadd.s32 $0xFFFFD800  }
0x1f: {  	[bflag:$0x0] =	sbarrier.arrive $0xFFFF  }
0x20: {  	[tilespmem:s19], [sflag:$0x1] =	stream.indirect.gather [hbm4b:s4+s18], $0x80, s3, s18, $0xb8;
	[tilespmem:$0x1E800] =	vst v63  }
0x21: {  	_ = 	snop  }
0x22: {  	[tilespmem:s20], [sflag:$0x2] =	stream.indirect.gather [hbm4b:s4+s18], $0x80, s18, s18, $0xb8;
	[tilespmem:$0x1E800] =	vst v63  }
0x23: {  	_ =	swait.ge [sflag:s17], $0x4000  }
0x24: {  	[sflag:s17] =	ssyncset.done $0x0  }
0x25: {  	s25 =	simm.s32 $0x1400;
	[sflag:s17] =	ssyncadd.s32 $0xFFFFC000  }
0x26: {  	[spmem:s1] =	stream.indirect.scatter.add.f32 [tilespmem:s19], [sflag:$0x3], $0x80, s25, s18, $0xb8;
	[tilespmem:$0x1E800] =	vst v63  }
0x27: {  	_ =	swait.ge [sflag:s15], $0x4000  }
0x28: {  	[sflag:s15] =	ssyncset.done $0x0  }
0x29: {  	s30 =	simm.s32 $0x100;
	[sflag:s15] =	ssyncadd.s32 $0xFFFFC000  }
0x2a: {  	[tilespmem:s19], [sflag:$0x1] =	stream.indirect.gather [hbm4b:s4+s18], $0x80, s30, s18, $0xb8;
	[tilespmem:$0x1E800] =	vst v63  }
0x2b: {  	_ =	swait.ge [sflag:s21], $0x4000  }
0x2c: {  	[sflag:s21] =	ssyncset.done $0x0  }
0x2d: {  	s31 =	simm.s32 $0x1480;
	[sflag:s21] =	ssyncadd.s32 $0xFFFFC000  }
0x2e: {  	[spmem:s1] =	stream.indirect.scatter.add.f32 [tilespmem:s20], [sflag:$0x3], $0x80, s31, s18, $0xb8;
	[tilespmem:$0x1E800] =	vst v63  }
0x2f: {  	_ =	swait.ge [sflag:s15], $0x4000  }
0x30: {  	[sflag:s15] =	ssyncset.done $0x0  }
0x31: {  	s26 =	simm.s32 $0x180;
	s25 =	simm.s32 $0x400;
	[sflag:s15] =	ssyncadd.s32 $0xFFFFC000  }
.LBB2_2:
0x32: {  	[tilespmem:s20], [sflag:$0x2] =	stream.indirect.gather [hbm4b:s4+s18], $0x80, s26, s18, $0xb8;
	[tilespmem:$0x1E800] =	vst v63  }
0x33: {  	s26 =	smov.u32 s25  }
0x34: {  	p0 =	sne.s32 s25, $0x4800;
	s25 =	sadd.s32 $0x400, s25;
	_ =	swait.ge [sflag:s17], $0x4000  }
0x35: {  	s26 =	sshra.s32 s26, $0x2;
	[sflag:s17] =	ssyncset.done $0x0  }
0x36: {  	s28 =	sadd.s32 $0x1400, s26;
	[sflag:s17] =	ssyncadd.s32 $0xFFFFC000  }
0x37: {  	[spmem:s1] =	stream.indirect.scatter.add.f32 [tilespmem:s19], [sflag:$0x3], $0x80, s28, s18, $0xb8;
	[tilespmem:$0x1E800] =	vst v63  }
0x38: {  	_ =	swait.ge [sflag:s15], $0x4000  }
0x39: {  	[sflag:s15] =	ssyncset.done $0x0  }
0x3a: {  	s28 =	sadd.s32 $0x100, s26;
	[sflag:s15] =	ssyncadd.s32 $0xFFFFC000  }
0x3b: {  	[tilespmem:s19], [sflag:$0x1] =	stream.indirect.gather [hbm4b:s4+s18], $0x80, s28, s18, $0xb8;
	[tilespmem:$0x1E800] =	vst v63  }
0x3c: {  	_ =	swait.ge [sflag:s21], $0x4000  }
0x3d: {  	[sflag:s21] =	ssyncset.done $0x0  }
.Ltmp0:
0x3e: {  	s28 =	sadd.s32 $0x1480, s26;
	[sflag:s21] =	ssyncadd.s32 $0xFFFFC000;
	(pc) =	sbr.rel @p0 .LBB2_2-.Ltmp0, $4  }
0x3f: {  	[spmem:s1] =	stream.indirect.scatter.add.f32 [tilespmem:s20], [sflag:$0x3], $0x80, s28, s18, $0xb8;
	[tilespmem:$0x1E800] =	vst v63  }
0x40: {  	_ =	swait.ge [sflag:s15], $0x4000  }
0x41: {  	[sflag:s15] =	ssyncset.done $0x0  }
0x42: {  	s26 =	sadd.s32 $0x180, s26;
	[sflag:s15] =	ssyncadd.s32 $0xFFFFC000  }
0x43: {  	[tilespmem:s20], [sflag:$0x2] =	stream.indirect.gather [hbm4b:s4+s18], $0x80, s26, s18, $0xb8;
	[tilespmem:$0x1E800] =	vst v63  }
0x44: {  	_ =	swait.ge [sflag:s17], $0x4000  }
0x45: {  	[sflag:s17] =	ssyncset.done $0x0  }
0x46: {  	[sflag:s17] =	ssyncadd.s32 $0xFFFFC000  }
0x47: {  	[spmem:s1] =	stream.indirect.scatter.add.f32 [tilespmem:s19], [sflag:$0x3], $0x80, s22, s18, $0xb8;
	[tilespmem:$0x1E800] =	vst v63  }
0x48: {  	_ =	swait.ge [sflag:s15], $0x4000  }
0x49: {  	[sflag:s15] =	ssyncset.done $0x0  }
0x4a: {  	[sflag:s15] =	ssyncadd.s32 $0xFFFFC000  }
0x4b: {  	_ =	swait.ge [sflag:s21], $0x4000  }
0x4c: {  	[sflag:s21] =	ssyncset.done $0x0  }
0x4d: {  	[sflag:s21] =	ssyncadd.s32 $0xFFFFC000  }
0x4e: {  	[spmem:s1] =	stream.indirect.scatter.add.f32 [tilespmem:s20], [sflag:$0x3], $0x80, s23, s18, $0xb8;
	[tilespmem:$0x1E800] =	vst v63  }
0x4f: {  	_ =	swait.ge [sflag:s15], $0x4000  }
0x50: {  	[sflag:s15] =	ssyncset.done $0x0  }
0x51: {  	s25 =	simm.s32 $0x0;
	[sflag:s15] =	ssyncadd.s32 $0xFFFFC000  }
0x52: {  	[tilespmem:s25], [sflag:$0x3] =	stream.linear.gather [hbm4b:s10+s25], $0x1400, $0x38;
	[tilespmem:$0x1E800] =	vst v63  }
0x53: {  	_ =	swait.ge [sflag:s15], $0x1400  }
0x54: {  	[sflag:s15] =	ssyncset.done $0x0  }
0x55: {  	[sflag:s15] =	ssyncadd.s32 $0xFFFFEC00  }
0x56: {  	[tilespmem:s16], [sflag:$0x3] =	stream.linear.gather [hbm4b:s11+s25], $0x1400, $0x38;
	[tilespmem:$0x1E800] =	vst v63  }
0x57: {  	_ =	swait.ge [sflag:s15], $0x1400  }
0x58: {  	[sflag:s15] =	ssyncset.done $0x0  }
0x59: {  	[sflag:s15] =	ssyncadd.s32 $0xFFFFEC00  }
0x5a: {  	[tilespmem:s19], [sflag:$0x1] =	stream.indirect.gather [hbm4b:s4+s18], $0x80, s25, s18, $0xb8;
	[tilespmem:$0x1E800] =	vst v63  }
0x5b: {  	_ = 	snop  }
0x5c: {  	[tilespmem:s20], [sflag:$0x2] =	stream.indirect.gather [hbm4b:s4+s18], $0x80, s18, s18, $0xb8;
	[tilespmem:$0x1E800] =	vst v63  }
0x5d: {  	_ =	swait.ge [sflag:s17], $0x4000  }
0x5e: {  	[sflag:s17] =	ssyncset.done $0x0  }
0x5f: {  	s29 =	simm.s32 $0x1400;
	[sflag:s17] =	ssyncadd.s32 $0xFFFFC000  }
0x60: {  	[spmem:s1] =	stream.indirect.scatter.add.f32 [tilespmem:s19], [sflag:$0x3], $0x80, s29, s18, $0xb8;
	[tilespmem:$0x1E800] =	vst v63  }
0x61: {  	_ =	swait.ge [sflag:s15], $0x4000  }
0x62: {  	[sflag:s15] =	ssyncset.done $0x0  }
0x63: {  	s30 =	simm.s32 $0x100;
	[sflag:s15] =	ssyncadd.s32 $0xFFFFC000  }
0x64: {  	[tilespmem:s19], [sflag:$0x1] =	stream.indirect.gather [hbm4b:s4+s18], $0x80, s30, s18, $0xb8;
	[tilespmem:$0x1E800] =	vst v63  }
0x65: {  	_ =	swait.ge [sflag:s21], $0x4000  }
0x66: {  	[sflag:s21] =	ssyncset.done $0x0  }
0x67: {  	s31 =	simm.s32 $0x1480;
	[sflag:s21] =	ssyncadd.s32 $0xFFFFC000  }
0x68: {  	[spmem:s1] =	stream.indirect.scatter.add.f32 [tilespmem:s20], [sflag:$0x3], $0x80, s31, s18, $0xb8;
	[tilespmem:$0x1E800] =	vst v63  }
0x69: {  	_ =	swait.ge [sflag:s15], $0x4000  }
0x6a: {  	[sflag:s15] =	ssyncset.done $0x0  }
0x6b: {  	s26 =	simm.s32 $0x180;
	s25 =	simm.s32 $0x400;
	[sflag:s15] =	ssyncadd.s32 $0xFFFFC000  }
.LBB2_4:
0x6c: {  	[tilespmem:s20], [sflag:$0x2] =	stream.indirect.gather [hbm4b:s4+s18], $0x80, s26, s18, $0xb8;
	[tilespmem:$0x1E800] =	vst v63  }
0x6d: {  	s26 =	smov.u32 s25  }
0x6e: {  	p0 =	sne.s32 s25, $0x4800;
	s25 =	sadd.s32 $0x400, s25;
	_ =	swait.ge [sflag:s17], $0x4000  }
0x6f: {  	s26 =	sshra.s32 s26, $0x2;
	[sflag:s17] =	ssyncset.done $0x0  }
0x70: {  	s28 =	sadd.s32 $0x1400, s26;
	[sflag:s17] =	ssyncadd.s32 $0xFFFFC000  }
0x71: {  	[spmem:s1] =	stream.indirect.scatter.add.f32 [tilespmem:s19], [sflag:$0x3], $0x80, s28, s18, $0xb8;
	[tilespmem:$0x1E800] =	vst v63  }
0x72: {  	_ =	swait.ge [sflag:s15], $0x4000  }
0x73: {  	[sflag:s15] =	ssyncset.done $0x0  }
0x74: {  	s28 =	sadd.s32 $0x100, s26;
	[sflag:s15] =	ssyncadd.s32 $0xFFFFC000  }
0x75: {  	[tilespmem:s19], [sflag:$0x1] =	stream.indirect.gather [hbm4b:s4+s18], $0x80, s28, s18, $0xb8;
	[tilespmem:$0x1E800] =	vst v63  }
0x76: {  	_ =	swait.ge [sflag:s21], $0x4000  }
0x77: {  	[sflag:s21] =	ssyncset.done $0x0  }
.Ltmp1:
0x78: {  	s28 =	sadd.s32 $0x1480, s26;
	[sflag:s21] =	ssyncadd.s32 $0xFFFFC000;
	(pc) =	sbr.rel @p0 .LBB2_4-.Ltmp1, $4  }
0x79: {  	[spmem:s1] =	stream.indirect.scatter.add.f32 [tilespmem:s20], [sflag:$0x3], $0x80, s28, s18, $0xb8;
	[tilespmem:$0x1E800] =	vst v63  }
0x7a: {  	_ =	swait.ge [sflag:s15], $0x4000  }
0x7b: {  	[sflag:s15] =	ssyncset.done $0x0  }
0x7c: {  	s26 =	sadd.s32 $0x180, s26;
	[sflag:s15] =	ssyncadd.s32 $0xFFFFC000  }
0x7d: {  	[tilespmem:s20], [sflag:$0x2] =	stream.indirect.gather [hbm4b:s4+s18], $0x80, s26, s18, $0xb8;
	[tilespmem:$0x1E800] =	vst v63  }
0x7e: {  	_ =	swait.ge [sflag:s17], $0x4000  }
0x7f: {  	[sflag:s17] =	ssyncset.done $0x0  }
0x80: {  	[sflag:s17] =	ssyncadd.s32 $0xFFFFC000  }
0x81: {  	[spmem:s1] =	stream.indirect.scatter.add.f32 [tilespmem:s19], [sflag:$0x3], $0x80, s22, s18, $0xb8;
	[tilespmem:$0x1E800] =	vst v63  }
0x82: {  	_ =	swait.ge [sflag:s15], $0x4000  }
0x83: {  	[sflag:s15] =	ssyncset.done $0x0  }
0x84: {  	[sflag:s15] =	ssyncadd.s32 $0xFFFFC000  }
0x85: {  	_ =	swait.ge [sflag:s21], $0x4000  }
0x86: {  	[sflag:s21] =	ssyncset.done $0x0  }
0x87: {  	[sflag:s21] =	ssyncadd.s32 $0xFFFFC000  }
0x88: {  	[spmem:s1] =	stream.indirect.scatter.add.f32 [tilespmem:s20], [sflag:$0x3], $0x80, s23, s18, $0xb8;
	[tilespmem:$0x1E800] =	vst v63  }
0x89: {  	_ =	swait.ge [sflag:s15], $0x4000  }
0x8a: {  	s24 =	sadd.s32 $0x1, s24;
	[sflag:s15] =	ssyncset.done $0x0  }
0x8b: {  	p0 =	sne.s32 s24, s13;
	[sflag:s15] =	ssyncadd.s32 $0xFFFFC000  }
.Ltmp2:
0x8c: {  	s25 =	sor.u32 $0x1C03, s6;
	[bflag:$0x0] =	sbarrier.arrive $0xFFFF;
	(pc) =	sbr.rel @p0 .LBB2_1-.Ltmp2, $4  }
0x8d: {  	[hbm:s12], [sflag:s25] =	dma.local [spmem:s14], $0x2800  }
0x8e: {  	_ =	swait.ge [sflag:s15], $0x2800  }
0x8f: {  	[sflag:s15] =	ssyncset.done $0x0  }
0x90: {  	[sflag:s15] =	ssyncadd.s32 $0xFFFFD800  }
0x91: {  	_ =	sfence.sel $0x180000  }
0x92: {  	[bflag:$0x0] =	sbarrier.arrive $0xFFFF  }
0x93: {  	p0 =	sne.s32 s2, $0x0;
	_ =	strace $0x9000004D  }
0x94: {  	s0 =	sadd.s32 @!p0 $0x100000, s0;
	[bflag:$0x2] =	sbarrier.arrive $0xFFFF  }
0x95: {  	[sflag:s0] =	ssyncadd.tile.s32 @!p0 $0x1;
	_ =	shalt  }
.Lfunc_end2:
_tile_overlayer_lowered:
.L_overlay_start_2:
0x96: {  	(tag) =	ssettag $0x2  }
0x97: {  	s0 =	rddreg [dreg:$0x0];
	s2 =	stileid.u32  }
0x98: {  	s1 =	rddreg [dreg:$0x1];
	p0 =	sne.s32 s2, $0x0  }
0x99: {  	s3 =	rddreg [dreg:$0x2];
	[bflag:$0x3] =	sbarrier.arrive $0xFFFF;
	s2 =	simm.s32 @!p0 $0x1C03  }
0x9a: {  	[timem:s3], [sflag:s2] =	dma.local @!p0 [hbm:s0], s1  }
0x9b: {  	s0 =	simm.s32 @!p0 $0x3  }
0x9c: {  	_ =	swait.ge @!p0 [sflag:s0], s1  }
0x9d: {  	s1 =	ssub.s32 @!p0 $0x0, s1;
	[sflag:s0] =	ssyncset.done @!p0 $0x0  }
0x9e: {  	[sflag:s0] =	ssyncadd.s32 @!p0 s1  }
0x9f: {  	[bflag:$0x3] =	sbarrier.arrive $0xFFFF  }
0xa0: {  	_ =	shalt  }

// kernel: kernel.23.cloned.1.call-start
scs
__scs_entry_jumppad:
0x0: {  	(pc) =	sbr.rel $0x88, $3  }
0x1: {  	(tag) =	ssettag $0x0;
	lr =	simm.s32 $0x1  }
0x2: {  	[smem:$0x3F91] =	sst lr;
	_ =	strace $0xD0000000  }
0x3: {  	_ = 	snop  }
0x4: {  	_ = 	snop  }
0x5: {  	_ = 	snop  }
0x6: {  	_ = 	snop  }
0x7: {  	_ = 	snop  }
__scs_overlays_trampoline_lowered:
0x8: {  	[smem:$0x3FA0] =	sst s0  }
0x9: {  	[smem:$0x3FA1] =	sst s1  }
0xa: {  	[smem:$0x3FA2] =	sst s2  }
0xb: {  	[smem:$0x3FA3] =	sst s3  }
0xc: {  	[smem:$0x3FA4] =	sst s4  }
0xd: {  	[smem:$0x3FA5] =	sst s5  }
0xe: {  	[smem:$0x3FA6] =	sst s6  }
0xf: {  	[smem:$0x3FA7] =	sst s7  }
0x10: {  	[smem:$0x3FA8] =	sst s8  }
0x11: {  	[smem:$0x3FA9] =	sst s9;
	s0 =	simm.s32 @!p0 $0x0  }
0x12: {  	s1 =	sld [smem:$0x3F8F];
	s0 =	simm.s32 @p0 $0x1  }
0x13: {  	[smem:$0x3FAA] =	sst s0;
	s0 =	simm.s32 @!p1 $0x0  }
0x14: {  	s2 =	sld [smem:$0x3F8E];
	s0 =	simm.s32 @p1 $0x1  }
0x15: {  	[smem:$0x3FAB] =	sst s0;
	s0 =	simm.s32 @!p2 $0x0  }
0x16: {  	s3 =	sld [smem:$0x3FDB];
	s0 =	simm.s32 @p2 $0x1  }
0x17: {  	s4 =	simm.s32 $0x1BF5;
	[smem:$0x3FAD] =	sst s0  }
0x18: {  	s0 =	sld [smem:$0x3F90];
	_ =	swait.ge [sflag:s4], $0x0  }
0x19: {  	s7 =	sld [smem:$0x3F91]  }
0x1a: {  	s8 =	sadd.s32 $0xFFFFE003, lr  }
0x1b: {  	s9 =	sadd.s32 $0xFFFFFEF7, lr;
	s5 =	simm.s32 $0xFFFFFFFF;
	p2 =	slt.u32 s8, $0xFFFFF086  }
0x1c: {  	p1 =	slt.u32 s9, $0xF7A;
	s5 =	simm.s32 @!p2 $0x0  }
0x1d: {  	s5 =	simm.s32 @p1 $0x1;
	p0 =	seq.s32 s7, s2  }
0x1e: {  	s7 =	smul.u32 @!p0 $0xF7A, s2;
	p2 =	seq.s32 @!p0 s5, $0x0  }
0x1f: {  	s9 =	smul.u32 $0xF7A, s1;
	s8 =	simm.s32 @!p0 $0x1BF5;
	p2 =	por !p2, p0  }
0x20: {  	[sflag:s8] =	ssyncset.s32 @!p0 $0xFFFFF086;
	s6 =	sadd.s32 @!p0 s3, s7;
	s7 =	simm.s32 @!p0 $0x108  }
0x21: {  	s3 =	sadd.s32 s3, s9;
	s6 =	sadd.s32 @!p0 $0x88, s6;
	s7 =	simm.s32 @p2 $0x1082  }
0x22: {  	[simem:s7], [sflag:s8] =	dma.local @!p0 [hbm:s6], $0xF7A  }
0x23: {  	s9 =	sor.u32 $0xD0000000, s2;
	s6 =	simm.s32 $0x108;
	_ =	swait.ge @!p0 [sflag:s8], $0x0  }
0x24: {  	s3 =	sadd.s32 $0x88, s3;
	s6 =	simm.s32 @!p1 $0x1082;
	[sflag:s4] =	ssyncset.s32 $0xFFFFF086  }
0x25: {  	[simem:s6], [sflag:s4] =	dma.local [hbm:s3], $0xF7A  }
0x26: {  	[smem:$0x3F91] =	sst s1;
	(tag) =	ssettag s2;
	_ =	strace s9  }
0x27: {  	s1 =	sld [smem:$0x3FA1]  }
0x28: {  	s2 =	sld [smem:$0x3FA2]  }
0x29: {  	s4 =	sld [smem:$0x3FA4]  }
0x2a: {  	p0 =	seq.s32 s5, $0x0;
	s5 =	sld [smem:$0x3FA5]  }
0x2b: {  	s6 =	sld [smem:$0x3FA6]  }
0x2c: {  	s7 =	sld [smem:$0x3FA7]  }
0x2d: {  	s3 =	simm.s32 $0x108;
	s8 =	sld [smem:$0x3FA8]  }
0x2e: {  	s3 =	simm.s32 @!p0 $0x1082;
	s9 =	sld [smem:$0x3FA9]  }
0x2f: {  	lr =	sadd.s32 s0, s3;
	s0 =	sld [smem:$0x3FA0]  }
0x30: {  	s3 =	sld [smem:$0x3FA3]  }
0x31: {  	[smem:$0x3FAC] =	sst s10  }
0x32: {  	s10 =	sld [smem:$0x3FAA];
	_ =	sdelay $0x3  }
0x33: {  	p0 =	seq.s32 s10, $0x1;
	s10 =	sld [smem:$0x3FAC];
	_ =	sdelay $0x3  }
0x34: {  	[smem:$0x3FAC] =	sst s10  }
0x35: {  	s10 =	sld [smem:$0x3FAB];
	_ =	sdelay $0x3  }
0x36: {  	p1 =	seq.s32 s10, $0x1;
	s10 =	sld [smem:$0x3FAC];
	_ =	sdelay $0x3  }
0x37: {  	[smem:$0x3FAC] =	sst s10  }
0x38: {  	s10 =	sld [smem:$0x3FAD]  }
0x39: {  	_ = 	snop;
	(pc) =	sbr.ind lr, $3  }
0x3a: {  	_ = 	snop  }
0x3b: {  	_ = 	snop  }
0x3c: {  	p2 =	seq.s32 s10, $0x1;
	s10 =	sld [smem:$0x3FAC]  }
0x3d: {  	_ =	shalt  }
0x3e: {  	_ =	shalt  }
0x3f: {  	_ =	shalt  }
0x40: {  	_ =	shalt  }
0x41: {  	_ =	shalt  }
0x42: {  	_ =	shalt  }
0x43: {  	_ =	shalt  }
0x44: {  	_ =	shalt  }
0x45: {  	_ =	shalt  }
0x46: {  	_ =	shalt  }
0x47: {  	_ =	shalt  }
0x48: {  	_ =	shalt  }
0x49: {  	_ =	shalt  }
0x4a: {  	_ =	shalt  }
0x4b: {  	_ =	shalt  }
0x4c: {  	_ =	shalt  }
0x4d: {  	_ =	shalt  }
0x4e: {  	_ =	shalt  }
0x4f: {  	_ =	shalt  }
0x50: {  	_ =	shalt  }
0x51: {  	_ =	shalt  }
0x52: {  	_ =	shalt  }
0x53: {  	_ =	shalt  }
0x54: {  	_ =	shalt  }
0x55: {  	_ =	shalt  }
0x56: {  	_ =	shalt  }
0x57: {  	_ =	shalt  }
0x58: {  	_ =	shalt  }
0x59: {  	_ =	shalt  }
0x5a: {  	_ =	shalt  }
0x5b: {  	_ =	shalt  }
0x5c: {  	_ =	shalt  }
0x5d: {  	_ =	shalt  }
0x5e: {  	_ =	shalt  }
0x5f: {  	_ =	shalt  }
0x60: {  	_ =	shalt  }
0x61: {  	_ =	shalt  }
0x62: {  	_ =	shalt  }
0x63: {  	_ =	shalt  }
0x64: {  	_ =	shalt  }
0x65: {  	_ =	shalt  }
0x66: {  	_ =	shalt  }
0x67: {  	_ =	shalt  }
0x68: {  	_ =	shalt  }
0x69: {  	_ =	shalt  }
0x6a: {  	_ =	shalt  }
0x6b: {  	_ =	shalt  }
0x6c: {  	_ =	shalt  }
0x6d: {  	_ =	shalt  }
0x6e: {  	_ =	shalt  }
0x6f: {  	_ =	shalt  }
0x70: {  	_ =	shalt  }
0x71: {  	_ =	shalt  }
0x72: {  	_ =	shalt  }
0x73: {  	_ =	shalt  }
0x74: {  	_ =	shalt  }
0x75: {  	_ =	shalt  }
0x76: {  	_ =	shalt  }
0x77: {  	_ =	shalt  }
0x78: {  	_ =	shalt  }
0x79: {  	_ =	shalt  }
0x7a: {  	_ =	shalt  }
0x7b: {  	_ =	shalt  }
0x7c: {  	_ =	shalt  }
0x7d: {  	_ =	shalt  }
0x7e: {  	_ =	shalt  }
0x7f: {  	_ =	shalt  }
0x80: {  	_ =	shalt  }
0x81: {  	_ =	shalt  }
0x82: {  	_ =	shalt  }
0x83: {  	_ =	shalt  }
0x84: {  	_ =	shalt  }
0x85: {  	_ =	shalt  }
0x86: {  	_ =	shalt  }
0x87: {  	_ =	shalt  }
.Lfunc_end0:
.L_simem_size_0:
called_computation.3_lowered:
.L_overlay_start_0:
0x88: {  	s2 =	sld [smem:$0x3FD9]  }
0x89: {  	s3 =	sld [smem:$0x3FFE];
	_ =	sdelay $0x1  }
0x8a: {  	s1 =	srdreg.scid  }
0x8b: {  	s0 =	sand.u32 $0x1, s1  }
0x8c: {  	s17 =	sshll.u32 s0, $0xA;
	s2 =	sadd.s32 s3, s2  }
0x8d: {  	s2 =	sadd.s32 s2, s17  }
0x8e: {  	[smem:$0x3FB8] =	sst s2  }
0x8f: {  	_ = 	snop  }
0x90: {  	s2 =	sld [smem:$0x3FD0];
	(tm) =	ssettm $0x1  }
0x91: {  	s18 =	sld [smem:$0x3FFB];
	_ =	sdelay $0x3  }
0x92: {  	_ =	strace s18  }
0x93: {  	s3 =	sld [smem:$0x3FFC];
	_ =	sdelay $0x3  }
0x94: {  	_ =	strace s3  }
0x95: {  	s3 =	sld [smem:$0x3FFD];
	_ =	sdelay $0x3  }
0x96: {  	_ =	strace s3  }
0x97: {  	_ =	strace $0x8FFFFFFF  }
0x98: {  	s19 =	sld [smem:$0x3FDB];
	_ =	sdelay $0x1  }
0x99: {  	s4 =	simm.s32 $_scs_section_size  }
0x9a: {  	s5 =	simm.s32 $_size__tile_overlayer_lowered;
	s6 =	simm.s32 $_tile_overlayer_lowered  }
0x9b: {  	s22 =	simm.s32 $0x1BFF;
	s21 =	sshll.u32 s6, $0x1;
	s3 =	sadd.s32 s4, s19  }
0x9c: {  	s7 =	simm.s32 $0x0;
	s20 =	sshll.u32 s5, $0x1;
	s5 =	sadd.s32 s21, s3  }
0x9d: {  	[timem:s7], [sflag:s22] =	dma.local [hbm:s5], s20  }
0x9e: {  	_ =	swait.ge [sflag:s22], s20  }
0x9f: {  	s4 =	ssub.s32 $0x0, s20;
	[sflag:s22] =	ssyncset.done $0x0  }
0xa0: {  	[sflag:s22] =	ssyncadd.s32 s4;
	_ =	sdelay $0x1  }
0xa1: {  	s23 =	simm.s32 $0x1B8B  }
0xa2: {  	_ =	swait.ge [sflag:s23], $0x1  }
0xa3: {  	[sflag:s23] =	ssyncset.done $0x0  }
0xa4: {  	s25 =	simm.s32 $0x1B8E;
	s24 =	sld [smem:$0x3FFE];
	[sflag:s23] =	ssyncadd.s32 $0xFFFFFFFF  }
0xa5: {  	s26 =	simm.s32 $execute0_lowered;
	[smem:$0x3FD2] =	sst s25  }
0xa6: {  	s5 =	sshll.u32 s26, $0x1;
	_ =	strace $0x8000004F;
	[dreg:$0x1] =	wrdreg $0xFFFFFFFF  }
0xa7: {  	s28 =	simm.s32 $_size_execute0_lowered;
	s3 =	sadd.s32 s3, s5;
	[dreg:$0x0] =	wrdreg $0x0  }
0xa8: {  	s5 =	sshll.u32 s28, $0x1;
	[dreg:$0x2] =	wrdreg s3  }
0xa9: {  	[dreg:$0x3] =	wrdreg s5  }
0xaa: {  	[dreg:$0x4] =	wrdreg $0xC0  }
0xab: {  	_ =	task [dreg:s7], $0x5FFFF  }
0xac: {  	[dreg:$0x1] =	wrdreg $0xFFFFFFFF  }
0xad: {  	[dreg:$0x0] =	wrdreg $0x60  }
0xae: {  	[dreg:$0x2] =	wrdreg s24  }
0xaf: {  	[dreg:$0x3] =	wrdreg s2  }
0xb0: {  	[dreg:$0x4] =	wrdreg $0xA8000  }
0xb1: {  	[dreg:$0x5] =	wrdreg $0x9  }
0xb2: {  	_ =	task.clear_ibuf [dreg:s7], $0x6FFFF;
	_ =	strace $0x9000004F  }
0xb3: {  	s29 =	simm.s32 $0x9;
	_ =	strace $0x80000051  }
0xb4: {  	_ =	swait.ge [sflag:s29], $0x1  }
0xb5: {  	[sflag:s29] =	ssyncadd.s32 $0xFFFFFFFF  }
0xb6: {  	_ =	strace $0x90000051  }
0xb7: {  	_ =	sfence  }
0xb8: {  	s30 =	sld [smem:$0x0];
	_ =	sdelay $0x2  }
0xb9: {  	s31 =	sshll.u32 s1, $0xD;
	s1 =	sshrl.u32 s1, $0x2  }
0xba: {  	s3 =	sand.u32 $0x4000, s31;
	s1 =	sadd.s32 s1, s30  }
0xbb: {  	s0 =	sor.u32 s3, s0;
	s1 =	sshll.u32 s1, $0x11  }
0xbc: {  	s0 =	sor.u32 s1, s0  }
0xbd: {  	s0 =	sadd.s32 $0x8F2B, s0  }
0xbe: {  	[sflag:s0] =	ssyncadd.remote.s32 $0x1  }
0xbf: {  	_ =	sfence.sel $0xFFFF  }
0xc0: {  	[dreg:$0x0] =	wrdreg $0xFFFFFFFF;
	(pc) =	sbr.abs _section_cstart, $3  }
0xc1: {  	[dreg:$0x1] =	wrdreg $0xFFFFFFFF  }
0xc2: {  	_ =	task.clear_ibuf [dreg:s7], $0x2FFFF;
	_ =	strace $0x9FFFFFFF  }
0xc3: {  	(tm) =	ssettm $0x7FFFFFFF  }
tec
execute0_lowered:
.L_overlay_start_1:
0x0: {  	(tag) =	ssettag $0x1  }
0x1: {  	s6 =	rddreg [dreg:$0x0]  }
0x2: {  	s10 =	rddreg [dreg:$0x1]  }
0x3: {  	s1 =	rddreg [dreg:$0x2];
	s2 =	srdreg.scid  }
0x4: {  	s0 =	rddreg [dreg:$0x3];
	s3 =	simm.s32 $0x0;
	s17 =	simm.s32 $0x1  }
0x5: {  	s18 =	simm.s32 $0x80;
	s19 =	simm.s32 $0x2800;
	s20 =	simm.s32 $0x6800  }
0x6: {  	s21 =	simm.s32 $0x2;
	s22 =	simm.s32 $0x2700;
	s23 =	simm.s32 $0x2780  }
0x7: {  	s24 =	simm.s32 $0x0;
	s7 =	sand.u32 $0x1, s2;
	s2 =	stileid.u32  }
0x8: {  	[smem:$0x7FF] =	sst s3;
	s4 =	sadd.s32 $0xA5A00, s6;
	s8 =	smul.u32 $0x140000, s7  }
0x9: {  	s11 =	sadd.s32 $0xF600, s6;
	s5 =	sadd.s32 $0xA3200, s6;
	s9 =	smul.u32 $0x14000, s2  }
0xa: {  	_ =	strace $0x80000050;
	s25 =	ssub.s32 $0x2, s7;
	s7 =	sshll.u32 s7, $0x4  }
0xb: {  	s13 =	smul.u32 $0x50000, s2;
	s12 =	sshrl.u32 s25, $0x1;
	s7 =	sor.u32 s2, s7  }
0xc: {  	s8 =	sadd.s32 s9, s8;
	s15 =	ssub.s32 s25, s12;
	s26 =	smul.u32 $0x2800, s7  }
0xd: {  	s28 =	sshrl.u32 s13, $0x2;
	s29 =	smul.u32 $0x500, s7;
	s8 =	sshrl.u32 s8, $0x3  }
0xe: {  	s16 =	sadd.s32 s28, s1;
	s13 =	smax.u32 s15, $0x1;
	s15 =	simm.s32 $0x3  }
0xf: {  	s14 =	sadd.s32 s8, s6;
	s6 =	sshll.u32 s2, $0x6;
	s30 =	sshrl.u32 s26, $0x3  }
0x10: {  	s8 =	sadd.s32 s10, s29;
	s9 =	sadd.s32 s11, s29;
	s7 =	sor.u32 $0x1C01, s6  }
0x11: {  	s31 =	sadd.s32 $0x280, s30;
	s12 =	sadd.s32 $0x41600, s14;
	s14 =	sshrl.u32 s16, $0x3  }
0x12: {  	s16 =	simm.s32 $0x1400;
	s10 =	sadd.s32 s10, s31;
	s11 =	sadd.s32 s11, s31  }
.LBB2_1:
0x13: {  	[spmem:s14], [sflag:s7] =	dma.local [hbm:s5], $0x2800  }
0x14: {  	[tilespmem:s3], [sflag:$0x3] =	stream.linear.gather [hbm4b:s8+s3], $0x1400, $0x38;
	[tilespmem:$0x1E800] =	vst v63  }
0x15: {  	_ =	swait.ge [sflag:s15], $0x1400  }
0x16: {  	[sflag:s15] =	ssyncset.done $0x0  }
0x17: {  	[sflag:s15] =	ssyncadd.s32 $0xFFFFEC00  }
0x18: {  	[tilespmem:s16], [sflag:$0x3] =	stream.linear.gather [hbm4b:s9+s3], $0x1400, $0x38;
	[tilespmem:$0x1E800] =	vst v63  }
0x19: {  	_ =	swait.ge [sflag:s15], $0x1400  }
0x1a: {  	[sflag:s15] =	ssyncset.done $0x0  }
0x1b: {  	[sflag:s15] =	ssyncadd.s32 $0xFFFFEC00  }
0x1c: {  	_ =	swait.ge [sflag:s17], $0x2800  }
0x1d: {  	[sflag:s17] =	ssyncset.done $0x0  }
0x1e: {  	[sflag:s17] =	ssyncadd.s32 $0xFFFFD800  }
0x1f: {  	[bflag:$0x0] =	sbarrier.arrive $0xFFFF  }
0x20: {  	[tilespmem:s19], [sflag:$0x1] =	stream.indirect.gather [hbm4b:s4+s18], $0x80, s3, s18, $0xb8;
	[tilespmem:$0x1E800] =	vst v63  }
0x21: {  	_ = 	snop  }
0x22: {  	[tilespmem:s20], [sflag:$0x2] =	stream.indirect.gather [hbm4b:s4+s18], $0x80, s18, s18, $0xb8;
	[tilespmem:$0x1E800] =	vst v63  }
0x23: {  	_ =	swait.ge [sflag:s17], $0x4000  }
0x24: {  	[sflag:s17] =	ssyncset.done $0x0  }
0x25: {  	s25 =	simm.s32 $0x1400;
	[sflag:s17] =	ssyncadd.s32 $0xFFFFC000  }
0x26: {  	[spmem:s1] =	stream.indirect.scatter.add.f32 [tilespmem:s19], [sflag:$0x3], $0x80, s25, s18, $0xb8;
	[tilespmem:$0x1E800] =	vst v63  }
0x27: {  	_ =	swait.ge [sflag:s15], $0x4000  }
0x28: {  	[sflag:s15] =	ssyncset.done $0x0  }
0x29: {  	s30 =	simm.s32 $0x100;
	[sflag:s15] =	ssyncadd.s32 $0xFFFFC000  }
0x2a: {  	[tilespmem:s19], [sflag:$0x1] =	stream.indirect.gather [hbm4b:s4+s18], $0x80, s30, s18, $0xb8;
	[tilespmem:$0x1E800] =	vst v63  }
0x2b: {  	_ =	swait.ge [sflag:s21], $0x4000  }
0x2c: {  	[sflag:s21] =	ssyncset.done $0x0  }
0x2d: {  	s31 =	simm.s32 $0x1480;
	[sflag:s21] =	ssyncadd.s32 $0xFFFFC000  }
0x2e: {  	[spmem:s1] =	stream.indirect.scatter.add.f32 [tilespmem:s20], [sflag:$0x3], $0x80, s31, s18, $0xb8;
	[tilespmem:$0x1E800] =	vst v63  }
0x2f: {  	_ =	swait.ge [sflag:s15], $0x4000  }
0x30: {  	[sflag:s15] =	ssyncset.done $0x0  }
0x31: {  	s26 =	simm.s32 $0x180;
	s25 =	simm.s32 $0x400;
	[sflag:s15] =	ssyncadd.s32 $0xFFFFC000  }
.LBB2_2:
0x32: {  	[tilespmem:s20], [sflag:$0x2] =	stream.indirect.gather [hbm4b:s4+s18], $0x80, s26, s18, $0xb8;
	[tilespmem:$0x1E800] =	vst v63  }
0x33: {  	s26 =	smov.u32 s25  }
0x34: {  	p0 =	sne.s32 s25, $0x4800;
	s25 =	sadd.s32 $0x400, s25;
	_ =	swait.ge [sflag:s17], $0x4000  }
0x35: {  	s26 =	sshra.s32 s26, $0x2;
	[sflag:s17] =	ssyncset.done $0x0  }
0x36: {  	s28 =	sadd.s32 $0x1400, s26;
	[sflag:s17] =	ssyncadd.s32 $0xFFFFC000  }
0x37: {  	[spmem:s1] =	stream.indirect.scatter.add.f32 [tilespmem:s19], [sflag:$0x3], $0x80, s28, s18, $0xb8;
	[tilespmem:$0x1E800] =	vst v63  }
0x38: {  	_ =	swait.ge [sflag:s15], $0x4000  }
0x39: {  	[sflag:s15] =	ssyncset.done $0x0  }
0x3a: {  	s28 =	sadd.s32 $0x100, s26;
	[sflag:s15] =	ssyncadd.s32 $0xFFFFC000  }
0x3b: {  	[tilespmem:s19], [sflag:$0x1] =	stream.indirect.gather [hbm4b:s4+s18], $0x80, s28, s18, $0xb8;
	[tilespmem:$0x1E800] =	vst v63  }
0x3c: {  	_ =	swait.ge [sflag:s21], $0x4000  }
0x3d: {  	[sflag:s21] =	ssyncset.done $0x0  }
.Ltmp0:
0x3e: {  	s28 =	sadd.s32 $0x1480, s26;
	[sflag:s21] =	ssyncadd.s32 $0xFFFFC000;
	(pc) =	sbr.rel @p0 .LBB2_2-.Ltmp0, $4  }
0x3f: {  	[spmem:s1] =	stream.indirect.scatter.add.f32 [tilespmem:s20], [sflag:$0x3], $0x80, s28, s18, $0xb8;
	[tilespmem:$0x1E800] =	vst v63  }
0x40: {  	_ =	swait.ge [sflag:s15], $0x4000  }
0x41: {  	[sflag:s15] =	ssyncset.done $0x0  }
0x42: {  	s26 =	sadd.s32 $0x180, s26;
	[sflag:s15] =	ssyncadd.s32 $0xFFFFC000  }
0x43: {  	[tilespmem:s20], [sflag:$0x2] =	stream.indirect.gather [hbm4b:s4+s18], $0x80, s26, s18, $0xb8;
	[tilespmem:$0x1E800] =	vst v63  }
0x44: {  	_ =	swait.ge [sflag:s17], $0x4000  }
0x45: {  	[sflag:s17] =	ssyncset.done $0x0  }
0x46: {  	[sflag:s17] =	ssyncadd.s32 $0xFFFFC000  }
0x47: {  	[spmem:s1] =	stream.indirect.scatter.add.f32 [tilespmem:s19], [sflag:$0x3], $0x80, s22, s18, $0xb8;
	[tilespmem:$0x1E800] =	vst v63  }
0x48: {  	_ =	swait.ge [sflag:s15], $0x4000  }
0x49: {  	[sflag:s15] =	ssyncset.done $0x0  }
0x4a: {  	[sflag:s15] =	ssyncadd.s32 $0xFFFFC000  }
0x4b: {  	_ =	swait.ge [sflag:s21], $0x4000  }
0x4c: {  	[sflag:s21] =	ssyncset.done $0x0  }
0x4d: {  	[sflag:s21] =	ssyncadd.s32 $0xFFFFC000  }
0x4e: {  	[spmem:s1] =	stream.indirect.scatter.add.f32 [tilespmem:s20], [sflag:$0x3], $0x80, s23, s18, $0xb8;
	[tilespmem:$0x1E800] =	vst v63  }
0x4f: {  	_ =	swait.ge [sflag:s15], $0x4000  }
0x50: {  	[sflag:s15] =	ssyncset.done $0x0  }
0x51: {  	s25 =	simm.s32 $0x0;
	[sflag:s15] =	ssyncadd.s32 $0xFFFFC000  }
0x52: {  	[tilespmem:s25], [sflag:$0x3] =	stream.linear.gather [hbm4b:s10+s25], $0x1400, $0x38;
	[tilespmem:$0x1E800] =	vst v63  }
0x53: {  	_ =	swait.ge [sflag:s15], $0x1400  }
0x54: {  	[sflag:s15] =	ssyncset.done $0x0  }
0x55: {  	[sflag:s15] =	ssyncadd.s32 $0xFFFFEC00  }
0x56: {  	[tilespmem:s16], [sflag:$0x3] =	stream.linear.gather [hbm4b:s11+s25], $0x1400, $0x38;
	[tilespmem:$0x1E800] =	vst v63  }
0x57: {  	_ =	swait.ge [sflag:s15], $0x1400  }
0x58: {  	[sflag:s15] =	ssyncset.done $0x0  }
0x59: {  	[sflag:s15] =	ssyncadd.s32 $0xFFFFEC00  }
0x5a: {  	[tilespmem:s19], [sflag:$0x1] =	stream.indirect.gather [hbm4b:s4+s18], $0x80, s25, s18, $0xb8;
	[tilespmem:$0x1E800] =	vst v63  }
0x5b: {  	_ = 	snop  }
0x5c: {  	[tilespmem:s20], [sflag:$0x2] =	stream.indirect.gather [hbm4b:s4+s18], $0x80, s18, s18, $0xb8;
	[tilespmem:$0x1E800] =	vst v63  }
0x5d: {  	_ =	swait.ge [sflag:s17], $0x4000  }
0x5e: {  	[sflag:s17] =	ssyncset.done $0x0  }
0x5f: {  	s29 =	simm.s32 $0x1400;
	[sflag:s17] =	ssyncadd.s32 $0xFFFFC000  }
0x60: {  	[spmem:s1] =	stream.indirect.scatter.add.f32 [tilespmem:s19], [sflag:$0x3], $0x80, s29, s18, $0xb8;
	[tilespmem:$0x1E800] =	vst v63  }
0x61: {  	_ =	swait.ge [sflag:s15], $0x4000  }
0x62: {  	[sflag:s15] =	ssyncset.done $0x0  }
0x63: {  	s30 =	simm.s32 $0x100;
	[sflag:s15] =	ssyncadd.s32 $0xFFFFC000  }
0x64: {  	[tilespmem:s19], [sflag:$0x1] =	stream.indirect.gather [hbm4b:s4+s18], $0x80, s30, s18, $0xb8;
	[tilespmem:$0x1E800] =	vst v63  }
0x65: {  	_ =	swait.ge [sflag:s21], $0x4000  }
0x66: {  	[sflag:s21] =	ssyncset.done $0x0  }
0x67: {  	s31 =	simm.s32 $0x1480;
	[sflag:s21] =	ssyncadd.s32 $0xFFFFC000  }
0x68: {  	[spmem:s1] =	stream.indirect.scatter.add.f32 [tilespmem:s20], [sflag:$0x3], $0x80, s31, s18, $0xb8;
	[tilespmem:$0x1E800] =	vst v63  }
0x69: {  	_ =	swait.ge [sflag:s15], $0x4000  }
0x6a: {  	[sflag:s15] =	ssyncset.done $0x0  }
0x6b: {  	s26 =	simm.s32 $0x180;
	s25 =	simm.s32 $0x400;
	[sflag:s15] =	ssyncadd.s32 $0xFFFFC000  }
.LBB2_4:
0x6c: {  	[tilespmem:s20], [sflag:$0x2] =	stream.indirect.gather [hbm4b:s4+s18], $0x80, s26, s18, $0xb8;
	[tilespmem:$0x1E800] =	vst v63  }
0x6d: {  	s26 =	smov.u32 s25  }
0x6e: {  	p0 =	sne.s32 s25, $0x4800;
	s25 =	sadd.s32 $0x400, s25;
	_ =	swait.ge [sflag:s17], $0x4000  }
0x6f: {  	s26 =	sshra.s32 s26, $0x2;
	[sflag:s17] =	ssyncset.done $0x0  }
0x70: {  	s28 =	sadd.s32 $0x1400, s26;
	[sflag:s17] =	ssyncadd.s32 $0xFFFFC000  }
0x71: {  	[spmem:s1] =	stream.indirect.scatter.add.f32 [tilespmem:s19], [sflag:$0x3], $0x80, s28, s18, $0xb8;
	[tilespmem:$0x1E800] =	vst v63  }
0x72: {  	_ =	swait.ge [sflag:s15], $0x4000  }
0x73: {  	[sflag:s15] =	ssyncset.done $0x0  }
0x74: {  	s28 =	sadd.s32 $0x100, s26;
	[sflag:s15] =	ssyncadd.s32 $0xFFFFC000  }
0x75: {  	[tilespmem:s19], [sflag:$0x1] =	stream.indirect.gather [hbm4b:s4+s18], $0x80, s28, s18, $0xb8;
	[tilespmem:$0x1E800] =	vst v63  }
0x76: {  	_ =	swait.ge [sflag:s21], $0x4000  }
0x77: {  	[sflag:s21] =	ssyncset.done $0x0  }
.Ltmp1:
0x78: {  	s28 =	sadd.s32 $0x1480, s26;
	[sflag:s21] =	ssyncadd.s32 $0xFFFFC000;
	(pc) =	sbr.rel @p0 .LBB2_4-.Ltmp1, $4  }
0x79: {  	[spmem:s1] =	stream.indirect.scatter.add.f32 [tilespmem:s20], [sflag:$0x3], $0x80, s28, s18, $0xb8;
	[tilespmem:$0x1E800] =	vst v63  }
0x7a: {  	_ =	swait.ge [sflag:s15], $0x4000  }
0x7b: {  	[sflag:s15] =	ssyncset.done $0x0  }
0x7c: {  	s26 =	sadd.s32 $0x180, s26;
	[sflag:s15] =	ssyncadd.s32 $0xFFFFC000  }
0x7d: {  	[tilespmem:s20], [sflag:$0x2] =	stream.indirect.gather [hbm4b:s4+s18], $0x80, s26, s18, $0xb8;
	[tilespmem:$0x1E800] =	vst v63  }
0x7e: {  	_ =	swait.ge [sflag:s17], $0x4000  }
0x7f: {  	[sflag:s17] =	ssyncset.done $0x0  }
0x80: {  	[sflag:s17] =	ssyncadd.s32 $0xFFFFC000  }
0x81: {  	[spmem:s1] =	stream.indirect.scatter.add.f32 [tilespmem:s19], [sflag:$0x3], $0x80, s22, s18, $0xb8;
	[tilespmem:$0x1E800] =	vst v63  }
0x82: {  	_ =	swait.ge [sflag:s15], $0x4000  }
0x83: {  	[sflag:s15] =	ssyncset.done $0x0  }
0x84: {  	[sflag:s15] =	ssyncadd.s32 $0xFFFFC000  }
0x85: {  	_ =	swait.ge [sflag:s21], $0x4000  }
0x86: {  	[sflag:s21] =	ssyncset.done $0x0  }
0x87: {  	[sflag:s21] =	ssyncadd.s32 $0xFFFFC000  }
0x88: {  	[spmem:s1] =	stream.indirect.scatter.add.f32 [tilespmem:s20], [sflag:$0x3], $0x80, s23, s18, $0xb8;
	[tilespmem:$0x1E800] =	vst v63  }
0x89: {  	_ =	swait.ge [sflag:s15], $0x4000  }
0x8a: {  	s24 =	sadd.s32 $0x1, s24;
	[sflag:s15] =	ssyncset.done $0x0  }
0x8b: {  	p0 =	sne.s32 s24, s13;
	[sflag:s15] =	ssyncadd.s32 $0xFFFFC000  }
.Ltmp2:
0x8c: {  	s25 =	sor.u32 $0x1C03, s6;
	[bflag:$0x0] =	sbarrier.arrive $0xFFFF;
	(pc) =	sbr.rel @p0 .LBB2_1-.Ltmp2, $4  }
0x8d: {  	[hbm:s12], [sflag:s25] =	dma.local [spmem:s14], $0x2800  }
0x8e: {  	_ =	swait.ge [sflag:s15], $0x2800  }
0x8f: {  	[sflag:s15] =	ssyncset.done $0x0  }
0x90: {  	[sflag:s15] =	ssyncadd.s32 $0xFFFFD800  }
0x91: {  	_ =	sfence.sel $0x180000  }
0x92: {  	[bflag:$0x0] =	sbarrier.arrive $0xFFFF  }
0x93: {  	p0 =	sne.s32 s2, $0x0;
	_ =	strace $0x90000050  }
0x94: {  	s0 =	sadd.s32 @!p0 $0x100000, s0;
	[bflag:$0x2] =	sbarrier.arrive $0xFFFF  }
0x95: {  	[sflag:s0] =	ssyncadd.tile.s32 @!p0 $0x1;
	_ =	shalt  }
.Lfunc_end2:
_tile_overlayer_lowered:
.L_overlay_start_2:
0x96: {  	(tag) =	ssettag $0x2  }
0x97: {  	s0 =	rddreg [dreg:$0x0];
	s2 =	stileid.u32  }
0x98: {  	s1 =	rddreg [dreg:$0x1];
	p0 =	sne.s32 s2, $0x0  }
0x99: {  	s3 =	rddreg [dreg:$0x2];
	[bflag:$0x3] =	sbarrier.arrive $0xFFFF;
	s2 =	simm.s32 @!p0 $0x1C03  }
0x9a: {  	[timem:s3], [sflag:s2] =	dma.local @!p0 [hbm:s0], s1  }
0x9b: {  	s0 =	simm.s32 @!p0 $0x3  }
0x9c: {  	_ =	swait.ge @!p0 [sflag:s0], s1  }
0x9d: {  	s1 =	ssub.s32 @!p0 $0x0, s1;
	[sflag:s0] =	ssyncset.done @!p0 $0x0  }
0x9e: {  	[sflag:s0] =	ssyncadd.s32 @!p0 s1  }
0x9f: {  	[bflag:$0x3] =	sbarrier.arrive $0xFFFF  }
0xa0: {  	_ =	shalt  }

// kernel: kernel.26.cloned.1.call-start
scs
__scs_entry_jumppad:
0x0: {  	(pc) =	sbr.rel $0x88, $3  }
0x1: {  	(tag) =	ssettag $0x0;
	lr =	simm.s32 $0x1  }
0x2: {  	[smem:$0x3F91] =	sst lr;
	_ =	strace $0xD0000000  }
0x3: {  	_ = 	snop  }
0x4: {  	_ = 	snop  }
0x5: {  	_ = 	snop  }
0x6: {  	_ = 	snop  }
0x7: {  	_ = 	snop  }
__scs_overlays_trampoline_lowered:
0x8: {  	[smem:$0x3FA0] =	sst s0  }
0x9: {  	[smem:$0x3FA1] =	sst s1  }
0xa: {  	[smem:$0x3FA2] =	sst s2  }
0xb: {  	[smem:$0x3FA3] =	sst s3  }
0xc: {  	[smem:$0x3FA4] =	sst s4  }
0xd: {  	[smem:$0x3FA5] =	sst s5  }
0xe: {  	[smem:$0x3FA6] =	sst s6  }
0xf: {  	[smem:$0x3FA7] =	sst s7  }
0x10: {  	[smem:$0x3FA8] =	sst s8  }
0x11: {  	[smem:$0x3FA9] =	sst s9;
	s0 =	simm.s32 @!p0 $0x0  }
0x12: {  	s1 =	sld [smem:$0x3F8F];
	s0 =	simm.s32 @p0 $0x1  }
0x13: {  	[smem:$0x3FAA] =	sst s0;
	s0 =	simm.s32 @!p1 $0x0  }
0x14: {  	s2 =	sld [smem:$0x3F8E];
	s0 =	simm.s32 @p1 $0x1  }
0x15: {  	[smem:$0x3FAB] =	sst s0;
	s0 =	simm.s32 @!p2 $0x0  }
0x16: {  	s3 =	sld [smem:$0x3FDB];
	s0 =	simm.s32 @p2 $0x1  }
0x17: {  	s4 =	simm.s32 $0x1BF5;
	[smem:$0x3FAD] =	sst s0  }
0x18: {  	s0 =	sld [smem:$0x3F90];
	_ =	swait.ge [sflag:s4], $0x0  }
0x19: {  	s7 =	sld [smem:$0x3F91]  }
0x1a: {  	s8 =	sadd.s32 $0xFFFFE003, lr  }
0x1b: {  	s9 =	sadd.s32 $0xFFFFFEF7, lr;
	s5 =	simm.s32 $0xFFFFFFFF;
	p2 =	slt.u32 s8, $0xFFFFF086  }
0x1c: {  	p1 =	slt.u32 s9, $0xF7A;
	s5 =	simm.s32 @!p2 $0x0  }
0x1d: {  	s5 =	simm.s32 @p1 $0x1;
	p0 =	seq.s32 s7, s2  }
0x1e: {  	s7 =	smul.u32 @!p0 $0xF7A, s2;
	p2 =	seq.s32 @!p0 s5, $0x0  }
0x1f: {  	s9 =	smul.u32 $0xF7A, s1;
	s8 =	simm.s32 @!p0 $0x1BF5;
	p2 =	por !p2, p0  }
0x20: {  	[sflag:s8] =	ssyncset.s32 @!p0 $0xFFFFF086;
	s6 =	sadd.s32 @!p0 s3, s7;
	s7 =	simm.s32 @!p0 $0x108  }
0x21: {  	s3 =	sadd.s32 s3, s9;
	s6 =	sadd.s32 @!p0 $0x88, s6;
	s7 =	simm.s32 @p2 $0x1082  }
0x22: {  	[simem:s7], [sflag:s8] =	dma.local @!p0 [hbm:s6], $0xF7A  }
0x23: {  	s9 =	sor.u32 $0xD0000000, s2;
	s6 =	simm.s32 $0x108;
	_ =	swait.ge @!p0 [sflag:s8], $0x0  }
0x24: {  	s3 =	sadd.s32 $0x88, s3;
	s6 =	simm.s32 @!p1 $0x1082;
	[sflag:s4] =	ssyncset.s32 $0xFFFFF086  }
0x25: {  	[simem:s6], [sflag:s4] =	dma.local [hbm:s3], $0xF7A  }
0x26: {  	[smem:$0x3F91] =	sst s1;
	(tag) =	ssettag s2;
	_ =	strace s9  }
0x27: {  	s1 =	sld [smem:$0x3FA1]  }
0x28: {  	s2 =	sld [smem:$0x3FA2]  }
0x29: {  	s4 =	sld [smem:$0x3FA4]  }
0x2a: {  	p0 =	seq.s32 s5, $0x0;
	s5 =	sld [smem:$0x3FA5]  }
0x2b: {  	s6 =	sld [smem:$0x3FA6]  }
0x2c: {  	s7 =	sld [smem:$0x3FA7]  }
0x2d: {  	s3 =	simm.s32 $0x108;
	s8 =	sld [smem:$0x3FA8]  }
0x2e: {  	s3 =	simm.s32 @!p0 $0x1082;
	s9 =	sld [smem:$0x3FA9]  }
0x2f: {  	lr =	sadd.s32 s0, s3;
	s0 =	sld [smem:$0x3FA0]  }
0x30: {  	s3 =	sld [smem:$0x3FA3]  }
0x31: {  	[smem:$0x3FAC] =	sst s10  }
0x32: {  	s10 =	sld [smem:$0x3FAA];
	_ =	sdelay $0x3  }
0x33: {  	p0 =	seq.s32 s10, $0x1;
	s10 =	sld [smem:$0x3FAC];
	_ =	sdelay $0x3  }
0x34: {  	[smem:$0x3FAC] =	sst s10  }
0x35: {  	s10 =	sld [smem:$0x3FAB];
	_ =	sdelay $0x3  }
0x36: {  	p1 =	seq.s32 s10, $0x1;
	s10 =	sld [smem:$0x3FAC];
	_ =	sdelay $0x3  }
0x37: {  	[smem:$0x3FAC] =	sst s10  }
0x38: {  	s10 =	sld [smem:$0x3FAD]  }
0x39: {  	_ = 	snop;
	(pc) =	sbr.ind lr, $3  }
0x3a: {  	_ = 	snop  }
0x3b: {  	_ = 	snop  }
0x3c: {  	p2 =	seq.s32 s10, $0x1;
	s10 =	sld [smem:$0x3FAC]  }
0x3d: {  	_ =	shalt  }
0x3e: {  	_ =	shalt  }
0x3f: {  	_ =	shalt  }
0x40: {  	_ =	shalt  }
0x41: {  	_ =	shalt  }
0x42: {  	_ =	shalt  }
0x43: {  	_ =	shalt  }
0x44: {  	_ =	shalt  }
0x45: {  	_ =	shalt  }
0x46: {  	_ =	shalt  }
0x47: {  	_ =	shalt  }
0x48: {  	_ =	shalt  }
0x49: {  	_ =	shalt  }
0x4a: {  	_ =	shalt  }
0x4b: {  	_ =	shalt  }
0x4c: {  	_ =	shalt  }
0x4d: {  	_ =	shalt  }
0x4e: {  	_ =	shalt  }
0x4f: {  	_ =	shalt  }
0x50: {  	_ =	shalt  }
0x51: {  	_ =	shalt  }
0x52: {  	_ =	shalt  }
0x53: {  	_ =	shalt  }
0x54: {  	_ =	shalt  }
0x55: {  	_ =	shalt  }
0x56: {  	_ =	shalt  }
0x57: {  	_ =	shalt  }
0x58: {  	_ =	shalt  }
0x59: {  	_ =	shalt  }
0x5a: {  	_ =	shalt  }
0x5b: {  	_ =	shalt  }
0x5c: {  	_ =	shalt  }
0x5d: {  	_ =	shalt  }
0x5e: {  	_ =	shalt  }
0x5f: {  	_ =	shalt  }
0x60: {  	_ =	shalt  }
0x61: {  	_ =	shalt  }
0x62: {  	_ =	shalt  }
0x63: {  	_ =	shalt  }
0x64: {  	_ =	shalt  }
0x65: {  	_ =	shalt  }
0x66: {  	_ =	shalt  }
0x67: {  	_ =	shalt  }
0x68: {  	_ =	shalt  }
0x69: {  	_ =	shalt  }
0x6a: {  	_ =	shalt  }
0x6b: {  	_ =	shalt  }
0x6c: {  	_ =	shalt  }
0x6d: {  	_ =	shalt  }
0x6e: {  	_ =	shalt  }
0x6f: {  	_ =	shalt  }
0x70: {  	_ =	shalt  }
0x71: {  	_ =	shalt  }
0x72: {  	_ =	shalt  }
0x73: {  	_ =	shalt  }
0x74: {  	_ =	shalt  }
0x75: {  	_ =	shalt  }
0x76: {  	_ =	shalt  }
0x77: {  	_ =	shalt  }
0x78: {  	_ =	shalt  }
0x79: {  	_ =	shalt  }
0x7a: {  	_ =	shalt  }
0x7b: {  	_ =	shalt  }
0x7c: {  	_ =	shalt  }
0x7d: {  	_ =	shalt  }
0x7e: {  	_ =	shalt  }
0x7f: {  	_ =	shalt  }
0x80: {  	_ =	shalt  }
0x81: {  	_ =	shalt  }
0x82: {  	_ =	shalt  }
0x83: {  	_ =	shalt  }
0x84: {  	_ =	shalt  }
0x85: {  	_ =	shalt  }
0x86: {  	_ =	shalt  }
0x87: {  	_ =	shalt  }
.Lfunc_end0:
.L_simem_size_0:
called_computation.4_lowered:
.L_overlay_start_0:
0x88: {  	s2 =	sld [smem:$0x3FD9]  }
0x89: {  	s3 =	sld [smem:$0x3FFE];
	_ =	sdelay $0x1  }
0x8a: {  	s1 =	srdreg.scid  }
0x8b: {  	s0 =	sand.u32 $0x1, s1  }
0x8c: {  	s17 =	sshll.u32 s0, $0xA;
	s2 =	sadd.s32 s3, s2  }
0x8d: {  	s2 =	sadd.s32 s2, s17  }
0x8e: {  	[smem:$0x3FB8] =	sst s2  }
0x8f: {  	_ = 	snop  }
0x90: {  	s2 =	sld [smem:$0x3FD0];
	(tm) =	ssettm $0x1  }
0x91: {  	s18 =	sld [smem:$0x3FFB];
	_ =	sdelay $0x3  }
0x92: {  	_ =	strace s18  }
0x93: {  	s3 =	sld [smem:$0x3FFC];
	_ =	sdelay $0x3  }
0x94: {  	_ =	strace s3  }
0x95: {  	s3 =	sld [smem:$0x3FFD];
	_ =	sdelay $0x3  }
0x96: {  	_ =	strace s3  }
0x97: {  	_ =	strace $0x8FFFFFFF  }
0x98: {  	s19 =	sld [smem:$0x3FDB];
	_ =	sdelay $0x1  }
0x99: {  	s4 =	simm.s32 $_scs_section_size  }
0x9a: {  	s5 =	simm.s32 $_size__tile_overlayer_lowered;
	s6 =	simm.s32 $_tile_overlayer_lowered  }
0x9b: {  	s22 =	simm.s32 $0x1BFF;
	s21 =	sshll.u32 s6, $0x1;
	s3 =	sadd.s32 s4, s19  }
0x9c: {  	s7 =	simm.s32 $0x0;
	s20 =	sshll.u32 s5, $0x1;
	s5 =	sadd.s32 s21, s3  }
0x9d: {  	[timem:s7], [sflag:s22] =	dma.local [hbm:s5], s20  }
0x9e: {  	_ =	swait.ge [sflag:s22], s20  }
0x9f: {  	s4 =	ssub.s32 $0x0, s20;
	[sflag:s22] =	ssyncset.done $0x0  }
0xa0: {  	[sflag:s22] =	ssyncadd.s32 s4;
	_ =	sdelay $0x1  }
0xa1: {  	s23 =	simm.s32 $0x1B8B  }
0xa2: {  	_ =	swait.ge [sflag:s23], $0x1  }
0xa3: {  	[sflag:s23] =	ssyncset.done $0x0  }
0xa4: {  	s25 =	simm.s32 $0x1B8E;
	s24 =	sld [smem:$0x3FFE];
	[sflag:s23] =	ssyncadd.s32 $0xFFFFFFFF  }
0xa5: {  	s26 =	simm.s32 $execute0_lowered;
	[smem:$0x3FD2] =	sst s25  }
0xa6: {  	s5 =	sshll.u32 s26, $0x1;
	_ =	strace $0x80000052;
	[dreg:$0x1] =	wrdreg $0xFFFFFFFF  }
0xa7: {  	s28 =	simm.s32 $_size_execute0_lowered;
	s3 =	sadd.s32 s3, s5;
	[dreg:$0x0] =	wrdreg $0x0  }
0xa8: {  	s5 =	sshll.u32 s28, $0x1;
	[dreg:$0x2] =	wrdreg s3  }
0xa9: {  	[dreg:$0x3] =	wrdreg s5  }
0xaa: {  	[dreg:$0x4] =	wrdreg $0xC0  }
0xab: {  	_ =	task [dreg:s7], $0x5FFFF  }
0xac: {  	[dreg:$0x1] =	wrdreg $0xFFFFFFFF  }
0xad: {  	[dreg:$0x0] =	wrdreg $0x60  }
0xae: {  	[dreg:$0x2] =	wrdreg s24  }
0xaf: {  	[dreg:$0x3] =	wrdreg s2  }
0xb0: {  	[dreg:$0x4] =	wrdreg $0xA8000  }
0xb1: {  	[dreg:$0x5] =	wrdreg $0x9  }
0xb2: {  	_ =	task.clear_ibuf [dreg:s7], $0x6FFFF;
	_ =	strace $0x90000052  }
0xb3: {  	s29 =	simm.s32 $0x9;
	_ =	strace $0x80000054  }
0xb4: {  	_ =	swait.ge [sflag:s29], $0x1  }
0xb5: {  	[sflag:s29] =	ssyncadd.s32 $0xFFFFFFFF  }
0xb6: {  	_ =	strace $0x90000054  }
0xb7: {  	_ =	sfence  }
0xb8: {  	s30 =	sld [smem:$0x0];
	_ =	sdelay $0x2  }
0xb9: {  	s31 =	sshll.u32 s1, $0xD;
	s1 =	sshrl.u32 s1, $0x2  }
0xba: {  	s3 =	sand.u32 $0x4000, s31;
	s1 =	sadd.s32 s1, s30  }
0xbb: {  	s0 =	sor.u32 s3, s0;
	s1 =	sshll.u32 s1, $0x11  }
0xbc: {  	s0 =	sor.u32 s1, s0  }
0xbd: {  	s0 =	sadd.s32 $0x8F2B, s0  }
0xbe: {  	[sflag:s0] =	ssyncadd.remote.s32 $0x1  }
0xbf: {  	_ =	sfence.sel $0xFFFF  }
0xc0: {  	[dreg:$0x0] =	wrdreg $0xFFFFFFFF;
	(pc) =	sbr.abs _section_cstart, $3  }
0xc1: {  	[dreg:$0x1] =	wrdreg $0xFFFFFFFF  }
0xc2: {  	_ =	task.clear_ibuf [dreg:s7], $0x2FFFF;
	_ =	strace $0x9FFFFFFF  }
0xc3: {  	(tm) =	ssettm $0x7FFFFFFF  }
tec
execute0_lowered:
.L_overlay_start_1:
0x0: {  	(tag) =	ssettag $0x1  }
0x1: {  	s6 =	rddreg [dreg:$0x0]  }
0x2: {  	s10 =	rddreg [dreg:$0x1]  }
0x3: {  	s1 =	rddreg [dreg:$0x2];
	s2 =	srdreg.scid  }
0x4: {  	s0 =	rddreg [dreg:$0x3];
	s3 =	simm.s32 $0x0;
	s17 =	simm.s32 $0x1  }
0x5: {  	s18 =	simm.s32 $0x80;
	s19 =	simm.s32 $0x2800;
	s20 =	simm.s32 $0x6800  }
0x6: {  	s21 =	simm.s32 $0x2;
	s22 =	simm.s32 $0x2700;
	s23 =	simm.s32 $0x2780  }
0x7: {  	s24 =	simm.s32 $0x0;
	s7 =	sand.u32 $0x1, s2;
	s2 =	stileid.u32  }
0x8: {  	[smem:$0x7FF] =	sst s3;
	s4 =	sadd.s32 $0xA5A00, s6;
	s8 =	smul.u32 $0x140000, s7  }
0x9: {  	s11 =	sadd.s32 $0xF600, s6;
	s5 =	sadd.s32 $0xA3200, s6;
	s9 =	smul.u32 $0x14000, s2  }
0xa: {  	_ =	strace $0x80000053;
	s25 =	ssub.s32 $0x2, s7;
	s7 =	sshll.u32 s7, $0x4  }
0xb: {  	s13 =	smul.u32 $0x50000, s2;
	s12 =	sshrl.u32 s25, $0x1;
	s7 =	sor.u32 s2, s7  }
0xc: {  	s8 =	sadd.s32 s9, s8;
	s15 =	ssub.s32 s25, s12;
	s26 =	smul.u32 $0x2800, s7  }
0xd: {  	s28 =	sshrl.u32 s13, $0x2;
	s29 =	smul.u32 $0x500, s7;
	s8 =	sshrl.u32 s8, $0x3  }
0xe: {  	s16 =	sadd.s32 s28, s1;
	s13 =	smax.u32 s15, $0x1;
	s15 =	simm.s32 $0x3  }
0xf: {  	s14 =	sadd.s32 s8, s6;
	s6 =	sshll.u32 s2, $0x6;
	s30 =	sshrl.u32 s26, $0x3  }
0x10: {  	s8 =	sadd.s32 s10, s29;
	s9 =	sadd.s32 s11, s29;
	s7 =	sor.u32 $0x1C01, s6  }
0x11: {  	s31 =	sadd.s32 $0x280, s30;
	s12 =	sadd.s32 $0x41600, s14;
	s14 =	sshrl.u32 s16, $0x3  }
0x12: {  	s16 =	simm.s32 $0x1400;
	s10 =	sadd.s32 s10, s31;
	s11 =	sadd.s32 s11, s31  }
.LBB2_1:
0x13: {  	[spmem:s14], [sflag:s7] =	dma.local [hbm:s5], $0x2800  }
0x14: {  	[tilespmem:s3], [sflag:$0x3] =	stream.linear.gather [hbm4b:s8+s3], $0x1400, $0x38;
	[tilespmem:$0x1E800] =	vst v63  }
0x15: {  	_ =	swait.ge [sflag:s15], $0x1400  }
0x16: {  	[sflag:s15] =	ssyncset.done $0x0  }
0x17: {  	[sflag:s15] =	ssyncadd.s32 $0xFFFFEC00  }
0x18: {  	[tilespmem:s16], [sflag:$0x3] =	stream.linear.gather [hbm4b:s9+s3], $0x1400, $0x38;
	[tilespmem:$0x1E800] =	vst v63  }
0x19: {  	_ =	swait.ge [sflag:s15], $0x1400  }
0x1a: {  	[sflag:s15] =	ssyncset.done $0x0  }
0x1b: {  	[sflag:s15] =	ssyncadd.s32 $0xFFFFEC00  }
0x1c: {  	_ =	swait.ge [sflag:s17], $0x2800  }
0x1d: {  	[sflag:s17] =	ssyncset.done $0x0  }
0x1e: {  	[sflag:s17] =	ssyncadd.s32 $0xFFFFD800  }
0x1f: {  	[bflag:$0x0] =	sbarrier.arrive $0xFFFF  }
0x20: {  	[tilespmem:s19], [sflag:$0x1] =	stream.indirect.gather [hbm4b:s4+s18], $0x80, s3, s18, $0xb8;
	[tilespmem:$0x1E800] =	vst v63  }
0x21: {  	_ = 	snop  }
0x22: {  	[tilespmem:s20], [sflag:$0x2] =	stream.indirect.gather [hbm4b:s4+s18], $0x80, s18, s18, $0xb8;
	[tilespmem:$0x1E800] =	vst v63  }
0x23: {  	_ =	swait.ge [sflag:s17], $0x4000  }
0x24: {  	[sflag:s17] =	ssyncset.done $0x0  }
0x25: {  	s25 =	simm.s32 $0x1400;
	[sflag:s17] =	ssyncadd.s32 $0xFFFFC000  }
0x26: {  	[spmem:s1] =	stream.indirect.scatter.add.f32 [tilespmem:s19], [sflag:$0x3], $0x80, s25, s18, $0xb8;
	[tilespmem:$0x1E800] =	vst v63  }
0x27: {  	_ =	swait.ge [sflag:s15], $0x4000  }
0x28: {  	[sflag:s15] =	ssyncset.done $0x0  }
0x29: {  	s30 =	simm.s32 $0x100;
	[sflag:s15] =	ssyncadd.s32 $0xFFFFC000  }
0x2a: {  	[tilespmem:s19], [sflag:$0x1] =	stream.indirect.gather [hbm4b:s4+s18], $0x80, s30, s18, $0xb8;
	[tilespmem:$0x1E800] =	vst v63  }
0x2b: {  	_ =	swait.ge [sflag:s21], $0x4000  }
0x2c: {  	[sflag:s21] =	ssyncset.done $0x0  }
0x2d: {  	s31 =	simm.s32 $0x1480;
	[sflag:s21] =	ssyncadd.s32 $0xFFFFC000  }
0x2e: {  	[spmem:s1] =	stream.indirect.scatter.add.f32 [tilespmem:s20], [sflag:$0x3], $0x80, s31, s18, $0xb8;
	[tilespmem:$0x1E800] =	vst v63  }
0x2f: {  	_ =	swait.ge [sflag:s15], $0x4000  }
0x30: {  	[sflag:s15] =	ssyncset.done $0x0  }
0x31: {  	s26 =	simm.s32 $0x180;
	s25 =	simm.s32 $0x400;
	[sflag:s15] =	ssyncadd.s32 $0xFFFFC000  }
.LBB2_2:
0x32: {  	[tilespmem:s20], [sflag:$0x2] =	stream.indirect.gather [hbm4b:s4+s18], $0x80, s26, s18, $0xb8;
	[tilespmem:$0x1E800] =	vst v63  }
0x33: {  	s26 =	smov.u32 s25  }
0x34: {  	p0 =	sne.s32 s25, $0x4800;
	s25 =	sadd.s32 $0x400, s25;
	_ =	swait.ge [sflag:s17], $0x4000  }
0x35: {  	s26 =	sshra.s32 s26, $0x2;
	[sflag:s17] =	ssyncset.done $0x0  }
0x36: {  	s28 =	sadd.s32 $0x1400, s26;
	[sflag:s17] =	ssyncadd.s32 $0xFFFFC000  }
0x37: {  	[spmem:s1] =	stream.indirect.scatter.add.f32 [tilespmem:s19], [sflag:$0x3], $0x80, s28, s18, $0xb8;
	[tilespmem:$0x1E800] =	vst v63  }
0x38: {  	_ =	swait.ge [sflag:s15], $0x4000  }
0x39: {  	[sflag:s15] =	ssyncset.done $0x0  }
0x3a: {  	s28 =	sadd.s32 $0x100, s26;
	[sflag:s15] =	ssyncadd.s32 $0xFFFFC000  }
0x3b: {  	[tilespmem:s19], [sflag:$0x1] =	stream.indirect.gather [hbm4b:s4+s18], $0x80, s28, s18, $0xb8;
	[tilespmem:$0x1E800] =	vst v63  }
0x3c: {  	_ =	swait.ge [sflag:s21], $0x4000  }
0x3d: {  	[sflag:s21] =	ssyncset.done $0x0  }
.Ltmp0:
0x3e: {  	s28 =	sadd.s32 $0x1480, s26;
	[sflag:s21] =	ssyncadd.s32 $0xFFFFC000;
	(pc) =	sbr.rel @p0 .LBB2_2-.Ltmp0, $4  }
0x3f: {  	[spmem:s1] =	stream.indirect.scatter.add.f32 [tilespmem:s20], [sflag:$0x3], $0x80, s28, s18, $0xb8;
	[tilespmem:$0x1E800] =	vst v63  }
0x40: {  	_ =	swait.ge [sflag:s15], $0x4000  }
0x41: {  	[sflag:s15] =	ssyncset.done $0x0  }
0x42: {  	s26 =	sadd.s32 $0x180, s26;
	[sflag:s15] =	ssyncadd.s32 $0xFFFFC000  }
0x43: {  	[tilespmem:s20], [sflag:$0x2] =	stream.indirect.gather [hbm4b:s4+s18], $0x80, s26, s18, $0xb8;
	[tilespmem:$0x1E800] =	vst v63  }
0x44: {  	_ =	swait.ge [sflag:s17], $0x4000  }
0x45: {  	[sflag:s17] =	ssyncset.done $0x0  }
0x46: {  	[sflag:s17] =	ssyncadd.s32 $0xFFFFC000  }
0x47: {  	[spmem:s1] =	stream.indirect.scatter.add.f32 [tilespmem:s19], [sflag:$0x3], $0x80, s22, s18, $0xb8;
	[tilespmem:$0x1E800] =	vst v63  }
0x48: {  	_ =	swait.ge [sflag:s15], $0x4000  }
0x49: {  	[sflag:s15] =	ssyncset.done $0x0  }
0x4a: {  	[sflag:s15] =	ssyncadd.s32 $0xFFFFC000  }
0x4b: {  	_ =	swait.ge [sflag:s21], $0x4000  }
0x4c: {  	[sflag:s21] =	ssyncset.done $0x0  }
0x4d: {  	[sflag:s21] =	ssyncadd.s32 $0xFFFFC000  }
0x4e: {  	[spmem:s1] =	stream.indirect.scatter.add.f32 [tilespmem:s20], [sflag:$0x3], $0x80, s23, s18, $0xb8;
	[tilespmem:$0x1E800] =	vst v63  }
0x4f: {  	_ =	swait.ge [sflag:s15], $0x4000  }
0x50: {  	[sflag:s15] =	ssyncset.done $0x0  }
0x51: {  	s25 =	simm.s32 $0x0;
	[sflag:s15] =	ssyncadd.s32 $0xFFFFC000  }
0x52: {  	[tilespmem:s25], [sflag:$0x3] =	stream.linear.gather [hbm4b:s10+s25], $0x1400, $0x38;
	[tilespmem:$0x1E800] =	vst v63  }
0x53: {  	_ =	swait.ge [sflag:s15], $0x1400  }
0x54: {  	[sflag:s15] =	ssyncset.done $0x0  }
0x55: {  	[sflag:s15] =	ssyncadd.s32 $0xFFFFEC00  }
0x56: {  	[tilespmem:s16], [sflag:$0x3] =	stream.linear.gather [hbm4b:s11+s25], $0x1400, $0x38;
	[tilespmem:$0x1E800] =	vst v63  }
0x57: {  	_ =	swait.ge [sflag:s15], $0x1400  }
0x58: {  	[sflag:s15] =	ssyncset.done $0x0  }
0x59: {  	[sflag:s15] =	ssyncadd.s32 $0xFFFFEC00  }
0x5a: {  	[tilespmem:s19], [sflag:$0x1] =	stream.indirect.gather [hbm4b:s4+s18], $0x80, s25, s18, $0xb8;
	[tilespmem:$0x1E800] =	vst v63  }
0x5b: {  	_ = 	snop  }
0x5c: {  	[tilespmem:s20], [sflag:$0x2] =	stream.indirect.gather [hbm4b:s4+s18], $0x80, s18, s18, $0xb8;
	[tilespmem:$0x1E800] =	vst v63  }
0x5d: {  	_ =	swait.ge [sflag:s17], $0x4000  }
0x5e: {  	[sflag:s17] =	ssyncset.done $0x0  }
0x5f: {  	s29 =	simm.s32 $0x1400;
	[sflag:s17] =	ssyncadd.s32 $0xFFFFC000  }
0x60: {  	[spmem:s1] =	stream.indirect.scatter.add.f32 [tilespmem:s19], [sflag:$0x3], $0x80, s29, s18, $0xb8;
	[tilespmem:$0x1E800] =	vst v63  }
0x61: {  	_ =	swait.ge [sflag:s15], $0x4000  }
0x62: {  	[sflag:s15] =	ssyncset.done $0x0  }
0x63: {  	s30 =	simm.s32 $0x100;
	[sflag:s15] =	ssyncadd.s32 $0xFFFFC000  }
0x64: {  	[tilespmem:s19], [sflag:$0x1] =	stream.indirect.gather [hbm4b:s4+s18], $0x80, s30, s18, $0xb8;
	[tilespmem:$0x1E800] =	vst v63  }
0x65: {  	_ =	swait.ge [sflag:s21], $0x4000  }
0x66: {  	[sflag:s21] =	ssyncset.done $0x0  }
0x67: {  	s31 =	simm.s32 $0x1480;
	[sflag:s21] =	ssyncadd.s32 $0xFFFFC000  }
0x68: {  	[spmem:s1] =	stream.indirect.scatter.add.f32 [tilespmem:s20], [sflag:$0x3], $0x80, s31, s18, $0xb8;
	[tilespmem:$0x1E800] =	vst v63  }
0x69: {  	_ =	swait.ge [sflag:s15], $0x4000  }
0x6a: {  	[sflag:s15] =	ssyncset.done $0x0  }
0x6b: {  	s26 =	simm.s32 $0x180;
	s25 =	simm.s32 $0x400;
	[sflag:s15] =	ssyncadd.s32 $0xFFFFC000  }
.LBB2_4:
0x6c: {  	[tilespmem:s20], [sflag:$0x2] =	stream.indirect.gather [hbm4b:s4+s18], $0x80, s26, s18, $0xb8;
	[tilespmem:$0x1E800] =	vst v63  }
0x6d: {  	s26 =	smov.u32 s25  }
0x6e: {  	p0 =	sne.s32 s25, $0x4800;
	s25 =	sadd.s32 $0x400, s25;
	_ =	swait.ge [sflag:s17], $0x4000  }
0x6f: {  	s26 =	sshra.s32 s26, $0x2;
	[sflag:s17] =	ssyncset.done $0x0  }
0x70: {  	s28 =	sadd.s32 $0x1400, s26;
	[sflag:s17] =	ssyncadd.s32 $0xFFFFC000  }
0x71: {  	[spmem:s1] =	stream.indirect.scatter.add.f32 [tilespmem:s19], [sflag:$0x3], $0x80, s28, s18, $0xb8;
	[tilespmem:$0x1E800] =	vst v63  }
0x72: {  	_ =	swait.ge [sflag:s15], $0x4000  }
0x73: {  	[sflag:s15] =	ssyncset.done $0x0  }
0x74: {  	s28 =	sadd.s32 $0x100, s26;
	[sflag:s15] =	ssyncadd.s32 $0xFFFFC000  }
0x75: {  	[tilespmem:s19], [sflag:$0x1] =	stream.indirect.gather [hbm4b:s4+s18], $0x80, s28, s18, $0xb8;
	[tilespmem:$0x1E800] =	vst v63  }
0x76: {  	_ =	swait.ge [sflag:s21], $0x4000  }
0x77: {  	[sflag:s21] =	ssyncset.done $0x0  }
.Ltmp1:
0x78: {  	s28 =	sadd.s32 $0x1480, s26;
	[sflag:s21] =	ssyncadd.s32 $0xFFFFC000;
	(pc) =	sbr.rel @p0 .LBB2_4-.Ltmp1, $4  }
0x79: {  	[spmem:s1] =	stream.indirect.scatter.add.f32 [tilespmem:s20], [sflag:$0x3], $0x80, s28, s18, $0xb8;
	[tilespmem:$0x1E800] =	vst v63  }
0x7a: {  	_ =	swait.ge [sflag:s15], $0x4000  }
0x7b: {  	[sflag:s15] =	ssyncset.done $0x0  }
0x7c: {  	s26 =	sadd.s32 $0x180, s26;
	[sflag:s15] =	ssyncadd.s32 $0xFFFFC000  }
0x7d: {  	[tilespmem:s20], [sflag:$0x2] =	stream.indirect.gather [hbm4b:s4+s18], $0x80, s26, s18, $0xb8;
	[tilespmem:$0x1E800] =	vst v63  }
0x7e: {  	_ =	swait.ge [sflag:s17], $0x4000  }
0x7f: {  	[sflag:s17] =	ssyncset.done $0x0  }
0x80: {  	[sflag:s17] =	ssyncadd.s32 $0xFFFFC000  }
0x81: {  	[spmem:s1] =	stream.indirect.scatter.add.f32 [tilespmem:s19], [sflag:$0x3], $0x80, s22, s18, $0xb8;
	[tilespmem:$0x1E800] =	vst v63  }
0x82: {  	_ =	swait.ge [sflag:s15], $0x4000  }
0x83: {  	[sflag:s15] =	ssyncset.done $0x0  }
0x84: {  	[sflag:s15] =	ssyncadd.s32 $0xFFFFC000  }
0x85: {  	_ =	swait.ge [sflag:s21], $0x4000  }
0x86: {  	[sflag:s21] =	ssyncset.done $0x0  }
0x87: {  	[sflag:s21] =	ssyncadd.s32 $0xFFFFC000  }
0x88: {  	[spmem:s1] =	stream.indirect.scatter.add.f32 [tilespmem:s20], [sflag:$0x3], $0x80, s23, s18, $0xb8;
	[tilespmem:$0x1E800] =	vst v63  }
0x89: {  	_ =	swait.ge [sflag:s15], $0x4000  }
0x8a: {  	s24 =	sadd.s32 $0x1, s24;
	[sflag:s15] =	ssyncset.done $0x0  }
0x8b: {  	p0 =	sne.s32 s24, s13;
	[sflag:s15] =	ssyncadd.s32 $0xFFFFC000  }
.Ltmp2:
0x8c: {  	s25 =	sor.u32 $0x1C03, s6;
	[bflag:$0x0] =	sbarrier.arrive $0xFFFF;
	(pc) =	sbr.rel @p0 .LBB2_1-.Ltmp2, $4  }
0x8d: {  	[hbm:s12], [sflag:s25] =	dma.local [spmem:s14], $0x2800  }
0x8e: {  	_ =	swait.ge [sflag:s15], $0x2800  }
0x8f: {  	[sflag:s15] =	ssyncset.done $0x0  }
0x90: {  	[sflag:s15] =	ssyncadd.s32 $0xFFFFD800  }
0x91: {  	_ =	sfence.sel $0x180000  }
0x92: {  	[bflag:$0x0] =	sbarrier.arrive $0xFFFF  }
0x93: {  	p0 =	sne.s32 s2, $0x0;
	_ =	strace $0x90000053  }
0x94: {  	s0 =	sadd.s32 @!p0 $0x100000, s0;
	[bflag:$0x2] =	sbarrier.arrive $0xFFFF  }
0x95: {  	[sflag:s0] =	ssyncadd.tile.s32 @!p0 $0x1;
	_ =	shalt  }
.Lfunc_end2:
_tile_overlayer_lowered:
.L_overlay_start_2:
0x96: {  	(tag) =	ssettag $0x2  }
0x97: {  	s0 =	rddreg [dreg:$0x0];
	s2 =	stileid.u32  }
0x98: {  	s1 =	rddreg [dreg:$0x1];
	p0 =	sne.s32 s2, $0x0  }
0x99: {  	s3 =	rddreg [dreg:$0x2];
	[bflag:$0x3] =	sbarrier.arrive $0xFFFF;
	s2 =	simm.s32 @!p0 $0x1C03  }
0x9a: {  	[timem:s3], [sflag:s2] =	dma.local @!p0 [hbm:s0], s1  }
0x9b: {  	s0 =	simm.s32 @!p0 $0x3  }
0x9c: {  	_ =	swait.ge @!p0 [sflag:s0], s1  }
0x9d: {  	s1 =	ssub.s32 @!p0 $0x0, s1;
	[sflag:s0] =	ssyncset.done @!p0 $0x0  }
0x9e: {  	[sflag:s0] =	ssyncadd.s32 @!p0 s1  }
0x9f: {  	[bflag:$0x3] =	sbarrier.arrive $0xFFFF  }
0xa0: {  	_ =	shalt  }

</sc_bundles>
